<compile_context>
chip_gen: v7x
topology: tpu7x:2x2x1
jax: 0.10.2.dev20260603
libtpu: 0.0.44.dev20260713+nightly
codegen_flags: <defaults>
</compile_context>

<pallas_src>
import jax
import jax.numpy as jnp
from jax import lax
from jax.experimental import pallas as pl
from jax.experimental.pallas import tpu as pltpu
from jax.experimental.pallas import tpu_sc as plsc

_B = 2
_NPB = 192 * 192 * 96
_OUT = 384 * 384 * 96

_NS = 16
_NT = _NPB // _NS

_P = 8
_S = _OUT // _P
_DUMP = 16_384
_ACC = _S + _DUMP
_TS = _S // _NS

_C = 4_608
_K = _NT // _C
_ZC = _TS // _C


def _unpool_body(val_hbm, idx_hbm, zero_hbm, out_hbm, idx0, val0, idx1, val1,
                 di0, dv0, di1, dv1, ss0, ss1, acc):
    core = lax.axis_index("c")
    sub = lax.axis_index("s")
    batch_pair = core * _NPB
    batch_out = core * _OUT

    pair_base = batch_pair + sub * _NT

    def _in_off(kk):
        return pl.multiple_of(pair_base + kk * _C, 8)

    def _scan(idx_v, lo):
        def _vec(j, _):
            for u in range(2):
                o = (j * 2 + u) * 16
                i = idx_v[pl.ds(o, 16)]
                rel = i - lo
                ok = plsc.bitcast(rel, jnp.uint32) < jnp.uint32(_S)
                dump = jnp.int32(_S) + (i & jnp.int32(_DUMP - 1))
                idx_v[pl.ds(o, 16)] = jnp.where(ok, rel, dump)
            return 0

        lax.fori_loop(0, _C // 32, _vec, 0)

    pltpu.sync_copy(zero_hbm, acc.at[pl.ds(sub * _TS, _TS)])
    pltpu.async_copy(idx_hbm.at[pl.ds(_in_off(0), _C)], idx0, di0)
    pltpu.async_copy(val_hbm.at[pl.ds(_in_off(0), _C)], val0, dv0)
    plsc.subcore_barrier()

    for p in range(_P):
        lo = jnp.int32(p * _S)

        def _do0(refill_wait):
            pltpu.make_async_copy(idx_hbm.at[pl.ds(0, _C)], idx0, di0).wait()
            pltpu.make_async_copy(val_hbm.at[pl.ds(0, _C)], val0, dv0).wait()
            _scan(idx0, lo)
            pltpu.async_copy(val0, acc.at[idx0], ss0, add=True)
            if refill_wait:
                pltpu.make_async_copy(val1, acc.at[idx1], ss1).wait()

        def _do1(k1):
            pltpu.async_copy(idx_hbm.at[pl.ds(_in_off(k1), _C)], idx1, di1)
            pltpu.async_copy(val_hbm.at[pl.ds(_in_off(k1), _C)], val1, dv1)
            pltpu.make_async_copy(idx_hbm.at[pl.ds(0, _C)], idx1, di1).wait()
            pltpu.make_async_copy(val_hbm.at[pl.ds(0, _C)], val1, dv1).wait()
            _scan(idx1, lo)
            pltpu.async_copy(val1, acc.at[idx1], ss1, add=True)
            pltpu.make_async_copy(val0, acc.at[idx0], ss0).wait()

        def _refill0(ka):
            pltpu.async_copy(idx_hbm.at[pl.ds(_in_off(ka), _C)], idx0, di0)
            pltpu.async_copy(val_hbm.at[pl.ds(_in_off(ka), _C)], val0, dv0)

        _do0(False)
        _do1(jnp.int32(1))
        _refill0(jnp.int32(2))

        def _pair(t, _):
            k0 = t * 2
            _do0(True)
            _do1(k0 + 1)
            _refill0(lax.rem(k0 + 2, _K))
            return 0

        lax.fori_loop(1, _K // 2, _pair, 0)
        pltpu.make_async_copy(val1, acc.at[idx1], ss1).wait()
        plsc.subcore_barrier()

        pltpu.sync_copy(
            acc.at[pl.ds(sub * _TS, _TS)],
            out_hbm.at[pl.ds(batch_out + p * _S + sub * _TS, _TS)],
        )
        if p < _P - 1:
            pltpu.sync_copy(zero_hbm, acc.at[pl.ds(sub * _TS, _TS)])
        plsc.subcore_barrier()

    pltpu.make_async_copy(idx_hbm.at[pl.ds(0, _C)], idx0, di0).wait()
    pltpu.make_async_copy(val_hbm.at[pl.ds(0, _C)], val0, dv0).wait()


def kernel(inputs, argmax):
    b, h, w, c = inputs.shape
    assert (b, h * w * c) == (_B, _NPB)
    val = inputs.reshape(_B * _NPB)
    idx = argmax.reshape(_B * _NPB).astype(jnp.int32)

    mesh = plsc.VectorSubcoreMesh(core_axis_name="c", subcore_axis_name="s")
    out = pl.kernel(
        _unpool_body,
        out_type=jax.ShapeDtypeStruct((_B * _OUT,), jnp.float32),
        mesh=mesh,
        scratch_types=[
            pltpu.VMEM((_C,), jnp.int32),
            pltpu.VMEM((_C,), jnp.float32),
            pltpu.VMEM((_C,), jnp.int32),
            pltpu.VMEM((_C,), jnp.float32),
            pltpu.SemaphoreType.DMA,
            pltpu.SemaphoreType.DMA,
            pltpu.SemaphoreType.DMA,
            pltpu.SemaphoreType.DMA,
            pltpu.SemaphoreType.DMA,
            pltpu.SemaphoreType.DMA,
            pltpu.VMEM_SHARED((_ACC,), jnp.float32),
        ],
    )(val, idx, jnp.zeros((_TS,), jnp.float32))
    return out.reshape(b, 2 * h, 2 * w, c)

# --- scband reference (transcript-rebuilt; emitter-appended) ---
"""Pipeline reference for scband-max-unpooling2-d-46840913330177 (READ-ONLY COPY).

The authoritative reference and input builder live on the scoring server;
editing this copy changes nothing except your own understanding.
"""

import jax, jax.numpy as jnp
import numpy as np

POOL_SIZE = (2, 2)

def setup_inputs(seed: int = 0) -> dict:
    key = jax.random.key(seed)
    k1, k2 = jax.random.split(key)
    B, H, W, C = 2, 192, 192, 96
    out_per_batch = (H * POOL_SIZE[0]) * (W * POOL_SIZE[1]) * C  # 14,155,776
    inputs = jax.random.normal(k1, (B, H, W, C), dtype=jnp.float32)
    argmax = jax.random.randint(k2, (B, H, W, C), 0, out_per_batch).astype(jnp.int64)
    return {"inputs": inputs, "argmax": argmax}

def reference(inputs, argmax):
    B, H, W, C = inputs.shape
    out_h = H * POOL_SIZE[0]
    out_w = W * POOL_SIZE[1]
    output_shape = (B, out_h, out_w, C)
    output_elements_per_batch = out_h * out_w * C
    flat_input = inputs.reshape(-1)
    flat_argmax = argmax.reshape(-1).astype(jnp.int32)
    num_pool_elements = flat_argmax.shape[0] // B
    batch_range = jnp.arange(B, dtype=jnp.int32)
    batch_offset = batch_range * jnp.int32(output_elements_per_batch)
    batch_offset = jnp.repeat(batch_offset, num_pool_elements)
    flat_argmax = flat_argmax + batch_offset
    total = B * output_elements_per_batch
    output_flat = jnp.zeros((total,), dtype=inputs.dtype).at[flat_argmax].add(flat_input)
    return output_flat.reshape(output_shape)

if __name__ == "__main__":
    import jax
    _d = setup_inputs()
    print(jax.jit(kernel)(*tuple(_d.values())))

</pallas_src>

<mosaic_0001>
#map = affine_map<(d0, d1) -> (0)>
module attributes {stable_mosaic.version = 14 : i64} {
  func.func @_unpool_body(%arg0: i32, %arg1: i32, %arg2: memref<7077888xf32, #tpu.memory_space<hbm>>, %arg3: memref<7077888xi32, #tpu.memory_space<hbm>>, %arg4: memref<110592xf32, #tpu.memory_space<hbm>>, %arg5: memref<28311552xf32, #tpu.memory_space<hbm>>, %arg6: memref<4608xi32, #tpu.memory_space<vmem>>, %arg7: memref<4608xf32, #tpu.memory_space<vmem>>, %arg8: memref<4608xi32, #tpu.memory_space<vmem>>, %arg9: memref<4608xf32, #tpu.memory_space<vmem>>, %arg10: memref<!tpu.dma_semaphore, #tpu.memory_space<semaphore_mem>>, %arg11: memref<!tpu.dma_semaphore, #tpu.memory_space<semaphore_mem>>, %arg12: memref<!tpu.dma_semaphore, #tpu.memory_space<semaphore_mem>>, %arg13: memref<!tpu.dma_semaphore, #tpu.memory_space<semaphore_mem>>, %arg14: memref<!tpu.dma_semaphore, #tpu.memory_space<semaphore_mem>>, %arg15: memref<!tpu.dma_semaphore, #tpu.memory_space<semaphore_mem>>, %arg16: memref<1785856xf32, #tpu.memory_space<vmem_shared>>) attributes {dimension_semantics = [#tpu.dimension_semantics<core_parallel>, #tpu.dimension_semantics<subcore_parallel>], iteration_bounds = array<i64: 2, 16>, scalar_prefetch = 0 : i64, scratch_operands = 11 : i64, tpu.core_type = #tpu.core_type<sc_vector_subcore>, window_params = [{transform_indices = #map}, {transform_indices = #map}, {transform_indices = #map}, {transform_indices = #map}]} {
    %mul3A = arith.constant 3538944 : i32
    %mul3A_0 = arith.muli %arg0, %mul3A : i32
    %mul3A_1 = arith.constant 14155776 : i32
    %mul3A_2 = arith.muli %arg0, %mul3A_1 : i32
    %mul3A_3 = arith.constant 221184 : i32
    %mul3A_4 = arith.muli %arg1, %mul3A_3 : i32
    %add3A = arith.addi %mul3A_0, %mul3A_4 : i32
    %mul3A_5 = arith.constant 110592 : i32
    %mul3A_6 = arith.muli %arg1, %mul3A_5 : i32
    "tpu.region"() ({
      %run_scoped3A = tpu.sem_alloc : memref<!tpu.dma_semaphore, #tpu.memory_space<semaphore_mem>>
      %dma_start3A_715 = tpu.memref_slice %arg16[%mul3A_6] : memref<1785856xf32, #tpu.memory_space<vmem_shared>> -> memref<110592xf32, #tpu.memory_space<vmem_shared>>
      tpu.enqueue_dma source(%arg4 : memref<110592xf32, #tpu.memory_space<hbm>>) target(%dma_start3A_715 : memref<110592xf32, #tpu.memory_space<vmem_shared>>) target_semaphore(%run_scoped3A : memref<!tpu.dma_semaphore, #tpu.memory_space<semaphore_mem>>)
      %dma_wait3A_716 = tpu.memref_slice %arg16[%mul3A_6] : memref<1785856xf32, #tpu.memory_space<vmem_shared>> -> memref<110592xf32, #tpu.memory_space<vmem_shared>>
      tpu.wait_dma2 semaphore(%run_scoped3A : memref<!tpu.dma_semaphore, #tpu.memory_space<semaphore_mem>>) src(%arg4 : memref<110592xf32, #tpu.memory_space<hbm>>) dst(%dma_wait3A_716 : memref<110592xf32, #tpu.memory_space<vmem_shared>>)
      tpu.yield
    }) : () -> ()
    %add3A_7 = arith.constant 0 : i32
    %add3A_8 = arith.addi %add3A, %add3A_7 : i32
    %multiple_of3A = tpu.assume_multiple %add3A_8, 8 : i32
    %dma_start3A = tpu.memref_slice %arg3[%multiple_of3A] : memref<7077888xi32, #tpu.memory_space<hbm>> -> memref<4608xi32, #tpu.memory_space<hbm>>
    %dma_start3A_9 = tpu.memref_slice %arg3[%multiple_of3A] : memref<7077888xi32, #tpu.memory_space<hbm>> -> memref<4608xi32, #tpu.memory_space<hbm>>
    tpu.enqueue_dma source(%dma_start3A_9 : memref<4608xi32, #tpu.memory_space<hbm>>) target(%arg6 : memref<4608xi32, #tpu.memory_space<vmem>>) target_semaphore(%arg10 : memref<!tpu.dma_semaphore, #tpu.memory_space<semaphore_mem>>)
    %add3A_10 = arith.constant 0 : i32
    %add3A_11 = arith.addi %add3A, %add3A_10 : i32
    %multiple_of3A_12 = tpu.assume_multiple %add3A_11, 8 : i32
    %dma_start3A_13 = tpu.memref_slice %arg2[%multiple_of3A_12] : memref<7077888xf32, #tpu.memory_space<hbm>> -> memref<4608xf32, #tpu.memory_space<hbm>>
    %dma_start3A_14 = tpu.memref_slice %arg2[%multiple_of3A_12] : memref<7077888xf32, #tpu.memory_space<hbm>> -> memref<4608xf32, #tpu.memory_space<hbm>>
    tpu.enqueue_dma source(%dma_start3A_14 : memref<4608xf32, #tpu.memory_space<hbm>>) target(%arg7 : memref<4608xf32, #tpu.memory_space<vmem>>) target_semaphore(%arg11 : memref<!tpu.dma_semaphore, #tpu.memory_space<semaphore_mem>>)
    %barrier3A = arith.constant 0 : index
    tpu.barrier barrier_id(%barrier3A)
    %dma_wait3A = arith.constant 0 : i32
    %dma_wait3A_15 = tpu.memref_slice %arg3[%dma_wait3A] : memref<7077888xi32, #tpu.memory_space<hbm>> -> memref<4608xi32, #tpu.memory_space<hbm>>
    %dma_wait3A_16 = arith.constant 0 : i32
    %dma_wait3A_17 = tpu.memref_slice %arg3[%dma_wait3A_16] : memref<7077888xi32, #tpu.memory_space<hbm>> -> memref<4608xi32, #tpu.memory_space<hbm>>
    tpu.wait_dma2 semaphore(%arg10 : memref<!tpu.dma_semaphore, #tpu.memory_space<semaphore_mem>>) src(%dma_wait3A_17 : memref<4608xi32, #tpu.memory_space<hbm>>) dst(%arg6 : memref<4608xi32, #tpu.memory_space<vmem>>)
    %dma_wait3A_18 = arith.constant 0 : i32
    %dma_wait3A_19 = tpu.memref_slice %arg2[%dma_wait3A_18] : memref<7077888xf32, #tpu.memory_space<hbm>> -> memref<4608xf32, #tpu.memory_space<hbm>>
    %dma_wait3A_20 = arith.constant 0 : i32
    %dma_wait3A_21 = tpu.memref_slice %arg2[%dma_wait3A_20] : memref<7077888xf32, #tpu.memory_space<hbm>> -> memref<4608xf32, #tpu.memory_space<hbm>>
    tpu.wait_dma2 semaphore(%arg11 : memref<!tpu.dma_semaphore, #tpu.memory_space<semaphore_mem>>) src(%dma_wait3A_21 : memref<4608xf32, #tpu.memory_space<hbm>>) dst(%arg7 : memref<4608xf32, #tpu.memory_space<vmem>>)
    %scan3A = arith.constant 0 : i32
    %scan3A_22 = arith.constant 0 : i32
    %scan3A_23 = arith.constant 0 : i32
    %scan3A_24 = arith.constant 144 : i32
    %scan3A_25 = arith.addi %scan3A_23, %scan3A_24 : i32
    %scan3A_26 = arith.constant 1 : i32
    %scan3A_27 = scf.for %scan3A_715 = %scan3A_23 to %scan3A_25 step %scan3A_26 iter_args(%scan3A_716 = %scan3A_22) -> (i32)  : i32 {
      %mul3A_717 = arith.constant 2 : i32
      %mul3A_718 = arith.muli %scan3A_715, %mul3A_717 : i32
      %add3A_719 = arith.constant 0 : i32
      %add3A_720 = arith.addi %mul3A_718, %add3A_719 : i32
      %mul3A_721 = arith.constant 16 : i32
      %mul3A_722 = arith.muli %add3A_720, %mul3A_721 : i32
      %get3A = arith.index_cast %mul3A_722 : i32 to index
      %get3A_723 = tpu.vector_load %arg6[%get3A] {strides = array<i32>} : memref<4608xi32, #tpu.memory_space<vmem>>, vector<16xi32>,
      %get3A_724 = vector.shape_cast %get3A_723 : vector<16xi32> to vector<16xi32>
      %sub3A = vector.broadcast %scan3A : i32 to vector<16xi32>
      %sub3A_725 = arith.subi %get3A_724, %sub3A : vector<16xi32>
      %bitcast3A = vector.bitcast %sub3A_725 : vector<16xi32> to vector<16xi32>
      %lt3A = arith.constant 1769472 : i32
      %lt3A_726 = vector.broadcast %lt3A : i32 to vector<16xi32>
      %lt3A_727 = arith.cmpi ult, %bitcast3A, %lt3A_726 : vector<16xi32>
      %and3A = arith.constant 16383 : i32
      %and3A_728 = vector.broadcast %and3A : i32 to vector<16xi32>
      %and3A_729 = arith.andi %get3A_724, %and3A_728 : vector<16xi32>
      %add3A_730 = arith.constant 1769472 : i32
      %add3A_731 = vector.broadcast %add3A_730 : i32 to vector<16xi32>
      %add3A_732 = arith.addi %add3A_731, %and3A_729 : vector<16xi32>
      %select_n3A = arith.select %lt3A_727, %sub3A_725, %add3A_732 : vector<16xi1>, vector<16xi32>
      %swap3A = arith.index_cast %mul3A_722 : i32 to index
      %swap3A_733 = tpu.vector_load %arg6[%swap3A] {strides = array<i32>} : memref<4608xi32, #tpu.memory_space<vmem>>, vector<16xi32>,
      %swap3A_734 = vector.shape_cast %swap3A_733 : vector<16xi32> to vector<16xi32>
      %swap3A_735 = vector.shape_cast %select_n3A : vector<16xi32> to vector<16xi32>
      tpu.vector_store %arg6[%swap3A], %swap3A_735 {strides = array<i32>} : memref<4608xi32, #tpu.memory_space<vmem>>, vector<16xi32>,
      %mul3A_736 = arith.constant 2 : i32
      %mul3A_737 = arith.muli %scan3A_715, %mul3A_736 : i32
      %add3A_738 = arith.constant 1 : i32
      %add3A_739 = arith.addi %mul3A_737, %add3A_738 : i32
      %mul3A_740 = arith.constant 16 : i32
      %mul3A_741 = arith.muli %add3A_739, %mul3A_740 : i32
      %get3A_742 = arith.index_cast %mul3A_741 : i32 to index
      %get3A_743 = tpu.vector_load %arg6[%get3A_742] {strides = array<i32>} : memref<4608xi32, #tpu.memory_space<vmem>>, vector<16xi32>,
      %get3A_744 = vector.shape_cast %get3A_743 : vector<16xi32> to vector<16xi32>
      %sub3A_745 = vector.broadcast %scan3A : i32 to vector<16xi32>
      %sub3A_746 = arith.subi %get3A_744, %sub3A_745 : vector<16xi32>
      %bitcast3A_747 = vector.bitcast %sub3A_746 : vector<16xi32> to vector<16xi32>
      %lt3A_748 = arith.constant 1769472 : i32
      %lt3A_749 = vector.broadcast %lt3A_748 : i32 to vector<16xi32>
      %lt3A_750 = arith.cmpi ult, %bitcast3A_747, %lt3A_749 : vector<16xi32>
      %and3A_751 = arith.constant 16383 : i32
      %and3A_752 = vector.broadcast %and3A_751 : i32 to vector<16xi32>
      %and3A_753 = arith.andi %get3A_744, %and3A_752 : vector<16xi32>
      %add3A_754 = arith.constant 1769472 : i32
      %add3A_755 = vector.broadcast %add3A_754 : i32 to vector<16xi32>
      %add3A_756 = arith.addi %add3A_755, %and3A_753 : vector<16xi32>
      %select_n3A_757 = arith.select %lt3A_750, %sub3A_746, %add3A_756 : vector<16xi1>, vector<16xi32>
      %swap3A_758 = arith.index_cast %mul3A_741 : i32 to index
      %swap3A_759 = tpu.vector_load %arg6[%swap3A_758] {strides = array<i32>} : memref<4608xi32, #tpu.memory_space<vmem>>, vector<16xi32>,
      %swap3A_760 = vector.shape_cast %swap3A_759 : vector<16xi32> to vector<16xi32>
      %swap3A_761 = vector.shape_cast %select_n3A_757 : vector<16xi32> to vector<16xi32>
      tpu.vector_store %arg6[%swap3A_758], %swap3A_761 {strides = array<i32>} : memref<4608xi32, #tpu.memory_space<vmem>>, vector<16xi32>,
      %scan3A_762 = arith.constant 0 : i32
      scf.yield %scan3A_762 : i32
    }
    %scan3A_28 = arith.constant 144 : i32
    %dma_start3A_29 = arith.constant 0 : i32
    %dma_start3A_30 = tpu.memref_slice %arg16[%dma_start3A_29] : memref<1785856xf32, #tpu.memory_space<vmem_shared>> -> memref<1785856xf32, #tpu.memory_space<vmem_shared>>
    tpu.enqueue_indirect_dma source(%arg7 : memref<4608xf32, #tpu.memory_space<vmem>>) target(%dma_start3A_30 : memref<1785856xf32, #tpu.memory_space<vmem_shared>>) offsets(%arg6 : memref<4608xi32, #tpu.memory_space<vmem>>) semaphore(%arg14 : memref<!tpu.dma_semaphore, #tpu.memory_space<semaphore_mem>>) {add = true}
    %mul3A_31 = arith.constant 1 : i32
    %mul3A_32 = arith.constant 4608 : i32
    %mul3A_33 = arith.muli %mul3A_31, %mul3A_32 : i32
    %add3A_34 = arith.addi %add3A, %mul3A_33 : i32
    %multiple_of3A_35 = tpu.assume_multiple %add3A_34, 8 : i32
    %dma_start3A_36 = tpu.memref_slice %arg3[%multiple_of3A_35] : memref<7077888xi32, #tpu.memory_space<hbm>> -> memref<4608xi32, #tpu.memory_space<hbm>>
    %dma_start3A_37 = tpu.memref_slice %arg3[%multiple_of3A_35] : memref<7077888xi32, #tpu.memory_space<hbm>> -> memref<4608xi32, #tpu.memory_space<hbm>>
    tpu.enqueue_dma source(%dma_start3A_37 : memref<4608xi32, #tpu.memory_space<hbm>>) target(%arg8 : memref<4608xi32, #tpu.memory_space<vmem>>) target_semaphore(%arg12 : memref<!tpu.dma_semaphore, #tpu.memory_space<semaphore_mem>>)
    %mul3A_38 = arith.constant 1 : i32
    %mul3A_39 = arith.constant 4608 : i32
    %mul3A_40 = arith.muli %mul3A_38, %mul3A_39 : i32
    %add3A_41 = arith.addi %add3A, %mul3A_40 : i32
    %multiple_of3A_42 = tpu.assume_multiple %add3A_41, 8 : i32
    %dma_start3A_43 = tpu.memref_slice %arg2[%multiple_of3A_42] : memref<7077888xf32, #tpu.memory_space<hbm>> -> memref<4608xf32, #tpu.memory_space<hbm>>
    %dma_start3A_44 = tpu.memref_slice %arg2[%multiple_of3A_42] : memref<7077888xf32, #tpu.memory_space<hbm>> -> memref<4608xf32, #tpu.memory_space<hbm>>
    tpu.enqueue_dma source(%dma_start3A_44 : memref<4608xf32, #tpu.memory_space<hbm>>) target(%arg9 : memref<4608xf32, #tpu.memory_space<vmem>>) target_semaphore(%arg13 : memref<!tpu.dma_semaphore, #tpu.memory_space<semaphore_mem>>)
    %dma_wait3A_45 = arith.constant 0 : i32
    %dma_wait3A_46 = tpu.memref_slice %arg3[%dma_wait3A_45] : memref<7077888xi32, #tpu.memory_space<hbm>> -> memref<4608xi32, #tpu.memory_space<hbm>>
    %dma_wait3A_47 = arith.constant 0 : i32
    %dma_wait3A_48 = tpu.memref_slice %arg3[%dma_wait3A_47] : memref<7077888xi32, #tpu.memory_space<hbm>> -> memref<4608xi32, #tpu.memory_space<hbm>>
    tpu.wait_dma2 semaphore(%arg12 : memref<!tpu.dma_semaphore, #tpu.memory_space<semaphore_mem>>) src(%dma_wait3A_48 : memref<4608xi32, #tpu.memory_space<hbm>>) dst(%arg8 : memref<4608xi32, #tpu.memory_space<vmem>>)
    %dma_wait3A_49 = arith.constant 0 : i32
    %dma_wait3A_50 = tpu.memref_slice %arg2[%dma_wait3A_49] : memref<7077888xf32, #tpu.memory_space<hbm>> -> memref<4608xf32, #tpu.memory_space<hbm>>
    %dma_wait3A_51 = arith.constant 0 : i32
    %dma_wait3A_52 = tpu.memref_slice %arg2[%dma_wait3A_51] : memref<7077888xf32, #tpu.memory_space<hbm>> -> memref<4608xf32, #tpu.memory_space<hbm>>
    tpu.wait_dma2 semaphore(%arg13 : memref<!tpu.dma_semaphore, #tpu.memory_space<semaphore_mem>>) src(%dma_wait3A_52 : memref<4608xf32, #tpu.memory_space<hbm>>) dst(%arg9 : memref<4608xf32, #tpu.memory_space<vmem>>)
    %scan3A_53 = arith.constant 0 : i32
    %scan3A_54 = arith.constant 0 : i32
    %scan3A_55 = arith.constant 0 : i32
    %scan3A_56 = arith.constant 144 : i32
    %scan3A_57 = arith.addi %scan3A_55, %scan3A_56 : i32
    %scan3A_58 = arith.constant 1 : i32
    %scan3A_59 = scf.for %scan3A_715 = %scan3A_55 to %scan3A_57 step %scan3A_58 iter_args(%scan3A_716 = %scan3A_54) -> (i32)  : i32 {
      %mul3A_717 = arith.constant 2 : i32
      %mul3A_718 = arith.muli %scan3A_715, %mul3A_717 : i32
      %add3A_719 = arith.constant 0 : i32
      %add3A_720 = arith.addi %mul3A_718, %add3A_719 : i32
      %mul3A_721 = arith.constant 16 : i32
      %mul3A_722 = arith.muli %add3A_720, %mul3A_721 : i32
      %get3A = arith.index_cast %mul3A_722 : i32 to index
      %get3A_723 = tpu.vector_load %arg8[%get3A] {strides = array<i32>} : memref<4608xi32, #tpu.memory_space<vmem>>, vector<16xi32>,
      %get3A_724 = vector.shape_cast %get3A_723 : vector<16xi32> to vector<16xi32>
      %sub3A = vector.broadcast %scan3A_53 : i32 to vector<16xi32>
      %sub3A_725 = arith.subi %get3A_724, %sub3A : vector<16xi32>
      %bitcast3A = vector.bitcast %sub3A_725 : vector<16xi32> to vector<16xi32>
      %lt3A = arith.constant 1769472 : i32
      %lt3A_726 = vector.broadcast %lt3A : i32 to vector<16xi32>
      %lt3A_727 = arith.cmpi ult, %bitcast3A, %lt3A_726 : vector<16xi32>
      %and3A = arith.constant 16383 : i32
      %and3A_728 = vector.broadcast %and3A : i32 to vector<16xi32>
      %and3A_729 = arith.andi %get3A_724, %and3A_728 : vector<16xi32>
      %add3A_730 = arith.constant 1769472 : i32
      %add3A_731 = vector.broadcast %add3A_730 : i32 to vector<16xi32>
      %add3A_732 = arith.addi %add3A_731, %and3A_729 : vector<16xi32>
      %select_n3A = arith.select %lt3A_727, %sub3A_725, %add3A_732 : vector<16xi1>, vector<16xi32>
      %swap3A = arith.index_cast %mul3A_722 : i32 to index
      %swap3A_733 = tpu.vector_load %arg8[%swap3A] {strides = array<i32>} : memref<4608xi32, #tpu.memory_space<vmem>>, vector<16xi32>,
      %swap3A_734 = vector.shape_cast %swap3A_733 : vector<16xi32> to vector<16xi32>
      %swap3A_735 = vector.shape_cast %select_n3A : vector<16xi32> to vector<16xi32>
      tpu.vector_store %arg8[%swap3A], %swap3A_735 {strides = array<i32>} : memref<4608xi32, #tpu.memory_space<vmem>>, vector<16xi32>,
      %mul3A_736 = arith.constant 2 : i32
      %mul3A_737 = arith.muli %scan3A_715, %mul3A_736 : i32
      %add3A_738 = arith.constant 1 : i32
      %add3A_739 = arith.addi %mul3A_737, %add3A_738 : i32
      %mul3A_740 = arith.constant 16 : i32
      %mul3A_741 = arith.muli %add3A_739, %mul3A_740 : i32
      %get3A_742 = arith.index_cast %mul3A_741 : i32 to index
      %get3A_743 = tpu.vector_load %arg8[%get3A_742] {strides = array<i32>} : memref<4608xi32, #tpu.memory_space<vmem>>, vector<16xi32>,
      %get3A_744 = vector.shape_cast %get3A_743 : vector<16xi32> to vector<16xi32>
      %sub3A_745 = vector.broadcast %scan3A_53 : i32 to vector<16xi32>
      %sub3A_746 = arith.subi %get3A_744, %sub3A_745 : vector<16xi32>
      %bitcast3A_747 = vector.bitcast %sub3A_746 : vector<16xi32> to vector<16xi32>
      %lt3A_748 = arith.constant 1769472 : i32
      %lt3A_749 = vector.broadcast %lt3A_748 : i32 to vector<16xi32>
      %lt3A_750 = arith.cmpi ult, %bitcast3A_747, %lt3A_749 : vector<16xi32>
      %and3A_751 = arith.constant 16383 : i32
      %and3A_752 = vector.broadcast %and3A_751 : i32 to vector<16xi32>
      %and3A_753 = arith.andi %get3A_744, %and3A_752 : vector<16xi32>
      %add3A_754 = arith.constant 1769472 : i32
      %add3A_755 = vector.broadcast %add3A_754 : i32 to vector<16xi32>
      %add3A_756 = arith.addi %add3A_755, %and3A_753 : vector<16xi32>
      %select_n3A_757 = arith.select %lt3A_750, %sub3A_746, %add3A_756 : vector<16xi1>, vector<16xi32>
      %swap3A_758 = arith.index_cast %mul3A_741 : i32 to index
      %swap3A_759 = tpu.vector_load %arg8[%swap3A_758] {strides = array<i32>} : memref<4608xi32, #tpu.memory_space<vmem>>, vector<16xi32>,
      %swap3A_760 = vector.shape_cast %swap3A_759 : vector<16xi32> to vector<16xi32>
      %swap3A_761 = vector.shape_cast %select_n3A_757 : vector<16xi32> to vector<16xi32>
      tpu.vector_store %arg8[%swap3A_758], %swap3A_761 {strides = array<i32>} : memref<4608xi32, #tpu.memory_space<vmem>>, vector<16xi32>,
      %scan3A_762 = arith.constant 0 : i32
      scf.yield %scan3A_762 : i32
    }
    %scan3A_60 = arith.constant 144 : i32
    %dma_start3A_61 = arith.constant 0 : i32
    %dma_start3A_62 = tpu.memref_slice %arg16[%dma_start3A_61] : memref<1785856xf32, #tpu.memory_space<vmem_shared>> -> memref<1785856xf32, #tpu.memory_space<vmem_shared>>
    tpu.enqueue_indirect_dma source(%arg9 : memref<4608xf32, #tpu.memory_space<vmem>>) target(%dma_start3A_62 : memref<1785856xf32, #tpu.memory_space<vmem_shared>>) offsets(%arg8 : memref<4608xi32, #tpu.memory_space<vmem>>) semaphore(%arg15 : memref<!tpu.dma_semaphore, #tpu.memory_space<semaphore_mem>>) {add = true}
    %dma_wait3A_63 = arith.constant 0 : i32
    %dma_wait3A_64 = tpu.memref_slice %arg16[%dma_wait3A_63] : memref<1785856xf32, #tpu.memory_space<vmem_shared>> -> memref<1785856xf32, #tpu.memory_space<vmem_shared>>
    tpu.wait_indirect_dma semaphore(%arg14 : memref<!tpu.dma_semaphore, #tpu.memory_space<semaphore_mem>>) src(%arg7 : memref<4608xf32, #tpu.memory_space<vmem>>) dst(%dma_wait3A_64 : memref<1785856xf32, #tpu.memory_space<vmem_shared>>)
    %mul3A_65 = arith.constant 2 : i32
    %mul3A_66 = arith.constant 4608 : i32
    %mul3A_67 = arith.muli %mul3A_65, %mul3A_66 : i32
    %add3A_68 = arith.addi %add3A, %mul3A_67 : i32
    %multiple_of3A_69 = tpu.assume_multiple %add3A_68, 8 : i32
    %dma_start3A_70 = tpu.memref_slice %arg3[%multiple_of3A_69] : memref<7077888xi32, #tpu.memory_space<hbm>> -> memref<4608xi32, #tpu.memory_space<hbm>>
    %dma_start3A_71 = tpu.memref_slice %arg3[%multiple_of3A_69] : memref<7077888xi32, #tpu.memory_space<hbm>> -> memref<4608xi32, #tpu.memory_space<hbm>>
    tpu.enqueue_dma source(%dma_start3A_71 : memref<4608xi32, #tpu.memory_space<hbm>>) target(%arg6 : memref<4608xi32, #tpu.memory_space<vmem>>) target_semaphore(%arg10 : memref<!tpu.dma_semaphore, #tpu.memory_space<semaphore_mem>>)
    %mul3A_72 = arith.constant 2 : i32
    %mul3A_73 = arith.constant 4608 : i32
    %mul3A_74 = arith.muli %mul3A_72, %mul3A_73 : i32
    %add3A_75 = arith.addi %add3A, %mul3A_74 : i32
    %multiple_of3A_76 = tpu.assume_multiple %add3A_75, 8 : i32
    %dma_start3A_77 = tpu.memref_slice %arg2[%multiple_of3A_76] : memref<7077888xf32, #tpu.memory_space<hbm>> -> memref<4608xf32, #tpu.memory_space<hbm>>
    %dma_start3A_78 = tpu.memref_slice %arg2[%multiple_of3A_76] : memref<7077888xf32, #tpu.memory_space<hbm>> -> memref<4608xf32, #tpu.memory_space<hbm>>
    tpu.enqueue_dma source(%dma_start3A_78 : memref<4608xf32, #tpu.memory_space<hbm>>) target(%arg7 : memref<4608xf32, #tpu.memory_space<vmem>>) target_semaphore(%arg11 : memref<!tpu.dma_semaphore, #tpu.memory_space<semaphore_mem>>)
    %scan3A_79 = arith.constant 0 : i32
    %scan3A_80 = arith.constant 0 : i32
    %scan3A_81 = arith.constant 1 : i32
    %scan3A_82 = arith.constant 23 : i32
    %scan3A_83 = arith.addi %scan3A_81, %scan3A_82 : i32
    %scan3A_84 = arith.constant 1 : i32
    %scan3A_85 = scf.for %scan3A_715 = %scan3A_81 to %scan3A_83 step %scan3A_84 iter_args(%scan3A_716 = %scan3A_80) -> (i32)  : i32 {
      %mul3A_717 = arith.constant 2 : i32
      %mul3A_718 = arith.muli %scan3A_715, %mul3A_717 : i32
      %dma_wait3A_719 = arith.constant 0 : i32
      %dma_wait3A_720 = tpu.memref_slice %arg3[%dma_wait3A_719] : memref<7077888xi32, #tpu.memory_space<hbm>> -> memref<4608xi32, #tpu.memory_space<hbm>>
      %dma_wait3A_721 = arith.constant 0 : i32
      %dma_wait3A_722 = tpu.memref_slice %arg3[%dma_wait3A_721] : memref<7077888xi32, #tpu.memory_space<hbm>> -> memref<4608xi32, #tpu.memory_space<hbm>>
      tpu.wait_dma2 semaphore(%arg10 : memref<!tpu.dma_semaphore, #tpu.memory_space<semaphore_mem>>) src(%dma_wait3A_722 : memref<4608xi32, #tpu.memory_space<hbm>>) dst(%arg6 : memref<4608xi32, #tpu.memory_space<vmem>>)
      %dma_wait3A_723 = arith.constant 0 : i32
      %dma_wait3A_724 = tpu.memref_slice %arg2[%dma_wait3A_723] : memref<7077888xf32, #tpu.memory_space<hbm>> -> memref<4608xf32, #tpu.memory_space<hbm>>
      %dma_wait3A_725 = arith.constant 0 : i32
      %dma_wait3A_726 = tpu.memref_slice %arg2[%dma_wait3A_725] : memref<7077888xf32, #tpu.memory_space<hbm>> -> memref<4608xf32, #tpu.memory_space<hbm>>
      tpu.wait_dma2 semaphore(%arg11 : memref<!tpu.dma_semaphore, #tpu.memory_space<semaphore_mem>>) src(%dma_wait3A_726 : memref<4608xf32, #tpu.memory_space<hbm>>) dst(%arg7 : memref<4608xf32, #tpu.memory_space<vmem>>)
      %scan3A_727 = arith.constant 0 : i32
      %scan3A_728 = arith.constant 0 : i32
      %scan3A_729 = arith.constant 144 : i32
      %scan3A_730 = arith.addi %scan3A_728, %scan3A_729 : i32
      %scan3A_731 = arith.constant 1 : i32
      %scan3A_732 = scf.for %scan3A_787 = %scan3A_728 to %scan3A_730 step %scan3A_731 iter_args(%scan3A_788 = %scan3A_727) -> (i32)  : i32 {
        %mul3A_789 = arith.constant 2 : i32
        %mul3A_790 = arith.muli %scan3A_787, %mul3A_789 : i32
        %add3A_791 = arith.constant 0 : i32
        %add3A_792 = arith.addi %mul3A_790, %add3A_791 : i32
        %mul3A_793 = arith.constant 16 : i32
        %mul3A_794 = arith.muli %add3A_792, %mul3A_793 : i32
        %get3A = arith.index_cast %mul3A_794 : i32 to index
        %get3A_795 = tpu.vector_load %arg6[%get3A] {strides = array<i32>} : memref<4608xi32, #tpu.memory_space<vmem>>, vector<16xi32>,
        %get3A_796 = vector.shape_cast %get3A_795 : vector<16xi32> to vector<16xi32>
        %sub3A = vector.broadcast %scan3A_79 : i32 to vector<16xi32>
        %sub3A_797 = arith.subi %get3A_796, %sub3A : vector<16xi32>
        %bitcast3A = vector.bitcast %sub3A_797 : vector<16xi32> to vector<16xi32>
        %lt3A = arith.constant 1769472 : i32
        %lt3A_798 = vector.broadcast %lt3A : i32 to vector<16xi32>
        %lt3A_799 = arith.cmpi ult, %bitcast3A, %lt3A_798 : vector<16xi32>
        %and3A = arith.constant 16383 : i32
        %and3A_800 = vector.broadcast %and3A : i32 to vector<16xi32>
        %and3A_801 = arith.andi %get3A_796, %and3A_800 : vector<16xi32>
        %add3A_802 = arith.constant 1769472 : i32
        %add3A_803 = vector.broadcast %add3A_802 : i32 to vector<16xi32>
        %add3A_804 = arith.addi %add3A_803, %and3A_801 : vector<16xi32>
        %select_n3A = arith.select %lt3A_799, %sub3A_797, %add3A_804 : vector<16xi1>, vector<16xi32>
        %swap3A = arith.index_cast %mul3A_794 : i32 to index
        %swap3A_805 = tpu.vector_load %arg6[%swap3A] {strides = array<i32>} : memref<4608xi32, #tpu.memory_space<vmem>>, vector<16xi32>,
        %swap3A_806 = vector.shape_cast %swap3A_805 : vector<16xi32> to vector<16xi32>
        %swap3A_807 = vector.shape_cast %select_n3A : vector<16xi32> to vector<16xi32>
        tpu.vector_store %arg6[%swap3A], %swap3A_807 {strides = array<i32>} : memref<4608xi32, #tpu.memory_space<vmem>>, vector<16xi32>,
        %mul3A_808 = arith.constant 2 : i32
        %mul3A_809 = arith.muli %scan3A_787, %mul3A_808 : i32
        %add3A_810 = arith.constant 1 : i32
        %add3A_811 = arith.addi %mul3A_809, %add3A_810 : i32
        %mul3A_812 = arith.constant 16 : i32
        %mul3A_813 = arith.muli %add3A_811, %mul3A_812 : i32
        %get3A_814 = arith.index_cast %mul3A_813 : i32 to index
        %get3A_815 = tpu.vector_load %arg6[%get3A_814] {strides = array<i32>} : memref<4608xi32, #tpu.memory_space<vmem>>, vector<16xi32>,
        %get3A_816 = vector.shape_cast %get3A_815 : vector<16xi32> to vector<16xi32>
        %sub3A_817 = vector.broadcast %scan3A_79 : i32 to vector<16xi32>
        %sub3A_818 = arith.subi %get3A_816, %sub3A_817 : vector<16xi32>
        %bitcast3A_819 = vector.bitcast %sub3A_818 : vector<16xi32> to vector<16xi32>
        %lt3A_820 = arith.constant 1769472 : i32
        %lt3A_821 = vector.broadcast %lt3A_820 : i32 to vector<16xi32>
        %lt3A_822 = arith.cmpi ult, %bitcast3A_819, %lt3A_821 : vector<16xi32>
        %and3A_823 = arith.constant 16383 : i32
        %and3A_824 = vector.broadcast %and3A_823 : i32 to vector<16xi32>
        %and3A_825 = arith.andi %get3A_816, %and3A_824 : vector<16xi32>
        %add3A_826 = arith.constant 1769472 : i32
        %add3A_827 = vector.broadcast %add3A_826 : i32 to vector<16xi32>
        %add3A_828 = arith.addi %add3A_827, %and3A_825 : vector<16xi32>
        %select_n3A_829 = arith.select %lt3A_822, %sub3A_818, %add3A_828 : vector<16xi1>, vector<16xi32>
        %swap3A_830 = arith.index_cast %mul3A_813 : i32 to index
        %swap3A_831 = tpu.vector_load %arg6[%swap3A_830] {strides = array<i32>} : memref<4608xi32, #tpu.memory_space<vmem>>, vector<16xi32>,
        %swap3A_832 = vector.shape_cast %swap3A_831 : vector<16xi32> to vector<16xi32>
        %swap3A_833 = vector.shape_cast %select_n3A_829 : vector<16xi32> to vector<16xi32>
        tpu.vector_store %arg6[%swap3A_830], %swap3A_833 {strides = array<i32>} : memref<4608xi32, #tpu.memory_space<vmem>>, vector<16xi32>,
        %scan3A_834 = arith.constant 0 : i32
        scf.yield %scan3A_834 : i32
      }
      %scan3A_733 = arith.constant 144 : i32
      %dma_start3A_734 = arith.constant 0 : i32
      %dma_start3A_735 = tpu.memref_slice %arg16[%dma_start3A_734] : memref<1785856xf32, #tpu.memory_space<vmem_shared>> -> memref<1785856xf32, #tpu.memory_space<vmem_shared>>
      tpu.enqueue_indirect_dma source(%arg7 : memref<4608xf32, #tpu.memory_space<vmem>>) target(%dma_start3A_735 : memref<1785856xf32, #tpu.memory_space<vmem_shared>>) offsets(%arg6 : memref<4608xi32, #tpu.memory_space<vmem>>) semaphore(%arg14 : memref<!tpu.dma_semaphore, #tpu.memory_space<semaphore_mem>>) {add = true}
      %dma_wait3A_736 = arith.constant 0 : i32
      %dma_wait3A_737 = tpu.memref_slice %arg16[%dma_wait3A_736] : memref<1785856xf32, #tpu.memory_space<vmem_shared>> -> memref<1785856xf32, #tpu.memory_space<vmem_shared>>
      tpu.wait_indirect_dma semaphore(%arg15 : memref<!tpu.dma_semaphore, #tpu.memory_space<semaphore_mem>>) src(%arg9 : memref<4608xf32, #tpu.memory_space<vmem>>) dst(%dma_wait3A_737 : memref<1785856xf32, #tpu.memory_space<vmem_shared>>)
      %add3A_738 = arith.constant 1 : i32
      %add3A_739 = arith.addi %mul3A_718, %add3A_738 : i32
      %mul3A_740 = arith.constant 4608 : i32
      %mul3A_741 = arith.muli %add3A_739, %mul3A_740 : i32
      %add3A_742 = arith.addi %add3A, %mul3A_741 : i32
      %multiple_of3A_743 = tpu.assume_multiple %add3A_742, 8 : i32
      %dma_start3A_744 = tpu.memref_slice %arg3[%multiple_of3A_743] : memref<7077888xi32, #tpu.memory_space<hbm>> -> memref<4608xi32, #tpu.memory_space<hbm>>
      %dma_start3A_745 = tpu.memref_slice %arg3[%multiple_of3A_743] : memref<7077888xi32, #tpu.memory_space<hbm>> -> memref<4608xi32, #tpu.memory_space<hbm>>
      tpu.enqueue_dma source(%dma_start3A_745 : memref<4608xi32, #tpu.memory_space<hbm>>) target(%arg8 : memref<4608xi32, #tpu.memory_space<vmem>>) target_semaphore(%arg12 : memref<!tpu.dma_semaphore, #tpu.memory_space<semaphore_mem>>)
      %mul3A_746 = arith.constant 4608 : i32
      %mul3A_747 = arith.muli %add3A_739, %mul3A_746 : i32
      %add3A_748 = arith.addi %add3A, %mul3A_747 : i32
      %multiple_of3A_749 = tpu.assume_multiple %add3A_748, 8 : i32
      %dma_start3A_750 = tpu.memref_slice %arg2[%multiple_of3A_749] : memref<7077888xf32, #tpu.memory_space<hbm>> -> memref<4608xf32, #tpu.memory_space<hbm>>
      %dma_start3A_751 = tpu.memref_slice %arg2[%multiple_of3A_749] : memref<7077888xf32, #tpu.memory_space<hbm>> -> memref<4608xf32, #tpu.memory_space<hbm>>
      tpu.enqueue_dma source(%dma_start3A_751 : memref<4608xf32, #tpu.memory_space<hbm>>) target(%arg9 : memref<4608xf32, #tpu.memory_space<vmem>>) target_semaphore(%arg13 : memref<!tpu.dma_semaphore, #tpu.memory_space<semaphore_mem>>)
      %dma_wait3A_752 = arith.constant 0 : i32
      %dma_wait3A_753 = tpu.memref_slice %arg3[%dma_wait3A_752] : memref<7077888xi32, #tpu.memory_space<hbm>> -> memref<4608xi32, #tpu.memory_space<hbm>>
      %dma_wait3A_754 = arith.constant 0 : i32
      %dma_wait3A_755 = tpu.memref_slice %arg3[%dma_wait3A_754] : memref<7077888xi32, #tpu.memory_space<hbm>> -> memref<4608xi32, #tpu.memory_space<hbm>>
      tpu.wait_dma2 semaphore(%arg12 : memref<!tpu.dma_semaphore, #tpu.memory_space<semaphore_mem>>) src(%dma_wait3A_755 : memref<4608xi32, #tpu.memory_space<hbm>>) dst(%arg8 : memref<4608xi32, #tpu.memory_space<vmem>>)
      %dma_wait3A_756 = arith.constant 0 : i32
      %dma_wait3A_757 = tpu.memref_slice %arg2[%dma_wait3A_756] : memref<7077888xf32, #tpu.memory_space<hbm>> -> memref<4608xf32, #tpu.memory_space<hbm>>
      %dma_wait3A_758 = arith.constant 0 : i32
      %dma_wait3A_759 = tpu.memref_slice %arg2[%dma_wait3A_758] : memref<7077888xf32, #tpu.memory_space<hbm>> -> memref<4608xf32, #tpu.memory_space<hbm>>
      tpu.wait_dma2 semaphore(%arg13 : memref<!tpu.dma_semaphore, #tpu.memory_space<semaphore_mem>>) src(%dma_wait3A_759 : memref<4608xf32, #tpu.memory_space<hbm>>) dst(%arg9 : memref<4608xf32, #tpu.memory_space<vmem>>)
      %scan3A_760 = arith.constant 0 : i32
      %scan3A_761 = arith.constant 0 : i32
      %scan3A_762 = arith.constant 144 : i32
      %scan3A_763 = arith.addi %scan3A_761, %scan3A_762 : i32
      %scan3A_764 = arith.constant 1 : i32
      %scan3A_765 = scf.for %scan3A_787 = %scan3A_761 to %scan3A_763 step %scan3A_764 iter_args(%scan3A_788 = %scan3A_760) -> (i32)  : i32 {
        %mul3A_789 = arith.constant 2 : i32
        %mul3A_790 = arith.muli %scan3A_787, %mul3A_789 : i32
        %add3A_791 = arith.constant 0 : i32
        %add3A_792 = arith.addi %mul3A_790, %add3A_791 : i32
        %mul3A_793 = arith.constant 16 : i32
        %mul3A_794 = arith.muli %add3A_792, %mul3A_793 : i32
        %get3A = arith.index_cast %mul3A_794 : i32 to index
        %get3A_795 = tpu.vector_load %arg8[%get3A] {strides = array<i32>} : memref<4608xi32, #tpu.memory_space<vmem>>, vector<16xi32>,
        %get3A_796 = vector.shape_cast %get3A_795 : vector<16xi32> to vector<16xi32>
        %sub3A = vector.broadcast %scan3A_79 : i32 to vector<16xi32>
        %sub3A_797 = arith.subi %get3A_796, %sub3A : vector<16xi32>
        %bitcast3A = vector.bitcast %sub3A_797 : vector<16xi32> to vector<16xi32>
        %lt3A = arith.constant 1769472 : i32
        %lt3A_798 = vector.broadcast %lt3A : i32 to vector<16xi32>
        %lt3A_799 = arith.cmpi ult, %bitcast3A, %lt3A_798 : vector<16xi32>
        %and3A = arith.constant 16383 : i32
        %and3A_800 = vector.broadcast %and3A : i32 to vector<16xi32>
        %and3A_801 = arith.andi %get3A_796, %and3A_800 : vector<16xi32>
        %add3A_802 = arith.constant 1769472 : i32
        %add3A_803 = vector.broadcast %add3A_802 : i32 to vector<16xi32>
        %add3A_804 = arith.addi %add3A_803, %and3A_801 : vector<16xi32>
        %select_n3A = arith.select %lt3A_799, %sub3A_797, %add3A_804 : vector<16xi1>, vector<16xi32>
        %swap3A = arith.index_cast %mul3A_794 : i32 to index
        %swap3A_805 = tpu.vector_load %arg8[%swap3A] {strides = array<i32>} : memref<4608xi32, #tpu.memory_space<vmem>>, vector<16xi32>,
        %swap3A_806 = vector.shape_cast %swap3A_805 : vector<16xi32> to vector<16xi32>
        %swap3A_807 = vector.shape_cast %select_n3A : vector<16xi32> to vector<16xi32>
        tpu.vector_store %arg8[%swap3A], %swap3A_807 {strides = array<i32>} : memref<4608xi32, #tpu.memory_space<vmem>>, vector<16xi32>,
        %mul3A_808 = arith.constant 2 : i32
        %mul3A_809 = arith.muli %scan3A_787, %mul3A_808 : i32
        %add3A_810 = arith.constant 1 : i32
        %add3A_811 = arith.addi %mul3A_809, %add3A_810 : i32
        %mul3A_812 = arith.constant 16 : i32
        %mul3A_813 = arith.muli %add3A_811, %mul3A_812 : i32
        %get3A_814 = arith.index_cast %mul3A_813 : i32 to index
        %get3A_815 = tpu.vector_load %arg8[%get3A_814] {strides = array<i32>} : memref<4608xi32, #tpu.memory_space<vmem>>, vector<16xi32>,
        %get3A_816 = vector.shape_cast %get3A_815 : vector<16xi32> to vector<16xi32>
        %sub3A_817 = vector.broadcast %scan3A_79 : i32 to vector<16xi32>
        %sub3A_818 = arith.subi %get3A_816, %sub3A_817 : vector<16xi32>
        %bitcast3A_819 = vector.bitcast %sub3A_818 : vector<16xi32> to vector<16xi32>
        %lt3A_820 = arith.constant 1769472 : i32
        %lt3A_821 = vector.broadcast %lt3A_820 : i32 to vector<16xi32>
        %lt3A_822 = arith.cmpi ult, %bitcast3A_819, %lt3A_821 : vector<16xi32>
        %and3A_823 = arith.constant 16383 : i32
        %and3A_824 = vector.broadcast %and3A_823 : i32 to vector<16xi32>
        %and3A_825 = arith.andi %get3A_816, %and3A_824 : vector<16xi32>
        %add3A_826 = arith.constant 1769472 : i32
        %add3A_827 = vector.broadcast %add3A_826 : i32 to vector<16xi32>
        %add3A_828 = arith.addi %add3A_827, %and3A_825 : vector<16xi32>
        %select_n3A_829 = arith.select %lt3A_822, %sub3A_818, %add3A_828 : vector<16xi1>, vector<16xi32>
        %swap3A_830 = arith.index_cast %mul3A_813 : i32 to index
        %swap3A_831 = tpu.vector_load %arg8[%swap3A_830] {strides = array<i32>} : memref<4608xi32, #tpu.memory_space<vmem>>, vector<16xi32>,
        %swap3A_832 = vector.shape_cast %swap3A_831 : vector<16xi32> to vector<16xi32>
        %swap3A_833 = vector.shape_cast %select_n3A_829 : vector<16xi32> to vector<16xi32>
        tpu.vector_store %arg8[%swap3A_830], %swap3A_833 {strides = array<i32>} : memref<4608xi32, #tpu.memory_space<vmem>>, vector<16xi32>,
        %scan3A_834 = arith.constant 0 : i32
        scf.yield %scan3A_834 : i32
      }
      %scan3A_766 = arith.constant 144 : i32
      %dma_start3A_767 = arith.constant 0 : i32
      %dma_start3A_768 = tpu.memref_slice %arg16[%dma_start3A_767] : memref<1785856xf32, #tpu.memory_space<vmem_shared>> -> memref<1785856xf32, #tpu.memory_space<vmem_shared>>
      tpu.enqueue_indirect_dma source(%arg9 : memref<4608xf32, #tpu.memory_space<vmem>>) target(%dma_start3A_768 : memref<1785856xf32, #tpu.memory_space<vmem_shared>>) offsets(%arg8 : memref<4608xi32, #tpu.memory_space<vmem>>) semaphore(%arg15 : memref<!tpu.dma_semaphore, #tpu.memory_space<semaphore_mem>>) {add = true}
      %dma_wait3A_769 = arith.constant 0 : i32
      %dma_wait3A_770 = tpu.memref_slice %arg16[%dma_wait3A_769] : memref<1785856xf32, #tpu.memory_space<vmem_shared>> -> memref<1785856xf32, #tpu.memory_space<vmem_shared>>
      tpu.wait_indirect_dma semaphore(%arg14 : memref<!tpu.dma_semaphore, #tpu.memory_space<semaphore_mem>>) src(%arg7 : memref<4608xf32, #tpu.memory_space<vmem>>) dst(%dma_wait3A_770 : memref<1785856xf32, #tpu.memory_space<vmem_shared>>)
      %add3A_771 = arith.constant 2 : i32
      %add3A_772 = arith.addi %mul3A_718, %add3A_771 : i32
      %rem3A = arith.constant 48 : i32
      %rem3A_773 = arith.remsi %add3A_772, %rem3A : i32
      %mul3A_774 = arith.constant 4608 : i32
      %mul3A_775 = arith.muli %rem3A_773, %mul3A_774 : i32
      %add3A_776 = arith.addi %add3A, %mul3A_775 : i32
      %multiple_of3A_777 = tpu.assume_multiple %add3A_776, 8 : i32
      %dma_start3A_778 = tpu.memref_slice %arg3[%multiple_of3A_777] : memref<7077888xi32, #tpu.memory_space<hbm>> -> memref<4608xi32, #tpu.memory_space<hbm>>
      %dma_start3A_779 = tpu.memref_slice %arg3[%multiple_of3A_777] : memref<7077888xi32, #tpu.memory_space<hbm>> -> memref<4608xi32, #tpu.memory_space<hbm>>
      tpu.enqueue_dma source(%dma_start3A_779 : memref<4608xi32, #tpu.memory_space<hbm>>) target(%arg6 : memref<4608xi32, #tpu.memory_space<vmem>>) target_semaphore(%arg10 : memref<!tpu.dma_semaphore, #tpu.memory_space<semaphore_mem>>)
      %mul3A_780 = arith.constant 4608 : i32
      %mul3A_781 = arith.muli %rem3A_773, %mul3A_780 : i32
      %add3A_782 = arith.addi %add3A, %mul3A_781 : i32
      %multiple_of3A_783 = tpu.assume_multiple %add3A_782, 8 : i32
      %dma_start3A_784 = tpu.memref_slice %arg2[%multiple_of3A_783] : memref<7077888xf32, #tpu.memory_space<hbm>> -> memref<4608xf32, #tpu.memory_space<hbm>>
      %dma_start3A_785 = tpu.memref_slice %arg2[%multiple_of3A_783] : memref<7077888xf32, #tpu.memory_space<hbm>> -> memref<4608xf32, #tpu.memory_space<hbm>>
      tpu.enqueue_dma source(%dma_start3A_785 : memref<4608xf32, #tpu.memory_space<hbm>>) target(%arg7 : memref<4608xf32, #tpu.memory_space<vmem>>) target_semaphore(%arg11 : memref<!tpu.dma_semaphore, #tpu.memory_space<semaphore_mem>>)
      %scan3A_786 = arith.constant 0 : i32
      scf.yield %scan3A_786 : i32
    }
    %scan3A_86 = arith.constant 23 : i32
    %dma_wait3A_87 = arith.constant 0 : i32
    %dma_wait3A_88 = tpu.memref_slice %arg16[%dma_wait3A_87] : memref<1785856xf32, #tpu.memory_space<vmem_shared>> -> memref<1785856xf32, #tpu.memory_space<vmem_shared>>
    tpu.wait_indirect_dma semaphore(%arg15 : memref<!tpu.dma_semaphore, #tpu.memory_space<semaphore_mem>>) src(%arg9 : memref<4608xf32, #tpu.memory_space<vmem>>) dst(%dma_wait3A_88 : memref<1785856xf32, #tpu.memory_space<vmem_shared>>)
    %barrier3A_89 = arith.constant 0 : index
    tpu.barrier barrier_id(%barrier3A_89)
    %mul3A_90 = arith.constant 110592 : i32
    %mul3A_91 = arith.muli %arg1, %mul3A_90 : i32
    %add3A_92 = arith.constant 0 : i32
    %add3A_93 = arith.addi %mul3A_2, %add3A_92 : i32
    %mul3A_94 = arith.constant 110592 : i32
    %mul3A_95 = arith.muli %arg1, %mul3A_94 : i32
    %add3A_96 = arith.addi %add3A_93, %mul3A_95 : i32
    "tpu.region"() ({
      %run_scoped3A = tpu.sem_alloc : memref<!tpu.dma_semaphore, #tpu.memory_space<semaphore_mem>>
      %dma_start3A_715 = tpu.memref_slice %arg5[%add3A_96] : memref<28311552xf32, #tpu.memory_space<hbm>> -> memref<110592xf32, #tpu.memory_space<hbm>>
      %dma_start3A_716 = tpu.memref_slice %arg16[%mul3A_91] : memref<1785856xf32, #tpu.memory_space<vmem_shared>> -> memref<110592xf32, #tpu.memory_space<vmem_shared>>
      tpu.enqueue_dma source(%dma_start3A_716 : memref<110592xf32, #tpu.memory_space<vmem_shared>>) target(%dma_start3A_715 : memref<110592xf32, #tpu.memory_space<hbm>>) target_semaphore(%run_scoped3A : memref<!tpu.dma_semaphore, #tpu.memory_space<semaphore_mem>>)
      %dma_wait3A_717 = tpu.memref_slice %arg5[%add3A_96] : memref<28311552xf32, #tpu.memory_space<hbm>> -> memref<110592xf32, #tpu.memory_space<hbm>>
      %dma_wait3A_718 = tpu.memref_slice %arg16[%mul3A_91] : memref<1785856xf32, #tpu.memory_space<vmem_shared>> -> memref<110592xf32, #tpu.memory_space<vmem_shared>>
      tpu.wait_dma2 semaphore(%run_scoped3A : memref<!tpu.dma_semaphore, #tpu.memory_space<semaphore_mem>>) src(%dma_wait3A_718 : memref<110592xf32, #tpu.memory_space<vmem_shared>>) dst(%dma_wait3A_717 : memref<110592xf32, #tpu.memory_space<hbm>>)
      tpu.yield
    }) : () -> ()
    %mul3A_97 = arith.constant 110592 : i32
    %mul3A_98 = arith.muli %arg1, %mul3A_97 : i32
    "tpu.region"() ({
      %run_scoped3A = tpu.sem_alloc : memref<!tpu.dma_semaphore, #tpu.memory_space<semaphore_mem>>
      %dma_start3A_715 = tpu.memref_slice %arg16[%mul3A_98] : memref<1785856xf32, #tpu.memory_space<vmem_shared>> -> memref<110592xf32, #tpu.memory_space<vmem_shared>>
      tpu.enqueue_dma source(%arg4 : memref<110592xf32, #tpu.memory_space<hbm>>) target(%dma_start3A_715 : memref<110592xf32, #tpu.memory_space<vmem_shared>>) target_semaphore(%run_scoped3A : memref<!tpu.dma_semaphore, #tpu.memory_space<semaphore_mem>>)
      %dma_wait3A_716 = tpu.memref_slice %arg16[%mul3A_98] : memref<1785856xf32, #tpu.memory_space<vmem_shared>> -> memref<110592xf32, #tpu.memory_space<vmem_shared>>
      tpu.wait_dma2 semaphore(%run_scoped3A : memref<!tpu.dma_semaphore, #tpu.memory_space<semaphore_mem>>) src(%arg4 : memref<110592xf32, #tpu.memory_space<hbm>>) dst(%dma_wait3A_716 : memref<110592xf32, #tpu.memory_space<vmem_shared>>)
      tpu.yield
    }) : () -> ()
    %barrier3A_99 = arith.constant 0 : index
    tpu.barrier barrier_id(%barrier3A_99)
    %dma_wait3A_100 = arith.constant 0 : i32
    %dma_wait3A_101 = tpu.memref_slice %arg3[%dma_wait3A_100] : memref<7077888xi32, #tpu.memory_space<hbm>> -> memref<4608xi32, #tpu.memory_space<hbm>>
    %dma_wait3A_102 = arith.constant 0 : i32
    %dma_wait3A_103 = tpu.memref_slice %arg3[%dma_wait3A_102] : memref<7077888xi32, #tpu.memory_space<hbm>> -> memref<4608xi32, #tpu.memory_space<hbm>>
    tpu.wait_dma2 semaphore(%arg10 : memref<!tpu.dma_semaphore, #tpu.memory_space<semaphore_mem>>) src(%dma_wait3A_103 : memref<4608xi32, #tpu.memory_space<hbm>>) dst(%arg6 : memref<4608xi32, #tpu.memory_space<vmem>>)
    %dma_wait3A_104 = arith.constant 0 : i32
    %dma_wait3A_105 = tpu.memref_slice %arg2[%dma_wait3A_104] : memref<7077888xf32, #tpu.memory_space<hbm>> -> memref<4608xf32, #tpu.memory_space<hbm>>
    %dma_wait3A_106 = arith.constant 0 : i32
    %dma_wait3A_107 = tpu.memref_slice %arg2[%dma_wait3A_106] : memref<7077888xf32, #tpu.memory_space<hbm>> -> memref<4608xf32, #tpu.memory_space<hbm>>
    tpu.wait_dma2 semaphore(%arg11 : memref<!tpu.dma_semaphore, #tpu.memory_space<semaphore_mem>>) src(%dma_wait3A_107 : memref<4608xf32, #tpu.memory_space<hbm>>) dst(%arg7 : memref<4608xf32, #tpu.memory_space<vmem>>)
    %scan3A_108 = arith.constant 1769472 : i32
    %scan3A_109 = arith.constant 0 : i32
    %scan3A_110 = arith.constant 0 : i32
    %scan3A_111 = arith.constant 144 : i32
    %scan3A_112 = arith.addi %scan3A_110, %scan3A_111 : i32
    %scan3A_113 = arith.constant 1 : i32
    %scan3A_114 = scf.for %scan3A_715 = %scan3A_110 to %scan3A_112 step %scan3A_113 iter_args(%scan3A_716 = %scan3A_109) -> (i32)  : i32 {
      %mul3A_717 = arith.constant 2 : i32
      %mul3A_718 = arith.muli %scan3A_715, %mul3A_717 : i32
      %add3A_719 = arith.constant 0 : i32
      %add3A_720 = arith.addi %mul3A_718, %add3A_719 : i32
      %mul3A_721 = arith.constant 16 : i32
      %mul3A_722 = arith.muli %add3A_720, %mul3A_721 : i32
      %get3A = arith.index_cast %mul3A_722 : i32 to index
      %get3A_723 = tpu.vector_load %arg6[%get3A] {strides = array<i32>} : memref<4608xi32, #tpu.memory_space<vmem>>, vector<16xi32>,
      %get3A_724 = vector.shape_cast %get3A_723 : vector<16xi32> to vector<16xi32>
      %sub3A = vector.broadcast %scan3A_108 : i32 to vector<16xi32>
      %sub3A_725 = arith.subi %get3A_724, %sub3A : vector<16xi32>
      %bitcast3A = vector.bitcast %sub3A_725 : vector<16xi32> to vector<16xi32>
      %lt3A = arith.constant 1769472 : i32
      %lt3A_726 = vector.broadcast %lt3A : i32 to vector<16xi32>
      %lt3A_727 = arith.cmpi ult, %bitcast3A, %lt3A_726 : vector<16xi32>
      %and3A = arith.constant 16383 : i32
      %and3A_728 = vector.broadcast %and3A : i32 to vector<16xi32>
      %and3A_729 = arith.andi %get3A_724, %and3A_728 : vector<16xi32>
      %add3A_730 = arith.constant 1769472 : i32
      %add3A_731 = vector.broadcast %add3A_730 : i32 to vector<16xi32>
      %add3A_732 = arith.addi %add3A_731, %and3A_729 : vector<16xi32>
      %select_n3A = arith.select %lt3A_727, %sub3A_725, %add3A_732 : vector<16xi1>, vector<16xi32>
      %swap3A = arith.index_cast %mul3A_722 : i32 to index
      %swap3A_733 = tpu.vector_load %arg6[%swap3A] {strides = array<i32>} : memref<4608xi32, #tpu.memory_space<vmem>>, vector<16xi32>,
      %swap3A_734 = vector.shape_cast %swap3A_733 : vector<16xi32> to vector<16xi32>
      %swap3A_735 = vector.shape_cast %select_n3A : vector<16xi32> to vector<16xi32>
      tpu.vector_store %arg6[%swap3A], %swap3A_735 {strides = array<i32>} : memref<4608xi32, #tpu.memory_space<vmem>>, vector<16xi32>,
      %mul3A_736 = arith.constant 2 : i32
      %mul3A_737 = arith.muli %scan3A_715, %mul3A_736 : i32
      %add3A_738 = arith.constant 1 : i32
      %add3A_739 = arith.addi %mul3A_737, %add3A_738 : i32
      %mul3A_740 = arith.constant 16 : i32
      %mul3A_741 = arith.muli %add3A_739, %mul3A_740 : i32
      %get3A_742 = arith.index_cast %mul3A_741 : i32 to index
      %get3A_743 = tpu.vector_load %arg6[%get3A_742] {strides = array<i32>} : memref<4608xi32, #tpu.memory_space<vmem>>, vector<16xi32>,
      %get3A_744 = vector.shape_cast %get3A_743 : vector<16xi32> to vector<16xi32>
      %sub3A_745 = vector.broadcast %scan3A_108 : i32 to vector<16xi32>
      %sub3A_746 = arith.subi %get3A_744, %sub3A_745 : vector<16xi32>
      %bitcast3A_747 = vector.bitcast %sub3A_746 : vector<16xi32> to vector<16xi32>
      %lt3A_748 = arith.constant 1769472 : i32
      %lt3A_749 = vector.broadcast %lt3A_748 : i32 to vector<16xi32>
      %lt3A_750 = arith.cmpi ult, %bitcast3A_747, %lt3A_749 : vector<16xi32>
      %and3A_751 = arith.constant 16383 : i32
      %and3A_752 = vector.broadcast %and3A_751 : i32 to vector<16xi32>
      %and3A_753 = arith.andi %get3A_744, %and3A_752 : vector<16xi32>
      %add3A_754 = arith.constant 1769472 : i32
      %add3A_755 = vector.broadcast %add3A_754 : i32 to vector<16xi32>
      %add3A_756 = arith.addi %add3A_755, %and3A_753 : vector<16xi32>
      %select_n3A_757 = arith.select %lt3A_750, %sub3A_746, %add3A_756 : vector<16xi1>, vector<16xi32>
      %swap3A_758 = arith.index_cast %mul3A_741 : i32 to index
      %swap3A_759 = tpu.vector_load %arg6[%swap3A_758] {strides = array<i32>} : memref<4608xi32, #tpu.memory_space<vmem>>, vector<16xi32>,
      %swap3A_760 = vector.shape_cast %swap3A_759 : vector<16xi32> to vector<16xi32>
      %swap3A_761 = vector.shape_cast %select_n3A_757 : vector<16xi32> to vector<16xi32>
      tpu.vector_store %arg6[%swap3A_758], %swap3A_761 {strides = array<i32>} : memref<4608xi32, #tpu.memory_space<vmem>>, vector<16xi32>,
      %scan3A_762 = arith.constant 0 : i32
      scf.yield %scan3A_762 : i32
    }
    %scan3A_115 = arith.constant 144 : i32
    %dma_start3A_116 = arith.constant 0 : i32
    %dma_start3A_117 = tpu.memref_slice %arg16[%dma_start3A_116] : memref<1785856xf32, #tpu.memory_space<vmem_shared>> -> memref<1785856xf32, #tpu.memory_space<vmem_shared>>
    tpu.enqueue_indirect_dma source(%arg7 : memref<4608xf32, #tpu.memory_space<vmem>>) target(%dma_start3A_117 : memref<1785856xf32, #tpu.memory_space<vmem_shared>>) offsets(%arg6 : memref<4608xi32, #tpu.memory_space<vmem>>) semaphore(%arg14 : memref<!tpu.dma_semaphore, #tpu.memory_space<semaphore_mem>>) {add = true}
    %mul3A_118 = arith.constant 1 : i32
    %mul3A_119 = arith.constant 4608 : i32
    %mul3A_120 = arith.muli %mul3A_118, %mul3A_119 : i32
    %add3A_121 = arith.addi %add3A, %mul3A_120 : i32
    %multiple_of3A_122 = tpu.assume_multiple %add3A_121, 8 : i32
    %dma_start3A_123 = tpu.memref_slice %arg3[%multiple_of3A_122] : memref<7077888xi32, #tpu.memory_space<hbm>> -> memref<4608xi32, #tpu.memory_space<hbm>>
    %dma_start3A_124 = tpu.memref_slice %arg3[%multiple_of3A_122] : memref<7077888xi32, #tpu.memory_space<hbm>> -> memref<4608xi32, #tpu.memory_space<hbm>>
    tpu.enqueue_dma source(%dma_start3A_124 : memref<4608xi32, #tpu.memory_space<hbm>>) target(%arg8 : memref<4608xi32, #tpu.memory_space<vmem>>) target_semaphore(%arg12 : memref<!tpu.dma_semaphore, #tpu.memory_space<semaphore_mem>>)
    %mul3A_125 = arith.constant 1 : i32
    %mul3A_126 = arith.constant 4608 : i32
    %mul3A_127 = arith.muli %mul3A_125, %mul3A_126 : i32
    %add3A_128 = arith.addi %add3A, %mul3A_127 : i32
    %multiple_of3A_129 = tpu.assume_multiple %add3A_128, 8 : i32
    %dma_start3A_130 = tpu.memref_slice %arg2[%multiple_of3A_129] : memref<7077888xf32, #tpu.memory_space<hbm>> -> memref<4608xf32, #tpu.memory_space<hbm>>
    %dma_start3A_131 = tpu.memref_slice %arg2[%multiple_of3A_129] : memref<7077888xf32, #tpu.memory_space<hbm>> -> memref<4608xf32, #tpu.memory_space<hbm>>
    tpu.enqueue_dma source(%dma_start3A_131 : memref<4608xf32, #tpu.memory_space<hbm>>) target(%arg9 : memref<4608xf32, #tpu.memory_space<vmem>>) target_semaphore(%arg13 : memref<!tpu.dma_semaphore, #tpu.memory_space<semaphore_mem>>)
    %dma_wait3A_132 = arith.constant 0 : i32
    %dma_wait3A_133 = tpu.memref_slice %arg3[%dma_wait3A_132] : memref<7077888xi32, #tpu.memory_space<hbm>> -> memref<4608xi32, #tpu.memory_space<hbm>>
    %dma_wait3A_134 = arith.constant 0 : i32
    %dma_wait3A_135 = tpu.memref_slice %arg3[%dma_wait3A_134] : memref<7077888xi32, #tpu.memory_space<hbm>> -> memref<4608xi32, #tpu.memory_space<hbm>>
    tpu.wait_dma2 semaphore(%arg12 : memref<!tpu.dma_semaphore, #tpu.memory_space<semaphore_mem>>) src(%dma_wait3A_135 : memref<4608xi32, #tpu.memory_space<hbm>>) dst(%arg8 : memref<4608xi32, #tpu.memory_space<vmem>>)
    %dma_wait3A_136 = arith.constant 0 : i32
    %dma_wait3A_137 = tpu.memref_slice %arg2[%dma_wait3A_136] : memref<7077888xf32, #tpu.memory_space<hbm>> -> memref<4608xf32, #tpu.memory_space<hbm>>
    %dma_wait3A_138 = arith.constant 0 : i32
    %dma_wait3A_139 = tpu.memref_slice %arg2[%dma_wait3A_138] : memref<7077888xf32, #tpu.memory_space<hbm>> -> memref<4608xf32, #tpu.memory_space<hbm>>
    tpu.wait_dma2 semaphore(%arg13 : memref<!tpu.dma_semaphore, #tpu.memory_space<semaphore_mem>>) src(%dma_wait3A_139 : memref<4608xf32, #tpu.memory_space<hbm>>) dst(%arg9 : memref<4608xf32, #tpu.memory_space<vmem>>)
    %scan3A_140 = arith.constant 1769472 : i32
    %scan3A_141 = arith.constant 0 : i32
    %scan3A_142 = arith.constant 0 : i32
    %scan3A_143 = arith.constant 144 : i32
    %scan3A_144 = arith.addi %scan3A_142, %scan3A_143 : i32
    %scan3A_145 = arith.constant 1 : i32
    %scan3A_146 = scf.for %scan3A_715 = %scan3A_142 to %scan3A_144 step %scan3A_145 iter_args(%scan3A_716 = %scan3A_141) -> (i32)  : i32 {
      %mul3A_717 = arith.constant 2 : i32
      %mul3A_718 = arith.muli %scan3A_715, %mul3A_717 : i32
      %add3A_719 = arith.constant 0 : i32
      %add3A_720 = arith.addi %mul3A_718, %add3A_719 : i32
      %mul3A_721 = arith.constant 16 : i32
      %mul3A_722 = arith.muli %add3A_720, %mul3A_721 : i32
      %get3A = arith.index_cast %mul3A_722 : i32 to index
      %get3A_723 = tpu.vector_load %arg8[%get3A] {strides = array<i32>} : memref<4608xi32, #tpu.memory_space<vmem>>, vector<16xi32>,
      %get3A_724 = vector.shape_cast %get3A_723 : vector<16xi32> to vector<16xi32>
      %sub3A = vector.broadcast %scan3A_140 : i32 to vector<16xi32>
      %sub3A_725 = arith.subi %get3A_724, %sub3A : vector<16xi32>
      %bitcast3A = vector.bitcast %sub3A_725 : vector<16xi32> to vector<16xi32>
      %lt3A = arith.constant 1769472 : i32
      %lt3A_726 = vector.broadcast %lt3A : i32 to vector<16xi32>
      %lt3A_727 = arith.cmpi ult, %bitcast3A, %lt3A_726 : vector<16xi32>
      %and3A = arith.constant 16383 : i32
      %and3A_728 = vector.broadcast %and3A : i32 to vector<16xi32>
      %and3A_729 = arith.andi %get3A_724, %and3A_728 : vector<16xi32>
      %add3A_730 = arith.constant 1769472 : i32
      %add3A_731 = vector.broadcast %add3A_730 : i32 to vector<16xi32>
      %add3A_732 = arith.addi %add3A_731, %and3A_729 : vector<16xi32>
      %select_n3A = arith.select %lt3A_727, %sub3A_725, %add3A_732 : vector<16xi1>, vector<16xi32>
      %swap3A = arith.index_cast %mul3A_722 : i32 to index
      %swap3A_733 = tpu.vector_load %arg8[%swap3A] {strides = array<i32>} : memref<4608xi32, #tpu.memory_space<vmem>>, vector<16xi32>,
      %swap3A_734 = vector.shape_cast %swap3A_733 : vector<16xi32> to vector<16xi32>
      %swap3A_735 = vector.shape_cast %select_n3A : vector<16xi32> to vector<16xi32>
      tpu.vector_store %arg8[%swap3A], %swap3A_735 {strides = array<i32>} : memref<4608xi32, #tpu.memory_space<vmem>>, vector<16xi32>,
      %mul3A_736 = arith.constant 2 : i32
      %mul3A_737 = arith.muli %scan3A_715, %mul3A_736 : i32
      %add3A_738 = arith.constant 1 : i32
      %add3A_739 = arith.addi %mul3A_737, %add3A_738 : i32
      %mul3A_740 = arith.constant 16 : i32
      %mul3A_741 = arith.muli %add3A_739, %mul3A_740 : i32
      %get3A_742 = arith.index_cast %mul3A_741 : i32 to index
      %get3A_743 = tpu.vector_load %arg8[%get3A_742] {strides = array<i32>} : memref<4608xi32, #tpu.memory_space<vmem>>, vector<16xi32>,
      %get3A_744 = vector.shape_cast %get3A_743 : vector<16xi32> to vector<16xi32>
      %sub3A_745 = vector.broadcast %scan3A_140 : i32 to vector<16xi32>
      %sub3A_746 = arith.subi %get3A_744, %sub3A_745 : vector<16xi32>
      %bitcast3A_747 = vector.bitcast %sub3A_746 : vector<16xi32> to vector<16xi32>
      %lt3A_748 = arith.constant 1769472 : i32
      %lt3A_749 = vector.broadcast %lt3A_748 : i32 to vector<16xi32>
      %lt3A_750 = arith.cmpi ult, %bitcast3A_747, %lt3A_749 : vector<16xi32>
      %and3A_751 = arith.constant 16383 : i32
      %and3A_752 = vector.broadcast %and3A_751 : i32 to vector<16xi32>
      %and3A_753 = arith.andi %get3A_744, %and3A_752 : vector<16xi32>
      %add3A_754 = arith.constant 1769472 : i32
      %add3A_755 = vector.broadcast %add3A_754 : i32 to vector<16xi32>
      %add3A_756 = arith.addi %add3A_755, %and3A_753 : vector<16xi32>
      %select_n3A_757 = arith.select %lt3A_750, %sub3A_746, %add3A_756 : vector<16xi1>, vector<16xi32>
      %swap3A_758 = arith.index_cast %mul3A_741 : i32 to index
      %swap3A_759 = tpu.vector_load %arg8[%swap3A_758] {strides = array<i32>} : memref<4608xi32, #tpu.memory_space<vmem>>, vector<16xi32>,
      %swap3A_760 = vector.shape_cast %swap3A_759 : vector<16xi32> to vector<16xi32>
      %swap3A_761 = vector.shape_cast %select_n3A_757 : vector<16xi32> to vector<16xi32>
      tpu.vector_store %arg8[%swap3A_758], %swap3A_761 {strides = array<i32>} : memref<4608xi32, #tpu.memory_space<vmem>>, vector<16xi32>,
      %scan3A_762 = arith.constant 0 : i32
      scf.yield %scan3A_762 : i32
    }
    %scan3A_147 = arith.constant 144 : i32
    %dma_start3A_148 = arith.constant 0 : i32
    %dma_start3A_149 = tpu.memref_slice %arg16[%dma_start3A_148] : memref<1785856xf32, #tpu.memory_space<vmem_shared>> -> memref<1785856xf32, #tpu.memory_space<vmem_shared>>
    tpu.enqueue_indirect_dma source(%arg9 : memref<4608xf32, #tpu.memory_space<vmem>>) target(%dma_start3A_149 : memref<1785856xf32, #tpu.memory_space<vmem_shared>>) offsets(%arg8 : memref<4608xi32, #tpu.memory_space<vmem>>) semaphore(%arg15 : memref<!tpu.dma_semaphore, #tpu.memory_space<semaphore_mem>>) {add = true}
    %dma_wait3A_150 = arith.constant 0 : i32
    %dma_wait3A_151 = tpu.memref_slice %arg16[%dma_wait3A_150] : memref<1785856xf32, #tpu.memory_space<vmem_shared>> -> memref<1785856xf32, #tpu.memory_space<vmem_shared>>
    tpu.wait_indirect_dma semaphore(%arg14 : memref<!tpu.dma_semaphore, #tpu.memory_space<semaphore_mem>>) src(%arg7 : memref<4608xf32, #tpu.memory_space<vmem>>) dst(%dma_wait3A_151 : memref<1785856xf32, #tpu.memory_space<vmem_shared>>)
    %mul3A_152 = arith.constant 2 : i32
    %mul3A_153 = arith.constant 4608 : i32
    %mul3A_154 = arith.muli %mul3A_152, %mul3A_153 : i32
    %add3A_155 = arith.addi %add3A, %mul3A_154 : i32
    %multiple_of3A_156 = tpu.assume_multiple %add3A_155, 8 : i32
    %dma_start3A_157 = tpu.memref_slice %arg3[%multiple_of3A_156] : memref<7077888xi32, #tpu.memory_space<hbm>> -> memref<4608xi32, #tpu.memory_space<hbm>>
    %dma_start3A_158 = tpu.memref_slice %arg3[%multiple_of3A_156] : memref<7077888xi32, #tpu.memory_space<hbm>> -> memref<4608xi32, #tpu.memory_space<hbm>>
    tpu.enqueue_dma source(%dma_start3A_158 : memref<4608xi32, #tpu.memory_space<hbm>>) target(%arg6 : memref<4608xi32, #tpu.memory_space<vmem>>) target_semaphore(%arg10 : memref<!tpu.dma_semaphore, #tpu.memory_space<semaphore_mem>>)
    %mul3A_159 = arith.constant 2 : i32
    %mul3A_160 = arith.constant 4608 : i32
    %mul3A_161 = arith.muli %mul3A_159, %mul3A_160 : i32
    %add3A_162 = arith.addi %add3A, %mul3A_161 : i32
    %multiple_of3A_163 = tpu.assume_multiple %add3A_162, 8 : i32
    %dma_start3A_164 = tpu.memref_slice %arg2[%multiple_of3A_163] : memref<7077888xf32, #tpu.memory_space<hbm>> -> memref<4608xf32, #tpu.memory_space<hbm>>
    %dma_start3A_165 = tpu.memref_slice %arg2[%multiple_of3A_163] : memref<7077888xf32, #tpu.memory_space<hbm>> -> memref<4608xf32, #tpu.memory_space<hbm>>
    tpu.enqueue_dma source(%dma_start3A_165 : memref<4608xf32, #tpu.memory_space<hbm>>) target(%arg7 : memref<4608xf32, #tpu.memory_space<vmem>>) target_semaphore(%arg11 : memref<!tpu.dma_semaphore, #tpu.memory_space<semaphore_mem>>)
    %scan3A_166 = arith.constant 1769472 : i32
    %scan3A_167 = arith.constant 0 : i32
    %scan3A_168 = arith.constant 1 : i32
    %scan3A_169 = arith.constant 23 : i32
    %scan3A_170 = arith.addi %scan3A_168, %scan3A_169 : i32
    %scan3A_171 = arith.constant 1 : i32
    %scan3A_172 = scf.for %scan3A_715 = %scan3A_168 to %scan3A_170 step %scan3A_171 iter_args(%scan3A_716 = %scan3A_167) -> (i32)  : i32 {
      %mul3A_717 = arith.constant 2 : i32
      %mul3A_718 = arith.muli %scan3A_715, %mul3A_717 : i32
      %dma_wait3A_719 = arith.constant 0 : i32
      %dma_wait3A_720 = tpu.memref_slice %arg3[%dma_wait3A_719] : memref<7077888xi32, #tpu.memory_space<hbm>> -> memref<4608xi32, #tpu.memory_space<hbm>>
      %dma_wait3A_721 = arith.constant 0 : i32
      %dma_wait3A_722 = tpu.memref_slice %arg3[%dma_wait3A_721] : memref<7077888xi32, #tpu.memory_space<hbm>> -> memref<4608xi32, #tpu.memory_space<hbm>>
      tpu.wait_dma2 semaphore(%arg10 : memref<!tpu.dma_semaphore, #tpu.memory_space<semaphore_mem>>) src(%dma_wait3A_722 : memref<4608xi32, #tpu.memory_space<hbm>>) dst(%arg6 : memref<4608xi32, #tpu.memory_space<vmem>>)
      %dma_wait3A_723 = arith.constant 0 : i32
      %dma_wait3A_724 = tpu.memref_slice %arg2[%dma_wait3A_723] : memref<7077888xf32, #tpu.memory_space<hbm>> -> memref<4608xf32, #tpu.memory_space<hbm>>
      %dma_wait3A_725 = arith.constant 0 : i32
      %dma_wait3A_726 = tpu.memref_slice %arg2[%dma_wait3A_725] : memref<7077888xf32, #tpu.memory_space<hbm>> -> memref<4608xf32, #tpu.memory_space<hbm>>
      tpu.wait_dma2 semaphore(%arg11 : memref<!tpu.dma_semaphore, #tpu.memory_space<semaphore_mem>>) src(%dma_wait3A_726 : memref<4608xf32, #tpu.memory_space<hbm>>) dst(%arg7 : memref<4608xf32, #tpu.memory_space<vmem>>)
      %scan3A_727 = arith.constant 0 : i32
      %scan3A_728 = arith.constant 0 : i32
      %scan3A_729 = arith.constant 144 : i32
      %scan3A_730 = arith.addi %scan3A_728, %scan3A_729 : i32
      %scan3A_731 = arith.constant 1 : i32
      %scan3A_732 = scf.for %scan3A_787 = %scan3A_728 to %scan3A_730 step %scan3A_731 iter_args(%scan3A_788 = %scan3A_727) -> (i32)  : i32 {
        %mul3A_789 = arith.constant 2 : i32
        %mul3A_790 = arith.muli %scan3A_787, %mul3A_789 : i32
        %add3A_791 = arith.constant 0 : i32
        %add3A_792 = arith.addi %mul3A_790, %add3A_791 : i32
        %mul3A_793 = arith.constant 16 : i32
        %mul3A_794 = arith.muli %add3A_792, %mul3A_793 : i32
        %get3A = arith.index_cast %mul3A_794 : i32 to index
        %get3A_795 = tpu.vector_load %arg6[%get3A] {strides = array<i32>} : memref<4608xi32, #tpu.memory_space<vmem>>, vector<16xi32>,
        %get3A_796 = vector.shape_cast %get3A_795 : vector<16xi32> to vector<16xi32>
        %sub3A = vector.broadcast %scan3A_166 : i32 to vector<16xi32>
        %sub3A_797 = arith.subi %get3A_796, %sub3A : vector<16xi32>
        %bitcast3A = vector.bitcast %sub3A_797 : vector<16xi32> to vector<16xi32>
        %lt3A = arith.constant 1769472 : i32
        %lt3A_798 = vector.broadcast %lt3A : i32 to vector<16xi32>
        %lt3A_799 = arith.cmpi ult, %bitcast3A, %lt3A_798 : vector<16xi32>
        %and3A = arith.constant 16383 : i32
        %and3A_800 = vector.broadcast %and3A : i32 to vector<16xi32>
        %and3A_801 = arith.andi %get3A_796, %and3A_800 : vector<16xi32>
        %add3A_802 = arith.constant 1769472 : i32
        %add3A_803 = vector.broadcast %add3A_802 : i32 to vector<16xi32>
        %add3A_804 = arith.addi %add3A_803, %and3A_801 : vector<16xi32>
        %select_n3A = arith.select %lt3A_799, %sub3A_797, %add3A_804 : vector<16xi1>, vector<16xi32>
        %swap3A = arith.index_cast %mul3A_794 : i32 to index
        %swap3A_805 = tpu.vector_load %arg6[%swap3A] {strides = array<i32>} : memref<4608xi32, #tpu.memory_space<vmem>>, vector<16xi32>,
        %swap3A_806 = vector.shape_cast %swap3A_805 : vector<16xi32> to vector<16xi32>
        %swap3A_807 = vector.shape_cast %select_n3A : vector<16xi32> to vector<16xi32>
        tpu.vector_store %arg6[%swap3A], %swap3A_807 {strides = array<i32>} : memref<4608xi32, #tpu.memory_space<vmem>>, vector<16xi32>,
        %mul3A_808 = arith.constant 2 : i32
        %mul3A_809 = arith.muli %scan3A_787, %mul3A_808 : i32
        %add3A_810 = arith.constant 1 : i32
        %add3A_811 = arith.addi %mul3A_809, %add3A_810 : i32
        %mul3A_812 = arith.constant 16 : i32
        %mul3A_813 = arith.muli %add3A_811, %mul3A_812 : i32
        %get3A_814 = arith.index_cast %mul3A_813 : i32 to index
        %get3A_815 = tpu.vector_load %arg6[%get3A_814] {strides = array<i32>} : memref<4608xi32, #tpu.memory_space<vmem>>, vector<16xi32>,
        %get3A_816 = vector.shape_cast %get3A_815 : vector<16xi32> to vector<16xi32>
        %sub3A_817 = vector.broadcast %scan3A_166 : i32 to vector<16xi32>
        %sub3A_818 = arith.subi %get3A_816, %sub3A_817 : vector<16xi32>
        %bitcast3A_819 = vector.bitcast %sub3A_818 : vector<16xi32> to vector<16xi32>
        %lt3A_820 = arith.constant 1769472 : i32
        %lt3A_821 = vector.broadcast %lt3A_820 : i32 to vector<16xi32>
        %lt3A_822 = arith.cmpi ult, %bitcast3A_819, %lt3A_821 : vector<16xi32>
        %and3A_823 = arith.constant 16383 : i32
        %and3A_824 = vector.broadcast %and3A_823 : i32 to vector<16xi32>
        %and3A_825 = arith.andi %get3A_816, %and3A_824 : vector<16xi32>
        %add3A_826 = arith.constant 1769472 : i32
        %add3A_827 = vector.broadcast %add3A_826 : i32 to vector<16xi32>
        %add3A_828 = arith.addi %add3A_827, %and3A_825 : vector<16xi32>
        %select_n3A_829 = arith.select %lt3A_822, %sub3A_818, %add3A_828 : vector<16xi1>, vector<16xi32>
        %swap3A_830 = arith.index_cast %mul3A_813 : i32 to index
        %swap3A_831 = tpu.vector_load %arg6[%swap3A_830] {strides = array<i32>} : memref<4608xi32, #tpu.memory_space<vmem>>, vector<16xi32>,
        %swap3A_832 = vector.shape_cast %swap3A_831 : vector<16xi32> to vector<16xi32>
        %swap3A_833 = vector.shape_cast %select_n3A_829 : vector<16xi32> to vector<16xi32>
        tpu.vector_store %arg6[%swap3A_830], %swap3A_833 {strides = array<i32>} : memref<4608xi32, #tpu.memory_space<vmem>>, vector<16xi32>,
        %scan3A_834 = arith.constant 0 : i32
        scf.yield %scan3A_834 : i32
      }
      %scan3A_733 = arith.constant 144 : i32
      %dma_start3A_734 = arith.constant 0 : i32
      %dma_start3A_735 = tpu.memref_slice %arg16[%dma_start3A_734] : memref<1785856xf32, #tpu.memory_space<vmem_shared>> -> memref<1785856xf32, #tpu.memory_space<vmem_shared>>
      tpu.enqueue_indirect_dma source(%arg7 : memref<4608xf32, #tpu.memory_space<vmem>>) target(%dma_start3A_735 : memref<1785856xf32, #tpu.memory_space<vmem_shared>>) offsets(%arg6 : memref<4608xi32, #tpu.memory_space<vmem>>) semaphore(%arg14 : memref<!tpu.dma_semaphore, #tpu.memory_space<semaphore_mem>>) {add = true}
      %dma_wait3A_736 = arith.constant 0 : i32
      %dma_wait3A_737 = tpu.memref_slice %arg16[%dma_wait3A_736] : memref<1785856xf32, #tpu.memory_space<vmem_shared>> -> memref<1785856xf32, #tpu.memory_space<vmem_shared>>
      tpu.wait_indirect_dma semaphore(%arg15 : memref<!tpu.dma_semaphore, #tpu.memory_space<semaphore_mem>>) src(%arg9 : memref<4608xf32, #tpu.memory_space<vmem>>) dst(%dma_wait3A_737 : memref<1785856xf32, #tpu.memory_space<vmem_shared>>)
      %add3A_738 = arith.constant 1 : i32
      %add3A_739 = arith.addi %mul3A_718, %add3A_738 : i32
      %mul3A_740 = arith.constant 4608 : i32
      %mul3A_741 = arith.muli %add3A_739, %mul3A_740 : i32
      %add3A_742 = arith.addi %add3A, %mul3A_741 : i32
      %multiple_of3A_743 = tpu.assume_multiple %add3A_742, 8 : i32
      %dma_start3A_744 = tpu.memref_slice %arg3[%multiple_of3A_743] : memref<7077888xi32, #tpu.memory_space<hbm>> -> memref<4608xi32, #tpu.memory_space<hbm>>
      %dma_start3A_745 = tpu.memref_slice %arg3[%multiple_of3A_743] : memref<7077888xi32, #tpu.memory_space<hbm>> -> memref<4608xi32, #tpu.memory_space<hbm>>
      tpu.enqueue_dma source(%dma_start3A_745 : memref<4608xi32, #tpu.memory_space<hbm>>) target(%arg8 : memref<4608xi32, #tpu.memory_space<vmem>>) target_semaphore(%arg12 : memref<!tpu.dma_semaphore, #tpu.memory_space<semaphore_mem>>)
      %mul3A_746 = arith.constant 4608 : i32
      %mul3A_747 = arith.muli %add3A_739, %mul3A_746 : i32
      %add3A_748 = arith.addi %add3A, %mul3A_747 : i32
      %multiple_of3A_749 = tpu.assume_multiple %add3A_748, 8 : i32
      %dma_start3A_750 = tpu.memref_slice %arg2[%multiple_of3A_749] : memref<7077888xf32, #tpu.memory_space<hbm>> -> memref<4608xf32, #tpu.memory_space<hbm>>
      %dma_start3A_751 = tpu.memref_slice %arg2[%multiple_of3A_749] : memref<7077888xf32, #tpu.memory_space<hbm>> -> memref<4608xf32, #tpu.memory_space<hbm>>
      tpu.enqueue_dma source(%dma_start3A_751 : memref<4608xf32, #tpu.memory_space<hbm>>) target(%arg9 : memref<4608xf32, #tpu.memory_space<vmem>>) target_semaphore(%arg13 : memref<!tpu.dma_semaphore, #tpu.memory_space<semaphore_mem>>)
      %dma_wait3A_752 = arith.constant 0 : i32
      %dma_wait3A_753 = tpu.memref_slice %arg3[%dma_wait3A_752] : memref<7077888xi32, #tpu.memory_space<hbm>> -> memref<4608xi32, #tpu.memory_space<hbm>>
      %dma_wait3A_754 = arith.constant 0 : i32
      %dma_wait3A_755 = tpu.memref_slice %arg3[%dma_wait3A_754] : memref<7077888xi32, #tpu.memory_space<hbm>> -> memref<4608xi32, #tpu.memory_space<hbm>>
      tpu.wait_dma2 semaphore(%arg12 : memref<!tpu.dma_semaphore, #tpu.memory_space<semaphore_mem>>) src(%dma_wait3A_755 : memref<4608xi32, #tpu.memory_space<hbm>>) dst(%arg8 : memref<4608xi32, #tpu.memory_space<vmem>>)
      %dma_wait3A_756 = arith.constant 0 : i32
      %dma_wait3A_757 = tpu.memref_slice %arg2[%dma_wait3A_756] : memref<7077888xf32, #tpu.memory_space<hbm>> -> memref<4608xf32, #tpu.memory_space<hbm>>
      %dma_wait3A_758 = arith.constant 0 : i32
      %dma_wait3A_759 = tpu.memref_slice %arg2[%dma_wait3A_758] : memref<7077888xf32, #tpu.memory_space<hbm>> -> memref<4608xf32, #tpu.memory_space<hbm>>
      tpu.wait_dma2 semaphore(%arg13 : memref<!tpu.dma_semaphore, #tpu.memory_space<semaphore_mem>>) src(%dma_wait3A_759 : memref<4608xf32, #tpu.memory_space<hbm>>) dst(%arg9 : memref<4608xf32, #tpu.memory_space<vmem>>)
      %scan3A_760 = arith.constant 0 : i32
      %scan3A_761 = arith.constant 0 : i32
      %scan3A_762 = arith.constant 144 : i32
      %scan3A_763 = arith.addi %scan3A_761, %scan3A_762 : i32
      %scan3A_764 = arith.constant 1 : i32
      %scan3A_765 = scf.for %scan3A_787 = %scan3A_761 to %scan3A_763 step %scan3A_764 iter_args(%scan3A_788 = %scan3A_760) -> (i32)  : i32 {
        %mul3A_789 = arith.constant 2 : i32
        %mul3A_790 = arith.muli %scan3A_787, %mul3A_789 : i32
        %add3A_791 = arith.constant 0 : i32
        %add3A_792 = arith.addi %mul3A_790, %add3A_791 : i32
        %mul3A_793 = arith.constant 16 : i32
        %mul3A_794 = arith.muli %add3A_792, %mul3A_793 : i32
        %get3A = arith.index_cast %mul3A_794 : i32 to index
        %get3A_795 = tpu.vector_load %arg8[%get3A] {strides = array<i32>} : memref<4608xi32, #tpu.memory_space<vmem>>, vector<16xi32>,
        %get3A_796 = vector.shape_cast %get3A_795 : vector<16xi32> to vector<16xi32>
        %sub3A = vector.broadcast %scan3A_166 : i32 to vector<16xi32>
        %sub3A_797 = arith.subi %get3A_796, %sub3A : vector<16xi32>
        %bitcast3A = vector.bitcast %sub3A_797 : vector<16xi32> to vector<16xi32>
        %lt3A = arith.constant 1769472 : i32
        %lt3A_798 = vector.broadcast %lt3A : i32 to vector<16xi32>
        %lt3A_799 = arith.cmpi ult, %bitcast3A, %lt3A_798 : vector<16xi32>
        %and3A = arith.constant 16383 : i32
        %and3A_800 = vector.broadcast %and3A : i32 to vector<16xi32>
        %and3A_801 = arith.andi %get3A_796, %and3A_800 : vector<16xi32>
        %add3A_802 = arith.constant 1769472 : i32
        %add3A_803 = vector.broadcast %add3A_802 : i32 to vector<16xi32>
        %add3A_804 = arith.addi %add3A_803, %and3A_801 : vector<16xi32>
        %select_n3A = arith.select %lt3A_799, %sub3A_797, %add3A_804 : vector<16xi1>, vector<16xi32>
        %swap3A = arith.index_cast %mul3A_794 : i32 to index
        %swap3A_805 = tpu.vector_load %arg8[%swap3A] {strides = array<i32>} : memref<4608xi32, #tpu.memory_space<vmem>>, vector<16xi32>,
        %swap3A_806 = vector.shape_cast %swap3A_805 : vector<16xi32> to vector<16xi32>
        %swap3A_807 = vector.shape_cast %select_n3A : vector<16xi32> to vector<16xi32>
        tpu.vector_store %arg8[%swap3A], %swap3A_807 {strides = array<i32>} : memref<4608xi32, #tpu.memory_space<vmem>>, vector<16xi32>,
        %mul3A_808 = arith.constant 2 : i32
        %mul3A_809 = arith.muli %scan3A_787, %mul3A_808 : i32
        %add3A_810 = arith.constant 1 : i32
        %add3A_811 = arith.addi %mul3A_809, %add3A_810 : i32
        %mul3A_812 = arith.constant 16 : i32
        %mul3A_813 = arith.muli %add3A_811, %mul3A_812 : i32
        %get3A_814 = arith.index_cast %mul3A_813 : i32 to index
        %get3A_815 = tpu.vector_load %arg8[%get3A_814] {strides = array<i32>} : memref<4608xi32, #tpu.memory_space<vmem>>, vector<16xi32>,
        %get3A_816 = vector.shape_cast %get3A_815 : vector<16xi32> to vector<16xi32>
        %sub3A_817 = vector.broadcast %scan3A_166 : i32 to vector<16xi32>
        %sub3A_818 = arith.subi %get3A_816, %sub3A_817 : vector<16xi32>
        %bitcast3A_819 = vector.bitcast %sub3A_818 : vector<16xi32> to vector<16xi32>
        %lt3A_820 = arith.constant 1769472 : i32
        %lt3A_821 = vector.broadcast %lt3A_820 : i32 to vector<16xi32>
        %lt3A_822 = arith.cmpi ult, %bitcast3A_819, %lt3A_821 : vector<16xi32>
        %and3A_823 = arith.constant 16383 : i32
        %and3A_824 = vector.broadcast %and3A_823 : i32 to vector<16xi32>
        %and3A_825 = arith.andi %get3A_816, %and3A_824 : vector<16xi32>
        %add3A_826 = arith.constant 1769472 : i32
        %add3A_827 = vector.broadcast %add3A_826 : i32 to vector<16xi32>
        %add3A_828 = arith.addi %add3A_827, %and3A_825 : vector<16xi32>
        %select_n3A_829 = arith.select %lt3A_822, %sub3A_818, %add3A_828 : vector<16xi1>, vector<16xi32>
        %swap3A_830 = arith.index_cast %mul3A_813 : i32 to index
        %swap3A_831 = tpu.vector_load %arg8[%swap3A_830] {strides = array<i32>} : memref<4608xi32, #tpu.memory_space<vmem>>, vector<16xi32>,
        %swap3A_832 = vector.shape_cast %swap3A_831 : vector<16xi32> to vector<16xi32>
        %swap3A_833 = vector.shape_cast %select_n3A_829 : vector<16xi32> to vector<16xi32>
        tpu.vector_store %arg8[%swap3A_830], %swap3A_833 {strides = array<i32>} : memref<4608xi32, #tpu.memory_space<vmem>>, vector<16xi32>,
        %scan3A_834 = arith.constant 0 : i32
        scf.yield %scan3A_834 : i32
      }
      %scan3A_766 = arith.constant 144 : i32
      %dma_start3A_767 = arith.constant 0 : i32
      %dma_start3A_768 = tpu.memref_slice %arg16[%dma_start3A_767] : memref<1785856xf32, #tpu.memory_space<vmem_shared>> -> memref<1785856xf32, #tpu.memory_space<vmem_shared>>
      tpu.enqueue_indirect_dma source(%arg9 : memref<4608xf32, #tpu.memory_space<vmem>>) target(%dma_start3A_768 : memref<1785856xf32, #tpu.memory_space<vmem_shared>>) offsets(%arg8 : memref<4608xi32, #tpu.memory_space<vmem>>) semaphore(%arg15 : memref<!tpu.dma_semaphore, #tpu.memory_space<semaphore_mem>>) {add = true}
      %dma_wait3A_769 = arith.constant 0 : i32
      %dma_wait3A_770 = tpu.memref_slice %arg16[%dma_wait3A_769] : memref<1785856xf32, #tpu.memory_space<vmem_shared>> -> memref<1785856xf32, #tpu.memory_space<vmem_shared>>
      tpu.wait_indirect_dma semaphore(%arg14 : memref<!tpu.dma_semaphore, #tpu.memory_space<semaphore_mem>>) src(%arg7 : memref<4608xf32, #tpu.memory_space<vmem>>) dst(%dma_wait3A_770 : memref<1785856xf32, #tpu.memory_space<vmem_shared>>)
      %add3A_771 = arith.constant 2 : i32
      %add3A_772 = arith.addi %mul3A_718, %add3A_771 : i32
      %rem3A = arith.constant 48 : i32
      %rem3A_773 = arith.remsi %add3A_772, %rem3A : i32
      %mul3A_774 = arith.constant 4608 : i32
      %mul3A_775 = arith.muli %rem3A_773, %mul3A_774 : i32
      %add3A_776 = arith.addi %add3A, %mul3A_775 : i32
      %multiple_of3A_777 = tpu.assume_multiple %add3A_776, 8 : i32
      %dma_start3A_778 = tpu.memref_slice %arg3[%multiple_of3A_777] : memref<7077888xi32, #tpu.memory_space<hbm>> -> memref<4608xi32, #tpu.memory_space<hbm>>
      %dma_start3A_779 = tpu.memref_slice %arg3[%multiple_of3A_777] : memref<7077888xi32, #tpu.memory_space<hbm>> -> memref<4608xi32, #tpu.memory_space<hbm>>
      tpu.enqueue_dma source(%dma_start3A_779 : memref<4608xi32, #tpu.memory_space<hbm>>) target(%arg6 : memref<4608xi32, #tpu.memory_space<vmem>>) target_semaphore(%arg10 : memref<!tpu.dma_semaphore, #tpu.memory_space<semaphore_mem>>)
      %mul3A_780 = arith.constant 4608 : i32
      %mul3A_781 = arith.muli %rem3A_773, %mul3A_780 : i32
      %add3A_782 = arith.addi %add3A, %mul3A_781 : i32
      %multiple_of3A_783 = tpu.assume_multiple %add3A_782, 8 : i32
      %dma_start3A_784 = tpu.memref_slice %arg2[%multiple_of3A_783] : memref<7077888xf32, #tpu.memory_space<hbm>> -> memref<4608xf32, #tpu.memory_space<hbm>>
      %dma_start3A_785 = tpu.memref_slice %arg2[%multiple_of3A_783] : memref<7077888xf32, #tpu.memory_space<hbm>> -> memref<4608xf32, #tpu.memory_space<hbm>>
      tpu.enqueue_dma source(%dma_start3A_785 : memref<4608xf32, #tpu.memory_space<hbm>>) target(%arg7 : memref<4608xf32, #tpu.memory_space<vmem>>) target_semaphore(%arg11 : memref<!tpu.dma_semaphore, #tpu.memory_space<semaphore_mem>>)
      %scan3A_786 = arith.constant 0 : i32
      scf.yield %scan3A_786 : i32
    }
    %scan3A_173 = arith.constant 23 : i32
    %dma_wait3A_174 = arith.constant 0 : i32
    %dma_wait3A_175 = tpu.memref_slice %arg16[%dma_wait3A_174] : memref<1785856xf32, #tpu.memory_space<vmem_shared>> -> memref<1785856xf32, #tpu.memory_space<vmem_shared>>
    tpu.wait_indirect_dma semaphore(%arg15 : memref<!tpu.dma_semaphore, #tpu.memory_space<semaphore_mem>>) src(%arg9 : memref<4608xf32, #tpu.memory_space<vmem>>) dst(%dma_wait3A_175 : memref<1785856xf32, #tpu.memory_space<vmem_shared>>)
    %barrier3A_176 = arith.constant 0 : index
    tpu.barrier barrier_id(%barrier3A_176)
    %mul3A_177 = arith.constant 110592 : i32
    %mul3A_178 = arith.muli %arg1, %mul3A_177 : i32
    %add3A_179 = arith.constant 1769472 : i32
    %add3A_180 = arith.addi %mul3A_2, %add3A_179 : i32
    %mul3A_181 = arith.constant 110592 : i32
    %mul3A_182 = arith.muli %arg1, %mul3A_181 : i32
    %add3A_183 = arith.addi %add3A_180, %mul3A_182 : i32
    "tpu.region"() ({
      %run_scoped3A = tpu.sem_alloc : memref<!tpu.dma_semaphore, #tpu.memory_space<semaphore_mem>>
      %dma_start3A_715 = tpu.memref_slice %arg5[%add3A_183] : memref<28311552xf32, #tpu.memory_space<hbm>> -> memref<110592xf32, #tpu.memory_space<hbm>>
      %dma_start3A_716 = tpu.memref_slice %arg16[%mul3A_178] : memref<1785856xf32, #tpu.memory_space<vmem_shared>> -> memref<110592xf32, #tpu.memory_space<vmem_shared>>
      tpu.enqueue_dma source(%dma_start3A_716 : memref<110592xf32, #tpu.memory_space<vmem_shared>>) target(%dma_start3A_715 : memref<110592xf32, #tpu.memory_space<hbm>>) target_semaphore(%run_scoped3A : memref<!tpu.dma_semaphore, #tpu.memory_space<semaphore_mem>>)
      %dma_wait3A_717 = tpu.memref_slice %arg5[%add3A_183] : memref<28311552xf32, #tpu.memory_space<hbm>> -> memref<110592xf32, #tpu.memory_space<hbm>>
      %dma_wait3A_718 = tpu.memref_slice %arg16[%mul3A_178] : memref<1785856xf32, #tpu.memory_space<vmem_shared>> -> memref<110592xf32, #tpu.memory_space<vmem_shared>>
      tpu.wait_dma2 semaphore(%run_scoped3A : memref<!tpu.dma_semaphore, #tpu.memory_space<semaphore_mem>>) src(%dma_wait3A_718 : memref<110592xf32, #tpu.memory_space<vmem_shared>>) dst(%dma_wait3A_717 : memref<110592xf32, #tpu.memory_space<hbm>>)
      tpu.yield
    }) : () -> ()
    %mul3A_184 = arith.constant 110592 : i32
    %mul3A_185 = arith.muli %arg1, %mul3A_184 : i32
    "tpu.region"() ({
      %run_scoped3A = tpu.sem_alloc : memref<!tpu.dma_semaphore, #tpu.memory_space<semaphore_mem>>
      %dma_start3A_715 = tpu.memref_slice %arg16[%mul3A_185] : memref<1785856xf32, #tpu.memory_space<vmem_shared>> -> memref<110592xf32, #tpu.memory_space<vmem_shared>>
      tpu.enqueue_dma source(%arg4 : memref<110592xf32, #tpu.memory_space<hbm>>) target(%dma_start3A_715 : memref<110592xf32, #tpu.memory_space<vmem_shared>>) target_semaphore(%run_scoped3A : memref<!tpu.dma_semaphore, #tpu.memory_space<semaphore_mem>>)
      %dma_wait3A_716 = tpu.memref_slice %arg16[%mul3A_185] : memref<1785856xf32, #tpu.memory_space<vmem_shared>> -> memref<110592xf32, #tpu.memory_space<vmem_shared>>
      tpu.wait_dma2 semaphore(%run_scoped3A : memref<!tpu.dma_semaphore, #tpu.memory_space<semaphore_mem>>) src(%arg4 : memref<110592xf32, #tpu.memory_space<hbm>>) dst(%dma_wait3A_716 : memref<110592xf32, #tpu.memory_space<vmem_shared>>)
      tpu.yield
    }) : () -> ()
    %barrier3A_186 = arith.constant 0 : index
    tpu.barrier barrier_id(%barrier3A_186)
    %dma_wait3A_187 = arith.constant 0 : i32
    %dma_wait3A_188 = tpu.memref_slice %arg3[%dma_wait3A_187] : memref<7077888xi32, #tpu.memory_space<hbm>> -> memref<4608xi32, #tpu.memory_space<hbm>>
    %dma_wait3A_189 = arith.constant 0 : i32
    %dma_wait3A_190 = tpu.memref_slice %arg3[%dma_wait3A_189] : memref<7077888xi32, #tpu.memory_space<hbm>> -> memref<4608xi32, #tpu.memory_space<hbm>>
    tpu.wait_dma2 semaphore(%arg10 : memref<!tpu.dma_semaphore, #tpu.memory_space<semaphore_mem>>) src(%dma_wait3A_190 : memref<4608xi32, #tpu.memory_space<hbm>>) dst(%arg6 : memref<4608xi32, #tpu.memory_space<vmem>>)
    %dma_wait3A_191 = arith.constant 0 : i32
    %dma_wait3A_192 = tpu.memref_slice %arg2[%dma_wait3A_191] : memref<7077888xf32, #tpu.memory_space<hbm>> -> memref<4608xf32, #tpu.memory_space<hbm>>
    %dma_wait3A_193 = arith.constant 0 : i32
    %dma_wait3A_194 = tpu.memref_slice %arg2[%dma_wait3A_193] : memref<7077888xf32, #tpu.memory_space<hbm>> -> memref<4608xf32, #tpu.memory_space<hbm>>
    tpu.wait_dma2 semaphore(%arg11 : memref<!tpu.dma_semaphore, #tpu.memory_space<semaphore_mem>>) src(%dma_wait3A_194 : memref<4608xf32, #tpu.memory_space<hbm>>) dst(%arg7 : memref<4608xf32, #tpu.memory_space<vmem>>)
    %scan3A_195 = arith.constant 3538944 : i32
    %scan3A_196 = arith.constant 0 : i32
    %scan3A_197 = arith.constant 0 : i32
    %scan3A_198 = arith.constant 144 : i32
    %scan3A_199 = arith.addi %scan3A_197, %scan3A_198 : i32
    %scan3A_200 = arith.constant 1 : i32
    %scan3A_201 = scf.for %scan3A_715 = %scan3A_197 to %scan3A_199 step %scan3A_200 iter_args(%scan3A_716 = %scan3A_196) -> (i32)  : i32 {
      %mul3A_717 = arith.constant 2 : i32
      %mul3A_718 = arith.muli %scan3A_715, %mul3A_717 : i32
      %add3A_719 = arith.constant 0 : i32
      %add3A_720 = arith.addi %mul3A_718, %add3A_719 : i32
      %mul3A_721 = arith.constant 16 : i32
      %mul3A_722 = arith.muli %add3A_720, %mul3A_721 : i32
      %get3A = arith.index_cast %mul3A_722 : i32 to index
      %get3A_723 = tpu.vector_load %arg6[%get3A] {strides = array<i32>} : memref<4608xi32, #tpu.memory_space<vmem>>, vector<16xi32>,
      %get3A_724 = vector.shape_cast %get3A_723 : vector<16xi32> to vector<16xi32>
      %sub3A = vector.broadcast %scan3A_195 : i32 to vector<16xi32>
      %sub3A_725 = arith.subi %get3A_724, %sub3A : vector<16xi32>
      %bitcast3A = vector.bitcast %sub3A_725 : vector<16xi32> to vector<16xi32>
      %lt3A = arith.constant 1769472 : i32
      %lt3A_726 = vector.broadcast %lt3A : i32 to vector<16xi32>
      %lt3A_727 = arith.cmpi ult, %bitcast3A, %lt3A_726 : vector<16xi32>
      %and3A = arith.constant 16383 : i32
      %and3A_728 = vector.broadcast %and3A : i32 to vector<16xi32>
      %and3A_729 = arith.andi %get3A_724, %and3A_728 : vector<16xi32>
      %add3A_730 = arith.constant 1769472 : i32
      %add3A_731 = vector.broadcast %add3A_730 : i32 to vector<16xi32>
      %add3A_732 = arith.addi %add3A_731, %and3A_729 : vector<16xi32>
      %select_n3A = arith.select %lt3A_727, %sub3A_725, %add3A_732 : vector<16xi1>, vector<16xi32>
      %swap3A = arith.index_cast %mul3A_722 : i32 to index
      %swap3A_733 = tpu.vector_load %arg6[%swap3A] {strides = array<i32>} : memref<4608xi32, #tpu.memory_space<vmem>>, vector<16xi32>,
      %swap3A_734 = vector.shape_cast %swap3A_733 : vector<16xi32> to vector<16xi32>
      %swap3A_735 = vector.shape_cast %select_n3A : vector<16xi32> to vector<16xi32>
      tpu.vector_store %arg6[%swap3A], %swap3A_735 {strides = array<i32>} : memref<4608xi32, #tpu.memory_space<vmem>>, vector<16xi32>,
      %mul3A_736 = arith.constant 2 : i32
      %mul3A_737 = arith.muli %scan3A_715, %mul3A_736 : i32
      %add3A_738 = arith.constant 1 : i32
      %add3A_739 = arith.addi %mul3A_737, %add3A_738 : i32
      %mul3A_740 = arith.constant 16 : i32
      %mul3A_741 = arith.muli %add3A_739, %mul3A_740 : i32
      %get3A_742 = arith.index_cast %mul3A_741 : i32 to index
      %get3A_743 = tpu.vector_load %arg6[%get3A_742] {strides = array<i32>} : memref<4608xi32, #tpu.memory_space<vmem>>, vector<16xi32>,
      %get3A_744 = vector.shape_cast %get3A_743 : vector<16xi32> to vector<16xi32>
      %sub3A_745 = vector.broadcast %scan3A_195 : i32 to vector<16xi32>
      %sub3A_746 = arith.subi %get3A_744, %sub3A_745 : vector<16xi32>
      %bitcast3A_747 = vector.bitcast %sub3A_746 : vector<16xi32> to vector<16xi32>
      %lt3A_748 = arith.constant 1769472 : i32
      %lt3A_749 = vector.broadcast %lt3A_748 : i32 to vector<16xi32>
      %lt3A_750 = arith.cmpi ult, %bitcast3A_747, %lt3A_749 : vector<16xi32>
      %and3A_751 = arith.constant 16383 : i32
      %and3A_752 = vector.broadcast %and3A_751 : i32 to vector<16xi32>
      %and3A_753 = arith.andi %get3A_744, %and3A_752 : vector<16xi32>
      %add3A_754 = arith.constant 1769472 : i32
      %add3A_755 = vector.broadcast %add3A_754 : i32 to vector<16xi32>
      %add3A_756 = arith.addi %add3A_755, %and3A_753 : vector<16xi32>
      %select_n3A_757 = arith.select %lt3A_750, %sub3A_746, %add3A_756 : vector<16xi1>, vector<16xi32>
      %swap3A_758 = arith.index_cast %mul3A_741 : i32 to index
      %swap3A_759 = tpu.vector_load %arg6[%swap3A_758] {strides = array<i32>} : memref<4608xi32, #tpu.memory_space<vmem>>, vector<16xi32>,
      %swap3A_760 = vector.shape_cast %swap3A_759 : vector<16xi32> to vector<16xi32>
      %swap3A_761 = vector.shape_cast %select_n3A_757 : vector<16xi32> to vector<16xi32>
      tpu.vector_store %arg6[%swap3A_758], %swap3A_761 {strides = array<i32>} : memref<4608xi32, #tpu.memory_space<vmem>>, vector<16xi32>,
      %scan3A_762 = arith.constant 0 : i32
      scf.yield %scan3A_762 : i32
    }
    %scan3A_202 = arith.constant 144 : i32
    %dma_start3A_203 = arith.constant 0 : i32
    %dma_start3A_204 = tpu.memref_slice %arg16[%dma_start3A_203] : memref<1785856xf32, #tpu.memory_space<vmem_shared>> -> memref<1785856xf32, #tpu.memory_space<vmem_shared>>
    tpu.enqueue_indirect_dma source(%arg7 : memref<4608xf32, #tpu.memory_space<vmem>>) target(%dma_start3A_204 : memref<1785856xf32, #tpu.memory_space<vmem_shared>>) offsets(%arg6 : memref<4608xi32, #tpu.memory_space<vmem>>) semaphore(%arg14 : memref<!tpu.dma_semaphore, #tpu.memory_space<semaphore_mem>>) {add = true}
    %mul3A_205 = arith.constant 1 : i32
    %mul3A_206 = arith.constant 4608 : i32
    %mul3A_207 = arith.muli %mul3A_205, %mul3A_206 : i32
    %add3A_208 = arith.addi %add3A, %mul3A_207 : i32
    %multiple_of3A_209 = tpu.assume_multiple %add3A_208, 8 : i32
    %dma_start3A_210 = tpu.memref_slice %arg3[%multiple_of3A_209] : memref<7077888xi32, #tpu.memory_space<hbm>> -> memref<4608xi32, #tpu.memory_space<hbm>>
    %dma_start3A_211 = tpu.memref_slice %arg3[%multiple_of3A_209] : memref<7077888xi32, #tpu.memory_space<hbm>> -> memref<4608xi32, #tpu.memory_space<hbm>>
    tpu.enqueue_dma source(%dma_start3A_211 : memref<4608xi32, #tpu.memory_space<hbm>>) target(%arg8 : memref<4608xi32, #tpu.memory_space<vmem>>) target_semaphore(%arg12 : memref<!tpu.dma_semaphore, #tpu.memory_space<semaphore_mem>>)
    %mul3A_212 = arith.constant 1 : i32
    %mul3A_213 = arith.constant 4608 : i32
    %mul3A_214 = arith.muli %mul3A_212, %mul3A_213 : i32
    %add3A_215 = arith.addi %add3A, %mul3A_214 : i32
    %multiple_of3A_216 = tpu.assume_multiple %add3A_215, 8 : i32
    %dma_start3A_217 = tpu.memref_slice %arg2[%multiple_of3A_216] : memref<7077888xf32, #tpu.memory_space<hbm>> -> memref<4608xf32, #tpu.memory_space<hbm>>
    %dma_start3A_218 = tpu.memref_slice %arg2[%multiple_of3A_216] : memref<7077888xf32, #tpu.memory_space<hbm>> -> memref<4608xf32, #tpu.memory_space<hbm>>
    tpu.enqueue_dma source(%dma_start3A_218 : memref<4608xf32, #tpu.memory_space<hbm>>) target(%arg9 : memref<4608xf32, #tpu.memory_space<vmem>>) target_semaphore(%arg13 : memref<!tpu.dma_semaphore, #tpu.memory_space<semaphore_mem>>)
    %dma_wait3A_219 = arith.constant 0 : i32
    %dma_wait3A_220 = tpu.memref_slice %arg3[%dma_wait3A_219] : memref<7077888xi32, #tpu.memory_space<hbm>> -> memref<4608xi32, #tpu.memory_space<hbm>>
    %dma_wait3A_221 = arith.constant 0 : i32
    %dma_wait3A_222 = tpu.memref_slice %arg3[%dma_wait3A_221] : memref<7077888xi32, #tpu.memory_space<hbm>> -> memref<4608xi32, #tpu.memory_space<hbm>>
    tpu.wait_dma2 semaphore(%arg12 : memref<!tpu.dma_semaphore, #tpu.memory_space<semaphore_mem>>) src(%dma_wait3A_222 : memref<4608xi32, #tpu.memory_space<hbm>>) dst(%arg8 : memref<4608xi32, #tpu.memory_space<vmem>>)
    %dma_wait3A_223 = arith.constant 0 : i32
    %dma_wait3A_224 = tpu.memref_slice %arg2[%dma_wait3A_223] : memref<7077888xf32, #tpu.memory_space<hbm>> -> memref<4608xf32, #tpu.memory_space<hbm>>
    %dma_wait3A_225 = arith.constant 0 : i32
    %dma_wait3A_226 = tpu.memref_slice %arg2[%dma_wait3A_225] : memref<7077888xf32, #tpu.memory_space<hbm>> -> memref<4608xf32, #tpu.memory_space<hbm>>
    tpu.wait_dma2 semaphore(%arg13 : memref<!tpu.dma_semaphore, #tpu.memory_space<semaphore_mem>>) src(%dma_wait3A_226 : memref<4608xf32, #tpu.memory_space<hbm>>) dst(%arg9 : memref<4608xf32, #tpu.memory_space<vmem>>)
    %scan3A_227 = arith.constant 3538944 : i32
    %scan3A_228 = arith.constant 0 : i32
    %scan3A_229 = arith.constant 0 : i32
    %scan3A_230 = arith.constant 144 : i32
    %scan3A_231 = arith.addi %scan3A_229, %scan3A_230 : i32
    %scan3A_232 = arith.constant 1 : i32
    %scan3A_233 = scf.for %scan3A_715 = %scan3A_229 to %scan3A_231 step %scan3A_232 iter_args(%scan3A_716 = %scan3A_228) -> (i32)  : i32 {
      %mul3A_717 = arith.constant 2 : i32
      %mul3A_718 = arith.muli %scan3A_715, %mul3A_717 : i32
      %add3A_719 = arith.constant 0 : i32
      %add3A_720 = arith.addi %mul3A_718, %add3A_719 : i32
      %mul3A_721 = arith.constant 16 : i32
      %mul3A_722 = arith.muli %add3A_720, %mul3A_721 : i32
      %get3A = arith.index_cast %mul3A_722 : i32 to index
      %get3A_723 = tpu.vector_load %arg8[%get3A] {strides = array<i32>} : memref<4608xi32, #tpu.memory_space<vmem>>, vector<16xi32>,
      %get3A_724 = vector.shape_cast %get3A_723 : vector<16xi32> to vector<16xi32>
      %sub3A = vector.broadcast %scan3A_227 : i32 to vector<16xi32>
      %sub3A_725 = arith.subi %get3A_724, %sub3A : vector<16xi32>
      %bitcast3A = vector.bitcast %sub3A_725 : vector<16xi32> to vector<16xi32>
      %lt3A = arith.constant 1769472 : i32
      %lt3A_726 = vector.broadcast %lt3A : i32 to vector<16xi32>
      %lt3A_727 = arith.cmpi ult, %bitcast3A, %lt3A_726 : vector<16xi32>
      %and3A = arith.constant 16383 : i32
      %and3A_728 = vector.broadcast %and3A : i32 to vector<16xi32>
      %and3A_729 = arith.andi %get3A_724, %and3A_728 : vector<16xi32>
      %add3A_730 = arith.constant 1769472 : i32
      %add3A_731 = vector.broadcast %add3A_730 : i32 to vector<16xi32>
      %add3A_732 = arith.addi %add3A_731, %and3A_729 : vector<16xi32>
      %select_n3A = arith.select %lt3A_727, %sub3A_725, %add3A_732 : vector<16xi1>, vector<16xi32>
      %swap3A = arith.index_cast %mul3A_722 : i32 to index
      %swap3A_733 = tpu.vector_load %arg8[%swap3A] {strides = array<i32>} : memref<4608xi32, #tpu.memory_space<vmem>>, vector<16xi32>,
      %swap3A_734 = vector.shape_cast %swap3A_733 : vector<16xi32> to vector<16xi32>
      %swap3A_735 = vector.shape_cast %select_n3A : vector<16xi32> to vector<16xi32>
      tpu.vector_store %arg8[%swap3A], %swap3A_735 {strides = array<i32>} : memref<4608xi32, #tpu.memory_space<vmem>>, vector<16xi32>,
      %mul3A_736 = arith.constant 2 : i32
      %mul3A_737 = arith.muli %scan3A_715, %mul3A_736 : i32
      %add3A_738 = arith.constant 1 : i32
      %add3A_739 = arith.addi %mul3A_737, %add3A_738 : i32
      %mul3A_740 = arith.constant 16 : i32
      %mul3A_741 = arith.muli %add3A_739, %mul3A_740 : i32
      %get3A_742 = arith.index_cast %mul3A_741 : i32 to index
      %get3A_743 = tpu.vector_load %arg8[%get3A_742] {strides = array<i32>} : memref<4608xi32, #tpu.memory_space<vmem>>, vector<16xi32>,
      %get3A_744 = vector.shape_cast %get3A_743 : vector<16xi32> to vector<16xi32>
      %sub3A_745 = vector.broadcast %scan3A_227 : i32 to vector<16xi32>
      %sub3A_746 = arith.subi %get3A_744, %sub3A_745 : vector<16xi32>
      %bitcast3A_747 = vector.bitcast %sub3A_746 : vector<16xi32> to vector<16xi32>
      %lt3A_748 = arith.constant 1769472 : i32
      %lt3A_749 = vector.broadcast %lt3A_748 : i32 to vector<16xi32>
      %lt3A_750 = arith.cmpi ult, %bitcast3A_747, %lt3A_749 : vector<16xi32>
      %and3A_751 = arith.constant 16383 : i32
      %and3A_752 = vector.broadcast %and3A_751 : i32 to vector<16xi32>
      %and3A_753 = arith.andi %get3A_744, %and3A_752 : vector<16xi32>
      %add3A_754 = arith.constant 1769472 : i32
      %add3A_755 = vector.broadcast %add3A_754 : i32 to vector<16xi32>
      %add3A_756 = arith.addi %add3A_755, %and3A_753 : vector<16xi32>
      %select_n3A_757 = arith.select %lt3A_750, %sub3A_746, %add3A_756 : vector<16xi1>, vector<16xi32>
      %swap3A_758 = arith.index_cast %mul3A_741 : i32 to index
      %swap3A_759 = tpu.vector_load %arg8[%swap3A_758] {strides = array<i32>} : memref<4608xi32, #tpu.memory_space<vmem>>, vector<16xi32>,
      %swap3A_760 = vector.shape_cast %swap3A_759 : vector<16xi32> to vector<16xi32>
      %swap3A_761 = vector.shape_cast %select_n3A_757 : vector<16xi32> to vector<16xi32>
      tpu.vector_store %arg8[%swap3A_758], %swap3A_761 {strides = array<i32>} : memref<4608xi32, #tpu.memory_space<vmem>>, vector<16xi32>,
      %scan3A_762 = arith.constant 0 : i32
      scf.yield %scan3A_762 : i32
    }
    %scan3A_234 = arith.constant 144 : i32
    %dma_start3A_235 = arith.constant 0 : i32
    %dma_start3A_236 = tpu.memref_slice %arg16[%dma_start3A_235] : memref<1785856xf32, #tpu.memory_space<vmem_shared>> -> memref<1785856xf32, #tpu.memory_space<vmem_shared>>
    tpu.enqueue_indirect_dma source(%arg9 : memref<4608xf32, #tpu.memory_space<vmem>>) target(%dma_start3A_236 : memref<1785856xf32, #tpu.memory_space<vmem_shared>>) offsets(%arg8 : memref<4608xi32, #tpu.memory_space<vmem>>) semaphore(%arg15 : memref<!tpu.dma_semaphore, #tpu.memory_space<semaphore_mem>>) {add = true}
    %dma_wait3A_237 = arith.constant 0 : i32
    %dma_wait3A_238 = tpu.memref_slice %arg16[%dma_wait3A_237] : memref<1785856xf32, #tpu.memory_space<vmem_shared>> -> memref<1785856xf32, #tpu.memory_space<vmem_shared>>
    tpu.wait_indirect_dma semaphore(%arg14 : memref<!tpu.dma_semaphore, #tpu.memory_space<semaphore_mem>>) src(%arg7 : memref<4608xf32, #tpu.memory_space<vmem>>) dst(%dma_wait3A_238 : memref<1785856xf32, #tpu.memory_space<vmem_shared>>)
    %mul3A_239 = arith.constant 2 : i32
    %mul3A_240 = arith.constant 4608 : i32
    %mul3A_241 = arith.muli %mul3A_239, %mul3A_240 : i32
    %add3A_242 = arith.addi %add3A, %mul3A_241 : i32
    %multiple_of3A_243 = tpu.assume_multiple %add3A_242, 8 : i32
    %dma_start3A_244 = tpu.memref_slice %arg3[%multiple_of3A_243] : memref<7077888xi32, #tpu.memory_space<hbm>> -> memref<4608xi32, #tpu.memory_space<hbm>>
    %dma_start3A_245 = tpu.memref_slice %arg3[%multiple_of3A_243] : memref<7077888xi32, #tpu.memory_space<hbm>> -> memref<4608xi32, #tpu.memory_space<hbm>>
    tpu.enqueue_dma source(%dma_start3A_245 : memref<4608xi32, #tpu.memory_space<hbm>>) target(%arg6 : memref<4608xi32, #tpu.memory_space<vmem>>) target_semaphore(%arg10 : memref<!tpu.dma_semaphore, #tpu.memory_space<semaphore_mem>>)
    %mul3A_246 = arith.constant 2 : i32
    %mul3A_247 = arith.constant 4608 : i32
    %mul3A_248 = arith.muli %mul3A_246, %mul3A_247 : i32
    %add3A_249 = arith.addi %add3A, %mul3A_248 : i32
    %multiple_of3A_250 = tpu.assume_multiple %add3A_249, 8 : i32
    %dma_start3A_251 = tpu.memref_slice %arg2[%multiple_of3A_250] : memref<7077888xf32, #tpu.memory_space<hbm>> -> memref<4608xf32, #tpu.memory_space<hbm>>
    %dma_start3A_252 = tpu.memref_slice %arg2[%multiple_of3A_250] : memref<7077888xf32, #tpu.memory_space<hbm>> -> memref<4608xf32, #tpu.memory_space<hbm>>
    tpu.enqueue_dma source(%dma_start3A_252 : memref<4608xf32, #tpu.memory_space<hbm>>) target(%arg7 : memref<4608xf32, #tpu.memory_space<vmem>>) target_semaphore(%arg11 : memref<!tpu.dma_semaphore, #tpu.memory_space<semaphore_mem>>)
    %scan3A_253 = arith.constant 3538944 : i32
    %scan3A_254 = arith.constant 0 : i32
    %scan3A_255 = arith.constant 1 : i32
    %scan3A_256 = arith.constant 23 : i32
    %scan3A_257 = arith.addi %scan3A_255, %scan3A_256 : i32
    %scan3A_258 = arith.constant 1 : i32
    %scan3A_259 = scf.for %scan3A_715 = %scan3A_255 to %scan3A_257 step %scan3A_258 iter_args(%scan3A_716 = %scan3A_254) -> (i32)  : i32 {
      %mul3A_717 = arith.constant 2 : i32
      %mul3A_718 = arith.muli %scan3A_715, %mul3A_717 : i32
      %dma_wait3A_719 = arith.constant 0 : i32
      %dma_wait3A_720 = tpu.memref_slice %arg3[%dma_wait3A_719] : memref<7077888xi32, #tpu.memory_space<hbm>> -> memref<4608xi32, #tpu.memory_space<hbm>>
      %dma_wait3A_721 = arith.constant 0 : i32
      %dma_wait3A_722 = tpu.memref_slice %arg3[%dma_wait3A_721] : memref<7077888xi32, #tpu.memory_space<hbm>> -> memref<4608xi32, #tpu.memory_space<hbm>>
      tpu.wait_dma2 semaphore(%arg10 : memref<!tpu.dma_semaphore, #tpu.memory_space<semaphore_mem>>) src(%dma_wait3A_722 : memref<4608xi32, #tpu.memory_space<hbm>>) dst(%arg6 : memref<4608xi32, #tpu.memory_space<vmem>>)
      %dma_wait3A_723 = arith.constant 0 : i32
      %dma_wait3A_724 = tpu.memref_slice %arg2[%dma_wait3A_723] : memref<7077888xf32, #tpu.memory_space<hbm>> -> memref<4608xf32, #tpu.memory_space<hbm>>
      %dma_wait3A_725 = arith.constant 0 : i32
      %dma_wait3A_726 = tpu.memref_slice %arg2[%dma_wait3A_725] : memref<7077888xf32, #tpu.memory_space<hbm>> -> memref<4608xf32, #tpu.memory_space<hbm>>
      tpu.wait_dma2 semaphore(%arg11 : memref<!tpu.dma_semaphore, #tpu.memory_space<semaphore_mem>>) src(%dma_wait3A_726 : memref<4608xf32, #tpu.memory_space<hbm>>) dst(%arg7 : memref<4608xf32, #tpu.memory_space<vmem>>)
      %scan3A_727 = arith.constant 0 : i32
      %scan3A_728 = arith.constant 0 : i32
      %scan3A_729 = arith.constant 144 : i32
      %scan3A_730 = arith.addi %scan3A_728, %scan3A_729 : i32
      %scan3A_731 = arith.constant 1 : i32
      %scan3A_732 = scf.for %scan3A_787 = %scan3A_728 to %scan3A_730 step %scan3A_731 iter_args(%scan3A_788 = %scan3A_727) -> (i32)  : i32 {
        %mul3A_789 = arith.constant 2 : i32
        %mul3A_790 = arith.muli %scan3A_787, %mul3A_789 : i32
        %add3A_791 = arith.constant 0 : i32
        %add3A_792 = arith.addi %mul3A_790, %add3A_791 : i32
        %mul3A_793 = arith.constant 16 : i32
        %mul3A_794 = arith.muli %add3A_792, %mul3A_793 : i32
        %get3A = arith.index_cast %mul3A_794 : i32 to index
        %get3A_795 = tpu.vector_load %arg6[%get3A] {strides = array<i32>} : memref<4608xi32, #tpu.memory_space<vmem>>, vector<16xi32>,
        %get3A_796 = vector.shape_cast %get3A_795 : vector<16xi32> to vector<16xi32>
        %sub3A = vector.broadcast %scan3A_253 : i32 to vector<16xi32>
        %sub3A_797 = arith.subi %get3A_796, %sub3A : vector<16xi32>
        %bitcast3A = vector.bitcast %sub3A_797 : vector<16xi32> to vector<16xi32>
        %lt3A = arith.constant 1769472 : i32
        %lt3A_798 = vector.broadcast %lt3A : i32 to vector<16xi32>
        %lt3A_799 = arith.cmpi ult, %bitcast3A, %lt3A_798 : vector<16xi32>
        %and3A = arith.constant 16383 : i32
        %and3A_800 = vector.broadcast %and3A : i32 to vector<16xi32>
        %and3A_801 = arith.andi %get3A_796, %and3A_800 : vector<16xi32>
        %add3A_802 = arith.constant 1769472 : i32
        %add3A_803 = vector.broadcast %add3A_802 : i32 to vector<16xi32>
        %add3A_804 = arith.addi %add3A_803, %and3A_801 : vector<16xi32>
        %select_n3A = arith.select %lt3A_799, %sub3A_797, %add3A_804 : vector<16xi1>, vector<16xi32>
        %swap3A = arith.index_cast %mul3A_794 : i32 to index
        %swap3A_805 = tpu.vector_load %arg6[%swap3A] {strides = array<i32>} : memref<4608xi32, #tpu.memory_space<vmem>>, vector<16xi32>,
        %swap3A_806 = vector.shape_cast %swap3A_805 : vector<16xi32> to vector<16xi32>
        %swap3A_807 = vector.shape_cast %select_n3A : vector<16xi32> to vector<16xi32>
        tpu.vector_store %arg6[%swap3A], %swap3A_807 {strides = array<i32>} : memref<4608xi32, #tpu.memory_space<vmem>>, vector<16xi32>,
        %mul3A_808 = arith.constant 2 : i32
        %mul3A_809 = arith.muli %scan3A_787, %mul3A_808 : i32
        %add3A_810 = arith.constant 1 : i32
        %add3A_811 = arith.addi %mul3A_809, %add3A_810 : i32
        %mul3A_812 = arith.constant 16 : i32
        %mul3A_813 = arith.muli %add3A_811, %mul3A_812 : i32
        %get3A_814 = arith.index_cast %mul3A_813 : i32 to index
        %get3A_815 = tpu.vector_load %arg6[%get3A_814] {strides = array<i32>} : memref<4608xi32, #tpu.memory_space<vmem>>, vector<16xi32>,
        %get3A_816 = vector.shape_cast %get3A_815 : vector<16xi32> to vector<16xi32>
        %sub3A_817 = vector.broadcast %scan3A_253 : i32 to vector<16xi32>
        %sub3A_818 = arith.subi %get3A_816, %sub3A_817 : vector<16xi32>
        %bitcast3A_819 = vector.bitcast %sub3A_818 : vector<16xi32> to vector<16xi32>
        %lt3A_820 = arith.constant 1769472 : i32
        %lt3A_821 = vector.broadcast %lt3A_820 : i32 to vector<16xi32>
        %lt3A_822 = arith.cmpi ult, %bitcast3A_819, %lt3A_821 : vector<16xi32>
        %and3A_823 = arith.constant 16383 : i32
        %and3A_824 = vector.broadcast %and3A_823 : i32 to vector<16xi32>
        %and3A_825 = arith.andi %get3A_816, %and3A_824 : vector<16xi32>
        %add3A_826 = arith.constant 1769472 : i32
        %add3A_827 = vector.broadcast %add3A_826 : i32 to vector<16xi32>
        %add3A_828 = arith.addi %add3A_827, %and3A_825 : vector<16xi32>
        %select_n3A_829 = arith.select %lt3A_822, %sub3A_818, %add3A_828 : vector<16xi1>, vector<16xi32>
        %swap3A_830 = arith.index_cast %mul3A_813 : i32 to index
        %swap3A_831 = tpu.vector_load %arg6[%swap3A_830] {strides = array<i32>} : memref<4608xi32, #tpu.memory_space<vmem>>, vector<16xi32>,
        %swap3A_832 = vector.shape_cast %swap3A_831 : vector<16xi32> to vector<16xi32>
        %swap3A_833 = vector.shape_cast %select_n3A_829 : vector<16xi32> to vector<16xi32>
        tpu.vector_store %arg6[%swap3A_830], %swap3A_833 {strides = array<i32>} : memref<4608xi32, #tpu.memory_space<vmem>>, vector<16xi32>,
        %scan3A_834 = arith.constant 0 : i32
        scf.yield %scan3A_834 : i32
      }
      %scan3A_733 = arith.constant 144 : i32
      %dma_start3A_734 = arith.constant 0 : i32
      %dma_start3A_735 = tpu.memref_slice %arg16[%dma_start3A_734] : memref<1785856xf32, #tpu.memory_space<vmem_shared>> -> memref<1785856xf32, #tpu.memory_space<vmem_shared>>
      tpu.enqueue_indirect_dma source(%arg7 : memref<4608xf32, #tpu.memory_space<vmem>>) target(%dma_start3A_735 : memref<1785856xf32, #tpu.memory_space<vmem_shared>>) offsets(%arg6 : memref<4608xi32, #tpu.memory_space<vmem>>) semaphore(%arg14 : memref<!tpu.dma_semaphore, #tpu.memory_space<semaphore_mem>>) {add = true}
      %dma_wait3A_736 = arith.constant 0 : i32
      %dma_wait3A_737 = tpu.memref_slice %arg16[%dma_wait3A_736] : memref<1785856xf32, #tpu.memory_space<vmem_shared>> -> memref<1785856xf32, #tpu.memory_space<vmem_shared>>
      tpu.wait_indirect_dma semaphore(%arg15 : memref<!tpu.dma_semaphore, #tpu.memory_space<semaphore_mem>>) src(%arg9 : memref<4608xf32, #tpu.memory_space<vmem>>) dst(%dma_wait3A_737 : memref<1785856xf32, #tpu.memory_space<vmem_shared>>)
      %add3A_738 = arith.constant 1 : i32
      %add3A_739 = arith.addi %mul3A_718, %add3A_738 : i32
      %mul3A_740 = arith.constant 4608 : i32
      %mul3A_741 = arith.muli %add3A_739, %mul3A_740 : i32
      %add3A_742 = arith.addi %add3A, %mul3A_741 : i32
      %multiple_of3A_743 = tpu.assume_multiple %add3A_742, 8 : i32
      %dma_start3A_744 = tpu.memref_slice %arg3[%multiple_of3A_743] : memref<7077888xi32, #tpu.memory_space<hbm>> -> memref<4608xi32, #tpu.memory_space<hbm>>
      %dma_start3A_745 = tpu.memref_slice %arg3[%multiple_of3A_743] : memref<7077888xi32, #tpu.memory_space<hbm>> -> memref<4608xi32, #tpu.memory_space<hbm>>
      tpu.enqueue_dma source(%dma_start3A_745 : memref<4608xi32, #tpu.memory_space<hbm>>) target(%arg8 : memref<4608xi32, #tpu.memory_space<vmem>>) target_semaphore(%arg12 : memref<!tpu.dma_semaphore, #tpu.memory_space<semaphore_mem>>)
      %mul3A_746 = arith.constant 4608 : i32
      %mul3A_747 = arith.muli %add3A_739, %mul3A_746 : i32
      %add3A_748 = arith.addi %add3A, %mul3A_747 : i32
      %multiple_of3A_749 = tpu.assume_multiple %add3A_748, 8 : i32
      %dma_start3A_750 = tpu.memref_slice %arg2[%multiple_of3A_749] : memref<7077888xf32, #tpu.memory_space<hbm>> -> memref<4608xf32, #tpu.memory_space<hbm>>
      %dma_start3A_751 = tpu.memref_slice %arg2[%multiple_of3A_749] : memref<7077888xf32, #tpu.memory_space<hbm>> -> memref<4608xf32, #tpu.memory_space<hbm>>
      tpu.enqueue_dma source(%dma_start3A_751 : memref<4608xf32, #tpu.memory_space<hbm>>) target(%arg9 : memref<4608xf32, #tpu.memory_space<vmem>>) target_semaphore(%arg13 : memref<!tpu.dma_semaphore, #tpu.memory_space<semaphore_mem>>)
      %dma_wait3A_752 = arith.constant 0 : i32
      %dma_wait3A_753 = tpu.memref_slice %arg3[%dma_wait3A_752] : memref<7077888xi32, #tpu.memory_space<hbm>> -> memref<4608xi32, #tpu.memory_space<hbm>>
      %dma_wait3A_754 = arith.constant 0 : i32
      %dma_wait3A_755 = tpu.memref_slice %arg3[%dma_wait3A_754] : memref<7077888xi32, #tpu.memory_space<hbm>> -> memref<4608xi32, #tpu.memory_space<hbm>>
      tpu.wait_dma2 semaphore(%arg12 : memref<!tpu.dma_semaphore, #tpu.memory_space<semaphore_mem>>) src(%dma_wait3A_755 : memref<4608xi32, #tpu.memory_space<hbm>>) dst(%arg8 : memref<4608xi32, #tpu.memory_space<vmem>>)
      %dma_wait3A_756 = arith.constant 0 : i32
      %dma_wait3A_757 = tpu.memref_slice %arg2[%dma_wait3A_756] : memref<7077888xf32, #tpu.memory_space<hbm>> -> memref<4608xf32, #tpu.memory_space<hbm>>
      %dma_wait3A_758 = arith.constant 0 : i32
      %dma_wait3A_759 = tpu.memref_slice %arg2[%dma_wait3A_758] : memref<7077888xf32, #tpu.memory_space<hbm>> -> memref<4608xf32, #tpu.memory_space<hbm>>
      tpu.wait_dma2 semaphore(%arg13 : memref<!tpu.dma_semaphore, #tpu.memory_space<semaphore_mem>>) src(%dma_wait3A_759 : memref<4608xf32, #tpu.memory_space<hbm>>) dst(%arg9 : memref<4608xf32, #tpu.memory_space<vmem>>)
      %scan3A_760 = arith.constant 0 : i32
      %scan3A_761 = arith.constant 0 : i32
      %scan3A_762 = arith.constant 144 : i32
      %scan3A_763 = arith.addi %scan3A_761, %scan3A_762 : i32
      %scan3A_764 = arith.constant 1 : i32
      %scan3A_765 = scf.for %scan3A_787 = %scan3A_761 to %scan3A_763 step %scan3A_764 iter_args(%scan3A_788 = %scan3A_760) -> (i32)  : i32 {
        %mul3A_789 = arith.constant 2 : i32
        %mul3A_790 = arith.muli %scan3A_787, %mul3A_789 : i32
        %add3A_791 = arith.constant 0 : i32
        %add3A_792 = arith.addi %mul3A_790, %add3A_791 : i32
        %mul3A_793 = arith.constant 16 : i32
        %mul3A_794 = arith.muli %add3A_792, %mul3A_793 : i32
        %get3A = arith.index_cast %mul3A_794 : i32 to index
        %get3A_795 = tpu.vector_load %arg8[%get3A] {strides = array<i32>} : memref<4608xi32, #tpu.memory_space<vmem>>, vector<16xi32>,
        %get3A_796 = vector.shape_cast %get3A_795 : vector<16xi32> to vector<16xi32>
        %sub3A = vector.broadcast %scan3A_253 : i32 to vector<16xi32>
        %sub3A_797 = arith.subi %get3A_796, %sub3A : vector<16xi32>
        %bitcast3A = vector.bitcast %sub3A_797 : vector<16xi32> to vector<16xi32>
        %lt3A = arith.constant 1769472 : i32
        %lt3A_798 = vector.broadcast %lt3A : i32 to vector<16xi32>
        %lt3A_799 = arith.cmpi ult, %bitcast3A, %lt3A_798 : vector<16xi32>
        %and3A = arith.constant 16383 : i32
        %and3A_800 = vector.broadcast %and3A : i32 to vector<16xi32>
        %and3A_801 = arith.andi %get3A_796, %and3A_800 : vector<16xi32>
        %add3A_802 = arith.constant 1769472 : i32
        %add3A_803 = vector.broadcast %add3A_802 : i32 to vector<16xi32>
        %add3A_804 = arith.addi %add3A_803, %and3A_801 : vector<16xi32>
        %select_n3A = arith.select %lt3A_799, %sub3A_797, %add3A_804 : vector<16xi1>, vector<16xi32>
        %swap3A = arith.index_cast %mul3A_794 : i32 to index
        %swap3A_805 = tpu.vector_load %arg8[%swap3A] {strides = array<i32>} : memref<4608xi32, #tpu.memory_space<vmem>>, vector<16xi32>,
        %swap3A_806 = vector.shape_cast %swap3A_805 : vector<16xi32> to vector<16xi32>
        %swap3A_807 = vector.shape_cast %select_n3A : vector<16xi32> to vector<16xi32>
        tpu.vector_store %arg8[%swap3A], %swap3A_807 {strides = array<i32>} : memref<4608xi32, #tpu.memory_space<vmem>>, vector<16xi32>,
        %mul3A_808 = arith.constant 2 : i32
        %mul3A_809 = arith.muli %scan3A_787, %mul3A_808 : i32
        %add3A_810 = arith.constant 1 : i32
        %add3A_811 = arith.addi %mul3A_809, %add3A_810 : i32
        %mul3A_812 = arith.constant 16 : i32
        %mul3A_813 = arith.muli %add3A_811, %mul3A_812 : i32
        %get3A_814 = arith.index_cast %mul3A_813 : i32 to index
        %get3A_815 = tpu.vector_load %arg8[%get3A_814] {strides = array<i32>} : memref<4608xi32, #tpu.memory_space<vmem>>, vector<16xi32>,
        %get3A_816 = vector.shape_cast %get3A_815 : vector<16xi32> to vector<16xi32>
        %sub3A_817 = vector.broadcast %scan3A_253 : i32 to vector<16xi32>
        %sub3A_818 = arith.subi %get3A_816, %sub3A_817 : vector<16xi32>
        %bitcast3A_819 = vector.bitcast %sub3A_818 : vector<16xi32> to vector<16xi32>
        %lt3A_820 = arith.constant 1769472 : i32
        %lt3A_821 = vector.broadcast %lt3A_820 : i32 to vector<16xi32>
        %lt3A_822 = arith.cmpi ult, %bitcast3A_819, %lt3A_821 : vector<16xi32>
        %and3A_823 = arith.constant 16383 : i32
        %and3A_824 = vector.broadcast %and3A_823 : i32 to vector<16xi32>
        %and3A_825 = arith.andi %get3A_816, %and3A_824 : vector<16xi32>
        %add3A_826 = arith.constant 1769472 : i32
        %add3A_827 = vector.broadcast %add3A_826 : i32 to vector<16xi32>
        %add3A_828 = arith.addi %add3A_827, %and3A_825 : vector<16xi32>
        %select_n3A_829 = arith.select %lt3A_822, %sub3A_818, %add3A_828 : vector<16xi1>, vector<16xi32>
        %swap3A_830 = arith.index_cast %mul3A_813 : i32 to index
        %swap3A_831 = tpu.vector_load %arg8[%swap3A_830] {strides = array<i32>} : memref<4608xi32, #tpu.memory_space<vmem>>, vector<16xi32>,
        %swap3A_832 = vector.shape_cast %swap3A_831 : vector<16xi32> to vector<16xi32>
        %swap3A_833 = vector.shape_cast %select_n3A_829 : vector<16xi32> to vector<16xi32>
        tpu.vector_store %arg8[%swap3A_830], %swap3A_833 {strides = array<i32>} : memref<4608xi32, #tpu.memory_space<vmem>>, vector<16xi32>,
        %scan3A_834 = arith.constant 0 : i32
        scf.yield %scan3A_834 : i32
      }
      %scan3A_766 = arith.constant 144 : i32
      %dma_start3A_767 = arith.constant 0 : i32
      %dma_start3A_768 = tpu.memref_slice %arg16[%dma_start3A_767] : memref<1785856xf32, #tpu.memory_space<vmem_shared>> -> memref<1785856xf32, #tpu.memory_space<vmem_shared>>
      tpu.enqueue_indirect_dma source(%arg9 : memref<4608xf32, #tpu.memory_space<vmem>>) target(%dma_start3A_768 : memref<1785856xf32, #tpu.memory_space<vmem_shared>>) offsets(%arg8 : memref<4608xi32, #tpu.memory_space<vmem>>) semaphore(%arg15 : memref<!tpu.dma_semaphore, #tpu.memory_space<semaphore_mem>>) {add = true}
      %dma_wait3A_769 = arith.constant 0 : i32
      %dma_wait3A_770 = tpu.memref_slice %arg16[%dma_wait3A_769] : memref<1785856xf32, #tpu.memory_space<vmem_shared>> -> memref<1785856xf32, #tpu.memory_space<vmem_shared>>
      tpu.wait_indirect_dma semaphore(%arg14 : memref<!tpu.dma_semaphore, #tpu.memory_space<semaphore_mem>>) src(%arg7 : memref<4608xf32, #tpu.memory_space<vmem>>) dst(%dma_wait3A_770 : memref<1785856xf32, #tpu.memory_space<vmem_shared>>)
      %add3A_771 = arith.constant 2 : i32
      %add3A_772 = arith.addi %mul3A_718, %add3A_771 : i32
      %rem3A = arith.constant 48 : i32
      %rem3A_773 = arith.remsi %add3A_772, %rem3A : i32
      %mul3A_774 = arith.constant 4608 : i32
      %mul3A_775 = arith.muli %rem3A_773, %mul3A_774 : i32
      %add3A_776 = arith.addi %add3A, %mul3A_775 : i32
      %multiple_of3A_777 = tpu.assume_multiple %add3A_776, 8 : i32
      %dma_start3A_778 = tpu.memref_slice %arg3[%multiple_of3A_777] : memref<7077888xi32, #tpu.memory_space<hbm>> -> memref<4608xi32, #tpu.memory_space<hbm>>
      %dma_start3A_779 = tpu.memref_slice %arg3[%multiple_of3A_777] : memref<7077888xi32, #tpu.memory_space<hbm>> -> memref<4608xi32, #tpu.memory_space<hbm>>
      tpu.enqueue_dma source(%dma_start3A_779 : memref<4608xi32, #tpu.memory_space<hbm>>) target(%arg6 : memref<4608xi32, #tpu.memory_space<vmem>>) target_semaphore(%arg10 : memref<!tpu.dma_semaphore, #tpu.memory_space<semaphore_mem>>)
      %mul3A_780 = arith.constant 4608 : i32
      %mul3A_781 = arith.muli %rem3A_773, %mul3A_780 : i32
      %add3A_782 = arith.addi %add3A, %mul3A_781 : i32
      %multiple_of3A_783 = tpu.assume_multiple %add3A_782, 8 : i32
      %dma_start3A_784 = tpu.memref_slice %arg2[%multiple_of3A_783] : memref<7077888xf32, #tpu.memory_space<hbm>> -> memref<4608xf32, #tpu.memory_space<hbm>>
      %dma_start3A_785 = tpu.memref_slice %arg2[%multiple_of3A_783] : memref<7077888xf32, #tpu.memory_space<hbm>> -> memref<4608xf32, #tpu.memory_space<hbm>>
      tpu.enqueue_dma source(%dma_start3A_785 : memref<4608xf32, #tpu.memory_space<hbm>>) target(%arg7 : memref<4608xf32, #tpu.memory_space<vmem>>) target_semaphore(%arg11 : memref<!tpu.dma_semaphore, #tpu.memory_space<semaphore_mem>>)
      %scan3A_786 = arith.constant 0 : i32
      scf.yield %scan3A_786 : i32
    }
    %scan3A_260 = arith.constant 23 : i32
    %dma_wait3A_261 = arith.constant 0 : i32
    %dma_wait3A_262 = tpu.memref_slice %arg16[%dma_wait3A_261] : memref<1785856xf32, #tpu.memory_space<vmem_shared>> -> memref<1785856xf32, #tpu.memory_space<vmem_shared>>
    tpu.wait_indirect_dma semaphore(%arg15 : memref<!tpu.dma_semaphore, #tpu.memory_space<semaphore_mem>>) src(%arg9 : memref<4608xf32, #tpu.memory_space<vmem>>) dst(%dma_wait3A_262 : memref<1785856xf32, #tpu.memory_space<vmem_shared>>)
    %barrier3A_263 = arith.constant 0 : index
    tpu.barrier barrier_id(%barrier3A_263)
    %mul3A_264 = arith.constant 110592 : i32
    %mul3A_265 = arith.muli %arg1, %mul3A_264 : i32
    %add3A_266 = arith.constant 3538944 : i32
    %add3A_267 = arith.addi %mul3A_2, %add3A_266 : i32
    %mul3A_268 = arith.constant 110592 : i32
    %mul3A_269 = arith.muli %arg1, %mul3A_268 : i32
    %add3A_270 = arith.addi %add3A_267, %mul3A_269 : i32
    "tpu.region"() ({
      %run_scoped3A = tpu.sem_alloc : memref<!tpu.dma_semaphore, #tpu.memory_space<semaphore_mem>>
      %dma_start3A_715 = tpu.memref_slice %arg5[%add3A_270] : memref<28311552xf32, #tpu.memory_space<hbm>> -> memref<110592xf32, #tpu.memory_space<hbm>>
      %dma_start3A_716 = tpu.memref_slice %arg16[%mul3A_265] : memref<1785856xf32, #tpu.memory_space<vmem_shared>> -> memref<110592xf32, #tpu.memory_space<vmem_shared>>
      tpu.enqueue_dma source(%dma_start3A_716 : memref<110592xf32, #tpu.memory_space<vmem_shared>>) target(%dma_start3A_715 : memref<110592xf32, #tpu.memory_space<hbm>>) target_semaphore(%run_scoped3A : memref<!tpu.dma_semaphore, #tpu.memory_space<semaphore_mem>>)
      %dma_wait3A_717 = tpu.memref_slice %arg5[%add3A_270] : memref<28311552xf32, #tpu.memory_space<hbm>> -> memref<110592xf32, #tpu.memory_space<hbm>>
      %dma_wait3A_718 = tpu.memref_slice %arg16[%mul3A_265] : memref<1785856xf32, #tpu.memory_space<vmem_shared>> -> memref<110592xf32, #tpu.memory_space<vmem_shared>>
      tpu.wait_dma2 semaphore(%run_scoped3A : memref<!tpu.dma_semaphore, #tpu.memory_space<semaphore_mem>>) src(%dma_wait3A_718 : memref<110592xf32, #tpu.memory_space<vmem_shared>>) dst(%dma_wait3A_717 : memref<110592xf32, #tpu.memory_space<hbm>>)
      tpu.yield
    }) : () -> ()
    %mul3A_271 = arith.constant 110592 : i32
    %mul3A_272 = arith.muli %arg1, %mul3A_271 : i32
    "tpu.region"() ({
      %run_scoped3A = tpu.sem_alloc : memref<!tpu.dma_semaphore, #tpu.memory_space<semaphore_mem>>
      %dma_start3A_715 = tpu.memref_slice %arg16[%mul3A_272] : memref<1785856xf32, #tpu.memory_space<vmem_shared>> -> memref<110592xf32, #tpu.memory_space<vmem_shared>>
      tpu.enqueue_dma source(%arg4 : memref<110592xf32, #tpu.memory_space<hbm>>) target(%dma_start3A_715 : memref<110592xf32, #tpu.memory_space<vmem_shared>>) target_semaphore(%run_scoped3A : memref<!tpu.dma_semaphore, #tpu.memory_space<semaphore_mem>>)
      %dma_wait3A_716 = tpu.memref_slice %arg16[%mul3A_272] : memref<1785856xf32, #tpu.memory_space<vmem_shared>> -> memref<110592xf32, #tpu.memory_space<vmem_shared>>
      tpu.wait_dma2 semaphore(%run_scoped3A : memref<!tpu.dma_semaphore, #tpu.memory_space<semaphore_mem>>) src(%arg4 : memref<110592xf32, #tpu.memory_space<hbm>>) dst(%dma_wait3A_716 : memref<110592xf32, #tpu.memory_space<vmem_shared>>)
      tpu.yield
    }) : () -> ()
    %barrier3A_273 = arith.constant 0 : index
    tpu.barrier barrier_id(%barrier3A_273)
    %dma_wait3A_274 = arith.constant 0 : i32
    %dma_wait3A_275 = tpu.memref_slice %arg3[%dma_wait3A_274] : memref<7077888xi32, #tpu.memory_space<hbm>> -> memref<4608xi32, #tpu.memory_space<hbm>>
    %dma_wait3A_276 = arith.constant 0 : i32
    %dma_wait3A_277 = tpu.memref_slice %arg3[%dma_wait3A_276] : memref<7077888xi32, #tpu.memory_space<hbm>> -> memref<4608xi32, #tpu.memory_space<hbm>>
    tpu.wait_dma2 semaphore(%arg10 : memref<!tpu.dma_semaphore, #tpu.memory_space<semaphore_mem>>) src(%dma_wait3A_277 : memref<4608xi32, #tpu.memory_space<hbm>>) dst(%arg6 : memref<4608xi32, #tpu.memory_space<vmem>>)
    %dma_wait3A_278 = arith.constant 0 : i32
    %dma_wait3A_279 = tpu.memref_slice %arg2[%dma_wait3A_278] : memref<7077888xf32, #tpu.memory_space<hbm>> -> memref<4608xf32, #tpu.memory_space<hbm>>
    %dma_wait3A_280 = arith.constant 0 : i32
    %dma_wait3A_281 = tpu.memref_slice %arg2[%dma_wait3A_280] : memref<7077888xf32, #tpu.memory_space<hbm>> -> memref<4608xf32, #tpu.memory_space<hbm>>
    tpu.wait_dma2 semaphore(%arg11 : memref<!tpu.dma_semaphore, #tpu.memory_space<semaphore_mem>>) src(%dma_wait3A_281 : memref<4608xf32, #tpu.memory_space<hbm>>) dst(%arg7 : memref<4608xf32, #tpu.memory_space<vmem>>)
    %scan3A_282 = arith.constant 5308416 : i32
    %scan3A_283 = arith.constant 0 : i32
    %scan3A_284 = arith.constant 0 : i32
    %scan3A_285 = arith.constant 144 : i32
    %scan3A_286 = arith.addi %scan3A_284, %scan3A_285 : i32
    %scan3A_287 = arith.constant 1 : i32
    %scan3A_288 = scf.for %scan3A_715 = %scan3A_284 to %scan3A_286 step %scan3A_287 iter_args(%scan3A_716 = %scan3A_283) -> (i32)  : i32 {
      %mul3A_717 = arith.constant 2 : i32
      %mul3A_718 = arith.muli %scan3A_715, %mul3A_717 : i32
      %add3A_719 = arith.constant 0 : i32
      %add3A_720 = arith.addi %mul3A_718, %add3A_719 : i32
      %mul3A_721 = arith.constant 16 : i32
      %mul3A_722 = arith.muli %add3A_720, %mul3A_721 : i32
      %get3A = arith.index_cast %mul3A_722 : i32 to index
      %get3A_723 = tpu.vector_load %arg6[%get3A] {strides = array<i32>} : memref<4608xi32, #tpu.memory_space<vmem>>, vector<16xi32>,
      %get3A_724 = vector.shape_cast %get3A_723 : vector<16xi32> to vector<16xi32>
      %sub3A = vector.broadcast %scan3A_282 : i32 to vector<16xi32>
      %sub3A_725 = arith.subi %get3A_724, %sub3A : vector<16xi32>
      %bitcast3A = vector.bitcast %sub3A_725 : vector<16xi32> to vector<16xi32>
      %lt3A = arith.constant 1769472 : i32
      %lt3A_726 = vector.broadcast %lt3A : i32 to vector<16xi32>
      %lt3A_727 = arith.cmpi ult, %bitcast3A, %lt3A_726 : vector<16xi32>
      %and3A = arith.constant 16383 : i32
      %and3A_728 = vector.broadcast %and3A : i32 to vector<16xi32>
      %and3A_729 = arith.andi %get3A_724, %and3A_728 : vector<16xi32>
      %add3A_730 = arith.constant 1769472 : i32
      %add3A_731 = vector.broadcast %add3A_730 : i32 to vector<16xi32>
      %add3A_732 = arith.addi %add3A_731, %and3A_729 : vector<16xi32>
      %select_n3A = arith.select %lt3A_727, %sub3A_725, %add3A_732 : vector<16xi1>, vector<16xi32>
      %swap3A = arith.index_cast %mul3A_722 : i32 to index
      %swap3A_733 = tpu.vector_load %arg6[%swap3A] {strides = array<i32>} : memref<4608xi32, #tpu.memory_space<vmem>>, vector<16xi32>,
      %swap3A_734 = vector.shape_cast %swap3A_733 : vector<16xi32> to vector<16xi32>
      %swap3A_735 = vector.shape_cast %select_n3A : vector<16xi32> to vector<16xi32>
      tpu.vector_store %arg6[%swap3A], %swap3A_735 {strides = array<i32>} : memref<4608xi32, #tpu.memory_space<vmem>>, vector<16xi32>,
      %mul3A_736 = arith.constant 2 : i32
      %mul3A_737 = arith.muli %scan3A_715, %mul3A_736 : i32
      %add3A_738 = arith.constant 1 : i32
      %add3A_739 = arith.addi %mul3A_737, %add3A_738 : i32
      %mul3A_740 = arith.constant 16 : i32
      %mul3A_741 = arith.muli %add3A_739, %mul3A_740 : i32
      %get3A_742 = arith.index_cast %mul3A_741 : i32 to index
      %get3A_743 = tpu.vector_load %arg6[%get3A_742] {strides = array<i32>} : memref<4608xi32, #tpu.memory_space<vmem>>, vector<16xi32>,
      %get3A_744 = vector.shape_cast %get3A_743 : vector<16xi32> to vector<16xi32>
      %sub3A_745 = vector.broadcast %scan3A_282 : i32 to vector<16xi32>
      %sub3A_746 = arith.subi %get3A_744, %sub3A_745 : vector<16xi32>
      %bitcast3A_747 = vector.bitcast %sub3A_746 : vector<16xi32> to vector<16xi32>
      %lt3A_748 = arith.constant 1769472 : i32
      %lt3A_749 = vector.broadcast %lt3A_748 : i32 to vector<16xi32>
      %lt3A_750 = arith.cmpi ult, %bitcast3A_747, %lt3A_749 : vector<16xi32>
      %and3A_751 = arith.constant 16383 : i32
      %and3A_752 = vector.broadcast %and3A_751 : i32 to vector<16xi32>
      %and3A_753 = arith.andi %get3A_744, %and3A_752 : vector<16xi32>
      %add3A_754 = arith.constant 1769472 : i32
      %add3A_755 = vector.broadcast %add3A_754 : i32 to vector<16xi32>
      %add3A_756 = arith.addi %add3A_755, %and3A_753 : vector<16xi32>
      %select_n3A_757 = arith.select %lt3A_750, %sub3A_746, %add3A_756 : vector<16xi1>, vector<16xi32>
      %swap3A_758 = arith.index_cast %mul3A_741 : i32 to index
      %swap3A_759 = tpu.vector_load %arg6[%swap3A_758] {strides = array<i32>} : memref<4608xi32, #tpu.memory_space<vmem>>, vector<16xi32>,
      %swap3A_760 = vector.shape_cast %swap3A_759 : vector<16xi32> to vector<16xi32>
      %swap3A_761 = vector.shape_cast %select_n3A_757 : vector<16xi32> to vector<16xi32>
      tpu.vector_store %arg6[%swap3A_758], %swap3A_761 {strides = array<i32>} : memref<4608xi32, #tpu.memory_space<vmem>>, vector<16xi32>,
      %scan3A_762 = arith.constant 0 : i32
      scf.yield %scan3A_762 : i32
    }
    %scan3A_289 = arith.constant 144 : i32
    %dma_start3A_290 = arith.constant 0 : i32
    %dma_start3A_291 = tpu.memref_slice %arg16[%dma_start3A_290] : memref<1785856xf32, #tpu.memory_space<vmem_shared>> -> memref<1785856xf32, #tpu.memory_space<vmem_shared>>
    tpu.enqueue_indirect_dma source(%arg7 : memref<4608xf32, #tpu.memory_space<vmem>>) target(%dma_start3A_291 : memref<1785856xf32, #tpu.memory_space<vmem_shared>>) offsets(%arg6 : memref<4608xi32, #tpu.memory_space<vmem>>) semaphore(%arg14 : memref<!tpu.dma_semaphore, #tpu.memory_space<semaphore_mem>>) {add = true}
    %mul3A_292 = arith.constant 1 : i32
    %mul3A_293 = arith.constant 4608 : i32
    %mul3A_294 = arith.muli %mul3A_292, %mul3A_293 : i32
    %add3A_295 = arith.addi %add3A, %mul3A_294 : i32
    %multiple_of3A_296 = tpu.assume_multiple %add3A_295, 8 : i32
    %dma_start3A_297 = tpu.memref_slice %arg3[%multiple_of3A_296] : memref<7077888xi32, #tpu.memory_space<hbm>> -> memref<4608xi32, #tpu.memory_space<hbm>>
    %dma_start3A_298 = tpu.memref_slice %arg3[%multiple_of3A_296] : memref<7077888xi32, #tpu.memory_space<hbm>> -> memref<4608xi32, #tpu.memory_space<hbm>>
    tpu.enqueue_dma source(%dma_start3A_298 : memref<4608xi32, #tpu.memory_space<hbm>>) target(%arg8 : memref<4608xi32, #tpu.memory_space<vmem>>) target_semaphore(%arg12 : memref<!tpu.dma_semaphore, #tpu.memory_space<semaphore_mem>>)
    %mul3A_299 = arith.constant 1 : i32
    %mul3A_300 = arith.constant 4608 : i32
    %mul3A_301 = arith.muli %mul3A_299, %mul3A_300 : i32
    %add3A_302 = arith.addi %add3A, %mul3A_301 : i32
    %multiple_of3A_303 = tpu.assume_multiple %add3A_302, 8 : i32
    %dma_start3A_304 = tpu.memref_slice %arg2[%multiple_of3A_303] : memref<7077888xf32, #tpu.memory_space<hbm>> -> memref<4608xf32, #tpu.memory_space<hbm>>
    %dma_start3A_305 = tpu.memref_slice %arg2[%multiple_of3A_303] : memref<7077888xf32, #tpu.memory_space<hbm>> -> memref<4608xf32, #tpu.memory_space<hbm>>
    tpu.enqueue_dma source(%dma_start3A_305 : memref<4608xf32, #tpu.memory_space<hbm>>) target(%arg9 : memref<4608xf32, #tpu.memory_space<vmem>>) target_semaphore(%arg13 : memref<!tpu.dma_semaphore, #tpu.memory_space<semaphore_mem>>)
    %dma_wait3A_306 = arith.constant 0 : i32
    %dma_wait3A_307 = tpu.memref_slice %arg3[%dma_wait3A_306] : memref<7077888xi32, #tpu.memory_space<hbm>> -> memref<4608xi32, #tpu.memory_space<hbm>>
    %dma_wait3A_308 = arith.constant 0 : i32
    %dma_wait3A_309 = tpu.memref_slice %arg3[%dma_wait3A_308] : memref<7077888xi32, #tpu.memory_space<hbm>> -> memref<4608xi32, #tpu.memory_space<hbm>>
    tpu.wait_dma2 semaphore(%arg12 : memref<!tpu.dma_semaphore, #tpu.memory_space<semaphore_mem>>) src(%dma_wait3A_309 : memref<4608xi32, #tpu.memory_space<hbm>>) dst(%arg8 : memref<4608xi32, #tpu.memory_space<vmem>>)
    %dma_wait3A_310 = arith.constant 0 : i32
    %dma_wait3A_311 = tpu.memref_slice %arg2[%dma_wait3A_310] : memref<7077888xf32, #tpu.memory_space<hbm>> -> memref<4608xf32, #tpu.memory_space<hbm>>
    %dma_wait3A_312 = arith.constant 0 : i32
    %dma_wait3A_313 = tpu.memref_slice %arg2[%dma_wait3A_312] : memref<7077888xf32, #tpu.memory_space<hbm>> -> memref<4608xf32, #tpu.memory_space<hbm>>
    tpu.wait_dma2 semaphore(%arg13 : memref<!tpu.dma_semaphore, #tpu.memory_space<semaphore_mem>>) src(%dma_wait3A_313 : memref<4608xf32, #tpu.memory_space<hbm>>) dst(%arg9 : memref<4608xf32, #tpu.memory_space<vmem>>)
    %scan3A_314 = arith.constant 5308416 : i32
    %scan3A_315 = arith.constant 0 : i32
    %scan3A_316 = arith.constant 0 : i32
    %scan3A_317 = arith.constant 144 : i32
    %scan3A_318 = arith.addi %scan3A_316, %scan3A_317 : i32
    %scan3A_319 = arith.constant 1 : i32
    %scan3A_320 = scf.for %scan3A_715 = %scan3A_316 to %scan3A_318 step %scan3A_319 iter_args(%scan3A_716 = %scan3A_315) -> (i32)  : i32 {
      %mul3A_717 = arith.constant 2 : i32
      %mul3A_718 = arith.muli %scan3A_715, %mul3A_717 : i32
      %add3A_719 = arith.constant 0 : i32
      %add3A_720 = arith.addi %mul3A_718, %add3A_719 : i32
      %mul3A_721 = arith.constant 16 : i32
      %mul3A_722 = arith.muli %add3A_720, %mul3A_721 : i32
      %get3A = arith.index_cast %mul3A_722 : i32 to index
      %get3A_723 = tpu.vector_load %arg8[%get3A] {strides = array<i32>} : memref<4608xi32, #tpu.memory_space<vmem>>, vector<16xi32>,
      %get3A_724 = vector.shape_cast %get3A_723 : vector<16xi32> to vector<16xi32>
      %sub3A = vector.broadcast %scan3A_314 : i32 to vector<16xi32>
      %sub3A_725 = arith.subi %get3A_724, %sub3A : vector<16xi32>
      %bitcast3A = vector.bitcast %sub3A_725 : vector<16xi32> to vector<16xi32>
      %lt3A = arith.constant 1769472 : i32
      %lt3A_726 = vector.broadcast %lt3A : i32 to vector<16xi32>
      %lt3A_727 = arith.cmpi ult, %bitcast3A, %lt3A_726 : vector<16xi32>
      %and3A = arith.constant 16383 : i32
      %and3A_728 = vector.broadcast %and3A : i32 to vector<16xi32>
      %and3A_729 = arith.andi %get3A_724, %and3A_728 : vector<16xi32>
      %add3A_730 = arith.constant 1769472 : i32
      %add3A_731 = vector.broadcast %add3A_730 : i32 to vector<16xi32>
      %add3A_732 = arith.addi %add3A_731, %and3A_729 : vector<16xi32>
      %select_n3A = arith.select %lt3A_727, %sub3A_725, %add3A_732 : vector<16xi1>, vector<16xi32>
      %swap3A = arith.index_cast %mul3A_722 : i32 to index
      %swap3A_733 = tpu.vector_load %arg8[%swap3A] {strides = array<i32>} : memref<4608xi32, #tpu.memory_space<vmem>>, vector<16xi32>,
      %swap3A_734 = vector.shape_cast %swap3A_733 : vector<16xi32> to vector<16xi32>
      %swap3A_735 = vector.shape_cast %select_n3A : vector<16xi32> to vector<16xi32>
      tpu.vector_store %arg8[%swap3A], %swap3A_735 {strides = array<i32>} : memref<4608xi32, #tpu.memory_space<vmem>>, vector<16xi32>,
      %mul3A_736 = arith.constant 2 : i32
      %mul3A_737 = arith.muli %scan3A_715, %mul3A_736 : i32
      %add3A_738 = arith.constant 1 : i32
      %add3A_739 = arith.addi %mul3A_737, %add3A_738 : i32
      %mul3A_740 = arith.constant 16 : i32
      %mul3A_741 = arith.muli %add3A_739, %mul3A_740 : i32
      %get3A_742 = arith.index_cast %mul3A_741 : i32 to index
      %get3A_743 = tpu.vector_load %arg8[%get3A_742] {strides = array<i32>} : memref<4608xi32, #tpu.memory_space<vmem>>, vector<16xi32>,
      %get3A_744 = vector.shape_cast %get3A_743 : vector<16xi32> to vector<16xi32>
      %sub3A_745 = vector.broadcast %scan3A_314 : i32 to vector<16xi32>
      %sub3A_746 = arith.subi %get3A_744, %sub3A_745 : vector<16xi32>
      %bitcast3A_747 = vector.bitcast %sub3A_746 : vector<16xi32> to vector<16xi32>
      %lt3A_748 = arith.constant 1769472 : i32
      %lt3A_749 = vector.broadcast %lt3A_748 : i32 to vector<16xi32>
      %lt3A_750 = arith.cmpi ult, %bitcast3A_747, %lt3A_749 : vector<16xi32>
      %and3A_751 = arith.constant 16383 : i32
      %and3A_752 = vector.broadcast %and3A_751 : i32 to vector<16xi32>
      %and3A_753 = arith.andi %get3A_744, %and3A_752 : vector<16xi32>
      %add3A_754 = arith.constant 1769472 : i32
      %add3A_755 = vector.broadcast %add3A_754 : i32 to vector<16xi32>
      %add3A_756 = arith.addi %add3A_755, %and3A_753 : vector<16xi32>
      %select_n3A_757 = arith.select %lt3A_750, %sub3A_746, %add3A_756 : vector<16xi1>, vector<16xi32>
      %swap3A_758 = arith.index_cast %mul3A_741 : i32 to index
      %swap3A_759 = tpu.vector_load %arg8[%swap3A_758] {strides = array<i32>} : memref<4608xi32, #tpu.memory_space<vmem>>, vector<16xi32>,
      %swap3A_760 = vector.shape_cast %swap3A_759 : vector<16xi32> to vector<16xi32>
      %swap3A_761 = vector.shape_cast %select_n3A_757 : vector<16xi32> to vector<16xi32>
      tpu.vector_store %arg8[%swap3A_758], %swap3A_761 {strides = array<i32>} : memref<4608xi32, #tpu.memory_space<vmem>>, vector<16xi32>,
      %scan3A_762 = arith.constant 0 : i32
      scf.yield %scan3A_762 : i32
    }
    %scan3A_321 = arith.constant 144 : i32
    %dma_start3A_322 = arith.constant 0 : i32
    %dma_start3A_323 = tpu.memref_slice %arg16[%dma_start3A_322] : memref<1785856xf32, #tpu.memory_space<vmem_shared>> -> memref<1785856xf32, #tpu.memory_space<vmem_shared>>
    tpu.enqueue_indirect_dma source(%arg9 : memref<4608xf32, #tpu.memory_space<vmem>>) target(%dma_start3A_323 : memref<1785856xf32, #tpu.memory_space<vmem_shared>>) offsets(%arg8 : memref<4608xi32, #tpu.memory_space<vmem>>) semaphore(%arg15 : memref<!tpu.dma_semaphore, #tpu.memory_space<semaphore_mem>>) {add = true}
    %dma_wait3A_324 = arith.constant 0 : i32
    %dma_wait3A_325 = tpu.memref_slice %arg16[%dma_wait3A_324] : memref<1785856xf32, #tpu.memory_space<vmem_shared>> -> memref<1785856xf32, #tpu.memory_space<vmem_shared>>
    tpu.wait_indirect_dma semaphore(%arg14 : memref<!tpu.dma_semaphore, #tpu.memory_space<semaphore_mem>>) src(%arg7 : memref<4608xf32, #tpu.memory_space<vmem>>) dst(%dma_wait3A_325 : memref<1785856xf32, #tpu.memory_space<vmem_shared>>)
    %mul3A_326 = arith.constant 2 : i32
    %mul3A_327 = arith.constant 4608 : i32
    %mul3A_328 = arith.muli %mul3A_326, %mul3A_327 : i32
    %add3A_329 = arith.addi %add3A, %mul3A_328 : i32
    %multiple_of3A_330 = tpu.assume_multiple %add3A_329, 8 : i32
    %dma_start3A_331 = tpu.memref_slice %arg3[%multiple_of3A_330] : memref<7077888xi32, #tpu.memory_space<hbm>> -> memref<4608xi32, #tpu.memory_space<hbm>>
    %dma_start3A_332 = tpu.memref_slice %arg3[%multiple_of3A_330] : memref<7077888xi32, #tpu.memory_space<hbm>> -> memref<4608xi32, #tpu.memory_space<hbm>>
    tpu.enqueue_dma source(%dma_start3A_332 : memref<4608xi32, #tpu.memory_space<hbm>>) target(%arg6 : memref<4608xi32, #tpu.memory_space<vmem>>) target_semaphore(%arg10 : memref<!tpu.dma_semaphore, #tpu.memory_space<semaphore_mem>>)
    %mul3A_333 = arith.constant 2 : i32
    %mul3A_334 = arith.constant 4608 : i32
    %mul3A_335 = arith.muli %mul3A_333, %mul3A_334 : i32
    %add3A_336 = arith.addi %add3A, %mul3A_335 : i32
    %multiple_of3A_337 = tpu.assume_multiple %add3A_336, 8 : i32
    %dma_start3A_338 = tpu.memref_slice %arg2[%multiple_of3A_337] : memref<7077888xf32, #tpu.memory_space<hbm>> -> memref<4608xf32, #tpu.memory_space<hbm>>
    %dma_start3A_339 = tpu.memref_slice %arg2[%multiple_of3A_337] : memref<7077888xf32, #tpu.memory_space<hbm>> -> memref<4608xf32, #tpu.memory_space<hbm>>
    tpu.enqueue_dma source(%dma_start3A_339 : memref<4608xf32, #tpu.memory_space<hbm>>) target(%arg7 : memref<4608xf32, #tpu.memory_space<vmem>>) target_semaphore(%arg11 : memref<!tpu.dma_semaphore, #tpu.memory_space<semaphore_mem>>)
    %scan3A_340 = arith.constant 5308416 : i32
    %scan3A_341 = arith.constant 0 : i32
    %scan3A_342 = arith.constant 1 : i32
    %scan3A_343 = arith.constant 23 : i32
    %scan3A_344 = arith.addi %scan3A_342, %scan3A_343 : i32
    %scan3A_345 = arith.constant 1 : i32
    %scan3A_346 = scf.for %scan3A_715 = %scan3A_342 to %scan3A_344 step %scan3A_345 iter_args(%scan3A_716 = %scan3A_341) -> (i32)  : i32 {
      %mul3A_717 = arith.constant 2 : i32
      %mul3A_718 = arith.muli %scan3A_715, %mul3A_717 : i32
      %dma_wait3A_719 = arith.constant 0 : i32
      %dma_wait3A_720 = tpu.memref_slice %arg3[%dma_wait3A_719] : memref<7077888xi32, #tpu.memory_space<hbm>> -> memref<4608xi32, #tpu.memory_space<hbm>>
      %dma_wait3A_721 = arith.constant 0 : i32
      %dma_wait3A_722 = tpu.memref_slice %arg3[%dma_wait3A_721] : memref<7077888xi32, #tpu.memory_space<hbm>> -> memref<4608xi32, #tpu.memory_space<hbm>>
      tpu.wait_dma2 semaphore(%arg10 : memref<!tpu.dma_semaphore, #tpu.memory_space<semaphore_mem>>) src(%dma_wait3A_722 : memref<4608xi32, #tpu.memory_space<hbm>>) dst(%arg6 : memref<4608xi32, #tpu.memory_space<vmem>>)
      %dma_wait3A_723 = arith.constant 0 : i32
      %dma_wait3A_724 = tpu.memref_slice %arg2[%dma_wait3A_723] : memref<7077888xf32, #tpu.memory_space<hbm>> -> memref<4608xf32, #tpu.memory_space<hbm>>
      %dma_wait3A_725 = arith.constant 0 : i32
      %dma_wait3A_726 = tpu.memref_slice %arg2[%dma_wait3A_725] : memref<7077888xf32, #tpu.memory_space<hbm>> -> memref<4608xf32, #tpu.memory_space<hbm>>
      tpu.wait_dma2 semaphore(%arg11 : memref<!tpu.dma_semaphore, #tpu.memory_space<semaphore_mem>>) src(%dma_wait3A_726 : memref<4608xf32, #tpu.memory_space<hbm>>) dst(%arg7 : memref<4608xf32, #tpu.memory_space<vmem>>)
      %scan3A_727 = arith.constant 0 : i32
      %scan3A_728 = arith.constant 0 : i32
      %scan3A_729 = arith.constant 144 : i32
      %scan3A_730 = arith.addi %scan3A_728, %scan3A_729 : i32
      %scan3A_731 = arith.constant 1 : i32
      %scan3A_732 = scf.for %scan3A_787 = %scan3A_728 to %scan3A_730 step %scan3A_731 iter_args(%scan3A_788 = %scan3A_727) -> (i32)  : i32 {
        %mul3A_789 = arith.constant 2 : i32
        %mul3A_790 = arith.muli %scan3A_787, %mul3A_789 : i32
        %add3A_791 = arith.constant 0 : i32
        %add3A_792 = arith.addi %mul3A_790, %add3A_791 : i32
        %mul3A_793 = arith.constant 16 : i32
        %mul3A_794 = arith.muli %add3A_792, %mul3A_793 : i32
        %get3A = arith.index_cast %mul3A_794 : i32 to index
        %get3A_795 = tpu.vector_load %arg6[%get3A] {strides = array<i32>} : memref<4608xi32, #tpu.memory_space<vmem>>, vector<16xi32>,
        %get3A_796 = vector.shape_cast %get3A_795 : vector<16xi32> to vector<16xi32>
        %sub3A = vector.broadcast %scan3A_340 : i32 to vector<16xi32>
        %sub3A_797 = arith.subi %get3A_796, %sub3A : vector<16xi32>
        %bitcast3A = vector.bitcast %sub3A_797 : vector<16xi32> to vector<16xi32>
        %lt3A = arith.constant 1769472 : i32
        %lt3A_798 = vector.broadcast %lt3A : i32 to vector<16xi32>
        %lt3A_799 = arith.cmpi ult, %bitcast3A, %lt3A_798 : vector<16xi32>
        %and3A = arith.constant 16383 : i32
        %and3A_800 = vector.broadcast %and3A : i32 to vector<16xi32>
        %and3A_801 = arith.andi %get3A_796, %and3A_800 : vector<16xi32>
        %add3A_802 = arith.constant 1769472 : i32
        %add3A_803 = vector.broadcast %add3A_802 : i32 to vector<16xi32>
        %add3A_804 = arith.addi %add3A_803, %and3A_801 : vector<16xi32>
        %select_n3A = arith.select %lt3A_799, %sub3A_797, %add3A_804 : vector<16xi1>, vector<16xi32>
        %swap3A = arith.index_cast %mul3A_794 : i32 to index
        %swap3A_805 = tpu.vector_load %arg6[%swap3A] {strides = array<i32>} : memref<4608xi32, #tpu.memory_space<vmem>>, vector<16xi32>,
        %swap3A_806 = vector.shape_cast %swap3A_805 : vector<16xi32> to vector<16xi32>
        %swap3A_807 = vector.shape_cast %select_n3A : vector<16xi32> to vector<16xi32>
        tpu.vector_store %arg6[%swap3A], %swap3A_807 {strides = array<i32>} : memref<4608xi32, #tpu.memory_space<vmem>>, vector<16xi32>,
        %mul3A_808 = arith.constant 2 : i32
        %mul3A_809 = arith.muli %scan3A_787, %mul3A_808 : i32
        %add3A_810 = arith.constant 1 : i32
        %add3A_811 = arith.addi %mul3A_809, %add3A_810 : i32
        %mul3A_812 = arith.constant 16 : i32
        %mul3A_813 = arith.muli %add3A_811, %mul3A_812 : i32
        %get3A_814 = arith.index_cast %mul3A_813 : i32 to index
        %get3A_815 = tpu.vector_load %arg6[%get3A_814] {strides = array<i32>} : memref<4608xi32, #tpu.memory_space<vmem>>, vector<16xi32>,
        %get3A_816 = vector.shape_cast %get3A_815 : vector<16xi32> to vector<16xi32>
        %sub3A_817 = vector.broadcast %scan3A_340 : i32 to vector<16xi32>
        %sub3A_818 = arith.subi %get3A_816, %sub3A_817 : vector<16xi32>
        %bitcast3A_819 = vector.bitcast %sub3A_818 : vector<16xi32> to vector<16xi32>
        %lt3A_820 = arith.constant 1769472 : i32
        %lt3A_821 = vector.broadcast %lt3A_820 : i32 to vector<16xi32>
        %lt3A_822 = arith.cmpi ult, %bitcast3A_819, %lt3A_821 : vector<16xi32>
        %and3A_823 = arith.constant 16383 : i32
        %and3A_824 = vector.broadcast %and3A_823 : i32 to vector<16xi32>
        %and3A_825 = arith.andi %get3A_816, %and3A_824 : vector<16xi32>
        %add3A_826 = arith.constant 1769472 : i32
        %add3A_827 = vector.broadcast %add3A_826 : i32 to vector<16xi32>
        %add3A_828 = arith.addi %add3A_827, %and3A_825 : vector<16xi32>
        %select_n3A_829 = arith.select %lt3A_822, %sub3A_818, %add3A_828 : vector<16xi1>, vector<16xi32>
        %swap3A_830 = arith.index_cast %mul3A_813 : i32 to index
        %swap3A_831 = tpu.vector_load %arg6[%swap3A_830] {strides = array<i32>} : memref<4608xi32, #tpu.memory_space<vmem>>, vector<16xi32>,
        %swap3A_832 = vector.shape_cast %swap3A_831 : vector<16xi32> to vector<16xi32>
        %swap3A_833 = vector.shape_cast %select_n3A_829 : vector<16xi32> to vector<16xi32>
        tpu.vector_store %arg6[%swap3A_830], %swap3A_833 {strides = array<i32>} : memref<4608xi32, #tpu.memory_space<vmem>>, vector<16xi32>,
        %scan3A_834 = arith.constant 0 : i32
        scf.yield %scan3A_834 : i32
      }
      %scan3A_733 = arith.constant 144 : i32
      %dma_start3A_734 = arith.constant 0 : i32
      %dma_start3A_735 = tpu.memref_slice %arg16[%dma_start3A_734] : memref<1785856xf32, #tpu.memory_space<vmem_shared>> -> memref<1785856xf32, #tpu.memory_space<vmem_shared>>
      tpu.enqueue_indirect_dma source(%arg7 : memref<4608xf32, #tpu.memory_space<vmem>>) target(%dma_start3A_735 : memref<1785856xf32, #tpu.memory_space<vmem_shared>>) offsets(%arg6 : memref<4608xi32, #tpu.memory_space<vmem>>) semaphore(%arg14 : memref<!tpu.dma_semaphore, #tpu.memory_space<semaphore_mem>>) {add = true}
      %dma_wait3A_736 = arith.constant 0 : i32
      %dma_wait3A_737 = tpu.memref_slice %arg16[%dma_wait3A_736] : memref<1785856xf32, #tpu.memory_space<vmem_shared>> -> memref<1785856xf32, #tpu.memory_space<vmem_shared>>
      tpu.wait_indirect_dma semaphore(%arg15 : memref<!tpu.dma_semaphore, #tpu.memory_space<semaphore_mem>>) src(%arg9 : memref<4608xf32, #tpu.memory_space<vmem>>) dst(%dma_wait3A_737 : memref<1785856xf32, #tpu.memory_space<vmem_shared>>)
      %add3A_738 = arith.constant 1 : i32
      %add3A_739 = arith.addi %mul3A_718, %add3A_738 : i32
      %mul3A_740 = arith.constant 4608 : i32
      %mul3A_741 = arith.muli %add3A_739, %mul3A_740 : i32
      %add3A_742 = arith.addi %add3A, %mul3A_741 : i32
      %multiple_of3A_743 = tpu.assume_multiple %add3A_742, 8 : i32
      %dma_start3A_744 = tpu.memref_slice %arg3[%multiple_of3A_743] : memref<7077888xi32, #tpu.memory_space<hbm>> -> memref<4608xi32, #tpu.memory_space<hbm>>
      %dma_start3A_745 = tpu.memref_slice %arg3[%multiple_of3A_743] : memref<7077888xi32, #tpu.memory_space<hbm>> -> memref<4608xi32, #tpu.memory_space<hbm>>
      tpu.enqueue_dma source(%dma_start3A_745 : memref<4608xi32, #tpu.memory_space<hbm>>) target(%arg8 : memref<4608xi32, #tpu.memory_space<vmem>>) target_semaphore(%arg12 : memref<!tpu.dma_semaphore, #tpu.memory_space<semaphore_mem>>)
      %mul3A_746 = arith.constant 4608 : i32
      %mul3A_747 = arith.muli %add3A_739, %mul3A_746 : i32
      %add3A_748 = arith.addi %add3A, %mul3A_747 : i32
      %multiple_of3A_749 = tpu.assume_multiple %add3A_748, 8 : i32
      %dma_start3A_750 = tpu.memref_slice %arg2[%multiple_of3A_749] : memref<7077888xf32, #tpu.memory_space<hbm>> -> memref<4608xf32, #tpu.memory_space<hbm>>
      %dma_start3A_751 = tpu.memref_slice %arg2[%multiple_of3A_749] : memref<7077888xf32, #tpu.memory_space<hbm>> -> memref<4608xf32, #tpu.memory_space<hbm>>
      tpu.enqueue_dma source(%dma_start3A_751 : memref<4608xf32, #tpu.memory_space<hbm>>) target(%arg9 : memref<4608xf32, #tpu.memory_space<vmem>>) target_semaphore(%arg13 : memref<!tpu.dma_semaphore, #tpu.memory_space<semaphore_mem>>)
      %dma_wait3A_752 = arith.constant 0 : i32
      %dma_wait3A_753 = tpu.memref_slice %arg3[%dma_wait3A_752] : memref<7077888xi32, #tpu.memory_space<hbm>> -> memref<4608xi32, #tpu.memory_space<hbm>>
      %dma_wait3A_754 = arith.constant 0 : i32
      %dma_wait3A_755 = tpu.memref_slice %arg3[%dma_wait3A_754] : memref<7077888xi32, #tpu.memory_space<hbm>> -> memref<4608xi32, #tpu.memory_space<hbm>>
      tpu.wait_dma2 semaphore(%arg12 : memref<!tpu.dma_semaphore, #tpu.memory_space<semaphore_mem>>) src(%dma_wait3A_755 : memref<4608xi32, #tpu.memory_space<hbm>>) dst(%arg8 : memref<4608xi32, #tpu.memory_space<vmem>>)
      %dma_wait3A_756 = arith.constant 0 : i32
      %dma_wait3A_757 = tpu.memref_slice %arg2[%dma_wait3A_756] : memref<7077888xf32, #tpu.memory_space<hbm>> -> memref<4608xf32, #tpu.memory_space<hbm>>
      %dma_wait3A_758 = arith.constant 0 : i32
      %dma_wait3A_759 = tpu.memref_slice %arg2[%dma_wait3A_758] : memref<7077888xf32, #tpu.memory_space<hbm>> -> memref<4608xf32, #tpu.memory_space<hbm>>
      tpu.wait_dma2 semaphore(%arg13 : memref<!tpu.dma_semaphore, #tpu.memory_space<semaphore_mem>>) src(%dma_wait3A_759 : memref<4608xf32, #tpu.memory_space<hbm>>) dst(%arg9 : memref<4608xf32, #tpu.memory_space<vmem>>)
      %scan3A_760 = arith.constant 0 : i32
      %scan3A_761 = arith.constant 0 : i32
      %scan3A_762 = arith.constant 144 : i32
      %scan3A_763 = arith.addi %scan3A_761, %scan3A_762 : i32
      %scan3A_764 = arith.constant 1 : i32
      %scan3A_765 = scf.for %scan3A_787 = %scan3A_761 to %scan3A_763 step %scan3A_764 iter_args(%scan3A_788 = %scan3A_760) -> (i32)  : i32 {
        %mul3A_789 = arith.constant 2 : i32
        %mul3A_790 = arith.muli %scan3A_787, %mul3A_789 : i32
        %add3A_791 = arith.constant 0 : i32
        %add3A_792 = arith.addi %mul3A_790, %add3A_791 : i32
        %mul3A_793 = arith.constant 16 : i32
        %mul3A_794 = arith.muli %add3A_792, %mul3A_793 : i32
        %get3A = arith.index_cast %mul3A_794 : i32 to index
        %get3A_795 = tpu.vector_load %arg8[%get3A] {strides = array<i32>} : memref<4608xi32, #tpu.memory_space<vmem>>, vector<16xi32>,
        %get3A_796 = vector.shape_cast %get3A_795 : vector<16xi32> to vector<16xi32>
        %sub3A = vector.broadcast %scan3A_340 : i32 to vector<16xi32>
        %sub3A_797 = arith.subi %get3A_796, %sub3A : vector<16xi32>
        %bitcast3A = vector.bitcast %sub3A_797 : vector<16xi32> to vector<16xi32>
        %lt3A = arith.constant 1769472 : i32
        %lt3A_798 = vector.broadcast %lt3A : i32 to vector<16xi32>
        %lt3A_799 = arith.cmpi ult, %bitcast3A, %lt3A_798 : vector<16xi32>
        %and3A = arith.constant 16383 : i32
        %and3A_800 = vector.broadcast %and3A : i32 to vector<16xi32>
        %and3A_801 = arith.andi %get3A_796, %and3A_800 : vector<16xi32>
        %add3A_802 = arith.constant 1769472 : i32
        %add3A_803 = vector.broadcast %add3A_802 : i32 to vector<16xi32>
        %add3A_804 = arith.addi %add3A_803, %and3A_801 : vector<16xi32>
        %select_n3A = arith.select %lt3A_799, %sub3A_797, %add3A_804 : vector<16xi1>, vector<16xi32>
        %swap3A = arith.index_cast %mul3A_794 : i32 to index
        %swap3A_805 = tpu.vector_load %arg8[%swap3A] {strides = array<i32>} : memref<4608xi32, #tpu.memory_space<vmem>>, vector<16xi32>,
        %swap3A_806 = vector.shape_cast %swap3A_805 : vector<16xi32> to vector<16xi32>
        %swap3A_807 = vector.shape_cast %select_n3A : vector<16xi32> to vector<16xi32>
        tpu.vector_store %arg8[%swap3A], %swap3A_807 {strides = array<i32>} : memref<4608xi32, #tpu.memory_space<vmem>>, vector<16xi32>,
        %mul3A_808 = arith.constant 2 : i32
        %mul3A_809 = arith.muli %scan3A_787, %mul3A_808 : i32
        %add3A_810 = arith.constant 1 : i32
        %add3A_811 = arith.addi %mul3A_809, %add3A_810 : i32
        %mul3A_812 = arith.constant 16 : i32
        %mul3A_813 = arith.muli %add3A_811, %mul3A_812 : i32
        %get3A_814 = arith.index_cast %mul3A_813 : i32 to index
        %get3A_815 = tpu.vector_load %arg8[%get3A_814] {strides = array<i32>} : memref<4608xi32, #tpu.memory_space<vmem>>, vector<16xi32>,
        %get3A_816 = vector.shape_cast %get3A_815 : vector<16xi32> to vector<16xi32>
        %sub3A_817 = vector.broadcast %scan3A_340 : i32 to vector<16xi32>
        %sub3A_818 = arith.subi %get3A_816, %sub3A_817 : vector<16xi32>
        %bitcast3A_819 = vector.bitcast %sub3A_818 : vector<16xi32> to vector<16xi32>
        %lt3A_820 = arith.constant 1769472 : i32
        %lt3A_821 = vector.broadcast %lt3A_820 : i32 to vector<16xi32>
        %lt3A_822 = arith.cmpi ult, %bitcast3A_819, %lt3A_821 : vector<16xi32>
        %and3A_823 = arith.constant 16383 : i32
        %and3A_824 = vector.broadcast %and3A_823 : i32 to vector<16xi32>
        %and3A_825 = arith.andi %get3A_816, %and3A_824 : vector<16xi32>
        %add3A_826 = arith.constant 1769472 : i32
        %add3A_827 = vector.broadcast %add3A_826 : i32 to vector<16xi32>
        %add3A_828 = arith.addi %add3A_827, %and3A_825 : vector<16xi32>
        %select_n3A_829 = arith.select %lt3A_822, %sub3A_818, %add3A_828 : vector<16xi1>, vector<16xi32>
        %swap3A_830 = arith.index_cast %mul3A_813 : i32 to index
        %swap3A_831 = tpu.vector_load %arg8[%swap3A_830] {strides = array<i32>} : memref<4608xi32, #tpu.memory_space<vmem>>, vector<16xi32>,
        %swap3A_832 = vector.shape_cast %swap3A_831 : vector<16xi32> to vector<16xi32>
        %swap3A_833 = vector.shape_cast %select_n3A_829 : vector<16xi32> to vector<16xi32>
        tpu.vector_store %arg8[%swap3A_830], %swap3A_833 {strides = array<i32>} : memref<4608xi32, #tpu.memory_space<vmem>>, vector<16xi32>,
        %scan3A_834 = arith.constant 0 : i32
        scf.yield %scan3A_834 : i32
      }
      %scan3A_766 = arith.constant 144 : i32
      %dma_start3A_767 = arith.constant 0 : i32
      %dma_start3A_768 = tpu.memref_slice %arg16[%dma_start3A_767] : memref<1785856xf32, #tpu.memory_space<vmem_shared>> -> memref<1785856xf32, #tpu.memory_space<vmem_shared>>
      tpu.enqueue_indirect_dma source(%arg9 : memref<4608xf32, #tpu.memory_space<vmem>>) target(%dma_start3A_768 : memref<1785856xf32, #tpu.memory_space<vmem_shared>>) offsets(%arg8 : memref<4608xi32, #tpu.memory_space<vmem>>) semaphore(%arg15 : memref<!tpu.dma_semaphore, #tpu.memory_space<semaphore_mem>>) {add = true}
      %dma_wait3A_769 = arith.constant 0 : i32
      %dma_wait3A_770 = tpu.memref_slice %arg16[%dma_wait3A_769] : memref<1785856xf32, #tpu.memory_space<vmem_shared>> -> memref<1785856xf32, #tpu.memory_space<vmem_shared>>
      tpu.wait_indirect_dma semaphore(%arg14 : memref<!tpu.dma_semaphore, #tpu.memory_space<semaphore_mem>>) src(%arg7 : memref<4608xf32, #tpu.memory_space<vmem>>) dst(%dma_wait3A_770 : memref<1785856xf32, #tpu.memory_space<vmem_shared>>)
      %add3A_771 = arith.constant 2 : i32
      %add3A_772 = arith.addi %mul3A_718, %add3A_771 : i32
      %rem3A = arith.constant 48 : i32
      %rem3A_773 = arith.remsi %add3A_772, %rem3A : i32
      %mul3A_774 = arith.constant 4608 : i32
      %mul3A_775 = arith.muli %rem3A_773, %mul3A_774 : i32
      %add3A_776 = arith.addi %add3A, %mul3A_775 : i32
      %multiple_of3A_777 = tpu.assume_multiple %add3A_776, 8 : i32
      %dma_start3A_778 = tpu.memref_slice %arg3[%multiple_of3A_777] : memref<7077888xi32, #tpu.memory_space<hbm>> -> memref<4608xi32, #tpu.memory_space<hbm>>
      %dma_start3A_779 = tpu.memref_slice %arg3[%multiple_of3A_777] : memref<7077888xi32, #tpu.memory_space<hbm>> -> memref<4608xi32, #tpu.memory_space<hbm>>
      tpu.enqueue_dma source(%dma_start3A_779 : memref<4608xi32, #tpu.memory_space<hbm>>) target(%arg6 : memref<4608xi32, #tpu.memory_space<vmem>>) target_semaphore(%arg10 : memref<!tpu.dma_semaphore, #tpu.memory_space<semaphore_mem>>)
      %mul3A_780 = arith.constant 4608 : i32
      %mul3A_781 = arith.muli %rem3A_773, %mul3A_780 : i32
      %add3A_782 = arith.addi %add3A, %mul3A_781 : i32
      %multiple_of3A_783 = tpu.assume_multiple %add3A_782, 8 : i32
      %dma_start3A_784 = tpu.memref_slice %arg2[%multiple_of3A_783] : memref<7077888xf32, #tpu.memory_space<hbm>> -> memref<4608xf32, #tpu.memory_space<hbm>>
      %dma_start3A_785 = tpu.memref_slice %arg2[%multiple_of3A_783] : memref<7077888xf32, #tpu.memory_space<hbm>> -> memref<4608xf32, #tpu.memory_space<hbm>>
      tpu.enqueue_dma source(%dma_start3A_785 : memref<4608xf32, #tpu.memory_space<hbm>>) target(%arg7 : memref<4608xf32, #tpu.memory_space<vmem>>) target_semaphore(%arg11 : memref<!tpu.dma_semaphore, #tpu.memory_space<semaphore_mem>>)
      %scan3A_786 = arith.constant 0 : i32
      scf.yield %scan3A_786 : i32
    }
    %scan3A_347 = arith.constant 23 : i32
    %dma_wait3A_348 = arith.constant 0 : i32
    %dma_wait3A_349 = tpu.memref_slice %arg16[%dma_wait3A_348] : memref<1785856xf32, #tpu.memory_space<vmem_shared>> -> memref<1785856xf32, #tpu.memory_space<vmem_shared>>
    tpu.wait_indirect_dma semaphore(%arg15 : memref<!tpu.dma_semaphore, #tpu.memory_space<semaphore_mem>>) src(%arg9 : memref<4608xf32, #tpu.memory_space<vmem>>) dst(%dma_wait3A_349 : memref<1785856xf32, #tpu.memory_space<vmem_shared>>)
    %barrier3A_350 = arith.constant 0 : index
    tpu.barrier barrier_id(%barrier3A_350)
    %mul3A_351 = arith.constant 110592 : i32
    %mul3A_352 = arith.muli %arg1, %mul3A_351 : i32
    %add3A_353 = arith.constant 5308416 : i32
    %add3A_354 = arith.addi %mul3A_2, %add3A_353 : i32
    %mul3A_355 = arith.constant 110592 : i32
    %mul3A_356 = arith.muli %arg1, %mul3A_355 : i32
    %add3A_357 = arith.addi %add3A_354, %mul3A_356 : i32
    "tpu.region"() ({
      %run_scoped3A = tpu.sem_alloc : memref<!tpu.dma_semaphore, #tpu.memory_space<semaphore_mem>>
      %dma_start3A_715 = tpu.memref_slice %arg5[%add3A_357] : memref<28311552xf32, #tpu.memory_space<hbm>> -> memref<110592xf32, #tpu.memory_space<hbm>>
      %dma_start3A_716 = tpu.memref_slice %arg16[%mul3A_352] : memref<1785856xf32, #tpu.memory_space<vmem_shared>> -> memref<110592xf32, #tpu.memory_space<vmem_shared>>
      tpu.enqueue_dma source(%dma_start3A_716 : memref<110592xf32, #tpu.memory_space<vmem_shared>>) target(%dma_start3A_715 : memref<110592xf32, #tpu.memory_space<hbm>>) target_semaphore(%run_scoped3A : memref<!tpu.dma_semaphore, #tpu.memory_space<semaphore_mem>>)
      %dma_wait3A_717 = tpu.memref_slice %arg5[%add3A_357] : memref<28311552xf32, #tpu.memory_space<hbm>> -> memref<110592xf32, #tpu.memory_space<hbm>>
      %dma_wait3A_718 = tpu.memref_slice %arg16[%mul3A_352] : memref<1785856xf32, #tpu.memory_space<vmem_shared>> -> memref<110592xf32, #tpu.memory_space<vmem_shared>>
      tpu.wait_dma2 semaphore(%run_scoped3A : memref<!tpu.dma_semaphore, #tpu.memory_space<semaphore_mem>>) src(%dma_wait3A_718 : memref<110592xf32, #tpu.memory_space<vmem_shared>>) dst(%dma_wait3A_717 : memref<110592xf32, #tpu.memory_space<hbm>>)
      tpu.yield
    }) : () -> ()
    %mul3A_358 = arith.constant 110592 : i32
    %mul3A_359 = arith.muli %arg1, %mul3A_358 : i32
    "tpu.region"() ({
      %run_scoped3A = tpu.sem_alloc : memref<!tpu.dma_semaphore, #tpu.memory_space<semaphore_mem>>
      %dma_start3A_715 = tpu.memref_slice %arg16[%mul3A_359] : memref<1785856xf32, #tpu.memory_space<vmem_shared>> -> memref<110592xf32, #tpu.memory_space<vmem_shared>>
      tpu.enqueue_dma source(%arg4 : memref<110592xf32, #tpu.memory_space<hbm>>) target(%dma_start3A_715 : memref<110592xf32, #tpu.memory_space<vmem_shared>>) target_semaphore(%run_scoped3A : memref<!tpu.dma_semaphore, #tpu.memory_space<semaphore_mem>>)
      %dma_wait3A_716 = tpu.memref_slice %arg16[%mul3A_359] : memref<1785856xf32, #tpu.memory_space<vmem_shared>> -> memref<110592xf32, #tpu.memory_space<vmem_shared>>
      tpu.wait_dma2 semaphore(%run_scoped3A : memref<!tpu.dma_semaphore, #tpu.memory_space<semaphore_mem>>) src(%arg4 : memref<110592xf32, #tpu.memory_space<hbm>>) dst(%dma_wait3A_716 : memref<110592xf32, #tpu.memory_space<vmem_shared>>)
      tpu.yield
    }) : () -> ()
    %barrier3A_360 = arith.constant 0 : index
    tpu.barrier barrier_id(%barrier3A_360)
    %dma_wait3A_361 = arith.constant 0 : i32
    %dma_wait3A_362 = tpu.memref_slice %arg3[%dma_wait3A_361] : memref<7077888xi32, #tpu.memory_space<hbm>> -> memref<4608xi32, #tpu.memory_space<hbm>>
    %dma_wait3A_363 = arith.constant 0 : i32
    %dma_wait3A_364 = tpu.memref_slice %arg3[%dma_wait3A_363] : memref<7077888xi32, #tpu.memory_space<hbm>> -> memref<4608xi32, #tpu.memory_space<hbm>>
    tpu.wait_dma2 semaphore(%arg10 : memref<!tpu.dma_semaphore, #tpu.memory_space<semaphore_mem>>) src(%dma_wait3A_364 : memref<4608xi32, #tpu.memory_space<hbm>>) dst(%arg6 : memref<4608xi32, #tpu.memory_space<vmem>>)
    %dma_wait3A_365 = arith.constant 0 : i32
    %dma_wait3A_366 = tpu.memref_slice %arg2[%dma_wait3A_365] : memref<7077888xf32, #tpu.memory_space<hbm>> -> memref<4608xf32, #tpu.memory_space<hbm>>
    %dma_wait3A_367 = arith.constant 0 : i32
    %dma_wait3A_368 = tpu.memref_slice %arg2[%dma_wait3A_367] : memref<7077888xf32, #tpu.memory_space<hbm>> -> memref<4608xf32, #tpu.memory_space<hbm>>
    tpu.wait_dma2 semaphore(%arg11 : memref<!tpu.dma_semaphore, #tpu.memory_space<semaphore_mem>>) src(%dma_wait3A_368 : memref<4608xf32, #tpu.memory_space<hbm>>) dst(%arg7 : memref<4608xf32, #tpu.memory_space<vmem>>)
    %scan3A_369 = arith.constant 7077888 : i32
    %scan3A_370 = arith.constant 0 : i32
    %scan3A_371 = arith.constant 0 : i32
    %scan3A_372 = arith.constant 144 : i32
    %scan3A_373 = arith.addi %scan3A_371, %scan3A_372 : i32
    %scan3A_374 = arith.constant 1 : i32
    %scan3A_375 = scf.for %scan3A_715 = %scan3A_371 to %scan3A_373 step %scan3A_374 iter_args(%scan3A_716 = %scan3A_370) -> (i32)  : i32 {
      %mul3A_717 = arith.constant 2 : i32
      %mul3A_718 = arith.muli %scan3A_715, %mul3A_717 : i32
      %add3A_719 = arith.constant 0 : i32
      %add3A_720 = arith.addi %mul3A_718, %add3A_719 : i32
      %mul3A_721 = arith.constant 16 : i32
      %mul3A_722 = arith.muli %add3A_720, %mul3A_721 : i32
      %get3A = arith.index_cast %mul3A_722 : i32 to index
      %get3A_723 = tpu.vector_load %arg6[%get3A] {strides = array<i32>} : memref<4608xi32, #tpu.memory_space<vmem>>, vector<16xi32>,
      %get3A_724 = vector.shape_cast %get3A_723 : vector<16xi32> to vector<16xi32>
      %sub3A = vector.broadcast %scan3A_369 : i32 to vector<16xi32>
      %sub3A_725 = arith.subi %get3A_724, %sub3A : vector<16xi32>
      %bitcast3A = vector.bitcast %sub3A_725 : vector<16xi32> to vector<16xi32>
      %lt3A = arith.constant 1769472 : i32
      %lt3A_726 = vector.broadcast %lt3A : i32 to vector<16xi32>
      %lt3A_727 = arith.cmpi ult, %bitcast3A, %lt3A_726 : vector<16xi32>
      %and3A = arith.constant 16383 : i32
      %and3A_728 = vector.broadcast %and3A : i32 to vector<16xi32>
      %and3A_729 = arith.andi %get3A_724, %and3A_728 : vector<16xi32>
      %add3A_730 = arith.constant 1769472 : i32
      %add3A_731 = vector.broadcast %add3A_730 : i32 to vector<16xi32>
      %add3A_732 = arith.addi %add3A_731, %and3A_729 : vector<16xi32>
      %select_n3A = arith.select %lt3A_727, %sub3A_725, %add3A_732 : vector<16xi1>, vector<16xi32>
      %swap3A = arith.index_cast %mul3A_722 : i32 to index
      %swap3A_733 = tpu.vector_load %arg6[%swap3A] {strides = array<i32>} : memref<4608xi32, #tpu.memory_space<vmem>>, vector<16xi32>,
      %swap3A_734 = vector.shape_cast %swap3A_733 : vector<16xi32> to vector<16xi32>
      %swap3A_735 = vector.shape_cast %select_n3A : vector<16xi32> to vector<16xi32>
      tpu.vector_store %arg6[%swap3A], %swap3A_735 {strides = array<i32>} : memref<4608xi32, #tpu.memory_space<vmem>>, vector<16xi32>,
      %mul3A_736 = arith.constant 2 : i32
      %mul3A_737 = arith.muli %scan3A_715, %mul3A_736 : i32
      %add3A_738 = arith.constant 1 : i32
      %add3A_739 = arith.addi %mul3A_737, %add3A_738 : i32
      %mul3A_740 = arith.constant 16 : i32
      %mul3A_741 = arith.muli %add3A_739, %mul3A_740 : i32
      %get3A_742 = arith.index_cast %mul3A_741 : i32 to index
      %get3A_743 = tpu.vector_load %arg6[%get3A_742] {strides = array<i32>} : memref<4608xi32, #tpu.memory_space<vmem>>, vector<16xi32>,
      %get3A_744 = vector.shape_cast %get3A_743 : vector<16xi32> to vector<16xi32>
      %sub3A_745 = vector.broadcast %scan3A_369 : i32 to vector<16xi32>
      %sub3A_746 = arith.subi %get3A_744, %sub3A_745 : vector<16xi32>
      %bitcast3A_747 = vector.bitcast %sub3A_746 : vector<16xi32> to vector<16xi32>
      %lt3A_748 = arith.constant 1769472 : i32
      %lt3A_749 = vector.broadcast %lt3A_748 : i32 to vector<16xi32>
      %lt3A_750 = arith.cmpi ult, %bitcast3A_747, %lt3A_749 : vector<16xi32>
      %and3A_751 = arith.constant 16383 : i32
      %and3A_752 = vector.broadcast %and3A_751 : i32 to vector<16xi32>
      %and3A_753 = arith.andi %get3A_744, %and3A_752 : vector<16xi32>
      %add3A_754 = arith.constant 1769472 : i32
      %add3A_755 = vector.broadcast %add3A_754 : i32 to vector<16xi32>
      %add3A_756 = arith.addi %add3A_755, %and3A_753 : vector<16xi32>
      %select_n3A_757 = arith.select %lt3A_750, %sub3A_746, %add3A_756 : vector<16xi1>, vector<16xi32>
      %swap3A_758 = arith.index_cast %mul3A_741 : i32 to index
      %swap3A_759 = tpu.vector_load %arg6[%swap3A_758] {strides = array<i32>} : memref<4608xi32, #tpu.memory_space<vmem>>, vector<16xi32>,
      %swap3A_760 = vector.shape_cast %swap3A_759 : vector<16xi32> to vector<16xi32>
      %swap3A_761 = vector.shape_cast %select_n3A_757 : vector<16xi32> to vector<16xi32>
      tpu.vector_store %arg6[%swap3A_758], %swap3A_761 {strides = array<i32>} : memref<4608xi32, #tpu.memory_space<vmem>>, vector<16xi32>,
      %scan3A_762 = arith.constant 0 : i32
      scf.yield %scan3A_762 : i32
    }
    %scan3A_376 = arith.constant 144 : i32
    %dma_start3A_377 = arith.constant 0 : i32
    %dma_start3A_378 = tpu.memref_slice %arg16[%dma_start3A_377] : memref<1785856xf32, #tpu.memory_space<vmem_shared>> -> memref<1785856xf32, #tpu.memory_space<vmem_shared>>
    tpu.enqueue_indirect_dma source(%arg7 : memref<4608xf32, #tpu.memory_space<vmem>>) target(%dma_start3A_378 : memref<1785856xf32, #tpu.memory_space<vmem_shared>>) offsets(%arg6 : memref<4608xi32, #tpu.memory_space<vmem>>) semaphore(%arg14 : memref<!tpu.dma_semaphore, #tpu.memory_space<semaphore_mem>>) {add = true}
    %mul3A_379 = arith.constant 1 : i32
    %mul3A_380 = arith.constant 4608 : i32
    %mul3A_381 = arith.muli %mul3A_379, %mul3A_380 : i32
    %add3A_382 = arith.addi %add3A, %mul3A_381 : i32
    %multiple_of3A_383 = tpu.assume_multiple %add3A_382, 8 : i32
    %dma_start3A_384 = tpu.memref_slice %arg3[%multiple_of3A_383] : memref<7077888xi32, #tpu.memory_space<hbm>> -> memref<4608xi32, #tpu.memory_space<hbm>>
    %dma_start3A_385 = tpu.memref_slice %arg3[%multiple_of3A_383] : memref<7077888xi32, #tpu.memory_space<hbm>> -> memref<4608xi32, #tpu.memory_space<hbm>>
    tpu.enqueue_dma source(%dma_start3A_385 : memref<4608xi32, #tpu.memory_space<hbm>>) target(%arg8 : memref<4608xi32, #tpu.memory_space<vmem>>) target_semaphore(%arg12 : memref<!tpu.dma_semaphore, #tpu.memory_space<semaphore_mem>>)
    %mul3A_386 = arith.constant 1 : i32
    %mul3A_387 = arith.constant 4608 : i32
    %mul3A_388 = arith.muli %mul3A_386, %mul3A_387 : i32
    %add3A_389 = arith.addi %add3A, %mul3A_388 : i32
    %multiple_of3A_390 = tpu.assume_multiple %add3A_389, 8 : i32
    %dma_start3A_391 = tpu.memref_slice %arg2[%multiple_of3A_390] : memref<7077888xf32, #tpu.memory_space<hbm>> -> memref<4608xf32, #tpu.memory_space<hbm>>
    %dma_start3A_392 = tpu.memref_slice %arg2[%multiple_of3A_390] : memref<7077888xf32, #tpu.memory_space<hbm>> -> memref<4608xf32, #tpu.memory_space<hbm>>
    tpu.enqueue_dma source(%dma_start3A_392 : memref<4608xf32, #tpu.memory_space<hbm>>) target(%arg9 : memref<4608xf32, #tpu.memory_space<vmem>>) target_semaphore(%arg13 : memref<!tpu.dma_semaphore, #tpu.memory_space<semaphore_mem>>)
    %dma_wait3A_393 = arith.constant 0 : i32
    %dma_wait3A_394 = tpu.memref_slice %arg3[%dma_wait3A_393] : memref<7077888xi32, #tpu.memory_space<hbm>> -> memref<4608xi32, #tpu.memory_space<hbm>>
    %dma_wait3A_395 = arith.constant 0 : i32
    %dma_wait3A_396 = tpu.memref_slice %arg3[%dma_wait3A_395] : memref<7077888xi32, #tpu.memory_space<hbm>> -> memref<4608xi32, #tpu.memory_space<hbm>>
    tpu.wait_dma2 semaphore(%arg12 : memref<!tpu.dma_semaphore, #tpu.memory_space<semaphore_mem>>) src(%dma_wait3A_396 : memref<4608xi32, #tpu.memory_space<hbm>>) dst(%arg8 : memref<4608xi32, #tpu.memory_space<vmem>>)
    %dma_wait3A_397 = arith.constant 0 : i32
    %dma_wait3A_398 = tpu.memref_slice %arg2[%dma_wait3A_397] : memref<7077888xf32, #tpu.memory_space<hbm>> -> memref<4608xf32, #tpu.memory_space<hbm>>
    %dma_wait3A_399 = arith.constant 0 : i32
    %dma_wait3A_400 = tpu.memref_slice %arg2[%dma_wait3A_399] : memref<7077888xf32, #tpu.memory_space<hbm>> -> memref<4608xf32, #tpu.memory_space<hbm>>
    tpu.wait_dma2 semaphore(%arg13 : memref<!tpu.dma_semaphore, #tpu.memory_space<semaphore_mem>>) src(%dma_wait3A_400 : memref<4608xf32, #tpu.memory_space<hbm>>) dst(%arg9 : memref<4608xf32, #tpu.memory_space<vmem>>)
    %scan3A_401 = arith.constant 7077888 : i32
    %scan3A_402 = arith.constant 0 : i32
    %scan3A_403 = arith.constant 0 : i32
    %scan3A_404 = arith.constant 144 : i32
    %scan3A_405 = arith.addi %scan3A_403, %scan3A_404 : i32
    %scan3A_406 = arith.constant 1 : i32
    %scan3A_407 = scf.for %scan3A_715 = %scan3A_403 to %scan3A_405 step %scan3A_406 iter_args(%scan3A_716 = %scan3A_402) -> (i32)  : i32 {
      %mul3A_717 = arith.constant 2 : i32
      %mul3A_718 = arith.muli %scan3A_715, %mul3A_717 : i32
      %add3A_719 = arith.constant 0 : i32
      %add3A_720 = arith.addi %mul3A_718, %add3A_719 : i32
      %mul3A_721 = arith.constant 16 : i32
      %mul3A_722 = arith.muli %add3A_720, %mul3A_721 : i32
      %get3A = arith.index_cast %mul3A_722 : i32 to index
      %get3A_723 = tpu.vector_load %arg8[%get3A] {strides = array<i32>} : memref<4608xi32, #tpu.memory_space<vmem>>, vector<16xi32>,
      %get3A_724 = vector.shape_cast %get3A_723 : vector<16xi32> to vector<16xi32>
      %sub3A = vector.broadcast %scan3A_401 : i32 to vector<16xi32>
      %sub3A_725 = arith.subi %get3A_724, %sub3A : vector<16xi32>
      %bitcast3A = vector.bitcast %sub3A_725 : vector<16xi32> to vector<16xi32>
      %lt3A = arith.constant 1769472 : i32
      %lt3A_726 = vector.broadcast %lt3A : i32 to vector<16xi32>
      %lt3A_727 = arith.cmpi ult, %bitcast3A, %lt3A_726 : vector<16xi32>
      %and3A = arith.constant 16383 : i32
      %and3A_728 = vector.broadcast %and3A : i32 to vector<16xi32>
      %and3A_729 = arith.andi %get3A_724, %and3A_728 : vector<16xi32>
      %add3A_730 = arith.constant 1769472 : i32
      %add3A_731 = vector.broadcast %add3A_730 : i32 to vector<16xi32>
      %add3A_732 = arith.addi %add3A_731, %and3A_729 : vector<16xi32>
      %select_n3A = arith.select %lt3A_727, %sub3A_725, %add3A_732 : vector<16xi1>, vector<16xi32>
      %swap3A = arith.index_cast %mul3A_722 : i32 to index
      %swap3A_733 = tpu.vector_load %arg8[%swap3A] {strides = array<i32>} : memref<4608xi32, #tpu.memory_space<vmem>>, vector<16xi32>,
      %swap3A_734 = vector.shape_cast %swap3A_733 : vector<16xi32> to vector<16xi32>
      %swap3A_735 = vector.shape_cast %select_n3A : vector<16xi32> to vector<16xi32>
      tpu.vector_store %arg8[%swap3A], %swap3A_735 {strides = array<i32>} : memref<4608xi32, #tpu.memory_space<vmem>>, vector<16xi32>,
      %mul3A_736 = arith.constant 2 : i32
      %mul3A_737 = arith.muli %scan3A_715, %mul3A_736 : i32
      %add3A_738 = arith.constant 1 : i32
      %add3A_739 = arith.addi %mul3A_737, %add3A_738 : i32
      %mul3A_740 = arith.constant 16 : i32
      %mul3A_741 = arith.muli %add3A_739, %mul3A_740 : i32
      %get3A_742 = arith.index_cast %mul3A_741 : i32 to index
      %get3A_743 = tpu.vector_load %arg8[%get3A_742] {strides = array<i32>} : memref<4608xi32, #tpu.memory_space<vmem>>, vector<16xi32>,
      %get3A_744 = vector.shape_cast %get3A_743 : vector<16xi32> to vector<16xi32>
      %sub3A_745 = vector.broadcast %scan3A_401 : i32 to vector<16xi32>
      %sub3A_746 = arith.subi %get3A_744, %sub3A_745 : vector<16xi32>
      %bitcast3A_747 = vector.bitcast %sub3A_746 : vector<16xi32> to vector<16xi32>
      %lt3A_748 = arith.constant 1769472 : i32
      %lt3A_749 = vector.broadcast %lt3A_748 : i32 to vector<16xi32>
      %lt3A_750 = arith.cmpi ult, %bitcast3A_747, %lt3A_749 : vector<16xi32>
      %and3A_751 = arith.constant 16383 : i32
      %and3A_752 = vector.broadcast %and3A_751 : i32 to vector<16xi32>
      %and3A_753 = arith.andi %get3A_744, %and3A_752 : vector<16xi32>
      %add3A_754 = arith.constant 1769472 : i32
      %add3A_755 = vector.broadcast %add3A_754 : i32 to vector<16xi32>
      %add3A_756 = arith.addi %add3A_755, %and3A_753 : vector<16xi32>
      %select_n3A_757 = arith.select %lt3A_750, %sub3A_746, %add3A_756 : vector<16xi1>, vector<16xi32>
      %swap3A_758 = arith.index_cast %mul3A_741 : i32 to index
      %swap3A_759 = tpu.vector_load %arg8[%swap3A_758] {strides = array<i32>} : memref<4608xi32, #tpu.memory_space<vmem>>, vector<16xi32>,
      %swap3A_760 = vector.shape_cast %swap3A_759 : vector<16xi32> to vector<16xi32>
      %swap3A_761 = vector.shape_cast %select_n3A_757 : vector<16xi32> to vector<16xi32>
      tpu.vector_store %arg8[%swap3A_758], %swap3A_761 {strides = array<i32>} : memref<4608xi32, #tpu.memory_space<vmem>>, vector<16xi32>,
      %scan3A_762 = arith.constant 0 : i32
      scf.yield %scan3A_762 : i32
    }
    %scan3A_408 = arith.constant 144 : i32
    %dma_start3A_409 = arith.constant 0 : i32
    %dma_start3A_410 = tpu.memref_slice %arg16[%dma_start3A_409] : memref<1785856xf32, #tpu.memory_space<vmem_shared>> -> memref<1785856xf32, #tpu.memory_space<vmem_shared>>
    tpu.enqueue_indirect_dma source(%arg9 : memref<4608xf32, #tpu.memory_space<vmem>>) target(%dma_start3A_410 : memref<1785856xf32, #tpu.memory_space<vmem_shared>>) offsets(%arg8 : memref<4608xi32, #tpu.memory_space<vmem>>) semaphore(%arg15 : memref<!tpu.dma_semaphore, #tpu.memory_space<semaphore_mem>>) {add = true}
    %dma_wait3A_411 = arith.constant 0 : i32
    %dma_wait3A_412 = tpu.memref_slice %arg16[%dma_wait3A_411] : memref<1785856xf32, #tpu.memory_space<vmem_shared>> -> memref<1785856xf32, #tpu.memory_space<vmem_shared>>
    tpu.wait_indirect_dma semaphore(%arg14 : memref<!tpu.dma_semaphore, #tpu.memory_space<semaphore_mem>>) src(%arg7 : memref<4608xf32, #tpu.memory_space<vmem>>) dst(%dma_wait3A_412 : memref<1785856xf32, #tpu.memory_space<vmem_shared>>)
    %mul3A_413 = arith.constant 2 : i32
    %mul3A_414 = arith.constant 4608 : i32
    %mul3A_415 = arith.muli %mul3A_413, %mul3A_414 : i32
    %add3A_416 = arith.addi %add3A, %mul3A_415 : i32
    %multiple_of3A_417 = tpu.assume_multiple %add3A_416, 8 : i32
    %dma_start3A_418 = tpu.memref_slice %arg3[%multiple_of3A_417] : memref<7077888xi32, #tpu.memory_space<hbm>> -> memref<4608xi32, #tpu.memory_space<hbm>>
    %dma_start3A_419 = tpu.memref_slice %arg3[%multiple_of3A_417] : memref<7077888xi32, #tpu.memory_space<hbm>> -> memref<4608xi32, #tpu.memory_space<hbm>>
    tpu.enqueue_dma source(%dma_start3A_419 : memref<4608xi32, #tpu.memory_space<hbm>>) target(%arg6 : memref<4608xi32, #tpu.memory_space<vmem>>) target_semaphore(%arg10 : memref<!tpu.dma_semaphore, #tpu.memory_space<semaphore_mem>>)
    %mul3A_420 = arith.constant 2 : i32
    %mul3A_421 = arith.constant 4608 : i32
    %mul3A_422 = arith.muli %mul3A_420, %mul3A_421 : i32
    %add3A_423 = arith.addi %add3A, %mul3A_422 : i32
    %multiple_of3A_424 = tpu.assume_multiple %add3A_423, 8 : i32
    %dma_start3A_425 = tpu.memref_slice %arg2[%multiple_of3A_424] : memref<7077888xf32, #tpu.memory_space<hbm>> -> memref<4608xf32, #tpu.memory_space<hbm>>
    %dma_start3A_426 = tpu.memref_slice %arg2[%multiple_of3A_424] : memref<7077888xf32, #tpu.memory_space<hbm>> -> memref<4608xf32, #tpu.memory_space<hbm>>
    tpu.enqueue_dma source(%dma_start3A_426 : memref<4608xf32, #tpu.memory_space<hbm>>) target(%arg7 : memref<4608xf32, #tpu.memory_space<vmem>>) target_semaphore(%arg11 : memref<!tpu.dma_semaphore, #tpu.memory_space<semaphore_mem>>)
    %scan3A_427 = arith.constant 7077888 : i32
    %scan3A_428 = arith.constant 0 : i32
    %scan3A_429 = arith.constant 1 : i32
    %scan3A_430 = arith.constant 23 : i32
    %scan3A_431 = arith.addi %scan3A_429, %scan3A_430 : i32
    %scan3A_432 = arith.constant 1 : i32
    %scan3A_433 = scf.for %scan3A_715 = %scan3A_429 to %scan3A_431 step %scan3A_432 iter_args(%scan3A_716 = %scan3A_428) -> (i32)  : i32 {
      %mul3A_717 = arith.constant 2 : i32
      %mul3A_718 = arith.muli %scan3A_715, %mul3A_717 : i32
      %dma_wait3A_719 = arith.constant 0 : i32
      %dma_wait3A_720 = tpu.memref_slice %arg3[%dma_wait3A_719] : memref<7077888xi32, #tpu.memory_space<hbm>> -> memref<4608xi32, #tpu.memory_space<hbm>>
      %dma_wait3A_721 = arith.constant 0 : i32
      %dma_wait3A_722 = tpu.memref_slice %arg3[%dma_wait3A_721] : memref<7077888xi32, #tpu.memory_space<hbm>> -> memref<4608xi32, #tpu.memory_space<hbm>>
      tpu.wait_dma2 semaphore(%arg10 : memref<!tpu.dma_semaphore, #tpu.memory_space<semaphore_mem>>) src(%dma_wait3A_722 : memref<4608xi32, #tpu.memory_space<hbm>>) dst(%arg6 : memref<4608xi32, #tpu.memory_space<vmem>>)
      %dma_wait3A_723 = arith.constant 0 : i32
      %dma_wait3A_724 = tpu.memref_slice %arg2[%dma_wait3A_723] : memref<7077888xf32, #tpu.memory_space<hbm>> -> memref<4608xf32, #tpu.memory_space<hbm>>
      %dma_wait3A_725 = arith.constant 0 : i32
      %dma_wait3A_726 = tpu.memref_slice %arg2[%dma_wait3A_725] : memref<7077888xf32, #tpu.memory_space<hbm>> -> memref<4608xf32, #tpu.memory_space<hbm>>
      tpu.wait_dma2 semaphore(%arg11 : memref<!tpu.dma_semaphore, #tpu.memory_space<semaphore_mem>>) src(%dma_wait3A_726 : memref<4608xf32, #tpu.memory_space<hbm>>) dst(%arg7 : memref<4608xf32, #tpu.memory_space<vmem>>)
      %scan3A_727 = arith.constant 0 : i32
      %scan3A_728 = arith.constant 0 : i32
      %scan3A_729 = arith.constant 144 : i32
      %scan3A_730 = arith.addi %scan3A_728, %scan3A_729 : i32
      %scan3A_731 = arith.constant 1 : i32
      %scan3A_732 = scf.for %scan3A_787 = %scan3A_728 to %scan3A_730 step %scan3A_731 iter_args(%scan3A_788 = %scan3A_727) -> (i32)  : i32 {
        %mul3A_789 = arith.constant 2 : i32
        %mul3A_790 = arith.muli %scan3A_787, %mul3A_789 : i32
        %add3A_791 = arith.constant 0 : i32
        %add3A_792 = arith.addi %mul3A_790, %add3A_791 : i32
        %mul3A_793 = arith.constant 16 : i32
        %mul3A_794 = arith.muli %add3A_792, %mul3A_793 : i32
        %get3A = arith.index_cast %mul3A_794 : i32 to index
        %get3A_795 = tpu.vector_load %arg6[%get3A] {strides = array<i32>} : memref<4608xi32, #tpu.memory_space<vmem>>, vector<16xi32>,
        %get3A_796 = vector.shape_cast %get3A_795 : vector<16xi32> to vector<16xi32>
        %sub3A = vector.broadcast %scan3A_427 : i32 to vector<16xi32>
        %sub3A_797 = arith.subi %get3A_796, %sub3A : vector<16xi32>
        %bitcast3A = vector.bitcast %sub3A_797 : vector<16xi32> to vector<16xi32>
        %lt3A = arith.constant 1769472 : i32
        %lt3A_798 = vector.broadcast %lt3A : i32 to vector<16xi32>
        %lt3A_799 = arith.cmpi ult, %bitcast3A, %lt3A_798 : vector<16xi32>
        %and3A = arith.constant 16383 : i32
        %and3A_800 = vector.broadcast %and3A : i32 to vector<16xi32>
        %and3A_801 = arith.andi %get3A_796, %and3A_800 : vector<16xi32>
        %add3A_802 = arith.constant 1769472 : i32
        %add3A_803 = vector.broadcast %add3A_802 : i32 to vector<16xi32>
        %add3A_804 = arith.addi %add3A_803, %and3A_801 : vector<16xi32>
        %select_n3A = arith.select %lt3A_799, %sub3A_797, %add3A_804 : vector<16xi1>, vector<16xi32>
        %swap3A = arith.index_cast %mul3A_794 : i32 to index
        %swap3A_805 = tpu.vector_load %arg6[%swap3A] {strides = array<i32>} : memref<4608xi32, #tpu.memory_space<vmem>>, vector<16xi32>,
        %swap3A_806 = vector.shape_cast %swap3A_805 : vector<16xi32> to vector<16xi32>
        %swap3A_807 = vector.shape_cast %select_n3A : vector<16xi32> to vector<16xi32>
        tpu.vector_store %arg6[%swap3A], %swap3A_807 {strides = array<i32>} : memref<4608xi32, #tpu.memory_space<vmem>>, vector<16xi32>,
        %mul3A_808 = arith.constant 2 : i32
        %mul3A_809 = arith.muli %scan3A_787, %mul3A_808 : i32
        %add3A_810 = arith.constant 1 : i32
        %add3A_811 = arith.addi %mul3A_809, %add3A_810 : i32
        %mul3A_812 = arith.constant 16 : i32
        %mul3A_813 = arith.muli %add3A_811, %mul3A_812 : i32
        %get3A_814 = arith.index_cast %mul3A_813 : i32 to index
        %get3A_815 = tpu.vector_load %arg6[%get3A_814] {strides = array<i32>} : memref<4608xi32, #tpu.memory_space<vmem>>, vector<16xi32>,
        %get3A_816 = vector.shape_cast %get3A_815 : vector<16xi32> to vector<16xi32>
        %sub3A_817 = vector.broadcast %scan3A_427 : i32 to vector<16xi32>
        %sub3A_818 = arith.subi %get3A_816, %sub3A_817 : vector<16xi32>
        %bitcast3A_819 = vector.bitcast %sub3A_818 : vector<16xi32> to vector<16xi32>
        %lt3A_820 = arith.constant 1769472 : i32
        %lt3A_821 = vector.broadcast %lt3A_820 : i32 to vector<16xi32>
        %lt3A_822 = arith.cmpi ult, %bitcast3A_819, %lt3A_821 : vector<16xi32>
        %and3A_823 = arith.constant 16383 : i32
        %and3A_824 = vector.broadcast %and3A_823 : i32 to vector<16xi32>
        %and3A_825 = arith.andi %get3A_816, %and3A_824 : vector<16xi32>
        %add3A_826 = arith.constant 1769472 : i32
        %add3A_827 = vector.broadcast %add3A_826 : i32 to vector<16xi32>
        %add3A_828 = arith.addi %add3A_827, %and3A_825 : vector<16xi32>
        %select_n3A_829 = arith.select %lt3A_822, %sub3A_818, %add3A_828 : vector<16xi1>, vector<16xi32>
        %swap3A_830 = arith.index_cast %mul3A_813 : i32 to index
        %swap3A_831 = tpu.vector_load %arg6[%swap3A_830] {strides = array<i32>} : memref<4608xi32, #tpu.memory_space<vmem>>, vector<16xi32>,
        %swap3A_832 = vector.shape_cast %swap3A_831 : vector<16xi32> to vector<16xi32>
        %swap3A_833 = vector.shape_cast %select_n3A_829 : vector<16xi32> to vector<16xi32>
        tpu.vector_store %arg6[%swap3A_830], %swap3A_833 {strides = array<i32>} : memref<4608xi32, #tpu.memory_space<vmem>>, vector<16xi32>,
        %scan3A_834 = arith.constant 0 : i32
        scf.yield %scan3A_834 : i32
      }
      %scan3A_733 = arith.constant 144 : i32
      %dma_start3A_734 = arith.constant 0 : i32
      %dma_start3A_735 = tpu.memref_slice %arg16[%dma_start3A_734] : memref<1785856xf32, #tpu.memory_space<vmem_shared>> -> memref<1785856xf32, #tpu.memory_space<vmem_shared>>
      tpu.enqueue_indirect_dma source(%arg7 : memref<4608xf32, #tpu.memory_space<vmem>>) target(%dma_start3A_735 : memref<1785856xf32, #tpu.memory_space<vmem_shared>>) offsets(%arg6 : memref<4608xi32, #tpu.memory_space<vmem>>) semaphore(%arg14 : memref<!tpu.dma_semaphore, #tpu.memory_space<semaphore_mem>>) {add = true}
      %dma_wait3A_736 = arith.constant 0 : i32
      %dma_wait3A_737 = tpu.memref_slice %arg16[%dma_wait3A_736] : memref<1785856xf32, #tpu.memory_space<vmem_shared>> -> memref<1785856xf32, #tpu.memory_space<vmem_shared>>
      tpu.wait_indirect_dma semaphore(%arg15 : memref<!tpu.dma_semaphore, #tpu.memory_space<semaphore_mem>>) src(%arg9 : memref<4608xf32, #tpu.memory_space<vmem>>) dst(%dma_wait3A_737 : memref<1785856xf32, #tpu.memory_space<vmem_shared>>)
      %add3A_738 = arith.constant 1 : i32
      %add3A_739 = arith.addi %mul3A_718, %add3A_738 : i32
      %mul3A_740 = arith.constant 4608 : i32
      %mul3A_741 = arith.muli %add3A_739, %mul3A_740 : i32
      %add3A_742 = arith.addi %add3A, %mul3A_741 : i32
      %multiple_of3A_743 = tpu.assume_multiple %add3A_742, 8 : i32
      %dma_start3A_744 = tpu.memref_slice %arg3[%multiple_of3A_743] : memref<7077888xi32, #tpu.memory_space<hbm>> -> memref<4608xi32, #tpu.memory_space<hbm>>
      %dma_start3A_745 = tpu.memref_slice %arg3[%multiple_of3A_743] : memref<7077888xi32, #tpu.memory_space<hbm>> -> memref<4608xi32, #tpu.memory_space<hbm>>
      tpu.enqueue_dma source(%dma_start3A_745 : memref<4608xi32, #tpu.memory_space<hbm>>) target(%arg8 : memref<4608xi32, #tpu.memory_space<vmem>>) target_semaphore(%arg12 : memref<!tpu.dma_semaphore, #tpu.memory_space<semaphore_mem>>)
      %mul3A_746 = arith.constant 4608 : i32
      %mul3A_747 = arith.muli %add3A_739, %mul3A_746 : i32
      %add3A_748 = arith.addi %add3A, %mul3A_747 : i32
      %multiple_of3A_749 = tpu.assume_multiple %add3A_748, 8 : i32
      %dma_start3A_750 = tpu.memref_slice %arg2[%multiple_of3A_749] : memref<7077888xf32, #tpu.memory_space<hbm>> -> memref<4608xf32, #tpu.memory_space<hbm>>
      %dma_start3A_751 = tpu.memref_slice %arg2[%multiple_of3A_749] : memref<7077888xf32, #tpu.memory_space<hbm>> -> memref<4608xf32, #tpu.memory_space<hbm>>
      tpu.enqueue_dma source(%dma_start3A_751 : memref<4608xf32, #tpu.memory_space<hbm>>) target(%arg9 : memref<4608xf32, #tpu.memory_space<vmem>>) target_semaphore(%arg13 : memref<!tpu.dma_semaphore, #tpu.memory_space<semaphore_mem>>)
      %dma_wait3A_752 = arith.constant 0 : i32
      %dma_wait3A_753 = tpu.memref_slice %arg3[%dma_wait3A_752] : memref<7077888xi32, #tpu.memory_space<hbm>> -> memref<4608xi32, #tpu.memory_space<hbm>>
      %dma_wait3A_754 = arith.constant 0 : i32
      %dma_wait3A_755 = tpu.memref_slice %arg3[%dma_wait3A_754] : memref<7077888xi32, #tpu.memory_space<hbm>> -> memref<4608xi32, #tpu.memory_space<hbm>>
      tpu.wait_dma2 semaphore(%arg12 : memref<!tpu.dma_semaphore, #tpu.memory_space<semaphore_mem>>) src(%dma_wait3A_755 : memref<4608xi32, #tpu.memory_space<hbm>>) dst(%arg8 : memref<4608xi32, #tpu.memory_space<vmem>>)
      %dma_wait3A_756 = arith.constant 0 : i32
      %dma_wait3A_757 = tpu.memref_slice %arg2[%dma_wait3A_756] : memref<7077888xf32, #tpu.memory_space<hbm>> -> memref<4608xf32, #tpu.memory_space<hbm>>
      %dma_wait3A_758 = arith.constant 0 : i32
      %dma_wait3A_759 = tpu.memref_slice %arg2[%dma_wait3A_758] : memref<7077888xf32, #tpu.memory_space<hbm>> -> memref<4608xf32, #tpu.memory_space<hbm>>
      tpu.wait_dma2 semaphore(%arg13 : memref<!tpu.dma_semaphore, #tpu.memory_space<semaphore_mem>>) src(%dma_wait3A_759 : memref<4608xf32, #tpu.memory_space<hbm>>) dst(%arg9 : memref<4608xf32, #tpu.memory_space<vmem>>)
      %scan3A_760 = arith.constant 0 : i32
      %scan3A_761 = arith.constant 0 : i32
      %scan3A_762 = arith.constant 144 : i32
      %scan3A_763 = arith.addi %scan3A_761, %scan3A_762 : i32
      %scan3A_764 = arith.constant 1 : i32
      %scan3A_765 = scf.for %scan3A_787 = %scan3A_761 to %scan3A_763 step %scan3A_764 iter_args(%scan3A_788 = %scan3A_760) -> (i32)  : i32 {
        %mul3A_789 = arith.constant 2 : i32
        %mul3A_790 = arith.muli %scan3A_787, %mul3A_789 : i32
        %add3A_791 = arith.constant 0 : i32
        %add3A_792 = arith.addi %mul3A_790, %add3A_791 : i32
        %mul3A_793 = arith.constant 16 : i32
        %mul3A_794 = arith.muli %add3A_792, %mul3A_793 : i32
        %get3A = arith.index_cast %mul3A_794 : i32 to index
        %get3A_795 = tpu.vector_load %arg8[%get3A] {strides = array<i32>} : memref<4608xi32, #tpu.memory_space<vmem>>, vector<16xi32>,
        %get3A_796 = vector.shape_cast %get3A_795 : vector<16xi32> to vector<16xi32>
        %sub3A = vector.broadcast %scan3A_427 : i32 to vector<16xi32>
        %sub3A_797 = arith.subi %get3A_796, %sub3A : vector<16xi32>
        %bitcast3A = vector.bitcast %sub3A_797 : vector<16xi32> to vector<16xi32>
        %lt3A = arith.constant 1769472 : i32
        %lt3A_798 = vector.broadcast %lt3A : i32 to vector<16xi32>
        %lt3A_799 = arith.cmpi ult, %bitcast3A, %lt3A_798 : vector<16xi32>
        %and3A = arith.constant 16383 : i32
        %and3A_800 = vector.broadcast %and3A : i32 to vector<16xi32>
        %and3A_801 = arith.andi %get3A_796, %and3A_800 : vector<16xi32>
        %add3A_802 = arith.constant 1769472 : i32
        %add3A_803 = vector.broadcast %add3A_802 : i32 to vector<16xi32>
        %add3A_804 = arith.addi %add3A_803, %and3A_801 : vector<16xi32>
        %select_n3A = arith.select %lt3A_799, %sub3A_797, %add3A_804 : vector<16xi1>, vector<16xi32>
        %swap3A = arith.index_cast %mul3A_794 : i32 to index
        %swap3A_805 = tpu.vector_load %arg8[%swap3A] {strides = array<i32>} : memref<4608xi32, #tpu.memory_space<vmem>>, vector<16xi32>,
        %swap3A_806 = vector.shape_cast %swap3A_805 : vector<16xi32> to vector<16xi32>
        %swap3A_807 = vector.shape_cast %select_n3A : vector<16xi32> to vector<16xi32>
        tpu.vector_store %arg8[%swap3A], %swap3A_807 {strides = array<i32>} : memref<4608xi32, #tpu.memory_space<vmem>>, vector<16xi32>,
        %mul3A_808 = arith.constant 2 : i32
        %mul3A_809 = arith.muli %scan3A_787, %mul3A_808 : i32
        %add3A_810 = arith.constant 1 : i32
        %add3A_811 = arith.addi %mul3A_809, %add3A_810 : i32
        %mul3A_812 = arith.constant 16 : i32
        %mul3A_813 = arith.muli %add3A_811, %mul3A_812 : i32
        %get3A_814 = arith.index_cast %mul3A_813 : i32 to index
        %get3A_815 = tpu.vector_load %arg8[%get3A_814] {strides = array<i32>} : memref<4608xi32, #tpu.memory_space<vmem>>, vector<16xi32>,
        %get3A_816 = vector.shape_cast %get3A_815 : vector<16xi32> to vector<16xi32>
        %sub3A_817 = vector.broadcast %scan3A_427 : i32 to vector<16xi32>
        %sub3A_818 = arith.subi %get3A_816, %sub3A_817 : vector<16xi32>
        %bitcast3A_819 = vector.bitcast %sub3A_818 : vector<16xi32> to vector<16xi32>
        %lt3A_820 = arith.constant 1769472 : i32
        %lt3A_821 = vector.broadcast %lt3A_820 : i32 to vector<16xi32>
        %lt3A_822 = arith.cmpi ult, %bitcast3A_819, %lt3A_821 : vector<16xi32>
        %and3A_823 = arith.constant 16383 : i32
        %and3A_824 = vector.broadcast %and3A_823 : i32 to vector<16xi32>
        %and3A_825 = arith.andi %get3A_816, %and3A_824 : vector<16xi32>
        %add3A_826 = arith.constant 1769472 : i32
        %add3A_827 = vector.broadcast %add3A_826 : i32 to vector<16xi32>
        %add3A_828 = arith.addi %add3A_827, %and3A_825 : vector<16xi32>
        %select_n3A_829 = arith.select %lt3A_822, %sub3A_818, %add3A_828 : vector<16xi1>, vector<16xi32>
        %swap3A_830 = arith.index_cast %mul3A_813 : i32 to index
        %swap3A_831 = tpu.vector_load %arg8[%swap3A_830] {strides = array<i32>} : memref<4608xi32, #tpu.memory_space<vmem>>, vector<16xi32>,
        %swap3A_832 = vector.shape_cast %swap3A_831 : vector<16xi32> to vector<16xi32>
        %swap3A_833 = vector.shape_cast %select_n3A_829 : vector<16xi32> to vector<16xi32>
        tpu.vector_store %arg8[%swap3A_830], %swap3A_833 {strides = array<i32>} : memref<4608xi32, #tpu.memory_space<vmem>>, vector<16xi32>,
        %scan3A_834 = arith.constant 0 : i32
        scf.yield %scan3A_834 : i32
      }
      %scan3A_766 = arith.constant 144 : i32
      %dma_start3A_767 = arith.constant 0 : i32
      %dma_start3A_768 = tpu.memref_slice %arg16[%dma_start3A_767] : memref<1785856xf32, #tpu.memory_space<vmem_shared>> -> memref<1785856xf32, #tpu.memory_space<vmem_shared>>
      tpu.enqueue_indirect_dma source(%arg9 : memref<4608xf32, #tpu.memory_space<vmem>>) target(%dma_start3A_768 : memref<1785856xf32, #tpu.memory_space<vmem_shared>>) offsets(%arg8 : memref<4608xi32, #tpu.memory_space<vmem>>) semaphore(%arg15 : memref<!tpu.dma_semaphore, #tpu.memory_space<semaphore_mem>>) {add = true}
      %dma_wait3A_769 = arith.constant 0 : i32
      %dma_wait3A_770 = tpu.memref_slice %arg16[%dma_wait3A_769] : memref<1785856xf32, #tpu.memory_space<vmem_shared>> -> memref<1785856xf32, #tpu.memory_space<vmem_shared>>
      tpu.wait_indirect_dma semaphore(%arg14 : memref<!tpu.dma_semaphore, #tpu.memory_space<semaphore_mem>>) src(%arg7 : memref<4608xf32, #tpu.memory_space<vmem>>) dst(%dma_wait3A_770 : memref<1785856xf32, #tpu.memory_space<vmem_shared>>)
      %add3A_771 = arith.constant 2 : i32
      %add3A_772 = arith.addi %mul3A_718, %add3A_771 : i32
      %rem3A = arith.constant 48 : i32
      %rem3A_773 = arith.remsi %add3A_772, %rem3A : i32
      %mul3A_774 = arith.constant 4608 : i32
      %mul3A_775 = arith.muli %rem3A_773, %mul3A_774 : i32
      %add3A_776 = arith.addi %add3A, %mul3A_775 : i32
      %multiple_of3A_777 = tpu.assume_multiple %add3A_776, 8 : i32
      %dma_start3A_778 = tpu.memref_slice %arg3[%multiple_of3A_777] : memref<7077888xi32, #tpu.memory_space<hbm>> -> memref<4608xi32, #tpu.memory_space<hbm>>
      %dma_start3A_779 = tpu.memref_slice %arg3[%multiple_of3A_777] : memref<7077888xi32, #tpu.memory_space<hbm>> -> memref<4608xi32, #tpu.memory_space<hbm>>
      tpu.enqueue_dma source(%dma_start3A_779 : memref<4608xi32, #tpu.memory_space<hbm>>) target(%arg6 : memref<4608xi32, #tpu.memory_space<vmem>>) target_semaphore(%arg10 : memref<!tpu.dma_semaphore, #tpu.memory_space<semaphore_mem>>)
      %mul3A_780 = arith.constant 4608 : i32
      %mul3A_781 = arith.muli %rem3A_773, %mul3A_780 : i32
      %add3A_782 = arith.addi %add3A, %mul3A_781 : i32
      %multiple_of3A_783 = tpu.assume_multiple %add3A_782, 8 : i32
      %dma_start3A_784 = tpu.memref_slice %arg2[%multiple_of3A_783] : memref<7077888xf32, #tpu.memory_space<hbm>> -> memref<4608xf32, #tpu.memory_space<hbm>>
      %dma_start3A_785 = tpu.memref_slice %arg2[%multiple_of3A_783] : memref<7077888xf32, #tpu.memory_space<hbm>> -> memref<4608xf32, #tpu.memory_space<hbm>>
      tpu.enqueue_dma source(%dma_start3A_785 : memref<4608xf32, #tpu.memory_space<hbm>>) target(%arg7 : memref<4608xf32, #tpu.memory_space<vmem>>) target_semaphore(%arg11 : memref<!tpu.dma_semaphore, #tpu.memory_space<semaphore_mem>>)
      %scan3A_786 = arith.constant 0 : i32
      scf.yield %scan3A_786 : i32
    }
    %scan3A_434 = arith.constant 23 : i32
    %dma_wait3A_435 = arith.constant 0 : i32
    %dma_wait3A_436 = tpu.memref_slice %arg16[%dma_wait3A_435] : memref<1785856xf32, #tpu.memory_space<vmem_shared>> -> memref<1785856xf32, #tpu.memory_space<vmem_shared>>
    tpu.wait_indirect_dma semaphore(%arg15 : memref<!tpu.dma_semaphore, #tpu.memory_space<semaphore_mem>>) src(%arg9 : memref<4608xf32, #tpu.memory_space<vmem>>) dst(%dma_wait3A_436 : memref<1785856xf32, #tpu.memory_space<vmem_shared>>)
    %barrier3A_437 = arith.constant 0 : index
    tpu.barrier barrier_id(%barrier3A_437)
    %mul3A_438 = arith.constant 110592 : i32
    %mul3A_439 = arith.muli %arg1, %mul3A_438 : i32
    %add3A_440 = arith.constant 7077888 : i32
    %add3A_441 = arith.addi %mul3A_2, %add3A_440 : i32
    %mul3A_442 = arith.constant 110592 : i32
    %mul3A_443 = arith.muli %arg1, %mul3A_442 : i32
    %add3A_444 = arith.addi %add3A_441, %mul3A_443 : i32
    "tpu.region"() ({
      %run_scoped3A = tpu.sem_alloc : memref<!tpu.dma_semaphore, #tpu.memory_space<semaphore_mem>>
      %dma_start3A_715 = tpu.memref_slice %arg5[%add3A_444] : memref<28311552xf32, #tpu.memory_space<hbm>> -> memref<110592xf32, #tpu.memory_space<hbm>>
      %dma_start3A_716 = tpu.memref_slice %arg16[%mul3A_439] : memref<1785856xf32, #tpu.memory_space<vmem_shared>> -> memref<110592xf32, #tpu.memory_space<vmem_shared>>
      tpu.enqueue_dma source(%dma_start3A_716 : memref<110592xf32, #tpu.memory_space<vmem_shared>>) target(%dma_start3A_715 : memref<110592xf32, #tpu.memory_space<hbm>>) target_semaphore(%run_scoped3A : memref<!tpu.dma_semaphore, #tpu.memory_space<semaphore_mem>>)
      %dma_wait3A_717 = tpu.memref_slice %arg5[%add3A_444] : memref<28311552xf32, #tpu.memory_space<hbm>> -> memref<110592xf32, #tpu.memory_space<hbm>>
      %dma_wait3A_718 = tpu.memref_slice %arg16[%mul3A_439] : memref<1785856xf32, #tpu.memory_space<vmem_shared>> -> memref<110592xf32, #tpu.memory_space<vmem_shared>>
      tpu.wait_dma2 semaphore(%run_scoped3A : memref<!tpu.dma_semaphore, #tpu.memory_space<semaphore_mem>>) src(%dma_wait3A_718 : memref<110592xf32, #tpu.memory_space<vmem_shared>>) dst(%dma_wait3A_717 : memref<110592xf32, #tpu.memory_space<hbm>>)
      tpu.yield
    }) : () -> ()
    %mul3A_445 = arith.constant 110592 : i32
    %mul3A_446 = arith.muli %arg1, %mul3A_445 : i32
    "tpu.region"() ({
      %run_scoped3A = tpu.sem_alloc : memref<!tpu.dma_semaphore, #tpu.memory_space<semaphore_mem>>
      %dma_start3A_715 = tpu.memref_slice %arg16[%mul3A_446] : memref<1785856xf32, #tpu.memory_space<vmem_shared>> -> memref<110592xf32, #tpu.memory_space<vmem_shared>>
      tpu.enqueue_dma source(%arg4 : memref<110592xf32, #tpu.memory_space<hbm>>) target(%dma_start3A_715 : memref<110592xf32, #tpu.memory_space<vmem_shared>>) target_semaphore(%run_scoped3A : memref<!tpu.dma_semaphore, #tpu.memory_space<semaphore_mem>>)
      %dma_wait3A_716 = tpu.memref_slice %arg16[%mul3A_446] : memref<1785856xf32, #tpu.memory_space<vmem_shared>> -> memref<110592xf32, #tpu.memory_space<vmem_shared>>
      tpu.wait_dma2 semaphore(%run_scoped3A : memref<!tpu.dma_semaphore, #tpu.memory_space<semaphore_mem>>) src(%arg4 : memref<110592xf32, #tpu.memory_space<hbm>>) dst(%dma_wait3A_716 : memref<110592xf32, #tpu.memory_space<vmem_shared>>)
      tpu.yield
    }) : () -> ()
    %barrier3A_447 = arith.constant 0 : index
    tpu.barrier barrier_id(%barrier3A_447)
    %dma_wait3A_448 = arith.constant 0 : i32
    %dma_wait3A_449 = tpu.memref_slice %arg3[%dma_wait3A_448] : memref<7077888xi32, #tpu.memory_space<hbm>> -> memref<4608xi32, #tpu.memory_space<hbm>>
    %dma_wait3A_450 = arith.constant 0 : i32
    %dma_wait3A_451 = tpu.memref_slice %arg3[%dma_wait3A_450] : memref<7077888xi32, #tpu.memory_space<hbm>> -> memref<4608xi32, #tpu.memory_space<hbm>>
    tpu.wait_dma2 semaphore(%arg10 : memref<!tpu.dma_semaphore, #tpu.memory_space<semaphore_mem>>) src(%dma_wait3A_451 : memref<4608xi32, #tpu.memory_space<hbm>>) dst(%arg6 : memref<4608xi32, #tpu.memory_space<vmem>>)
    %dma_wait3A_452 = arith.constant 0 : i32
    %dma_wait3A_453 = tpu.memref_slice %arg2[%dma_wait3A_452] : memref<7077888xf32, #tpu.memory_space<hbm>> -> memref<4608xf32, #tpu.memory_space<hbm>>
    %dma_wait3A_454 = arith.constant 0 : i32
    %dma_wait3A_455 = tpu.memref_slice %arg2[%dma_wait3A_454] : memref<7077888xf32, #tpu.memory_space<hbm>> -> memref<4608xf32, #tpu.memory_space<hbm>>
    tpu.wait_dma2 semaphore(%arg11 : memref<!tpu.dma_semaphore, #tpu.memory_space<semaphore_mem>>) src(%dma_wait3A_455 : memref<4608xf32, #tpu.memory_space<hbm>>) dst(%arg7 : memref<4608xf32, #tpu.memory_space<vmem>>)
    %scan3A_456 = arith.constant 8847360 : i32
    %scan3A_457 = arith.constant 0 : i32
    %scan3A_458 = arith.constant 0 : i32
    %scan3A_459 = arith.constant 144 : i32
    %scan3A_460 = arith.addi %scan3A_458, %scan3A_459 : i32
    %scan3A_461 = arith.constant 1 : i32
    %scan3A_462 = scf.for %scan3A_715 = %scan3A_458 to %scan3A_460 step %scan3A_461 iter_args(%scan3A_716 = %scan3A_457) -> (i32)  : i32 {
      %mul3A_717 = arith.constant 2 : i32
      %mul3A_718 = arith.muli %scan3A_715, %mul3A_717 : i32
      %add3A_719 = arith.constant 0 : i32
      %add3A_720 = arith.addi %mul3A_718, %add3A_719 : i32
      %mul3A_721 = arith.constant 16 : i32
      %mul3A_722 = arith.muli %add3A_720, %mul3A_721 : i32
      %get3A = arith.index_cast %mul3A_722 : i32 to index
      %get3A_723 = tpu.vector_load %arg6[%get3A] {strides = array<i32>} : memref<4608xi32, #tpu.memory_space<vmem>>, vector<16xi32>,
      %get3A_724 = vector.shape_cast %get3A_723 : vector<16xi32> to vector<16xi32>
      %sub3A = vector.broadcast %scan3A_456 : i32 to vector<16xi32>
      %sub3A_725 = arith.subi %get3A_724, %sub3A : vector<16xi32>
      %bitcast3A = vector.bitcast %sub3A_725 : vector<16xi32> to vector<16xi32>
      %lt3A = arith.constant 1769472 : i32
      %lt3A_726 = vector.broadcast %lt3A : i32 to vector<16xi32>
      %lt3A_727 = arith.cmpi ult, %bitcast3A, %lt3A_726 : vector<16xi32>
      %and3A = arith.constant 16383 : i32
      %and3A_728 = vector.broadcast %and3A : i32 to vector<16xi32>
      %and3A_729 = arith.andi %get3A_724, %and3A_728 : vector<16xi32>
      %add3A_730 = arith.constant 1769472 : i32
      %add3A_731 = vector.broadcast %add3A_730 : i32 to vector<16xi32>
      %add3A_732 = arith.addi %add3A_731, %and3A_729 : vector<16xi32>
      %select_n3A = arith.select %lt3A_727, %sub3A_725, %add3A_732 : vector<16xi1>, vector<16xi32>
      %swap3A = arith.index_cast %mul3A_722 : i32 to index
      %swap3A_733 = tpu.vector_load %arg6[%swap3A] {strides = array<i32>} : memref<4608xi32, #tpu.memory_space<vmem>>, vector<16xi32>,
      %swap3A_734 = vector.shape_cast %swap3A_733 : vector<16xi32> to vector<16xi32>
      %swap3A_735 = vector.shape_cast %select_n3A : vector<16xi32> to vector<16xi32>
      tpu.vector_store %arg6[%swap3A], %swap3A_735 {strides = array<i32>} : memref<4608xi32, #tpu.memory_space<vmem>>, vector<16xi32>,
      %mul3A_736 = arith.constant 2 : i32
      %mul3A_737 = arith.muli %scan3A_715, %mul3A_736 : i32
      %add3A_738 = arith.constant 1 : i32
      %add3A_739 = arith.addi %mul3A_737, %add3A_738 : i32
      %mul3A_740 = arith.constant 16 : i32
      %mul3A_741 = arith.muli %add3A_739, %mul3A_740 : i32
      %get3A_742 = arith.index_cast %mul3A_741 : i32 to index
      %get3A_743 = tpu.vector_load %arg6[%get3A_742] {strides = array<i32>} : memref<4608xi32, #tpu.memory_space<vmem>>, vector<16xi32>,
      %get3A_744 = vector.shape_cast %get3A_743 : vector<16xi32> to vector<16xi32>
      %sub3A_745 = vector.broadcast %scan3A_456 : i32 to vector<16xi32>
      %sub3A_746 = arith.subi %get3A_744, %sub3A_745 : vector<16xi32>
      %bitcast3A_747 = vector.bitcast %sub3A_746 : vector<16xi32> to vector<16xi32>
      %lt3A_748 = arith.constant 1769472 : i32
      %lt3A_749 = vector.broadcast %lt3A_748 : i32 to vector<16xi32>
      %lt3A_750 = arith.cmpi ult, %bitcast3A_747, %lt3A_749 : vector<16xi32>
      %and3A_751 = arith.constant 16383 : i32
      %and3A_752 = vector.broadcast %and3A_751 : i32 to vector<16xi32>
      %and3A_753 = arith.andi %get3A_744, %and3A_752 : vector<16xi32>
      %add3A_754 = arith.constant 1769472 : i32
      %add3A_755 = vector.broadcast %add3A_754 : i32 to vector<16xi32>
      %add3A_756 = arith.addi %add3A_755, %and3A_753 : vector<16xi32>
      %select_n3A_757 = arith.select %lt3A_750, %sub3A_746, %add3A_756 : vector<16xi1>, vector<16xi32>
      %swap3A_758 = arith.index_cast %mul3A_741 : i32 to index
      %swap3A_759 = tpu.vector_load %arg6[%swap3A_758] {strides = array<i32>} : memref<4608xi32, #tpu.memory_space<vmem>>, vector<16xi32>,
      %swap3A_760 = vector.shape_cast %swap3A_759 : vector<16xi32> to vector<16xi32>
      %swap3A_761 = vector.shape_cast %select_n3A_757 : vector<16xi32> to vector<16xi32>
      tpu.vector_store %arg6[%swap3A_758], %swap3A_761 {strides = array<i32>} : memref<4608xi32, #tpu.memory_space<vmem>>, vector<16xi32>,
      %scan3A_762 = arith.constant 0 : i32
      scf.yield %scan3A_762 : i32
    }
    %scan3A_463 = arith.constant 144 : i32
    %dma_start3A_464 = arith.constant 0 : i32
    %dma_start3A_465 = tpu.memref_slice %arg16[%dma_start3A_464] : memref<1785856xf32, #tpu.memory_space<vmem_shared>> -> memref<1785856xf32, #tpu.memory_space<vmem_shared>>
    tpu.enqueue_indirect_dma source(%arg7 : memref<4608xf32, #tpu.memory_space<vmem>>) target(%dma_start3A_465 : memref<1785856xf32, #tpu.memory_space<vmem_shared>>) offsets(%arg6 : memref<4608xi32, #tpu.memory_space<vmem>>) semaphore(%arg14 : memref<!tpu.dma_semaphore, #tpu.memory_space<semaphore_mem>>) {add = true}
    %mul3A_466 = arith.constant 1 : i32
    %mul3A_467 = arith.constant 4608 : i32
    %mul3A_468 = arith.muli %mul3A_466, %mul3A_467 : i32
    %add3A_469 = arith.addi %add3A, %mul3A_468 : i32
    %multiple_of3A_470 = tpu.assume_multiple %add3A_469, 8 : i32
    %dma_start3A_471 = tpu.memref_slice %arg3[%multiple_of3A_470] : memref<7077888xi32, #tpu.memory_space<hbm>> -> memref<4608xi32, #tpu.memory_space<hbm>>
    %dma_start3A_472 = tpu.memref_slice %arg3[%multiple_of3A_470] : memref<7077888xi32, #tpu.memory_space<hbm>> -> memref<4608xi32, #tpu.memory_space<hbm>>
    tpu.enqueue_dma source(%dma_start3A_472 : memref<4608xi32, #tpu.memory_space<hbm>>) target(%arg8 : memref<4608xi32, #tpu.memory_space<vmem>>) target_semaphore(%arg12 : memref<!tpu.dma_semaphore, #tpu.memory_space<semaphore_mem>>)
    %mul3A_473 = arith.constant 1 : i32
    %mul3A_474 = arith.constant 4608 : i32
    %mul3A_475 = arith.muli %mul3A_473, %mul3A_474 : i32
    %add3A_476 = arith.addi %add3A, %mul3A_475 : i32
    %multiple_of3A_477 = tpu.assume_multiple %add3A_476, 8 : i32
    %dma_start3A_478 = tpu.memref_slice %arg2[%multiple_of3A_477] : memref<7077888xf32, #tpu.memory_space<hbm>> -> memref<4608xf32, #tpu.memory_space<hbm>>
    %dma_start3A_479 = tpu.memref_slice %arg2[%multiple_of3A_477] : memref<7077888xf32, #tpu.memory_space<hbm>> -> memref<4608xf32, #tpu.memory_space<hbm>>
    tpu.enqueue_dma source(%dma_start3A_479 : memref<4608xf32, #tpu.memory_space<hbm>>) target(%arg9 : memref<4608xf32, #tpu.memory_space<vmem>>) target_semaphore(%arg13 : memref<!tpu.dma_semaphore, #tpu.memory_space<semaphore_mem>>)
    %dma_wait3A_480 = arith.constant 0 : i32
    %dma_wait3A_481 = tpu.memref_slice %arg3[%dma_wait3A_480] : memref<7077888xi32, #tpu.memory_space<hbm>> -> memref<4608xi32, #tpu.memory_space<hbm>>
    %dma_wait3A_482 = arith.constant 0 : i32
    %dma_wait3A_483 = tpu.memref_slice %arg3[%dma_wait3A_482] : memref<7077888xi32, #tpu.memory_space<hbm>> -> memref<4608xi32, #tpu.memory_space<hbm>>
    tpu.wait_dma2 semaphore(%arg12 : memref<!tpu.dma_semaphore, #tpu.memory_space<semaphore_mem>>) src(%dma_wait3A_483 : memref<4608xi32, #tpu.memory_space<hbm>>) dst(%arg8 : memref<4608xi32, #tpu.memory_space<vmem>>)
    %dma_wait3A_484 = arith.constant 0 : i32
    %dma_wait3A_485 = tpu.memref_slice %arg2[%dma_wait3A_484] : memref<7077888xf32, #tpu.memory_space<hbm>> -> memref<4608xf32, #tpu.memory_space<hbm>>
    %dma_wait3A_486 = arith.constant 0 : i32
    %dma_wait3A_487 = tpu.memref_slice %arg2[%dma_wait3A_486] : memref<7077888xf32, #tpu.memory_space<hbm>> -> memref<4608xf32, #tpu.memory_space<hbm>>
    tpu.wait_dma2 semaphore(%arg13 : memref<!tpu.dma_semaphore, #tpu.memory_space<semaphore_mem>>) src(%dma_wait3A_487 : memref<4608xf32, #tpu.memory_space<hbm>>) dst(%arg9 : memref<4608xf32, #tpu.memory_space<vmem>>)
    %scan3A_488 = arith.constant 8847360 : i32
    %scan3A_489 = arith.constant 0 : i32
    %scan3A_490 = arith.constant 0 : i32
    %scan3A_491 = arith.constant 144 : i32
    %scan3A_492 = arith.addi %scan3A_490, %scan3A_491 : i32
    %scan3A_493 = arith.constant 1 : i32
    %scan3A_494 = scf.for %scan3A_715 = %scan3A_490 to %scan3A_492 step %scan3A_493 iter_args(%scan3A_716 = %scan3A_489) -> (i32)  : i32 {
      %mul3A_717 = arith.constant 2 : i32
      %mul3A_718 = arith.muli %scan3A_715, %mul3A_717 : i32
      %add3A_719 = arith.constant 0 : i32
      %add3A_720 = arith.addi %mul3A_718, %add3A_719 : i32
      %mul3A_721 = arith.constant 16 : i32
      %mul3A_722 = arith.muli %add3A_720, %mul3A_721 : i32
      %get3A = arith.index_cast %mul3A_722 : i32 to index
      %get3A_723 = tpu.vector_load %arg8[%get3A] {strides = array<i32>} : memref<4608xi32, #tpu.memory_space<vmem>>, vector<16xi32>,
      %get3A_724 = vector.shape_cast %get3A_723 : vector<16xi32> to vector<16xi32>
      %sub3A = vector.broadcast %scan3A_488 : i32 to vector<16xi32>
      %sub3A_725 = arith.subi %get3A_724, %sub3A : vector<16xi32>
      %bitcast3A = vector.bitcast %sub3A_725 : vector<16xi32> to vector<16xi32>
      %lt3A = arith.constant 1769472 : i32
      %lt3A_726 = vector.broadcast %lt3A : i32 to vector<16xi32>
      %lt3A_727 = arith.cmpi ult, %bitcast3A, %lt3A_726 : vector<16xi32>
      %and3A = arith.constant 16383 : i32
      %and3A_728 = vector.broadcast %and3A : i32 to vector<16xi32>
      %and3A_729 = arith.andi %get3A_724, %and3A_728 : vector<16xi32>
      %add3A_730 = arith.constant 1769472 : i32
      %add3A_731 = vector.broadcast %add3A_730 : i32 to vector<16xi32>
      %add3A_732 = arith.addi %add3A_731, %and3A_729 : vector<16xi32>
      %select_n3A = arith.select %lt3A_727, %sub3A_725, %add3A_732 : vector<16xi1>, vector<16xi32>
      %swap3A = arith.index_cast %mul3A_722 : i32 to index
      %swap3A_733 = tpu.vector_load %arg8[%swap3A] {strides = array<i32>} : memref<4608xi32, #tpu.memory_space<vmem>>, vector<16xi32>,
      %swap3A_734 = vector.shape_cast %swap3A_733 : vector<16xi32> to vector<16xi32>
      %swap3A_735 = vector.shape_cast %select_n3A : vector<16xi32> to vector<16xi32>
      tpu.vector_store %arg8[%swap3A], %swap3A_735 {strides = array<i32>} : memref<4608xi32, #tpu.memory_space<vmem>>, vector<16xi32>,
      %mul3A_736 = arith.constant 2 : i32
      %mul3A_737 = arith.muli %scan3A_715, %mul3A_736 : i32
      %add3A_738 = arith.constant 1 : i32
      %add3A_739 = arith.addi %mul3A_737, %add3A_738 : i32
      %mul3A_740 = arith.constant 16 : i32
      %mul3A_741 = arith.muli %add3A_739, %mul3A_740 : i32
      %get3A_742 = arith.index_cast %mul3A_741 : i32 to index
      %get3A_743 = tpu.vector_load %arg8[%get3A_742] {strides = array<i32>} : memref<4608xi32, #tpu.memory_space<vmem>>, vector<16xi32>,
      %get3A_744 = vector.shape_cast %get3A_743 : vector<16xi32> to vector<16xi32>
      %sub3A_745 = vector.broadcast %scan3A_488 : i32 to vector<16xi32>
      %sub3A_746 = arith.subi %get3A_744, %sub3A_745 : vector<16xi32>
      %bitcast3A_747 = vector.bitcast %sub3A_746 : vector<16xi32> to vector<16xi32>
      %lt3A_748 = arith.constant 1769472 : i32
      %lt3A_749 = vector.broadcast %lt3A_748 : i32 to vector<16xi32>
      %lt3A_750 = arith.cmpi ult, %bitcast3A_747, %lt3A_749 : vector<16xi32>
      %and3A_751 = arith.constant 16383 : i32
      %and3A_752 = vector.broadcast %and3A_751 : i32 to vector<16xi32>
      %and3A_753 = arith.andi %get3A_744, %and3A_752 : vector<16xi32>
      %add3A_754 = arith.constant 1769472 : i32
      %add3A_755 = vector.broadcast %add3A_754 : i32 to vector<16xi32>
      %add3A_756 = arith.addi %add3A_755, %and3A_753 : vector<16xi32>
      %select_n3A_757 = arith.select %lt3A_750, %sub3A_746, %add3A_756 : vector<16xi1>, vector<16xi32>
      %swap3A_758 = arith.index_cast %mul3A_741 : i32 to index
      %swap3A_759 = tpu.vector_load %arg8[%swap3A_758] {strides = array<i32>} : memref<4608xi32, #tpu.memory_space<vmem>>, vector<16xi32>,
      %swap3A_760 = vector.shape_cast %swap3A_759 : vector<16xi32> to vector<16xi32>
      %swap3A_761 = vector.shape_cast %select_n3A_757 : vector<16xi32> to vector<16xi32>
      tpu.vector_store %arg8[%swap3A_758], %swap3A_761 {strides = array<i32>} : memref<4608xi32, #tpu.memory_space<vmem>>, vector<16xi32>,
      %scan3A_762 = arith.constant 0 : i32
      scf.yield %scan3A_762 : i32
    }
    %scan3A_495 = arith.constant 144 : i32
    %dma_start3A_496 = arith.constant 0 : i32
    %dma_start3A_497 = tpu.memref_slice %arg16[%dma_start3A_496] : memref<1785856xf32, #tpu.memory_space<vmem_shared>> -> memref<1785856xf32, #tpu.memory_space<vmem_shared>>
    tpu.enqueue_indirect_dma source(%arg9 : memref<4608xf32, #tpu.memory_space<vmem>>) target(%dma_start3A_497 : memref<1785856xf32, #tpu.memory_space<vmem_shared>>) offsets(%arg8 : memref<4608xi32, #tpu.memory_space<vmem>>) semaphore(%arg15 : memref<!tpu.dma_semaphore, #tpu.memory_space<semaphore_mem>>) {add = true}
    %dma_wait3A_498 = arith.constant 0 : i32
    %dma_wait3A_499 = tpu.memref_slice %arg16[%dma_wait3A_498] : memref<1785856xf32, #tpu.memory_space<vmem_shared>> -> memref<1785856xf32, #tpu.memory_space<vmem_shared>>
    tpu.wait_indirect_dma semaphore(%arg14 : memref<!tpu.dma_semaphore, #tpu.memory_space<semaphore_mem>>) src(%arg7 : memref<4608xf32, #tpu.memory_space<vmem>>) dst(%dma_wait3A_499 : memref<1785856xf32, #tpu.memory_space<vmem_shared>>)
    %mul3A_500 = arith.constant 2 : i32
    %mul3A_501 = arith.constant 4608 : i32
    %mul3A_502 = arith.muli %mul3A_500, %mul3A_501 : i32
    %add3A_503 = arith.addi %add3A, %mul3A_502 : i32
    %multiple_of3A_504 = tpu.assume_multiple %add3A_503, 8 : i32
    %dma_start3A_505 = tpu.memref_slice %arg3[%multiple_of3A_504] : memref<7077888xi32, #tpu.memory_space<hbm>> -> memref<4608xi32, #tpu.memory_space<hbm>>
    %dma_start3A_506 = tpu.memref_slice %arg3[%multiple_of3A_504] : memref<7077888xi32, #tpu.memory_space<hbm>> -> memref<4608xi32, #tpu.memory_space<hbm>>
    tpu.enqueue_dma source(%dma_start3A_506 : memref<4608xi32, #tpu.memory_space<hbm>>) target(%arg6 : memref<4608xi32, #tpu.memory_space<vmem>>) target_semaphore(%arg10 : memref<!tpu.dma_semaphore, #tpu.memory_space<semaphore_mem>>)
    %mul3A_507 = arith.constant 2 : i32
    %mul3A_508 = arith.constant 4608 : i32
    %mul3A_509 = arith.muli %mul3A_507, %mul3A_508 : i32
    %add3A_510 = arith.addi %add3A, %mul3A_509 : i32
    %multiple_of3A_511 = tpu.assume_multiple %add3A_510, 8 : i32
    %dma_start3A_512 = tpu.memref_slice %arg2[%multiple_of3A_511] : memref<7077888xf32, #tpu.memory_space<hbm>> -> memref<4608xf32, #tpu.memory_space<hbm>>
    %dma_start3A_513 = tpu.memref_slice %arg2[%multiple_of3A_511] : memref<7077888xf32, #tpu.memory_space<hbm>> -> memref<4608xf32, #tpu.memory_space<hbm>>
    tpu.enqueue_dma source(%dma_start3A_513 : memref<4608xf32, #tpu.memory_space<hbm>>) target(%arg7 : memref<4608xf32, #tpu.memory_space<vmem>>) target_semaphore(%arg11 : memref<!tpu.dma_semaphore, #tpu.memory_space<semaphore_mem>>)
    %scan3A_514 = arith.constant 8847360 : i32
    %scan3A_515 = arith.constant 0 : i32
    %scan3A_516 = arith.constant 1 : i32
    %scan3A_517 = arith.constant 23 : i32
    %scan3A_518 = arith.addi %scan3A_516, %scan3A_517 : i32
    %scan3A_519 = arith.constant 1 : i32
    %scan3A_520 = scf.for %scan3A_715 = %scan3A_516 to %scan3A_518 step %scan3A_519 iter_args(%scan3A_716 = %scan3A_515) -> (i32)  : i32 {
      %mul3A_717 = arith.constant 2 : i32
      %mul3A_718 = arith.muli %scan3A_715, %mul3A_717 : i32
      %dma_wait3A_719 = arith.constant 0 : i32
      %dma_wait3A_720 = tpu.memref_slice %arg3[%dma_wait3A_719] : memref<7077888xi32, #tpu.memory_space<hbm>> -> memref<4608xi32, #tpu.memory_space<hbm>>
      %dma_wait3A_721 = arith.constant 0 : i32
      %dma_wait3A_722 = tpu.memref_slice %arg3[%dma_wait3A_721] : memref<7077888xi32, #tpu.memory_space<hbm>> -> memref<4608xi32, #tpu.memory_space<hbm>>
      tpu.wait_dma2 semaphore(%arg10 : memref<!tpu.dma_semaphore, #tpu.memory_space<semaphore_mem>>) src(%dma_wait3A_722 : memref<4608xi32, #tpu.memory_space<hbm>>) dst(%arg6 : memref<4608xi32, #tpu.memory_space<vmem>>)
      %dma_wait3A_723 = arith.constant 0 : i32
      %dma_wait3A_724 = tpu.memref_slice %arg2[%dma_wait3A_723] : memref<7077888xf32, #tpu.memory_space<hbm>> -> memref<4608xf32, #tpu.memory_space<hbm>>
      %dma_wait3A_725 = arith.constant 0 : i32
      %dma_wait3A_726 = tpu.memref_slice %arg2[%dma_wait3A_725] : memref<7077888xf32, #tpu.memory_space<hbm>> -> memref<4608xf32, #tpu.memory_space<hbm>>
      tpu.wait_dma2 semaphore(%arg11 : memref<!tpu.dma_semaphore, #tpu.memory_space<semaphore_mem>>) src(%dma_wait3A_726 : memref<4608xf32, #tpu.memory_space<hbm>>) dst(%arg7 : memref<4608xf32, #tpu.memory_space<vmem>>)
      %scan3A_727 = arith.constant 0 : i32
      %scan3A_728 = arith.constant 0 : i32
      %scan3A_729 = arith.constant 144 : i32
      %scan3A_730 = arith.addi %scan3A_728, %scan3A_729 : i32
      %scan3A_731 = arith.constant 1 : i32
      %scan3A_732 = scf.for %scan3A_787 = %scan3A_728 to %scan3A_730 step %scan3A_731 iter_args(%scan3A_788 = %scan3A_727) -> (i32)  : i32 {
        %mul3A_789 = arith.constant 2 : i32
        %mul3A_790 = arith.muli %scan3A_787, %mul3A_789 : i32
        %add3A_791 = arith.constant 0 : i32
        %add3A_792 = arith.addi %mul3A_790, %add3A_791 : i32
        %mul3A_793 = arith.constant 16 : i32
        %mul3A_794 = arith.muli %add3A_792, %mul3A_793 : i32
        %get3A = arith.index_cast %mul3A_794 : i32 to index
        %get3A_795 = tpu.vector_load %arg6[%get3A] {strides = array<i32>} : memref<4608xi32, #tpu.memory_space<vmem>>, vector<16xi32>,
        %get3A_796 = vector.shape_cast %get3A_795 : vector<16xi32> to vector<16xi32>
        %sub3A = vector.broadcast %scan3A_514 : i32 to vector<16xi32>
        %sub3A_797 = arith.subi %get3A_796, %sub3A : vector<16xi32>
        %bitcast3A = vector.bitcast %sub3A_797 : vector<16xi32> to vector<16xi32>
        %lt3A = arith.constant 1769472 : i32
        %lt3A_798 = vector.broadcast %lt3A : i32 to vector<16xi32>
        %lt3A_799 = arith.cmpi ult, %bitcast3A, %lt3A_798 : vector<16xi32>
        %and3A = arith.constant 16383 : i32
        %and3A_800 = vector.broadcast %and3A : i32 to vector<16xi32>
        %and3A_801 = arith.andi %get3A_796, %and3A_800 : vector<16xi32>
        %add3A_802 = arith.constant 1769472 : i32
        %add3A_803 = vector.broadcast %add3A_802 : i32 to vector<16xi32>
        %add3A_804 = arith.addi %add3A_803, %and3A_801 : vector<16xi32>
        %select_n3A = arith.select %lt3A_799, %sub3A_797, %add3A_804 : vector<16xi1>, vector<16xi32>
        %swap3A = arith.index_cast %mul3A_794 : i32 to index
        %swap3A_805 = tpu.vector_load %arg6[%swap3A] {strides = array<i32>} : memref<4608xi32, #tpu.memory_space<vmem>>, vector<16xi32>,
        %swap3A_806 = vector.shape_cast %swap3A_805 : vector<16xi32> to vector<16xi32>
        %swap3A_807 = vector.shape_cast %select_n3A : vector<16xi32> to vector<16xi32>
        tpu.vector_store %arg6[%swap3A], %swap3A_807 {strides = array<i32>} : memref<4608xi32, #tpu.memory_space<vmem>>, vector<16xi32>,
        %mul3A_808 = arith.constant 2 : i32
        %mul3A_809 = arith.muli %scan3A_787, %mul3A_808 : i32
        %add3A_810 = arith.constant 1 : i32
        %add3A_811 = arith.addi %mul3A_809, %add3A_810 : i32
        %mul3A_812 = arith.constant 16 : i32
        %mul3A_813 = arith.muli %add3A_811, %mul3A_812 : i32
        %get3A_814 = arith.index_cast %mul3A_813 : i32 to index
        %get3A_815 = tpu.vector_load %arg6[%get3A_814] {strides = array<i32>} : memref<4608xi32, #tpu.memory_space<vmem>>, vector<16xi32>,
        %get3A_816 = vector.shape_cast %get3A_815 : vector<16xi32> to vector<16xi32>
        %sub3A_817 = vector.broadcast %scan3A_514 : i32 to vector<16xi32>
        %sub3A_818 = arith.subi %get3A_816, %sub3A_817 : vector<16xi32>
        %bitcast3A_819 = vector.bitcast %sub3A_818 : vector<16xi32> to vector<16xi32>
        %lt3A_820 = arith.constant 1769472 : i32
        %lt3A_821 = vector.broadcast %lt3A_820 : i32 to vector<16xi32>
        %lt3A_822 = arith.cmpi ult, %bitcast3A_819, %lt3A_821 : vector<16xi32>
        %and3A_823 = arith.constant 16383 : i32
        %and3A_824 = vector.broadcast %and3A_823 : i32 to vector<16xi32>
        %and3A_825 = arith.andi %get3A_816, %and3A_824 : vector<16xi32>
        %add3A_826 = arith.constant 1769472 : i32
        %add3A_827 = vector.broadcast %add3A_826 : i32 to vector<16xi32>
        %add3A_828 = arith.addi %add3A_827, %and3A_825 : vector<16xi32>
        %select_n3A_829 = arith.select %lt3A_822, %sub3A_818, %add3A_828 : vector<16xi1>, vector<16xi32>
        %swap3A_830 = arith.index_cast %mul3A_813 : i32 to index
        %swap3A_831 = tpu.vector_load %arg6[%swap3A_830] {strides = array<i32>} : memref<4608xi32, #tpu.memory_space<vmem>>, vector<16xi32>,
        %swap3A_832 = vector.shape_cast %swap3A_831 : vector<16xi32> to vector<16xi32>
        %swap3A_833 = vector.shape_cast %select_n3A_829 : vector<16xi32> to vector<16xi32>
        tpu.vector_store %arg6[%swap3A_830], %swap3A_833 {strides = array<i32>} : memref<4608xi32, #tpu.memory_space<vmem>>, vector<16xi32>,
        %scan3A_834 = arith.constant 0 : i32
        scf.yield %scan3A_834 : i32
      }
      %scan3A_733 = arith.constant 144 : i32
      %dma_start3A_734 = arith.constant 0 : i32
      %dma_start3A_735 = tpu.memref_slice %arg16[%dma_start3A_734] : memref<1785856xf32, #tpu.memory_space<vmem_shared>> -> memref<1785856xf32, #tpu.memory_space<vmem_shared>>
      tpu.enqueue_indirect_dma source(%arg7 : memref<4608xf32, #tpu.memory_space<vmem>>) target(%dma_start3A_735 : memref<1785856xf32, #tpu.memory_space<vmem_shared>>) offsets(%arg6 : memref<4608xi32, #tpu.memory_space<vmem>>) semaphore(%arg14 : memref<!tpu.dma_semaphore, #tpu.memory_space<semaphore_mem>>) {add = true}
      %dma_wait3A_736 = arith.constant 0 : i32
      %dma_wait3A_737 = tpu.memref_slice %arg16[%dma_wait3A_736] : memref<1785856xf32, #tpu.memory_space<vmem_shared>> -> memref<1785856xf32, #tpu.memory_space<vmem_shared>>
      tpu.wait_indirect_dma semaphore(%arg15 : memref<!tpu.dma_semaphore, #tpu.memory_space<semaphore_mem>>) src(%arg9 : memref<4608xf32, #tpu.memory_space<vmem>>) dst(%dma_wait3A_737 : memref<1785856xf32, #tpu.memory_space<vmem_shared>>)
      %add3A_738 = arith.constant 1 : i32
      %add3A_739 = arith.addi %mul3A_718, %add3A_738 : i32
      %mul3A_740 = arith.constant 4608 : i32
      %mul3A_741 = arith.muli %add3A_739, %mul3A_740 : i32
      %add3A_742 = arith.addi %add3A, %mul3A_741 : i32
      %multiple_of3A_743 = tpu.assume_multiple %add3A_742, 8 : i32
      %dma_start3A_744 = tpu.memref_slice %arg3[%multiple_of3A_743] : memref<7077888xi32, #tpu.memory_space<hbm>> -> memref<4608xi32, #tpu.memory_space<hbm>>
      %dma_start3A_745 = tpu.memref_slice %arg3[%multiple_of3A_743] : memref<7077888xi32, #tpu.memory_space<hbm>> -> memref<4608xi32, #tpu.memory_space<hbm>>
      tpu.enqueue_dma source(%dma_start3A_745 : memref<4608xi32, #tpu.memory_space<hbm>>) target(%arg8 : memref<4608xi32, #tpu.memory_space<vmem>>) target_semaphore(%arg12 : memref<!tpu.dma_semaphore, #tpu.memory_space<semaphore_mem>>)
      %mul3A_746 = arith.constant 4608 : i32
      %mul3A_747 = arith.muli %add3A_739, %mul3A_746 : i32
      %add3A_748 = arith.addi %add3A, %mul3A_747 : i32
      %multiple_of3A_749 = tpu.assume_multiple %add3A_748, 8 : i32
      %dma_start3A_750 = tpu.memref_slice %arg2[%multiple_of3A_749] : memref<7077888xf32, #tpu.memory_space<hbm>> -> memref<4608xf32, #tpu.memory_space<hbm>>
      %dma_start3A_751 = tpu.memref_slice %arg2[%multiple_of3A_749] : memref<7077888xf32, #tpu.memory_space<hbm>> -> memref<4608xf32, #tpu.memory_space<hbm>>
      tpu.enqueue_dma source(%dma_start3A_751 : memref<4608xf32, #tpu.memory_space<hbm>>) target(%arg9 : memref<4608xf32, #tpu.memory_space<vmem>>) target_semaphore(%arg13 : memref<!tpu.dma_semaphore, #tpu.memory_space<semaphore_mem>>)
      %dma_wait3A_752 = arith.constant 0 : i32
      %dma_wait3A_753 = tpu.memref_slice %arg3[%dma_wait3A_752] : memref<7077888xi32, #tpu.memory_space<hbm>> -> memref<4608xi32, #tpu.memory_space<hbm>>
      %dma_wait3A_754 = arith.constant 0 : i32
      %dma_wait3A_755 = tpu.memref_slice %arg3[%dma_wait3A_754] : memref<7077888xi32, #tpu.memory_space<hbm>> -> memref<4608xi32, #tpu.memory_space<hbm>>
      tpu.wait_dma2 semaphore(%arg12 : memref<!tpu.dma_semaphore, #tpu.memory_space<semaphore_mem>>) src(%dma_wait3A_755 : memref<4608xi32, #tpu.memory_space<hbm>>) dst(%arg8 : memref<4608xi32, #tpu.memory_space<vmem>>)
      %dma_wait3A_756 = arith.constant 0 : i32
      %dma_wait3A_757 = tpu.memref_slice %arg2[%dma_wait3A_756] : memref<7077888xf32, #tpu.memory_space<hbm>> -> memref<4608xf32, #tpu.memory_space<hbm>>
      %dma_wait3A_758 = arith.constant 0 : i32
      %dma_wait3A_759 = tpu.memref_slice %arg2[%dma_wait3A_758] : memref<7077888xf32, #tpu.memory_space<hbm>> -> memref<4608xf32, #tpu.memory_space<hbm>>
      tpu.wait_dma2 semaphore(%arg13 : memref<!tpu.dma_semaphore, #tpu.memory_space<semaphore_mem>>) src(%dma_wait3A_759 : memref<4608xf32, #tpu.memory_space<hbm>>) dst(%arg9 : memref<4608xf32, #tpu.memory_space<vmem>>)
      %scan3A_760 = arith.constant 0 : i32
      %scan3A_761 = arith.constant 0 : i32
      %scan3A_762 = arith.constant 144 : i32
      %scan3A_763 = arith.addi %scan3A_761, %scan3A_762 : i32
      %scan3A_764 = arith.constant 1 : i32
      %scan3A_765 = scf.for %scan3A_787 = %scan3A_761 to %scan3A_763 step %scan3A_764 iter_args(%scan3A_788 = %scan3A_760) -> (i32)  : i32 {
        %mul3A_789 = arith.constant 2 : i32
        %mul3A_790 = arith.muli %scan3A_787, %mul3A_789 : i32
        %add3A_791 = arith.constant 0 : i32
        %add3A_792 = arith.addi %mul3A_790, %add3A_791 : i32
        %mul3A_793 = arith.constant 16 : i32
        %mul3A_794 = arith.muli %add3A_792, %mul3A_793 : i32
        %get3A = arith.index_cast %mul3A_794 : i32 to index
        %get3A_795 = tpu.vector_load %arg8[%get3A] {strides = array<i32>} : memref<4608xi32, #tpu.memory_space<vmem>>, vector<16xi32>,
        %get3A_796 = vector.shape_cast %get3A_795 : vector<16xi32> to vector<16xi32>
        %sub3A = vector.broadcast %scan3A_514 : i32 to vector<16xi32>
        %sub3A_797 = arith.subi %get3A_796, %sub3A : vector<16xi32>
        %bitcast3A = vector.bitcast %sub3A_797 : vector<16xi32> to vector<16xi32>
        %lt3A = arith.constant 1769472 : i32
        %lt3A_798 = vector.broadcast %lt3A : i32 to vector<16xi32>
        %lt3A_799 = arith.cmpi ult, %bitcast3A, %lt3A_798 : vector<16xi32>
        %and3A = arith.constant 16383 : i32
        %and3A_800 = vector.broadcast %and3A : i32 to vector<16xi32>
        %and3A_801 = arith.andi %get3A_796, %and3A_800 : vector<16xi32>
        %add3A_802 = arith.constant 1769472 : i32
        %add3A_803 = vector.broadcast %add3A_802 : i32 to vector<16xi32>
        %add3A_804 = arith.addi %add3A_803, %and3A_801 : vector<16xi32>
        %select_n3A = arith.select %lt3A_799, %sub3A_797, %add3A_804 : vector<16xi1>, vector<16xi32>
        %swap3A = arith.index_cast %mul3A_794 : i32 to index
        %swap3A_805 = tpu.vector_load %arg8[%swap3A] {strides = array<i32>} : memref<4608xi32, #tpu.memory_space<vmem>>, vector<16xi32>,
        %swap3A_806 = vector.shape_cast %swap3A_805 : vector<16xi32> to vector<16xi32>
        %swap3A_807 = vector.shape_cast %select_n3A : vector<16xi32> to vector<16xi32>
        tpu.vector_store %arg8[%swap3A], %swap3A_807 {strides = array<i32>} : memref<4608xi32, #tpu.memory_space<vmem>>, vector<16xi32>,
        %mul3A_808 = arith.constant 2 : i32
        %mul3A_809 = arith.muli %scan3A_787, %mul3A_808 : i32
        %add3A_810 = arith.constant 1 : i32
        %add3A_811 = arith.addi %mul3A_809, %add3A_810 : i32
        %mul3A_812 = arith.constant 16 : i32
        %mul3A_813 = arith.muli %add3A_811, %mul3A_812 : i32
        %get3A_814 = arith.index_cast %mul3A_813 : i32 to index
        %get3A_815 = tpu.vector_load %arg8[%get3A_814] {strides = array<i32>} : memref<4608xi32, #tpu.memory_space<vmem>>, vector<16xi32>,
        %get3A_816 = vector.shape_cast %get3A_815 : vector<16xi32> to vector<16xi32>
        %sub3A_817 = vector.broadcast %scan3A_514 : i32 to vector<16xi32>
        %sub3A_818 = arith.subi %get3A_816, %sub3A_817 : vector<16xi32>
        %bitcast3A_819 = vector.bitcast %sub3A_818 : vector<16xi32> to vector<16xi32>
        %lt3A_820 = arith.constant 1769472 : i32
        %lt3A_821 = vector.broadcast %lt3A_820 : i32 to vector<16xi32>
        %lt3A_822 = arith.cmpi ult, %bitcast3A_819, %lt3A_821 : vector<16xi32>
        %and3A_823 = arith.constant 16383 : i32
        %and3A_824 = vector.broadcast %and3A_823 : i32 to vector<16xi32>
        %and3A_825 = arith.andi %get3A_816, %and3A_824 : vector<16xi32>
        %add3A_826 = arith.constant 1769472 : i32
        %add3A_827 = vector.broadcast %add3A_826 : i32 to vector<16xi32>
        %add3A_828 = arith.addi %add3A_827, %and3A_825 : vector<16xi32>
        %select_n3A_829 = arith.select %lt3A_822, %sub3A_818, %add3A_828 : vector<16xi1>, vector<16xi32>
        %swap3A_830 = arith.index_cast %mul3A_813 : i32 to index
        %swap3A_831 = tpu.vector_load %arg8[%swap3A_830] {strides = array<i32>} : memref<4608xi32, #tpu.memory_space<vmem>>, vector<16xi32>,
        %swap3A_832 = vector.shape_cast %swap3A_831 : vector<16xi32> to vector<16xi32>
        %swap3A_833 = vector.shape_cast %select_n3A_829 : vector<16xi32> to vector<16xi32>
        tpu.vector_store %arg8[%swap3A_830], %swap3A_833 {strides = array<i32>} : memref<4608xi32, #tpu.memory_space<vmem>>, vector<16xi32>,
        %scan3A_834 = arith.constant 0 : i32
        scf.yield %scan3A_834 : i32
      }
      %scan3A_766 = arith.constant 144 : i32
      %dma_start3A_767 = arith.constant 0 : i32
      %dma_start3A_768 = tpu.memref_slice %arg16[%dma_start3A_767] : memref<1785856xf32, #tpu.memory_space<vmem_shared>> -> memref<1785856xf32, #tpu.memory_space<vmem_shared>>
      tpu.enqueue_indirect_dma source(%arg9 : memref<4608xf32, #tpu.memory_space<vmem>>) target(%dma_start3A_768 : memref<1785856xf32, #tpu.memory_space<vmem_shared>>) offsets(%arg8 : memref<4608xi32, #tpu.memory_space<vmem>>) semaphore(%arg15 : memref<!tpu.dma_semaphore, #tpu.memory_space<semaphore_mem>>) {add = true}
      %dma_wait3A_769 = arith.constant 0 : i32
      %dma_wait3A_770 = tpu.memref_slice %arg16[%dma_wait3A_769] : memref<1785856xf32, #tpu.memory_space<vmem_shared>> -> memref<1785856xf32, #tpu.memory_space<vmem_shared>>
      tpu.wait_indirect_dma semaphore(%arg14 : memref<!tpu.dma_semaphore, #tpu.memory_space<semaphore_mem>>) src(%arg7 : memref<4608xf32, #tpu.memory_space<vmem>>) dst(%dma_wait3A_770 : memref<1785856xf32, #tpu.memory_space<vmem_shared>>)
      %add3A_771 = arith.constant 2 : i32
      %add3A_772 = arith.addi %mul3A_718, %add3A_771 : i32
      %rem3A = arith.constant 48 : i32
      %rem3A_773 = arith.remsi %add3A_772, %rem3A : i32
      %mul3A_774 = arith.constant 4608 : i32
      %mul3A_775 = arith.muli %rem3A_773, %mul3A_774 : i32
      %add3A_776 = arith.addi %add3A, %mul3A_775 : i32
      %multiple_of3A_777 = tpu.assume_multiple %add3A_776, 8 : i32
      %dma_start3A_778 = tpu.memref_slice %arg3[%multiple_of3A_777] : memref<7077888xi32, #tpu.memory_space<hbm>> -> memref<4608xi32, #tpu.memory_space<hbm>>
      %dma_start3A_779 = tpu.memref_slice %arg3[%multiple_of3A_777] : memref<7077888xi32, #tpu.memory_space<hbm>> -> memref<4608xi32, #tpu.memory_space<hbm>>
      tpu.enqueue_dma source(%dma_start3A_779 : memref<4608xi32, #tpu.memory_space<hbm>>) target(%arg6 : memref<4608xi32, #tpu.memory_space<vmem>>) target_semaphore(%arg10 : memref<!tpu.dma_semaphore, #tpu.memory_space<semaphore_mem>>)
      %mul3A_780 = arith.constant 4608 : i32
      %mul3A_781 = arith.muli %rem3A_773, %mul3A_780 : i32
      %add3A_782 = arith.addi %add3A, %mul3A_781 : i32
      %multiple_of3A_783 = tpu.assume_multiple %add3A_782, 8 : i32
      %dma_start3A_784 = tpu.memref_slice %arg2[%multiple_of3A_783] : memref<7077888xf32, #tpu.memory_space<hbm>> -> memref<4608xf32, #tpu.memory_space<hbm>>
      %dma_start3A_785 = tpu.memref_slice %arg2[%multiple_of3A_783] : memref<7077888xf32, #tpu.memory_space<hbm>> -> memref<4608xf32, #tpu.memory_space<hbm>>
      tpu.enqueue_dma source(%dma_start3A_785 : memref<4608xf32, #tpu.memory_space<hbm>>) target(%arg7 : memref<4608xf32, #tpu.memory_space<vmem>>) target_semaphore(%arg11 : memref<!tpu.dma_semaphore, #tpu.memory_space<semaphore_mem>>)
      %scan3A_786 = arith.constant 0 : i32
      scf.yield %scan3A_786 : i32
    }
    %scan3A_521 = arith.constant 23 : i32
    %dma_wait3A_522 = arith.constant 0 : i32
    %dma_wait3A_523 = tpu.memref_slice %arg16[%dma_wait3A_522] : memref<1785856xf32, #tpu.memory_space<vmem_shared>> -> memref<1785856xf32, #tpu.memory_space<vmem_shared>>
    tpu.wait_indirect_dma semaphore(%arg15 : memref<!tpu.dma_semaphore, #tpu.memory_space<semaphore_mem>>) src(%arg9 : memref<4608xf32, #tpu.memory_space<vmem>>) dst(%dma_wait3A_523 : memref<1785856xf32, #tpu.memory_space<vmem_shared>>)
    %barrier3A_524 = arith.constant 0 : index
    tpu.barrier barrier_id(%barrier3A_524)
    %mul3A_525 = arith.constant 110592 : i32
    %mul3A_526 = arith.muli %arg1, %mul3A_525 : i32
    %add3A_527 = arith.constant 8847360 : i32
    %add3A_528 = arith.addi %mul3A_2, %add3A_527 : i32
    %mul3A_529 = arith.constant 110592 : i32
    %mul3A_530 = arith.muli %arg1, %mul3A_529 : i32
    %add3A_531 = arith.addi %add3A_528, %mul3A_530 : i32
    "tpu.region"() ({
      %run_scoped3A = tpu.sem_alloc : memref<!tpu.dma_semaphore, #tpu.memory_space<semaphore_mem>>
      %dma_start3A_715 = tpu.memref_slice %arg5[%add3A_531] : memref<28311552xf32, #tpu.memory_space<hbm>> -> memref<110592xf32, #tpu.memory_space<hbm>>
      %dma_start3A_716 = tpu.memref_slice %arg16[%mul3A_526] : memref<1785856xf32, #tpu.memory_space<vmem_shared>> -> memref<110592xf32, #tpu.memory_space<vmem_shared>>
      tpu.enqueue_dma source(%dma_start3A_716 : memref<110592xf32, #tpu.memory_space<vmem_shared>>) target(%dma_start3A_715 : memref<110592xf32, #tpu.memory_space<hbm>>) target_semaphore(%run_scoped3A : memref<!tpu.dma_semaphore, #tpu.memory_space<semaphore_mem>>)
      %dma_wait3A_717 = tpu.memref_slice %arg5[%add3A_531] : memref<28311552xf32, #tpu.memory_space<hbm>> -> memref<110592xf32, #tpu.memory_space<hbm>>
      %dma_wait3A_718 = tpu.memref_slice %arg16[%mul3A_526] : memref<1785856xf32, #tpu.memory_space<vmem_shared>> -> memref<110592xf32, #tpu.memory_space<vmem_shared>>
      tpu.wait_dma2 semaphore(%run_scoped3A : memref<!tpu.dma_semaphore, #tpu.memory_space<semaphore_mem>>) src(%dma_wait3A_718 : memref<110592xf32, #tpu.memory_space<vmem_shared>>) dst(%dma_wait3A_717 : memref<110592xf32, #tpu.memory_space<hbm>>)
      tpu.yield
    }) : () -> ()
    %mul3A_532 = arith.constant 110592 : i32
    %mul3A_533 = arith.muli %arg1, %mul3A_532 : i32
    "tpu.region"() ({
      %run_scoped3A = tpu.sem_alloc : memref<!tpu.dma_semaphore, #tpu.memory_space<semaphore_mem>>
      %dma_start3A_715 = tpu.memref_slice %arg16[%mul3A_533] : memref<1785856xf32, #tpu.memory_space<vmem_shared>> -> memref<110592xf32, #tpu.memory_space<vmem_shared>>
      tpu.enqueue_dma source(%arg4 : memref<110592xf32, #tpu.memory_space<hbm>>) target(%dma_start3A_715 : memref<110592xf32, #tpu.memory_space<vmem_shared>>) target_semaphore(%run_scoped3A : memref<!tpu.dma_semaphore, #tpu.memory_space<semaphore_mem>>)
      %dma_wait3A_716 = tpu.memref_slice %arg16[%mul3A_533] : memref<1785856xf32, #tpu.memory_space<vmem_shared>> -> memref<110592xf32, #tpu.memory_space<vmem_shared>>
      tpu.wait_dma2 semaphore(%run_scoped3A : memref<!tpu.dma_semaphore, #tpu.memory_space<semaphore_mem>>) src(%arg4 : memref<110592xf32, #tpu.memory_space<hbm>>) dst(%dma_wait3A_716 : memref<110592xf32, #tpu.memory_space<vmem_shared>>)
      tpu.yield
    }) : () -> ()
    %barrier3A_534 = arith.constant 0 : index
    tpu.barrier barrier_id(%barrier3A_534)
    %dma_wait3A_535 = arith.constant 0 : i32
    %dma_wait3A_536 = tpu.memref_slice %arg3[%dma_wait3A_535] : memref<7077888xi32, #tpu.memory_space<hbm>> -> memref<4608xi32, #tpu.memory_space<hbm>>
    %dma_wait3A_537 = arith.constant 0 : i32
    %dma_wait3A_538 = tpu.memref_slice %arg3[%dma_wait3A_537] : memref<7077888xi32, #tpu.memory_space<hbm>> -> memref<4608xi32, #tpu.memory_space<hbm>>
    tpu.wait_dma2 semaphore(%arg10 : memref<!tpu.dma_semaphore, #tpu.memory_space<semaphore_mem>>) src(%dma_wait3A_538 : memref<4608xi32, #tpu.memory_space<hbm>>) dst(%arg6 : memref<4608xi32, #tpu.memory_space<vmem>>)
    %dma_wait3A_539 = arith.constant 0 : i32
    %dma_wait3A_540 = tpu.memref_slice %arg2[%dma_wait3A_539] : memref<7077888xf32, #tpu.memory_space<hbm>> -> memref<4608xf32, #tpu.memory_space<hbm>>
    %dma_wait3A_541 = arith.constant 0 : i32
    %dma_wait3A_542 = tpu.memref_slice %arg2[%dma_wait3A_541] : memref<7077888xf32, #tpu.memory_space<hbm>> -> memref<4608xf32, #tpu.memory_space<hbm>>
    tpu.wait_dma2 semaphore(%arg11 : memref<!tpu.dma_semaphore, #tpu.memory_space<semaphore_mem>>) src(%dma_wait3A_542 : memref<4608xf32, #tpu.memory_space<hbm>>) dst(%arg7 : memref<4608xf32, #tpu.memory_space<vmem>>)
    %scan3A_543 = arith.constant 10616832 : i32
    %scan3A_544 = arith.constant 0 : i32
    %scan3A_545 = arith.constant 0 : i32
    %scan3A_546 = arith.constant 144 : i32
    %scan3A_547 = arith.addi %scan3A_545, %scan3A_546 : i32
    %scan3A_548 = arith.constant 1 : i32
    %scan3A_549 = scf.for %scan3A_715 = %scan3A_545 to %scan3A_547 step %scan3A_548 iter_args(%scan3A_716 = %scan3A_544) -> (i32)  : i32 {
      %mul3A_717 = arith.constant 2 : i32
      %mul3A_718 = arith.muli %scan3A_715, %mul3A_717 : i32
      %add3A_719 = arith.constant 0 : i32
      %add3A_720 = arith.addi %mul3A_718, %add3A_719 : i32
      %mul3A_721 = arith.constant 16 : i32
      %mul3A_722 = arith.muli %add3A_720, %mul3A_721 : i32
      %get3A = arith.index_cast %mul3A_722 : i32 to index
      %get3A_723 = tpu.vector_load %arg6[%get3A] {strides = array<i32>} : memref<4608xi32, #tpu.memory_space<vmem>>, vector<16xi32>,
      %get3A_724 = vector.shape_cast %get3A_723 : vector<16xi32> to vector<16xi32>
      %sub3A = vector.broadcast %scan3A_543 : i32 to vector<16xi32>
      %sub3A_725 = arith.subi %get3A_724, %sub3A : vector<16xi32>
      %bitcast3A = vector.bitcast %sub3A_725 : vector<16xi32> to vector<16xi32>
      %lt3A = arith.constant 1769472 : i32
      %lt3A_726 = vector.broadcast %lt3A : i32 to vector<16xi32>
      %lt3A_727 = arith.cmpi ult, %bitcast3A, %lt3A_726 : vector<16xi32>
      %and3A = arith.constant 16383 : i32
      %and3A_728 = vector.broadcast %and3A : i32 to vector<16xi32>
      %and3A_729 = arith.andi %get3A_724, %and3A_728 : vector<16xi32>
      %add3A_730 = arith.constant 1769472 : i32
      %add3A_731 = vector.broadcast %add3A_730 : i32 to vector<16xi32>
      %add3A_732 = arith.addi %add3A_731, %and3A_729 : vector<16xi32>
      %select_n3A = arith.select %lt3A_727, %sub3A_725, %add3A_732 : vector<16xi1>, vector<16xi32>
      %swap3A = arith.index_cast %mul3A_722 : i32 to index
      %swap3A_733 = tpu.vector_load %arg6[%swap3A] {strides = array<i32>} : memref<4608xi32, #tpu.memory_space<vmem>>, vector<16xi32>,
      %swap3A_734 = vector.shape_cast %swap3A_733 : vector<16xi32> to vector<16xi32>
      %swap3A_735 = vector.shape_cast %select_n3A : vector<16xi32> to vector<16xi32>
      tpu.vector_store %arg6[%swap3A], %swap3A_735 {strides = array<i32>} : memref<4608xi32, #tpu.memory_space<vmem>>, vector<16xi32>,
      %mul3A_736 = arith.constant 2 : i32
      %mul3A_737 = arith.muli %scan3A_715, %mul3A_736 : i32
      %add3A_738 = arith.constant 1 : i32
      %add3A_739 = arith.addi %mul3A_737, %add3A_738 : i32
      %mul3A_740 = arith.constant 16 : i32
      %mul3A_741 = arith.muli %add3A_739, %mul3A_740 : i32
      %get3A_742 = arith.index_cast %mul3A_741 : i32 to index
      %get3A_743 = tpu.vector_load %arg6[%get3A_742] {strides = array<i32>} : memref<4608xi32, #tpu.memory_space<vmem>>, vector<16xi32>,
      %get3A_744 = vector.shape_cast %get3A_743 : vector<16xi32> to vector<16xi32>
      %sub3A_745 = vector.broadcast %scan3A_543 : i32 to vector<16xi32>
      %sub3A_746 = arith.subi %get3A_744, %sub3A_745 : vector<16xi32>
      %bitcast3A_747 = vector.bitcast %sub3A_746 : vector<16xi32> to vector<16xi32>
      %lt3A_748 = arith.constant 1769472 : i32
      %lt3A_749 = vector.broadcast %lt3A_748 : i32 to vector<16xi32>
      %lt3A_750 = arith.cmpi ult, %bitcast3A_747, %lt3A_749 : vector<16xi32>
      %and3A_751 = arith.constant 16383 : i32
      %and3A_752 = vector.broadcast %and3A_751 : i32 to vector<16xi32>
      %and3A_753 = arith.andi %get3A_744, %and3A_752 : vector<16xi32>
      %add3A_754 = arith.constant 1769472 : i32
      %add3A_755 = vector.broadcast %add3A_754 : i32 to vector<16xi32>
      %add3A_756 = arith.addi %add3A_755, %and3A_753 : vector<16xi32>
      %select_n3A_757 = arith.select %lt3A_750, %sub3A_746, %add3A_756 : vector<16xi1>, vector<16xi32>
      %swap3A_758 = arith.index_cast %mul3A_741 : i32 to index
      %swap3A_759 = tpu.vector_load %arg6[%swap3A_758] {strides = array<i32>} : memref<4608xi32, #tpu.memory_space<vmem>>, vector<16xi32>,
      %swap3A_760 = vector.shape_cast %swap3A_759 : vector<16xi32> to vector<16xi32>
      %swap3A_761 = vector.shape_cast %select_n3A_757 : vector<16xi32> to vector<16xi32>
      tpu.vector_store %arg6[%swap3A_758], %swap3A_761 {strides = array<i32>} : memref<4608xi32, #tpu.memory_space<vmem>>, vector<16xi32>,
      %scan3A_762 = arith.constant 0 : i32
      scf.yield %scan3A_762 : i32
    }
    %scan3A_550 = arith.constant 144 : i32
    %dma_start3A_551 = arith.constant 0 : i32
    %dma_start3A_552 = tpu.memref_slice %arg16[%dma_start3A_551] : memref<1785856xf32, #tpu.memory_space<vmem_shared>> -> memref<1785856xf32, #tpu.memory_space<vmem_shared>>
    tpu.enqueue_indirect_dma source(%arg7 : memref<4608xf32, #tpu.memory_space<vmem>>) target(%dma_start3A_552 : memref<1785856xf32, #tpu.memory_space<vmem_shared>>) offsets(%arg6 : memref<4608xi32, #tpu.memory_space<vmem>>) semaphore(%arg14 : memref<!tpu.dma_semaphore, #tpu.memory_space<semaphore_mem>>) {add = true}
    %mul3A_553 = arith.constant 1 : i32
    %mul3A_554 = arith.constant 4608 : i32
    %mul3A_555 = arith.muli %mul3A_553, %mul3A_554 : i32
    %add3A_556 = arith.addi %add3A, %mul3A_555 : i32
    %multiple_of3A_557 = tpu.assume_multiple %add3A_556, 8 : i32
    %dma_start3A_558 = tpu.memref_slice %arg3[%multiple_of3A_557] : memref<7077888xi32, #tpu.memory_space<hbm>> -> memref<4608xi32, #tpu.memory_space<hbm>>
    %dma_start3A_559 = tpu.memref_slice %arg3[%multiple_of3A_557] : memref<7077888xi32, #tpu.memory_space<hbm>> -> memref<4608xi32, #tpu.memory_space<hbm>>
    tpu.enqueue_dma source(%dma_start3A_559 : memref<4608xi32, #tpu.memory_space<hbm>>) target(%arg8 : memref<4608xi32, #tpu.memory_space<vmem>>) target_semaphore(%arg12 : memref<!tpu.dma_semaphore, #tpu.memory_space<semaphore_mem>>)
    %mul3A_560 = arith.constant 1 : i32
    %mul3A_561 = arith.constant 4608 : i32
    %mul3A_562 = arith.muli %mul3A_560, %mul3A_561 : i32
    %add3A_563 = arith.addi %add3A, %mul3A_562 : i32
    %multiple_of3A_564 = tpu.assume_multiple %add3A_563, 8 : i32
    %dma_start3A_565 = tpu.memref_slice %arg2[%multiple_of3A_564] : memref<7077888xf32, #tpu.memory_space<hbm>> -> memref<4608xf32, #tpu.memory_space<hbm>>
    %dma_start3A_566 = tpu.memref_slice %arg2[%multiple_of3A_564] : memref<7077888xf32, #tpu.memory_space<hbm>> -> memref<4608xf32, #tpu.memory_space<hbm>>
    tpu.enqueue_dma source(%dma_start3A_566 : memref<4608xf32, #tpu.memory_space<hbm>>) target(%arg9 : memref<4608xf32, #tpu.memory_space<vmem>>) target_semaphore(%arg13 : memref<!tpu.dma_semaphore, #tpu.memory_space<semaphore_mem>>)
    %dma_wait3A_567 = arith.constant 0 : i32
    %dma_wait3A_568 = tpu.memref_slice %arg3[%dma_wait3A_567] : memref<7077888xi32, #tpu.memory_space<hbm>> -> memref<4608xi32, #tpu.memory_space<hbm>>
    %dma_wait3A_569 = arith.constant 0 : i32
    %dma_wait3A_570 = tpu.memref_slice %arg3[%dma_wait3A_569] : memref<7077888xi32, #tpu.memory_space<hbm>> -> memref<4608xi32, #tpu.memory_space<hbm>>
    tpu.wait_dma2 semaphore(%arg12 : memref<!tpu.dma_semaphore, #tpu.memory_space<semaphore_mem>>) src(%dma_wait3A_570 : memref<4608xi32, #tpu.memory_space<hbm>>) dst(%arg8 : memref<4608xi32, #tpu.memory_space<vmem>>)
    %dma_wait3A_571 = arith.constant 0 : i32
    %dma_wait3A_572 = tpu.memref_slice %arg2[%dma_wait3A_571] : memref<7077888xf32, #tpu.memory_space<hbm>> -> memref<4608xf32, #tpu.memory_space<hbm>>
    %dma_wait3A_573 = arith.constant 0 : i32
    %dma_wait3A_574 = tpu.memref_slice %arg2[%dma_wait3A_573] : memref<7077888xf32, #tpu.memory_space<hbm>> -> memref<4608xf32, #tpu.memory_space<hbm>>
    tpu.wait_dma2 semaphore(%arg13 : memref<!tpu.dma_semaphore, #tpu.memory_space<semaphore_mem>>) src(%dma_wait3A_574 : memref<4608xf32, #tpu.memory_space<hbm>>) dst(%arg9 : memref<4608xf32, #tpu.memory_space<vmem>>)
    %scan3A_575 = arith.constant 10616832 : i32
    %scan3A_576 = arith.constant 0 : i32
    %scan3A_577 = arith.constant 0 : i32
    %scan3A_578 = arith.constant 144 : i32
    %scan3A_579 = arith.addi %scan3A_577, %scan3A_578 : i32
    %scan3A_580 = arith.constant 1 : i32
    %scan3A_581 = scf.for %scan3A_715 = %scan3A_577 to %scan3A_579 step %scan3A_580 iter_args(%scan3A_716 = %scan3A_576) -> (i32)  : i32 {
      %mul3A_717 = arith.constant 2 : i32
      %mul3A_718 = arith.muli %scan3A_715, %mul3A_717 : i32
      %add3A_719 = arith.constant 0 : i32
      %add3A_720 = arith.addi %mul3A_718, %add3A_719 : i32
      %mul3A_721 = arith.constant 16 : i32
      %mul3A_722 = arith.muli %add3A_720, %mul3A_721 : i32
      %get3A = arith.index_cast %mul3A_722 : i32 to index
      %get3A_723 = tpu.vector_load %arg8[%get3A] {strides = array<i32>} : memref<4608xi32, #tpu.memory_space<vmem>>, vector<16xi32>,
      %get3A_724 = vector.shape_cast %get3A_723 : vector<16xi32> to vector<16xi32>
      %sub3A = vector.broadcast %scan3A_575 : i32 to vector<16xi32>
      %sub3A_725 = arith.subi %get3A_724, %sub3A : vector<16xi32>
      %bitcast3A = vector.bitcast %sub3A_725 : vector<16xi32> to vector<16xi32>
      %lt3A = arith.constant 1769472 : i32
      %lt3A_726 = vector.broadcast %lt3A : i32 to vector<16xi32>
      %lt3A_727 = arith.cmpi ult, %bitcast3A, %lt3A_726 : vector<16xi32>
      %and3A = arith.constant 16383 : i32
      %and3A_728 = vector.broadcast %and3A : i32 to vector<16xi32>
      %and3A_729 = arith.andi %get3A_724, %and3A_728 : vector<16xi32>
      %add3A_730 = arith.constant 1769472 : i32
      %add3A_731 = vector.broadcast %add3A_730 : i32 to vector<16xi32>
      %add3A_732 = arith.addi %add3A_731, %and3A_729 : vector<16xi32>
      %select_n3A = arith.select %lt3A_727, %sub3A_725, %add3A_732 : vector<16xi1>, vector<16xi32>
      %swap3A = arith.index_cast %mul3A_722 : i32 to index
      %swap3A_733 = tpu.vector_load %arg8[%swap3A] {strides = array<i32>} : memref<4608xi32, #tpu.memory_space<vmem>>, vector<16xi32>,
      %swap3A_734 = vector.shape_cast %swap3A_733 : vector<16xi32> to vector<16xi32>
      %swap3A_735 = vector.shape_cast %select_n3A : vector<16xi32> to vector<16xi32>
      tpu.vector_store %arg8[%swap3A], %swap3A_735 {strides = array<i32>} : memref<4608xi32, #tpu.memory_space<vmem>>, vector<16xi32>,
      %mul3A_736 = arith.constant 2 : i32
      %mul3A_737 = arith.muli %scan3A_715, %mul3A_736 : i32
      %add3A_738 = arith.constant 1 : i32
      %add3A_739 = arith.addi %mul3A_737, %add3A_738 : i32
      %mul3A_740 = arith.constant 16 : i32
      %mul3A_741 = arith.muli %add3A_739, %mul3A_740 : i32
      %get3A_742 = arith.index_cast %mul3A_741 : i32 to index
      %get3A_743 = tpu.vector_load %arg8[%get3A_742] {strides = array<i32>} : memref<4608xi32, #tpu.memory_space<vmem>>, vector<16xi32>,
      %get3A_744 = vector.shape_cast %get3A_743 : vector<16xi32> to vector<16xi32>
      %sub3A_745 = vector.broadcast %scan3A_575 : i32 to vector<16xi32>
      %sub3A_746 = arith.subi %get3A_744, %sub3A_745 : vector<16xi32>
      %bitcast3A_747 = vector.bitcast %sub3A_746 : vector<16xi32> to vector<16xi32>
      %lt3A_748 = arith.constant 1769472 : i32
      %lt3A_749 = vector.broadcast %lt3A_748 : i32 to vector<16xi32>
      %lt3A_750 = arith.cmpi ult, %bitcast3A_747, %lt3A_749 : vector<16xi32>
      %and3A_751 = arith.constant 16383 : i32
      %and3A_752 = vector.broadcast %and3A_751 : i32 to vector<16xi32>
      %and3A_753 = arith.andi %get3A_744, %and3A_752 : vector<16xi32>
      %add3A_754 = arith.constant 1769472 : i32
      %add3A_755 = vector.broadcast %add3A_754 : i32 to vector<16xi32>
      %add3A_756 = arith.addi %add3A_755, %and3A_753 : vector<16xi32>
      %select_n3A_757 = arith.select %lt3A_750, %sub3A_746, %add3A_756 : vector<16xi1>, vector<16xi32>
      %swap3A_758 = arith.index_cast %mul3A_741 : i32 to index
      %swap3A_759 = tpu.vector_load %arg8[%swap3A_758] {strides = array<i32>} : memref<4608xi32, #tpu.memory_space<vmem>>, vector<16xi32>,
      %swap3A_760 = vector.shape_cast %swap3A_759 : vector<16xi32> to vector<16xi32>
      %swap3A_761 = vector.shape_cast %select_n3A_757 : vector<16xi32> to vector<16xi32>
      tpu.vector_store %arg8[%swap3A_758], %swap3A_761 {strides = array<i32>} : memref<4608xi32, #tpu.memory_space<vmem>>, vector<16xi32>,
      %scan3A_762 = arith.constant 0 : i32
      scf.yield %scan3A_762 : i32
    }
    %scan3A_582 = arith.constant 144 : i32
    %dma_start3A_583 = arith.constant 0 : i32
    %dma_start3A_584 = tpu.memref_slice %arg16[%dma_start3A_583] : memref<1785856xf32, #tpu.memory_space<vmem_shared>> -> memref<1785856xf32, #tpu.memory_space<vmem_shared>>
    tpu.enqueue_indirect_dma source(%arg9 : memref<4608xf32, #tpu.memory_space<vmem>>) target(%dma_start3A_584 : memref<1785856xf32, #tpu.memory_space<vmem_shared>>) offsets(%arg8 : memref<4608xi32, #tpu.memory_space<vmem>>) semaphore(%arg15 : memref<!tpu.dma_semaphore, #tpu.memory_space<semaphore_mem>>) {add = true}
    %dma_wait3A_585 = arith.constant 0 : i32
    %dma_wait3A_586 = tpu.memref_slice %arg16[%dma_wait3A_585] : memref<1785856xf32, #tpu.memory_space<vmem_shared>> -> memref<1785856xf32, #tpu.memory_space<vmem_shared>>
    tpu.wait_indirect_dma semaphore(%arg14 : memref<!tpu.dma_semaphore, #tpu.memory_space<semaphore_mem>>) src(%arg7 : memref<4608xf32, #tpu.memory_space<vmem>>) dst(%dma_wait3A_586 : memref<1785856xf32, #tpu.memory_space<vmem_shared>>)
    %mul3A_587 = arith.constant 2 : i32
    %mul3A_588 = arith.constant 4608 : i32
    %mul3A_589 = arith.muli %mul3A_587, %mul3A_588 : i32
    %add3A_590 = arith.addi %add3A, %mul3A_589 : i32
    %multiple_of3A_591 = tpu.assume_multiple %add3A_590, 8 : i32
    %dma_start3A_592 = tpu.memref_slice %arg3[%multiple_of3A_591] : memref<7077888xi32, #tpu.memory_space<hbm>> -> memref<4608xi32, #tpu.memory_space<hbm>>
    %dma_start3A_593 = tpu.memref_slice %arg3[%multiple_of3A_591] : memref<7077888xi32, #tpu.memory_space<hbm>> -> memref<4608xi32, #tpu.memory_space<hbm>>
    tpu.enqueue_dma source(%dma_start3A_593 : memref<4608xi32, #tpu.memory_space<hbm>>) target(%arg6 : memref<4608xi32, #tpu.memory_space<vmem>>) target_semaphore(%arg10 : memref<!tpu.dma_semaphore, #tpu.memory_space<semaphore_mem>>)
    %mul3A_594 = arith.constant 2 : i32
    %mul3A_595 = arith.constant 4608 : i32
    %mul3A_596 = arith.muli %mul3A_594, %mul3A_595 : i32
    %add3A_597 = arith.addi %add3A, %mul3A_596 : i32
    %multiple_of3A_598 = tpu.assume_multiple %add3A_597, 8 : i32
    %dma_start3A_599 = tpu.memref_slice %arg2[%multiple_of3A_598] : memref<7077888xf32, #tpu.memory_space<hbm>> -> memref<4608xf32, #tpu.memory_space<hbm>>
    %dma_start3A_600 = tpu.memref_slice %arg2[%multiple_of3A_598] : memref<7077888xf32, #tpu.memory_space<hbm>> -> memref<4608xf32, #tpu.memory_space<hbm>>
    tpu.enqueue_dma source(%dma_start3A_600 : memref<4608xf32, #tpu.memory_space<hbm>>) target(%arg7 : memref<4608xf32, #tpu.memory_space<vmem>>) target_semaphore(%arg11 : memref<!tpu.dma_semaphore, #tpu.memory_space<semaphore_mem>>)
    %scan3A_601 = arith.constant 10616832 : i32
    %scan3A_602 = arith.constant 0 : i32
    %scan3A_603 = arith.constant 1 : i32
    %scan3A_604 = arith.constant 23 : i32
    %scan3A_605 = arith.addi %scan3A_603, %scan3A_604 : i32
    %scan3A_606 = arith.constant 1 : i32
    %scan3A_607 = scf.for %scan3A_715 = %scan3A_603 to %scan3A_605 step %scan3A_606 iter_args(%scan3A_716 = %scan3A_602) -> (i32)  : i32 {
      %mul3A_717 = arith.constant 2 : i32
      %mul3A_718 = arith.muli %scan3A_715, %mul3A_717 : i32
      %dma_wait3A_719 = arith.constant 0 : i32
      %dma_wait3A_720 = tpu.memref_slice %arg3[%dma_wait3A_719] : memref<7077888xi32, #tpu.memory_space<hbm>> -> memref<4608xi32, #tpu.memory_space<hbm>>
      %dma_wait3A_721 = arith.constant 0 : i32
      %dma_wait3A_722 = tpu.memref_slice %arg3[%dma_wait3A_721] : memref<7077888xi32, #tpu.memory_space<hbm>> -> memref<4608xi32, #tpu.memory_space<hbm>>
      tpu.wait_dma2 semaphore(%arg10 : memref<!tpu.dma_semaphore, #tpu.memory_space<semaphore_mem>>) src(%dma_wait3A_722 : memref<4608xi32, #tpu.memory_space<hbm>>) dst(%arg6 : memref<4608xi32, #tpu.memory_space<vmem>>)
      %dma_wait3A_723 = arith.constant 0 : i32
      %dma_wait3A_724 = tpu.memref_slice %arg2[%dma_wait3A_723] : memref<7077888xf32, #tpu.memory_space<hbm>> -> memref<4608xf32, #tpu.memory_space<hbm>>
      %dma_wait3A_725 = arith.constant 0 : i32
      %dma_wait3A_726 = tpu.memref_slice %arg2[%dma_wait3A_725] : memref<7077888xf32, #tpu.memory_space<hbm>> -> memref<4608xf32, #tpu.memory_space<hbm>>
      tpu.wait_dma2 semaphore(%arg11 : memref<!tpu.dma_semaphore, #tpu.memory_space<semaphore_mem>>) src(%dma_wait3A_726 : memref<4608xf32, #tpu.memory_space<hbm>>) dst(%arg7 : memref<4608xf32, #tpu.memory_space<vmem>>)
      %scan3A_727 = arith.constant 0 : i32
      %scan3A_728 = arith.constant 0 : i32
      %scan3A_729 = arith.constant 144 : i32
      %scan3A_730 = arith.addi %scan3A_728, %scan3A_729 : i32
      %scan3A_731 = arith.constant 1 : i32
      %scan3A_732 = scf.for %scan3A_787 = %scan3A_728 to %scan3A_730 step %scan3A_731 iter_args(%scan3A_788 = %scan3A_727) -> (i32)  : i32 {
        %mul3A_789 = arith.constant 2 : i32
        %mul3A_790 = arith.muli %scan3A_787, %mul3A_789 : i32
        %add3A_791 = arith.constant 0 : i32
        %add3A_792 = arith.addi %mul3A_790, %add3A_791 : i32
        %mul3A_793 = arith.constant 16 : i32
        %mul3A_794 = arith.muli %add3A_792, %mul3A_793 : i32
        %get3A = arith.index_cast %mul3A_794 : i32 to index
        %get3A_795 = tpu.vector_load %arg6[%get3A] {strides = array<i32>} : memref<4608xi32, #tpu.memory_space<vmem>>, vector<16xi32>,
        %get3A_796 = vector.shape_cast %get3A_795 : vector<16xi32> to vector<16xi32>
        %sub3A = vector.broadcast %scan3A_601 : i32 to vector<16xi32>
        %sub3A_797 = arith.subi %get3A_796, %sub3A : vector<16xi32>
        %bitcast3A = vector.bitcast %sub3A_797 : vector<16xi32> to vector<16xi32>
        %lt3A = arith.constant 1769472 : i32
        %lt3A_798 = vector.broadcast %lt3A : i32 to vector<16xi32>
        %lt3A_799 = arith.cmpi ult, %bitcast3A, %lt3A_798 : vector<16xi32>
        %and3A = arith.constant 16383 : i32
        %and3A_800 = vector.broadcast %and3A : i32 to vector<16xi32>
        %and3A_801 = arith.andi %get3A_796, %and3A_800 : vector<16xi32>
        %add3A_802 = arith.constant 1769472 : i32
        %add3A_803 = vector.broadcast %add3A_802 : i32 to vector<16xi32>
        %add3A_804 = arith.addi %add3A_803, %and3A_801 : vector<16xi32>
        %select_n3A = arith.select %lt3A_799, %sub3A_797, %add3A_804 : vector<16xi1>, vector<16xi32>
        %swap3A = arith.index_cast %mul3A_794 : i32 to index
        %swap3A_805 = tpu.vector_load %arg6[%swap3A] {strides = array<i32>} : memref<4608xi32, #tpu.memory_space<vmem>>, vector<16xi32>,
        %swap3A_806 = vector.shape_cast %swap3A_805 : vector<16xi32> to vector<16xi32>
        %swap3A_807 = vector.shape_cast %select_n3A : vector<16xi32> to vector<16xi32>
        tpu.vector_store %arg6[%swap3A], %swap3A_807 {strides = array<i32>} : memref<4608xi32, #tpu.memory_space<vmem>>, vector<16xi32>,
        %mul3A_808 = arith.constant 2 : i32
        %mul3A_809 = arith.muli %scan3A_787, %mul3A_808 : i32
        %add3A_810 = arith.constant 1 : i32
        %add3A_811 = arith.addi %mul3A_809, %add3A_810 : i32
        %mul3A_812 = arith.constant 16 : i32
        %mul3A_813 = arith.muli %add3A_811, %mul3A_812 : i32
        %get3A_814 = arith.index_cast %mul3A_813 : i32 to index
        %get3A_815 = tpu.vector_load %arg6[%get3A_814] {strides = array<i32>} : memref<4608xi32, #tpu.memory_space<vmem>>, vector<16xi32>,
        %get3A_816 = vector.shape_cast %get3A_815 : vector<16xi32> to vector<16xi32>
        %sub3A_817 = vector.broadcast %scan3A_601 : i32 to vector<16xi32>
        %sub3A_818 = arith.subi %get3A_816, %sub3A_817 : vector<16xi32>
        %bitcast3A_819 = vector.bitcast %sub3A_818 : vector<16xi32> to vector<16xi32>
        %lt3A_820 = arith.constant 1769472 : i32
        %lt3A_821 = vector.broadcast %lt3A_820 : i32 to vector<16xi32>
        %lt3A_822 = arith.cmpi ult, %bitcast3A_819, %lt3A_821 : vector<16xi32>
        %and3A_823 = arith.constant 16383 : i32
        %and3A_824 = vector.broadcast %and3A_823 : i32 to vector<16xi32>
        %and3A_825 = arith.andi %get3A_816, %and3A_824 : vector<16xi32>
        %add3A_826 = arith.constant 1769472 : i32
        %add3A_827 = vector.broadcast %add3A_826 : i32 to vector<16xi32>
        %add3A_828 = arith.addi %add3A_827, %and3A_825 : vector<16xi32>
        %select_n3A_829 = arith.select %lt3A_822, %sub3A_818, %add3A_828 : vector<16xi1>, vector<16xi32>
        %swap3A_830 = arith.index_cast %mul3A_813 : i32 to index
        %swap3A_831 = tpu.vector_load %arg6[%swap3A_830] {strides = array<i32>} : memref<4608xi32, #tpu.memory_space<vmem>>, vector<16xi32>,
        %swap3A_832 = vector.shape_cast %swap3A_831 : vector<16xi32> to vector<16xi32>
        %swap3A_833 = vector.shape_cast %select_n3A_829 : vector<16xi32> to vector<16xi32>
        tpu.vector_store %arg6[%swap3A_830], %swap3A_833 {strides = array<i32>} : memref<4608xi32, #tpu.memory_space<vmem>>, vector<16xi32>,
        %scan3A_834 = arith.constant 0 : i32
        scf.yield %scan3A_834 : i32
      }
      %scan3A_733 = arith.constant 144 : i32
      %dma_start3A_734 = arith.constant 0 : i32
      %dma_start3A_735 = tpu.memref_slice %arg16[%dma_start3A_734] : memref<1785856xf32, #tpu.memory_space<vmem_shared>> -> memref<1785856xf32, #tpu.memory_space<vmem_shared>>
      tpu.enqueue_indirect_dma source(%arg7 : memref<4608xf32, #tpu.memory_space<vmem>>) target(%dma_start3A_735 : memref<1785856xf32, #tpu.memory_space<vmem_shared>>) offsets(%arg6 : memref<4608xi32, #tpu.memory_space<vmem>>) semaphore(%arg14 : memref<!tpu.dma_semaphore, #tpu.memory_space<semaphore_mem>>) {add = true}
      %dma_wait3A_736 = arith.constant 0 : i32
      %dma_wait3A_737 = tpu.memref_slice %arg16[%dma_wait3A_736] : memref<1785856xf32, #tpu.memory_space<vmem_shared>> -> memref<1785856xf32, #tpu.memory_space<vmem_shared>>
      tpu.wait_indirect_dma semaphore(%arg15 : memref<!tpu.dma_semaphore, #tpu.memory_space<semaphore_mem>>) src(%arg9 : memref<4608xf32, #tpu.memory_space<vmem>>) dst(%dma_wait3A_737 : memref<1785856xf32, #tpu.memory_space<vmem_shared>>)
      %add3A_738 = arith.constant 1 : i32
      %add3A_739 = arith.addi %mul3A_718, %add3A_738 : i32
      %mul3A_740 = arith.constant 4608 : i32
      %mul3A_741 = arith.muli %add3A_739, %mul3A_740 : i32
      %add3A_742 = arith.addi %add3A, %mul3A_741 : i32
      %multiple_of3A_743 = tpu.assume_multiple %add3A_742, 8 : i32
      %dma_start3A_744 = tpu.memref_slice %arg3[%multiple_of3A_743] : memref<7077888xi32, #tpu.memory_space<hbm>> -> memref<4608xi32, #tpu.memory_space<hbm>>
      %dma_start3A_745 = tpu.memref_slice %arg3[%multiple_of3A_743] : memref<7077888xi32, #tpu.memory_space<hbm>> -> memref<4608xi32, #tpu.memory_space<hbm>>
      tpu.enqueue_dma source(%dma_start3A_745 : memref<4608xi32, #tpu.memory_space<hbm>>) target(%arg8 : memref<4608xi32, #tpu.memory_space<vmem>>) target_semaphore(%arg12 : memref<!tpu.dma_semaphore, #tpu.memory_space<semaphore_mem>>)
      %mul3A_746 = arith.constant 4608 : i32
      %mul3A_747 = arith.muli %add3A_739, %mul3A_746 : i32
      %add3A_748 = arith.addi %add3A, %mul3A_747 : i32
      %multiple_of3A_749 = tpu.assume_multiple %add3A_748, 8 : i32
      %dma_start3A_750 = tpu.memref_slice %arg2[%multiple_of3A_749] : memref<7077888xf32, #tpu.memory_space<hbm>> -> memref<4608xf32, #tpu.memory_space<hbm>>
      %dma_start3A_751 = tpu.memref_slice %arg2[%multiple_of3A_749] : memref<7077888xf32, #tpu.memory_space<hbm>> -> memref<4608xf32, #tpu.memory_space<hbm>>
      tpu.enqueue_dma source(%dma_start3A_751 : memref<4608xf32, #tpu.memory_space<hbm>>) target(%arg9 : memref<4608xf32, #tpu.memory_space<vmem>>) target_semaphore(%arg13 : memref<!tpu.dma_semaphore, #tpu.memory_space<semaphore_mem>>)
      %dma_wait3A_752 = arith.constant 0 : i32
      %dma_wait3A_753 = tpu.memref_slice %arg3[%dma_wait3A_752] : memref<7077888xi32, #tpu.memory_space<hbm>> -> memref<4608xi32, #tpu.memory_space<hbm>>
      %dma_wait3A_754 = arith.constant 0 : i32
      %dma_wait3A_755 = tpu.memref_slice %arg3[%dma_wait3A_754] : memref<7077888xi32, #tpu.memory_space<hbm>> -> memref<4608xi32, #tpu.memory_space<hbm>>
      tpu.wait_dma2 semaphore(%arg12 : memref<!tpu.dma_semaphore, #tpu.memory_space<semaphore_mem>>) src(%dma_wait3A_755 : memref<4608xi32, #tpu.memory_space<hbm>>) dst(%arg8 : memref<4608xi32, #tpu.memory_space<vmem>>)
      %dma_wait3A_756 = arith.constant 0 : i32
      %dma_wait3A_757 = tpu.memref_slice %arg2[%dma_wait3A_756] : memref<7077888xf32, #tpu.memory_space<hbm>> -> memref<4608xf32, #tpu.memory_space<hbm>>
      %dma_wait3A_758 = arith.constant 0 : i32
      %dma_wait3A_759 = tpu.memref_slice %arg2[%dma_wait3A_758] : memref<7077888xf32, #tpu.memory_space<hbm>> -> memref<4608xf32, #tpu.memory_space<hbm>>
      tpu.wait_dma2 semaphore(%arg13 : memref<!tpu.dma_semaphore, #tpu.memory_space<semaphore_mem>>) src(%dma_wait3A_759 : memref<4608xf32, #tpu.memory_space<hbm>>) dst(%arg9 : memref<4608xf32, #tpu.memory_space<vmem>>)
      %scan3A_760 = arith.constant 0 : i32
      %scan3A_761 = arith.constant 0 : i32
      %scan3A_762 = arith.constant 144 : i32
      %scan3A_763 = arith.addi %scan3A_761, %scan3A_762 : i32
      %scan3A_764 = arith.constant 1 : i32
      %scan3A_765 = scf.for %scan3A_787 = %scan3A_761 to %scan3A_763 step %scan3A_764 iter_args(%scan3A_788 = %scan3A_760) -> (i32)  : i32 {
        %mul3A_789 = arith.constant 2 : i32
        %mul3A_790 = arith.muli %scan3A_787, %mul3A_789 : i32
        %add3A_791 = arith.constant 0 : i32
        %add3A_792 = arith.addi %mul3A_790, %add3A_791 : i32
        %mul3A_793 = arith.constant 16 : i32
        %mul3A_794 = arith.muli %add3A_792, %mul3A_793 : i32
        %get3A = arith.index_cast %mul3A_794 : i32 to index
        %get3A_795 = tpu.vector_load %arg8[%get3A] {strides = array<i32>} : memref<4608xi32, #tpu.memory_space<vmem>>, vector<16xi32>,
        %get3A_796 = vector.shape_cast %get3A_795 : vector<16xi32> to vector<16xi32>
        %sub3A = vector.broadcast %scan3A_601 : i32 to vector<16xi32>
        %sub3A_797 = arith.subi %get3A_796, %sub3A : vector<16xi32>
        %bitcast3A = vector.bitcast %sub3A_797 : vector<16xi32> to vector<16xi32>
        %lt3A = arith.constant 1769472 : i32
        %lt3A_798 = vector.broadcast %lt3A : i32 to vector<16xi32>
        %lt3A_799 = arith.cmpi ult, %bitcast3A, %lt3A_798 : vector<16xi32>
        %and3A = arith.constant 16383 : i32
        %and3A_800 = vector.broadcast %and3A : i32 to vector<16xi32>
        %and3A_801 = arith.andi %get3A_796, %and3A_800 : vector<16xi32>
        %add3A_802 = arith.constant 1769472 : i32
        %add3A_803 = vector.broadcast %add3A_802 : i32 to vector<16xi32>
        %add3A_804 = arith.addi %add3A_803, %and3A_801 : vector<16xi32>
        %select_n3A = arith.select %lt3A_799, %sub3A_797, %add3A_804 : vector<16xi1>, vector<16xi32>
        %swap3A = arith.index_cast %mul3A_794 : i32 to index
        %swap3A_805 = tpu.vector_load %arg8[%swap3A] {strides = array<i32>} : memref<4608xi32, #tpu.memory_space<vmem>>, vector<16xi32>,
        %swap3A_806 = vector.shape_cast %swap3A_805 : vector<16xi32> to vector<16xi32>
        %swap3A_807 = vector.shape_cast %select_n3A : vector<16xi32> to vector<16xi32>
        tpu.vector_store %arg8[%swap3A], %swap3A_807 {strides = array<i32>} : memref<4608xi32, #tpu.memory_space<vmem>>, vector<16xi32>,
        %mul3A_808 = arith.constant 2 : i32
        %mul3A_809 = arith.muli %scan3A_787, %mul3A_808 : i32
        %add3A_810 = arith.constant 1 : i32
        %add3A_811 = arith.addi %mul3A_809, %add3A_810 : i32
        %mul3A_812 = arith.constant 16 : i32
        %mul3A_813 = arith.muli %add3A_811, %mul3A_812 : i32
        %get3A_814 = arith.index_cast %mul3A_813 : i32 to index
        %get3A_815 = tpu.vector_load %arg8[%get3A_814] {strides = array<i32>} : memref<4608xi32, #tpu.memory_space<vmem>>, vector<16xi32>,
        %get3A_816 = vector.shape_cast %get3A_815 : vector<16xi32> to vector<16xi32>
        %sub3A_817 = vector.broadcast %scan3A_601 : i32 to vector<16xi32>
        %sub3A_818 = arith.subi %get3A_816, %sub3A_817 : vector<16xi32>
        %bitcast3A_819 = vector.bitcast %sub3A_818 : vector<16xi32> to vector<16xi32>
        %lt3A_820 = arith.constant 1769472 : i32
        %lt3A_821 = vector.broadcast %lt3A_820 : i32 to vector<16xi32>
        %lt3A_822 = arith.cmpi ult, %bitcast3A_819, %lt3A_821 : vector<16xi32>
        %and3A_823 = arith.constant 16383 : i32
        %and3A_824 = vector.broadcast %and3A_823 : i32 to vector<16xi32>
        %and3A_825 = arith.andi %get3A_816, %and3A_824 : vector<16xi32>
        %add3A_826 = arith.constant 1769472 : i32
        %add3A_827 = vector.broadcast %add3A_826 : i32 to vector<16xi32>
        %add3A_828 = arith.addi %add3A_827, %and3A_825 : vector<16xi32>
        %select_n3A_829 = arith.select %lt3A_822, %sub3A_818, %add3A_828 : vector<16xi1>, vector<16xi32>
        %swap3A_830 = arith.index_cast %mul3A_813 : i32 to index
        %swap3A_831 = tpu.vector_load %arg8[%swap3A_830] {strides = array<i32>} : memref<4608xi32, #tpu.memory_space<vmem>>, vector<16xi32>,
        %swap3A_832 = vector.shape_cast %swap3A_831 : vector<16xi32> to vector<16xi32>
        %swap3A_833 = vector.shape_cast %select_n3A_829 : vector<16xi32> to vector<16xi32>
        tpu.vector_store %arg8[%swap3A_830], %swap3A_833 {strides = array<i32>} : memref<4608xi32, #tpu.memory_space<vmem>>, vector<16xi32>,
        %scan3A_834 = arith.constant 0 : i32
        scf.yield %scan3A_834 : i32
      }
      %scan3A_766 = arith.constant 144 : i32
      %dma_start3A_767 = arith.constant 0 : i32
      %dma_start3A_768 = tpu.memref_slice %arg16[%dma_start3A_767] : memref<1785856xf32, #tpu.memory_space<vmem_shared>> -> memref<1785856xf32, #tpu.memory_space<vmem_shared>>
      tpu.enqueue_indirect_dma source(%arg9 : memref<4608xf32, #tpu.memory_space<vmem>>) target(%dma_start3A_768 : memref<1785856xf32, #tpu.memory_space<vmem_shared>>) offsets(%arg8 : memref<4608xi32, #tpu.memory_space<vmem>>) semaphore(%arg15 : memref<!tpu.dma_semaphore, #tpu.memory_space<semaphore_mem>>) {add = true}
      %dma_wait3A_769 = arith.constant 0 : i32
      %dma_wait3A_770 = tpu.memref_slice %arg16[%dma_wait3A_769] : memref<1785856xf32, #tpu.memory_space<vmem_shared>> -> memref<1785856xf32, #tpu.memory_space<vmem_shared>>
      tpu.wait_indirect_dma semaphore(%arg14 : memref<!tpu.dma_semaphore, #tpu.memory_space<semaphore_mem>>) src(%arg7 : memref<4608xf32, #tpu.memory_space<vmem>>) dst(%dma_wait3A_770 : memref<1785856xf32, #tpu.memory_space<vmem_shared>>)
      %add3A_771 = arith.constant 2 : i32
      %add3A_772 = arith.addi %mul3A_718, %add3A_771 : i32
      %rem3A = arith.constant 48 : i32
      %rem3A_773 = arith.remsi %add3A_772, %rem3A : i32
      %mul3A_774 = arith.constant 4608 : i32
      %mul3A_775 = arith.muli %rem3A_773, %mul3A_774 : i32
      %add3A_776 = arith.addi %add3A, %mul3A_775 : i32
      %multiple_of3A_777 = tpu.assume_multiple %add3A_776, 8 : i32
      %dma_start3A_778 = tpu.memref_slice %arg3[%multiple_of3A_777] : memref<7077888xi32, #tpu.memory_space<hbm>> -> memref<4608xi32, #tpu.memory_space<hbm>>
      %dma_start3A_779 = tpu.memref_slice %arg3[%multiple_of3A_777] : memref<7077888xi32, #tpu.memory_space<hbm>> -> memref<4608xi32, #tpu.memory_space<hbm>>
      tpu.enqueue_dma source(%dma_start3A_779 : memref<4608xi32, #tpu.memory_space<hbm>>) target(%arg6 : memref<4608xi32, #tpu.memory_space<vmem>>) target_semaphore(%arg10 : memref<!tpu.dma_semaphore, #tpu.memory_space<semaphore_mem>>)
      %mul3A_780 = arith.constant 4608 : i32
      %mul3A_781 = arith.muli %rem3A_773, %mul3A_780 : i32
      %add3A_782 = arith.addi %add3A, %mul3A_781 : i32
      %multiple_of3A_783 = tpu.assume_multiple %add3A_782, 8 : i32
      %dma_start3A_784 = tpu.memref_slice %arg2[%multiple_of3A_783] : memref<7077888xf32, #tpu.memory_space<hbm>> -> memref<4608xf32, #tpu.memory_space<hbm>>
      %dma_start3A_785 = tpu.memref_slice %arg2[%multiple_of3A_783] : memref<7077888xf32, #tpu.memory_space<hbm>> -> memref<4608xf32, #tpu.memory_space<hbm>>
      tpu.enqueue_dma source(%dma_start3A_785 : memref<4608xf32, #tpu.memory_space<hbm>>) target(%arg7 : memref<4608xf32, #tpu.memory_space<vmem>>) target_semaphore(%arg11 : memref<!tpu.dma_semaphore, #tpu.memory_space<semaphore_mem>>)
      %scan3A_786 = arith.constant 0 : i32
      scf.yield %scan3A_786 : i32
    }
    %scan3A_608 = arith.constant 23 : i32
    %dma_wait3A_609 = arith.constant 0 : i32
    %dma_wait3A_610 = tpu.memref_slice %arg16[%dma_wait3A_609] : memref<1785856xf32, #tpu.memory_space<vmem_shared>> -> memref<1785856xf32, #tpu.memory_space<vmem_shared>>
    tpu.wait_indirect_dma semaphore(%arg15 : memref<!tpu.dma_semaphore, #tpu.memory_space<semaphore_mem>>) src(%arg9 : memref<4608xf32, #tpu.memory_space<vmem>>) dst(%dma_wait3A_610 : memref<1785856xf32, #tpu.memory_space<vmem_shared>>)
    %barrier3A_611 = arith.constant 0 : index
    tpu.barrier barrier_id(%barrier3A_611)
    %mul3A_612 = arith.constant 110592 : i32
    %mul3A_613 = arith.muli %arg1, %mul3A_612 : i32
    %add3A_614 = arith.constant 10616832 : i32
    %add3A_615 = arith.addi %mul3A_2, %add3A_614 : i32
    %mul3A_616 = arith.constant 110592 : i32
    %mul3A_617 = arith.muli %arg1, %mul3A_616 : i32
    %add3A_618 = arith.addi %add3A_615, %mul3A_617 : i32
    "tpu.region"() ({
      %run_scoped3A = tpu.sem_alloc : memref<!tpu.dma_semaphore, #tpu.memory_space<semaphore_mem>>
      %dma_start3A_715 = tpu.memref_slice %arg5[%add3A_618] : memref<28311552xf32, #tpu.memory_space<hbm>> -> memref<110592xf32, #tpu.memory_space<hbm>>
      %dma_start3A_716 = tpu.memref_slice %arg16[%mul3A_613] : memref<1785856xf32, #tpu.memory_space<vmem_shared>> -> memref<110592xf32, #tpu.memory_space<vmem_shared>>
      tpu.enqueue_dma source(%dma_start3A_716 : memref<110592xf32, #tpu.memory_space<vmem_shared>>) target(%dma_start3A_715 : memref<110592xf32, #tpu.memory_space<hbm>>) target_semaphore(%run_scoped3A : memref<!tpu.dma_semaphore, #tpu.memory_space<semaphore_mem>>)
      %dma_wait3A_717 = tpu.memref_slice %arg5[%add3A_618] : memref<28311552xf32, #tpu.memory_space<hbm>> -> memref<110592xf32, #tpu.memory_space<hbm>>
      %dma_wait3A_718 = tpu.memref_slice %arg16[%mul3A_613] : memref<1785856xf32, #tpu.memory_space<vmem_shared>> -> memref<110592xf32, #tpu.memory_space<vmem_shared>>
      tpu.wait_dma2 semaphore(%run_scoped3A : memref<!tpu.dma_semaphore, #tpu.memory_space<semaphore_mem>>) src(%dma_wait3A_718 : memref<110592xf32, #tpu.memory_space<vmem_shared>>) dst(%dma_wait3A_717 : memref<110592xf32, #tpu.memory_space<hbm>>)
      tpu.yield
    }) : () -> ()
    %mul3A_619 = arith.constant 110592 : i32
    %mul3A_620 = arith.muli %arg1, %mul3A_619 : i32
    "tpu.region"() ({
      %run_scoped3A = tpu.sem_alloc : memref<!tpu.dma_semaphore, #tpu.memory_space<semaphore_mem>>
      %dma_start3A_715 = tpu.memref_slice %arg16[%mul3A_620] : memref<1785856xf32, #tpu.memory_space<vmem_shared>> -> memref<110592xf32, #tpu.memory_space<vmem_shared>>
      tpu.enqueue_dma source(%arg4 : memref<110592xf32, #tpu.memory_space<hbm>>) target(%dma_start3A_715 : memref<110592xf32, #tpu.memory_space<vmem_shared>>) target_semaphore(%run_scoped3A : memref<!tpu.dma_semaphore, #tpu.memory_space<semaphore_mem>>)
      %dma_wait3A_716 = tpu.memref_slice %arg16[%mul3A_620] : memref<1785856xf32, #tpu.memory_space<vmem_shared>> -> memref<110592xf32, #tpu.memory_space<vmem_shared>>
      tpu.wait_dma2 semaphore(%run_scoped3A : memref<!tpu.dma_semaphore, #tpu.memory_space<semaphore_mem>>) src(%arg4 : memref<110592xf32, #tpu.memory_space<hbm>>) dst(%dma_wait3A_716 : memref<110592xf32, #tpu.memory_space<vmem_shared>>)
      tpu.yield
    }) : () -> ()
    %barrier3A_621 = arith.constant 0 : index
    tpu.barrier barrier_id(%barrier3A_621)
    %dma_wait3A_622 = arith.constant 0 : i32
    %dma_wait3A_623 = tpu.memref_slice %arg3[%dma_wait3A_622] : memref<7077888xi32, #tpu.memory_space<hbm>> -> memref<4608xi32, #tpu.memory_space<hbm>>
    %dma_wait3A_624 = arith.constant 0 : i32
    %dma_wait3A_625 = tpu.memref_slice %arg3[%dma_wait3A_624] : memref<7077888xi32, #tpu.memory_space<hbm>> -> memref<4608xi32, #tpu.memory_space<hbm>>
    tpu.wait_dma2 semaphore(%arg10 : memref<!tpu.dma_semaphore, #tpu.memory_space<semaphore_mem>>) src(%dma_wait3A_625 : memref<4608xi32, #tpu.memory_space<hbm>>) dst(%arg6 : memref<4608xi32, #tpu.memory_space<vmem>>)
    %dma_wait3A_626 = arith.constant 0 : i32
    %dma_wait3A_627 = tpu.memref_slice %arg2[%dma_wait3A_626] : memref<7077888xf32, #tpu.memory_space<hbm>> -> memref<4608xf32, #tpu.memory_space<hbm>>
    %dma_wait3A_628 = arith.constant 0 : i32
    %dma_wait3A_629 = tpu.memref_slice %arg2[%dma_wait3A_628] : memref<7077888xf32, #tpu.memory_space<hbm>> -> memref<4608xf32, #tpu.memory_space<hbm>>
    tpu.wait_dma2 semaphore(%arg11 : memref<!tpu.dma_semaphore, #tpu.memory_space<semaphore_mem>>) src(%dma_wait3A_629 : memref<4608xf32, #tpu.memory_space<hbm>>) dst(%arg7 : memref<4608xf32, #tpu.memory_space<vmem>>)
    %scan3A_630 = arith.constant 12386304 : i32
    %scan3A_631 = arith.constant 0 : i32
    %scan3A_632 = arith.constant 0 : i32
    %scan3A_633 = arith.constant 144 : i32
    %scan3A_634 = arith.addi %scan3A_632, %scan3A_633 : i32
    %scan3A_635 = arith.constant 1 : i32
    %scan3A_636 = scf.for %scan3A_715 = %scan3A_632 to %scan3A_634 step %scan3A_635 iter_args(%scan3A_716 = %scan3A_631) -> (i32)  : i32 {
      %mul3A_717 = arith.constant 2 : i32
      %mul3A_718 = arith.muli %scan3A_715, %mul3A_717 : i32
      %add3A_719 = arith.constant 0 : i32
      %add3A_720 = arith.addi %mul3A_718, %add3A_719 : i32
      %mul3A_721 = arith.constant 16 : i32
      %mul3A_722 = arith.muli %add3A_720, %mul3A_721 : i32
      %get3A = arith.index_cast %mul3A_722 : i32 to index
      %get3A_723 = tpu.vector_load %arg6[%get3A] {strides = array<i32>} : memref<4608xi32, #tpu.memory_space<vmem>>, vector<16xi32>,
      %get3A_724 = vector.shape_cast %get3A_723 : vector<16xi32> to vector<16xi32>
      %sub3A = vector.broadcast %scan3A_630 : i32 to vector<16xi32>
      %sub3A_725 = arith.subi %get3A_724, %sub3A : vector<16xi32>
      %bitcast3A = vector.bitcast %sub3A_725 : vector<16xi32> to vector<16xi32>
      %lt3A = arith.constant 1769472 : i32
      %lt3A_726 = vector.broadcast %lt3A : i32 to vector<16xi32>
      %lt3A_727 = arith.cmpi ult, %bitcast3A, %lt3A_726 : vector<16xi32>
      %and3A = arith.constant 16383 : i32
      %and3A_728 = vector.broadcast %and3A : i32 to vector<16xi32>
      %and3A_729 = arith.andi %get3A_724, %and3A_728 : vector<16xi32>
      %add3A_730 = arith.constant 1769472 : i32
      %add3A_731 = vector.broadcast %add3A_730 : i32 to vector<16xi32>
      %add3A_732 = arith.addi %add3A_731, %and3A_729 : vector<16xi32>
      %select_n3A = arith.select %lt3A_727, %sub3A_725, %add3A_732 : vector<16xi1>, vector<16xi32>
      %swap3A = arith.index_cast %mul3A_722 : i32 to index
      %swap3A_733 = tpu.vector_load %arg6[%swap3A] {strides = array<i32>} : memref<4608xi32, #tpu.memory_space<vmem>>, vector<16xi32>,
      %swap3A_734 = vector.shape_cast %swap3A_733 : vector<16xi32> to vector<16xi32>
      %swap3A_735 = vector.shape_cast %select_n3A : vector<16xi32> to vector<16xi32>
      tpu.vector_store %arg6[%swap3A], %swap3A_735 {strides = array<i32>} : memref<4608xi32, #tpu.memory_space<vmem>>, vector<16xi32>,
      %mul3A_736 = arith.constant 2 : i32
      %mul3A_737 = arith.muli %scan3A_715, %mul3A_736 : i32
      %add3A_738 = arith.constant 1 : i32
      %add3A_739 = arith.addi %mul3A_737, %add3A_738 : i32
      %mul3A_740 = arith.constant 16 : i32
      %mul3A_741 = arith.muli %add3A_739, %mul3A_740 : i32
      %get3A_742 = arith.index_cast %mul3A_741 : i32 to index
      %get3A_743 = tpu.vector_load %arg6[%get3A_742] {strides = array<i32>} : memref<4608xi32, #tpu.memory_space<vmem>>, vector<16xi32>,
      %get3A_744 = vector.shape_cast %get3A_743 : vector<16xi32> to vector<16xi32>
      %sub3A_745 = vector.broadcast %scan3A_630 : i32 to vector<16xi32>
      %sub3A_746 = arith.subi %get3A_744, %sub3A_745 : vector<16xi32>
      %bitcast3A_747 = vector.bitcast %sub3A_746 : vector<16xi32> to vector<16xi32>
      %lt3A_748 = arith.constant 1769472 : i32
      %lt3A_749 = vector.broadcast %lt3A_748 : i32 to vector<16xi32>
      %lt3A_750 = arith.cmpi ult, %bitcast3A_747, %lt3A_749 : vector<16xi32>
      %and3A_751 = arith.constant 16383 : i32
      %and3A_752 = vector.broadcast %and3A_751 : i32 to vector<16xi32>
      %and3A_753 = arith.andi %get3A_744, %and3A_752 : vector<16xi32>
      %add3A_754 = arith.constant 1769472 : i32
      %add3A_755 = vector.broadcast %add3A_754 : i32 to vector<16xi32>
      %add3A_756 = arith.addi %add3A_755, %and3A_753 : vector<16xi32>
      %select_n3A_757 = arith.select %lt3A_750, %sub3A_746, %add3A_756 : vector<16xi1>, vector<16xi32>
      %swap3A_758 = arith.index_cast %mul3A_741 : i32 to index
      %swap3A_759 = tpu.vector_load %arg6[%swap3A_758] {strides = array<i32>} : memref<4608xi32, #tpu.memory_space<vmem>>, vector<16xi32>,
      %swap3A_760 = vector.shape_cast %swap3A_759 : vector<16xi32> to vector<16xi32>
      %swap3A_761 = vector.shape_cast %select_n3A_757 : vector<16xi32> to vector<16xi32>
      tpu.vector_store %arg6[%swap3A_758], %swap3A_761 {strides = array<i32>} : memref<4608xi32, #tpu.memory_space<vmem>>, vector<16xi32>,
      %scan3A_762 = arith.constant 0 : i32
      scf.yield %scan3A_762 : i32
    }
    %scan3A_637 = arith.constant 144 : i32
    %dma_start3A_638 = arith.constant 0 : i32
    %dma_start3A_639 = tpu.memref_slice %arg16[%dma_start3A_638] : memref<1785856xf32, #tpu.memory_space<vmem_shared>> -> memref<1785856xf32, #tpu.memory_space<vmem_shared>>
    tpu.enqueue_indirect_dma source(%arg7 : memref<4608xf32, #tpu.memory_space<vmem>>) target(%dma_start3A_639 : memref<1785856xf32, #tpu.memory_space<vmem_shared>>) offsets(%arg6 : memref<4608xi32, #tpu.memory_space<vmem>>) semaphore(%arg14 : memref<!tpu.dma_semaphore, #tpu.memory_space<semaphore_mem>>) {add = true}
    %mul3A_640 = arith.constant 1 : i32
    %mul3A_641 = arith.constant 4608 : i32
    %mul3A_642 = arith.muli %mul3A_640, %mul3A_641 : i32
    %add3A_643 = arith.addi %add3A, %mul3A_642 : i32
    %multiple_of3A_644 = tpu.assume_multiple %add3A_643, 8 : i32
    %dma_start3A_645 = tpu.memref_slice %arg3[%multiple_of3A_644] : memref<7077888xi32, #tpu.memory_space<hbm>> -> memref<4608xi32, #tpu.memory_space<hbm>>
    %dma_start3A_646 = tpu.memref_slice %arg3[%multiple_of3A_644] : memref<7077888xi32, #tpu.memory_space<hbm>> -> memref<4608xi32, #tpu.memory_space<hbm>>
    tpu.enqueue_dma source(%dma_start3A_646 : memref<4608xi32, #tpu.memory_space<hbm>>) target(%arg8 : memref<4608xi32, #tpu.memory_space<vmem>>) target_semaphore(%arg12 : memref<!tpu.dma_semaphore, #tpu.memory_space<semaphore_mem>>)
    %mul3A_647 = arith.constant 1 : i32
    %mul3A_648 = arith.constant 4608 : i32
    %mul3A_649 = arith.muli %mul3A_647, %mul3A_648 : i32
    %add3A_650 = arith.addi %add3A, %mul3A_649 : i32
    %multiple_of3A_651 = tpu.assume_multiple %add3A_650, 8 : i32
    %dma_start3A_652 = tpu.memref_slice %arg2[%multiple_of3A_651] : memref<7077888xf32, #tpu.memory_space<hbm>> -> memref<4608xf32, #tpu.memory_space<hbm>>
    %dma_start3A_653 = tpu.memref_slice %arg2[%multiple_of3A_651] : memref<7077888xf32, #tpu.memory_space<hbm>> -> memref<4608xf32, #tpu.memory_space<hbm>>
    tpu.enqueue_dma source(%dma_start3A_653 : memref<4608xf32, #tpu.memory_space<hbm>>) target(%arg9 : memref<4608xf32, #tpu.memory_space<vmem>>) target_semaphore(%arg13 : memref<!tpu.dma_semaphore, #tpu.memory_space<semaphore_mem>>)
    %dma_wait3A_654 = arith.constant 0 : i32
    %dma_wait3A_655 = tpu.memref_slice %arg3[%dma_wait3A_654] : memref<7077888xi32, #tpu.memory_space<hbm>> -> memref<4608xi32, #tpu.memory_space<hbm>>
    %dma_wait3A_656 = arith.constant 0 : i32
    %dma_wait3A_657 = tpu.memref_slice %arg3[%dma_wait3A_656] : memref<7077888xi32, #tpu.memory_space<hbm>> -> memref<4608xi32, #tpu.memory_space<hbm>>
    tpu.wait_dma2 semaphore(%arg12 : memref<!tpu.dma_semaphore, #tpu.memory_space<semaphore_mem>>) src(%dma_wait3A_657 : memref<4608xi32, #tpu.memory_space<hbm>>) dst(%arg8 : memref<4608xi32, #tpu.memory_space<vmem>>)
    %dma_wait3A_658 = arith.constant 0 : i32
    %dma_wait3A_659 = tpu.memref_slice %arg2[%dma_wait3A_658] : memref<7077888xf32, #tpu.memory_space<hbm>> -> memref<4608xf32, #tpu.memory_space<hbm>>
    %dma_wait3A_660 = arith.constant 0 : i32
    %dma_wait3A_661 = tpu.memref_slice %arg2[%dma_wait3A_660] : memref<7077888xf32, #tpu.memory_space<hbm>> -> memref<4608xf32, #tpu.memory_space<hbm>>
    tpu.wait_dma2 semaphore(%arg13 : memref<!tpu.dma_semaphore, #tpu.memory_space<semaphore_mem>>) src(%dma_wait3A_661 : memref<4608xf32, #tpu.memory_space<hbm>>) dst(%arg9 : memref<4608xf32, #tpu.memory_space<vmem>>)
    %scan3A_662 = arith.constant 12386304 : i32
    %scan3A_663 = arith.constant 0 : i32
    %scan3A_664 = arith.constant 0 : i32
    %scan3A_665 = arith.constant 144 : i32
    %scan3A_666 = arith.addi %scan3A_664, %scan3A_665 : i32
    %scan3A_667 = arith.constant 1 : i32
    %scan3A_668 = scf.for %scan3A_715 = %scan3A_664 to %scan3A_666 step %scan3A_667 iter_args(%scan3A_716 = %scan3A_663) -> (i32)  : i32 {
      %mul3A_717 = arith.constant 2 : i32
      %mul3A_718 = arith.muli %scan3A_715, %mul3A_717 : i32
      %add3A_719 = arith.constant 0 : i32
      %add3A_720 = arith.addi %mul3A_718, %add3A_719 : i32
      %mul3A_721 = arith.constant 16 : i32
      %mul3A_722 = arith.muli %add3A_720, %mul3A_721 : i32
      %get3A = arith.index_cast %mul3A_722 : i32 to index
      %get3A_723 = tpu.vector_load %arg8[%get3A] {strides = array<i32>} : memref<4608xi32, #tpu.memory_space<vmem>>, vector<16xi32>,
      %get3A_724 = vector.shape_cast %get3A_723 : vector<16xi32> to vector<16xi32>
      %sub3A = vector.broadcast %scan3A_662 : i32 to vector<16xi32>
      %sub3A_725 = arith.subi %get3A_724, %sub3A : vector<16xi32>
      %bitcast3A = vector.bitcast %sub3A_725 : vector<16xi32> to vector<16xi32>
      %lt3A = arith.constant 1769472 : i32
      %lt3A_726 = vector.broadcast %lt3A : i32 to vector<16xi32>
      %lt3A_727 = arith.cmpi ult, %bitcast3A, %lt3A_726 : vector<16xi32>
      %and3A = arith.constant 16383 : i32
      %and3A_728 = vector.broadcast %and3A : i32 to vector<16xi32>
      %and3A_729 = arith.andi %get3A_724, %and3A_728 : vector<16xi32>
      %add3A_730 = arith.constant 1769472 : i32
      %add3A_731 = vector.broadcast %add3A_730 : i32 to vector<16xi32>
      %add3A_732 = arith.addi %add3A_731, %and3A_729 : vector<16xi32>
      %select_n3A = arith.select %lt3A_727, %sub3A_725, %add3A_732 : vector<16xi1>, vector<16xi32>
      %swap3A = arith.index_cast %mul3A_722 : i32 to index
      %swap3A_733 = tpu.vector_load %arg8[%swap3A] {strides = array<i32>} : memref<4608xi32, #tpu.memory_space<vmem>>, vector<16xi32>,
      %swap3A_734 = vector.shape_cast %swap3A_733 : vector<16xi32> to vector<16xi32>
      %swap3A_735 = vector.shape_cast %select_n3A : vector<16xi32> to vector<16xi32>
      tpu.vector_store %arg8[%swap3A], %swap3A_735 {strides = array<i32>} : memref<4608xi32, #tpu.memory_space<vmem>>, vector<16xi32>,
      %mul3A_736 = arith.constant 2 : i32
      %mul3A_737 = arith.muli %scan3A_715, %mul3A_736 : i32
      %add3A_738 = arith.constant 1 : i32
      %add3A_739 = arith.addi %mul3A_737, %add3A_738 : i32
      %mul3A_740 = arith.constant 16 : i32
      %mul3A_741 = arith.muli %add3A_739, %mul3A_740 : i32
      %get3A_742 = arith.index_cast %mul3A_741 : i32 to index
      %get3A_743 = tpu.vector_load %arg8[%get3A_742] {strides = array<i32>} : memref<4608xi32, #tpu.memory_space<vmem>>, vector<16xi32>,
      %get3A_744 = vector.shape_cast %get3A_743 : vector<16xi32> to vector<16xi32>
      %sub3A_745 = vector.broadcast %scan3A_662 : i32 to vector<16xi32>
      %sub3A_746 = arith.subi %get3A_744, %sub3A_745 : vector<16xi32>
      %bitcast3A_747 = vector.bitcast %sub3A_746 : vector<16xi32> to vector<16xi32>
      %lt3A_748 = arith.constant 1769472 : i32
      %lt3A_749 = vector.broadcast %lt3A_748 : i32 to vector<16xi32>
      %lt3A_750 = arith.cmpi ult, %bitcast3A_747, %lt3A_749 : vector<16xi32>
      %and3A_751 = arith.constant 16383 : i32
      %and3A_752 = vector.broadcast %and3A_751 : i32 to vector<16xi32>
      %and3A_753 = arith.andi %get3A_744, %and3A_752 : vector<16xi32>
      %add3A_754 = arith.constant 1769472 : i32
      %add3A_755 = vector.broadcast %add3A_754 : i32 to vector<16xi32>
      %add3A_756 = arith.addi %add3A_755, %and3A_753 : vector<16xi32>
      %select_n3A_757 = arith.select %lt3A_750, %sub3A_746, %add3A_756 : vector<16xi1>, vector<16xi32>
      %swap3A_758 = arith.index_cast %mul3A_741 : i32 to index
      %swap3A_759 = tpu.vector_load %arg8[%swap3A_758] {strides = array<i32>} : memref<4608xi32, #tpu.memory_space<vmem>>, vector<16xi32>,
      %swap3A_760 = vector.shape_cast %swap3A_759 : vector<16xi32> to vector<16xi32>
      %swap3A_761 = vector.shape_cast %select_n3A_757 : vector<16xi32> to vector<16xi32>
      tpu.vector_store %arg8[%swap3A_758], %swap3A_761 {strides = array<i32>} : memref<4608xi32, #tpu.memory_space<vmem>>, vector<16xi32>,
      %scan3A_762 = arith.constant 0 : i32
      scf.yield %scan3A_762 : i32
    }
    %scan3A_669 = arith.constant 144 : i32
    %dma_start3A_670 = arith.constant 0 : i32
    %dma_start3A_671 = tpu.memref_slice %arg16[%dma_start3A_670] : memref<1785856xf32, #tpu.memory_space<vmem_shared>> -> memref<1785856xf32, #tpu.memory_space<vmem_shared>>
    tpu.enqueue_indirect_dma source(%arg9 : memref<4608xf32, #tpu.memory_space<vmem>>) target(%dma_start3A_671 : memref<1785856xf32, #tpu.memory_space<vmem_shared>>) offsets(%arg8 : memref<4608xi32, #tpu.memory_space<vmem>>) semaphore(%arg15 : memref<!tpu.dma_semaphore, #tpu.memory_space<semaphore_mem>>) {add = true}
    %dma_wait3A_672 = arith.constant 0 : i32
    %dma_wait3A_673 = tpu.memref_slice %arg16[%dma_wait3A_672] : memref<1785856xf32, #tpu.memory_space<vmem_shared>> -> memref<1785856xf32, #tpu.memory_space<vmem_shared>>
    tpu.wait_indirect_dma semaphore(%arg14 : memref<!tpu.dma_semaphore, #tpu.memory_space<semaphore_mem>>) src(%arg7 : memref<4608xf32, #tpu.memory_space<vmem>>) dst(%dma_wait3A_673 : memref<1785856xf32, #tpu.memory_space<vmem_shared>>)
    %mul3A_674 = arith.constant 2 : i32
    %mul3A_675 = arith.constant 4608 : i32
    %mul3A_676 = arith.muli %mul3A_674, %mul3A_675 : i32
    %add3A_677 = arith.addi %add3A, %mul3A_676 : i32
    %multiple_of3A_678 = tpu.assume_multiple %add3A_677, 8 : i32
    %dma_start3A_679 = tpu.memref_slice %arg3[%multiple_of3A_678] : memref<7077888xi32, #tpu.memory_space<hbm>> -> memref<4608xi32, #tpu.memory_space<hbm>>
    %dma_start3A_680 = tpu.memref_slice %arg3[%multiple_of3A_678] : memref<7077888xi32, #tpu.memory_space<hbm>> -> memref<4608xi32, #tpu.memory_space<hbm>>
    tpu.enqueue_dma source(%dma_start3A_680 : memref<4608xi32, #tpu.memory_space<hbm>>) target(%arg6 : memref<4608xi32, #tpu.memory_space<vmem>>) target_semaphore(%arg10 : memref<!tpu.dma_semaphore, #tpu.memory_space<semaphore_mem>>)
    %mul3A_681 = arith.constant 2 : i32
    %mul3A_682 = arith.constant 4608 : i32
    %mul3A_683 = arith.muli %mul3A_681, %mul3A_682 : i32
    %add3A_684 = arith.addi %add3A, %mul3A_683 : i32
    %multiple_of3A_685 = tpu.assume_multiple %add3A_684, 8 : i32
    %dma_start3A_686 = tpu.memref_slice %arg2[%multiple_of3A_685] : memref<7077888xf32, #tpu.memory_space<hbm>> -> memref<4608xf32, #tpu.memory_space<hbm>>
    %dma_start3A_687 = tpu.memref_slice %arg2[%multiple_of3A_685] : memref<7077888xf32, #tpu.memory_space<hbm>> -> memref<4608xf32, #tpu.memory_space<hbm>>
    tpu.enqueue_dma source(%dma_start3A_687 : memref<4608xf32, #tpu.memory_space<hbm>>) target(%arg7 : memref<4608xf32, #tpu.memory_space<vmem>>) target_semaphore(%arg11 : memref<!tpu.dma_semaphore, #tpu.memory_space<semaphore_mem>>)
    %scan3A_688 = arith.constant 12386304 : i32
    %scan3A_689 = arith.constant 0 : i32
    %scan3A_690 = arith.constant 1 : i32
    %scan3A_691 = arith.constant 23 : i32
    %scan3A_692 = arith.addi %scan3A_690, %scan3A_691 : i32
    %scan3A_693 = arith.constant 1 : i32
    %scan3A_694 = scf.for %scan3A_715 = %scan3A_690 to %scan3A_692 step %scan3A_693 iter_args(%scan3A_716 = %scan3A_689) -> (i32)  : i32 {
      %mul3A_717 = arith.constant 2 : i32
      %mul3A_718 = arith.muli %scan3A_715, %mul3A_717 : i32
      %dma_wait3A_719 = arith.constant 0 : i32
      %dma_wait3A_720 = tpu.memref_slice %arg3[%dma_wait3A_719] : memref<7077888xi32, #tpu.memory_space<hbm>> -> memref<4608xi32, #tpu.memory_space<hbm>>
      %dma_wait3A_721 = arith.constant 0 : i32
      %dma_wait3A_722 = tpu.memref_slice %arg3[%dma_wait3A_721] : memref<7077888xi32, #tpu.memory_space<hbm>> -> memref<4608xi32, #tpu.memory_space<hbm>>
      tpu.wait_dma2 semaphore(%arg10 : memref<!tpu.dma_semaphore, #tpu.memory_space<semaphore_mem>>) src(%dma_wait3A_722 : memref<4608xi32, #tpu.memory_space<hbm>>) dst(%arg6 : memref<4608xi32, #tpu.memory_space<vmem>>)
      %dma_wait3A_723 = arith.constant 0 : i32
      %dma_wait3A_724 = tpu.memref_slice %arg2[%dma_wait3A_723] : memref<7077888xf32, #tpu.memory_space<hbm>> -> memref<4608xf32, #tpu.memory_space<hbm>>
      %dma_wait3A_725 = arith.constant 0 : i32
      %dma_wait3A_726 = tpu.memref_slice %arg2[%dma_wait3A_725] : memref<7077888xf32, #tpu.memory_space<hbm>> -> memref<4608xf32, #tpu.memory_space<hbm>>
      tpu.wait_dma2 semaphore(%arg11 : memref<!tpu.dma_semaphore, #tpu.memory_space<semaphore_mem>>) src(%dma_wait3A_726 : memref<4608xf32, #tpu.memory_space<hbm>>) dst(%arg7 : memref<4608xf32, #tpu.memory_space<vmem>>)
      %scan3A_727 = arith.constant 0 : i32
      %scan3A_728 = arith.constant 0 : i32
      %scan3A_729 = arith.constant 144 : i32
      %scan3A_730 = arith.addi %scan3A_728, %scan3A_729 : i32
      %scan3A_731 = arith.constant 1 : i32
      %scan3A_732 = scf.for %scan3A_787 = %scan3A_728 to %scan3A_730 step %scan3A_731 iter_args(%scan3A_788 = %scan3A_727) -> (i32)  : i32 {
        %mul3A_789 = arith.constant 2 : i32
        %mul3A_790 = arith.muli %scan3A_787, %mul3A_789 : i32
        %add3A_791 = arith.constant 0 : i32
        %add3A_792 = arith.addi %mul3A_790, %add3A_791 : i32
        %mul3A_793 = arith.constant 16 : i32
        %mul3A_794 = arith.muli %add3A_792, %mul3A_793 : i32
        %get3A = arith.index_cast %mul3A_794 : i32 to index
        %get3A_795 = tpu.vector_load %arg6[%get3A] {strides = array<i32>} : memref<4608xi32, #tpu.memory_space<vmem>>, vector<16xi32>,
        %get3A_796 = vector.shape_cast %get3A_795 : vector<16xi32> to vector<16xi32>
        %sub3A = vector.broadcast %scan3A_688 : i32 to vector<16xi32>
        %sub3A_797 = arith.subi %get3A_796, %sub3A : vector<16xi32>
        %bitcast3A = vector.bitcast %sub3A_797 : vector<16xi32> to vector<16xi32>
        %lt3A = arith.constant 1769472 : i32
        %lt3A_798 = vector.broadcast %lt3A : i32 to vector<16xi32>
        %lt3A_799 = arith.cmpi ult, %bitcast3A, %lt3A_798 : vector<16xi32>
        %and3A = arith.constant 16383 : i32
        %and3A_800 = vector.broadcast %and3A : i32 to vector<16xi32>
        %and3A_801 = arith.andi %get3A_796, %and3A_800 : vector<16xi32>
        %add3A_802 = arith.constant 1769472 : i32
        %add3A_803 = vector.broadcast %add3A_802 : i32 to vector<16xi32>
        %add3A_804 = arith.addi %add3A_803, %and3A_801 : vector<16xi32>
        %select_n3A = arith.select %lt3A_799, %sub3A_797, %add3A_804 : vector<16xi1>, vector<16xi32>
        %swap3A = arith.index_cast %mul3A_794 : i32 to index
        %swap3A_805 = tpu.vector_load %arg6[%swap3A] {strides = array<i32>} : memref<4608xi32, #tpu.memory_space<vmem>>, vector<16xi32>,
        %swap3A_806 = vector.shape_cast %swap3A_805 : vector<16xi32> to vector<16xi32>
        %swap3A_807 = vector.shape_cast %select_n3A : vector<16xi32> to vector<16xi32>
        tpu.vector_store %arg6[%swap3A], %swap3A_807 {strides = array<i32>} : memref<4608xi32, #tpu.memory_space<vmem>>, vector<16xi32>,
        %mul3A_808 = arith.constant 2 : i32
        %mul3A_809 = arith.muli %scan3A_787, %mul3A_808 : i32
        %add3A_810 = arith.constant 1 : i32
        %add3A_811 = arith.addi %mul3A_809, %add3A_810 : i32
        %mul3A_812 = arith.constant 16 : i32
        %mul3A_813 = arith.muli %add3A_811, %mul3A_812 : i32
        %get3A_814 = arith.index_cast %mul3A_813 : i32 to index
        %get3A_815 = tpu.vector_load %arg6[%get3A_814] {strides = array<i32>} : memref<4608xi32, #tpu.memory_space<vmem>>, vector<16xi32>,
        %get3A_816 = vector.shape_cast %get3A_815 : vector<16xi32> to vector<16xi32>
        %sub3A_817 = vector.broadcast %scan3A_688 : i32 to vector<16xi32>
        %sub3A_818 = arith.subi %get3A_816, %sub3A_817 : vector<16xi32>
        %bitcast3A_819 = vector.bitcast %sub3A_818 : vector<16xi32> to vector<16xi32>
        %lt3A_820 = arith.constant 1769472 : i32
        %lt3A_821 = vector.broadcast %lt3A_820 : i32 to vector<16xi32>
        %lt3A_822 = arith.cmpi ult, %bitcast3A_819, %lt3A_821 : vector<16xi32>
        %and3A_823 = arith.constant 16383 : i32
        %and3A_824 = vector.broadcast %and3A_823 : i32 to vector<16xi32>
        %and3A_825 = arith.andi %get3A_816, %and3A_824 : vector<16xi32>
        %add3A_826 = arith.constant 1769472 : i32
        %add3A_827 = vector.broadcast %add3A_826 : i32 to vector<16xi32>
        %add3A_828 = arith.addi %add3A_827, %and3A_825 : vector<16xi32>
        %select_n3A_829 = arith.select %lt3A_822, %sub3A_818, %add3A_828 : vector<16xi1>, vector<16xi32>
        %swap3A_830 = arith.index_cast %mul3A_813 : i32 to index
        %swap3A_831 = tpu.vector_load %arg6[%swap3A_830] {strides = array<i32>} : memref<4608xi32, #tpu.memory_space<vmem>>, vector<16xi32>,
        %swap3A_832 = vector.shape_cast %swap3A_831 : vector<16xi32> to vector<16xi32>
        %swap3A_833 = vector.shape_cast %select_n3A_829 : vector<16xi32> to vector<16xi32>
        tpu.vector_store %arg6[%swap3A_830], %swap3A_833 {strides = array<i32>} : memref<4608xi32, #tpu.memory_space<vmem>>, vector<16xi32>,
        %scan3A_834 = arith.constant 0 : i32
        scf.yield %scan3A_834 : i32
      }
      %scan3A_733 = arith.constant 144 : i32
      %dma_start3A_734 = arith.constant 0 : i32
      %dma_start3A_735 = tpu.memref_slice %arg16[%dma_start3A_734] : memref<1785856xf32, #tpu.memory_space<vmem_shared>> -> memref<1785856xf32, #tpu.memory_space<vmem_shared>>
      tpu.enqueue_indirect_dma source(%arg7 : memref<4608xf32, #tpu.memory_space<vmem>>) target(%dma_start3A_735 : memref<1785856xf32, #tpu.memory_space<vmem_shared>>) offsets(%arg6 : memref<4608xi32, #tpu.memory_space<vmem>>) semaphore(%arg14 : memref<!tpu.dma_semaphore, #tpu.memory_space<semaphore_mem>>) {add = true}
      %dma_wait3A_736 = arith.constant 0 : i32
      %dma_wait3A_737 = tpu.memref_slice %arg16[%dma_wait3A_736] : memref<1785856xf32, #tpu.memory_space<vmem_shared>> -> memref<1785856xf32, #tpu.memory_space<vmem_shared>>
      tpu.wait_indirect_dma semaphore(%arg15 : memref<!tpu.dma_semaphore, #tpu.memory_space<semaphore_mem>>) src(%arg9 : memref<4608xf32, #tpu.memory_space<vmem>>) dst(%dma_wait3A_737 : memref<1785856xf32, #tpu.memory_space<vmem_shared>>)
      %add3A_738 = arith.constant 1 : i32
      %add3A_739 = arith.addi %mul3A_718, %add3A_738 : i32
      %mul3A_740 = arith.constant 4608 : i32
      %mul3A_741 = arith.muli %add3A_739, %mul3A_740 : i32
      %add3A_742 = arith.addi %add3A, %mul3A_741 : i32
      %multiple_of3A_743 = tpu.assume_multiple %add3A_742, 8 : i32
      %dma_start3A_744 = tpu.memref_slice %arg3[%multiple_of3A_743] : memref<7077888xi32, #tpu.memory_space<hbm>> -> memref<4608xi32, #tpu.memory_space<hbm>>
      %dma_start3A_745 = tpu.memref_slice %arg3[%multiple_of3A_743] : memref<7077888xi32, #tpu.memory_space<hbm>> -> memref<4608xi32, #tpu.memory_space<hbm>>
      tpu.enqueue_dma source(%dma_start3A_745 : memref<4608xi32, #tpu.memory_space<hbm>>) target(%arg8 : memref<4608xi32, #tpu.memory_space<vmem>>) target_semaphore(%arg12 : memref<!tpu.dma_semaphore, #tpu.memory_space<semaphore_mem>>)
      %mul3A_746 = arith.constant 4608 : i32
      %mul3A_747 = arith.muli %add3A_739, %mul3A_746 : i32
      %add3A_748 = arith.addi %add3A, %mul3A_747 : i32
      %multiple_of3A_749 = tpu.assume_multiple %add3A_748, 8 : i32
      %dma_start3A_750 = tpu.memref_slice %arg2[%multiple_of3A_749] : memref<7077888xf32, #tpu.memory_space<hbm>> -> memref<4608xf32, #tpu.memory_space<hbm>>
      %dma_start3A_751 = tpu.memref_slice %arg2[%multiple_of3A_749] : memref<7077888xf32, #tpu.memory_space<hbm>> -> memref<4608xf32, #tpu.memory_space<hbm>>
      tpu.enqueue_dma source(%dma_start3A_751 : memref<4608xf32, #tpu.memory_space<hbm>>) target(%arg9 : memref<4608xf32, #tpu.memory_space<vmem>>) target_semaphore(%arg13 : memref<!tpu.dma_semaphore, #tpu.memory_space<semaphore_mem>>)
      %dma_wait3A_752 = arith.constant 0 : i32
      %dma_wait3A_753 = tpu.memref_slice %arg3[%dma_wait3A_752] : memref<7077888xi32, #tpu.memory_space<hbm>> -> memref<4608xi32, #tpu.memory_space<hbm>>
      %dma_wait3A_754 = arith.constant 0 : i32
      %dma_wait3A_755 = tpu.memref_slice %arg3[%dma_wait3A_754] : memref<7077888xi32, #tpu.memory_space<hbm>> -> memref<4608xi32, #tpu.memory_space<hbm>>
      tpu.wait_dma2 semaphore(%arg12 : memref<!tpu.dma_semaphore, #tpu.memory_space<semaphore_mem>>) src(%dma_wait3A_755 : memref<4608xi32, #tpu.memory_space<hbm>>) dst(%arg8 : memref<4608xi32, #tpu.memory_space<vmem>>)
      %dma_wait3A_756 = arith.constant 0 : i32
      %dma_wait3A_757 = tpu.memref_slice %arg2[%dma_wait3A_756] : memref<7077888xf32, #tpu.memory_space<hbm>> -> memref<4608xf32, #tpu.memory_space<hbm>>
      %dma_wait3A_758 = arith.constant 0 : i32
      %dma_wait3A_759 = tpu.memref_slice %arg2[%dma_wait3A_758] : memref<7077888xf32, #tpu.memory_space<hbm>> -> memref<4608xf32, #tpu.memory_space<hbm>>
      tpu.wait_dma2 semaphore(%arg13 : memref<!tpu.dma_semaphore, #tpu.memory_space<semaphore_mem>>) src(%dma_wait3A_759 : memref<4608xf32, #tpu.memory_space<hbm>>) dst(%arg9 : memref<4608xf32, #tpu.memory_space<vmem>>)
      %scan3A_760 = arith.constant 0 : i32
      %scan3A_761 = arith.constant 0 : i32
      %scan3A_762 = arith.constant 144 : i32
      %scan3A_763 = arith.addi %scan3A_761, %scan3A_762 : i32
      %scan3A_764 = arith.constant 1 : i32
      %scan3A_765 = scf.for %scan3A_787 = %scan3A_761 to %scan3A_763 step %scan3A_764 iter_args(%scan3A_788 = %scan3A_760) -> (i32)  : i32 {
        %mul3A_789 = arith.constant 2 : i32
        %mul3A_790 = arith.muli %scan3A_787, %mul3A_789 : i32
        %add3A_791 = arith.constant 0 : i32
        %add3A_792 = arith.addi %mul3A_790, %add3A_791 : i32
        %mul3A_793 = arith.constant 16 : i32
        %mul3A_794 = arith.muli %add3A_792, %mul3A_793 : i32
        %get3A = arith.index_cast %mul3A_794 : i32 to index
        %get3A_795 = tpu.vector_load %arg8[%get3A] {strides = array<i32>} : memref<4608xi32, #tpu.memory_space<vmem>>, vector<16xi32>,
        %get3A_796 = vector.shape_cast %get3A_795 : vector<16xi32> to vector<16xi32>
        %sub3A = vector.broadcast %scan3A_688 : i32 to vector<16xi32>
        %sub3A_797 = arith.subi %get3A_796, %sub3A : vector<16xi32>
        %bitcast3A = vector.bitcast %sub3A_797 : vector<16xi32> to vector<16xi32>
        %lt3A = arith.constant 1769472 : i32
        %lt3A_798 = vector.broadcast %lt3A : i32 to vector<16xi32>
        %lt3A_799 = arith.cmpi ult, %bitcast3A, %lt3A_798 : vector<16xi32>
        %and3A = arith.constant 16383 : i32
        %and3A_800 = vector.broadcast %and3A : i32 to vector<16xi32>
        %and3A_801 = arith.andi %get3A_796, %and3A_800 : vector<16xi32>
        %add3A_802 = arith.constant 1769472 : i32
        %add3A_803 = vector.broadcast %add3A_802 : i32 to vector<16xi32>
        %add3A_804 = arith.addi %add3A_803, %and3A_801 : vector<16xi32>
        %select_n3A = arith.select %lt3A_799, %sub3A_797, %add3A_804 : vector<16xi1>, vector<16xi32>
        %swap3A = arith.index_cast %mul3A_794 : i32 to index
        %swap3A_805 = tpu.vector_load %arg8[%swap3A] {strides = array<i32>} : memref<4608xi32, #tpu.memory_space<vmem>>, vector<16xi32>,
        %swap3A_806 = vector.shape_cast %swap3A_805 : vector<16xi32> to vector<16xi32>
        %swap3A_807 = vector.shape_cast %select_n3A : vector<16xi32> to vector<16xi32>
        tpu.vector_store %arg8[%swap3A], %swap3A_807 {strides = array<i32>} : memref<4608xi32, #tpu.memory_space<vmem>>, vector<16xi32>,
        %mul3A_808 = arith.constant 2 : i32
        %mul3A_809 = arith.muli %scan3A_787, %mul3A_808 : i32
        %add3A_810 = arith.constant 1 : i32
        %add3A_811 = arith.addi %mul3A_809, %add3A_810 : i32
        %mul3A_812 = arith.constant 16 : i32
        %mul3A_813 = arith.muli %add3A_811, %mul3A_812 : i32
        %get3A_814 = arith.index_cast %mul3A_813 : i32 to index
        %get3A_815 = tpu.vector_load %arg8[%get3A_814] {strides = array<i32>} : memref<4608xi32, #tpu.memory_space<vmem>>, vector<16xi32>,
        %get3A_816 = vector.shape_cast %get3A_815 : vector<16xi32> to vector<16xi32>
        %sub3A_817 = vector.broadcast %scan3A_688 : i32 to vector<16xi32>
        %sub3A_818 = arith.subi %get3A_816, %sub3A_817 : vector<16xi32>
        %bitcast3A_819 = vector.bitcast %sub3A_818 : vector<16xi32> to vector<16xi32>
        %lt3A_820 = arith.constant 1769472 : i32
        %lt3A_821 = vector.broadcast %lt3A_820 : i32 to vector<16xi32>
        %lt3A_822 = arith.cmpi ult, %bitcast3A_819, %lt3A_821 : vector<16xi32>
        %and3A_823 = arith.constant 16383 : i32
        %and3A_824 = vector.broadcast %and3A_823 : i32 to vector<16xi32>
        %and3A_825 = arith.andi %get3A_816, %and3A_824 : vector<16xi32>
        %add3A_826 = arith.constant 1769472 : i32
        %add3A_827 = vector.broadcast %add3A_826 : i32 to vector<16xi32>
        %add3A_828 = arith.addi %add3A_827, %and3A_825 : vector<16xi32>
        %select_n3A_829 = arith.select %lt3A_822, %sub3A_818, %add3A_828 : vector<16xi1>, vector<16xi32>
        %swap3A_830 = arith.index_cast %mul3A_813 : i32 to index
        %swap3A_831 = tpu.vector_load %arg8[%swap3A_830] {strides = array<i32>} : memref<4608xi32, #tpu.memory_space<vmem>>, vector<16xi32>,
        %swap3A_832 = vector.shape_cast %swap3A_831 : vector<16xi32> to vector<16xi32>
        %swap3A_833 = vector.shape_cast %select_n3A_829 : vector<16xi32> to vector<16xi32>
        tpu.vector_store %arg8[%swap3A_830], %swap3A_833 {strides = array<i32>} : memref<4608xi32, #tpu.memory_space<vmem>>, vector<16xi32>,
        %scan3A_834 = arith.constant 0 : i32
        scf.yield %scan3A_834 : i32
      }
      %scan3A_766 = arith.constant 144 : i32
      %dma_start3A_767 = arith.constant 0 : i32
      %dma_start3A_768 = tpu.memref_slice %arg16[%dma_start3A_767] : memref<1785856xf32, #tpu.memory_space<vmem_shared>> -> memref<1785856xf32, #tpu.memory_space<vmem_shared>>
      tpu.enqueue_indirect_dma source(%arg9 : memref<4608xf32, #tpu.memory_space<vmem>>) target(%dma_start3A_768 : memref<1785856xf32, #tpu.memory_space<vmem_shared>>) offsets(%arg8 : memref<4608xi32, #tpu.memory_space<vmem>>) semaphore(%arg15 : memref<!tpu.dma_semaphore, #tpu.memory_space<semaphore_mem>>) {add = true}
      %dma_wait3A_769 = arith.constant 0 : i32
      %dma_wait3A_770 = tpu.memref_slice %arg16[%dma_wait3A_769] : memref<1785856xf32, #tpu.memory_space<vmem_shared>> -> memref<1785856xf32, #tpu.memory_space<vmem_shared>>
      tpu.wait_indirect_dma semaphore(%arg14 : memref<!tpu.dma_semaphore, #tpu.memory_space<semaphore_mem>>) src(%arg7 : memref<4608xf32, #tpu.memory_space<vmem>>) dst(%dma_wait3A_770 : memref<1785856xf32, #tpu.memory_space<vmem_shared>>)
      %add3A_771 = arith.constant 2 : i32
      %add3A_772 = arith.addi %mul3A_718, %add3A_771 : i32
      %rem3A = arith.constant 48 : i32
      %rem3A_773 = arith.remsi %add3A_772, %rem3A : i32
      %mul3A_774 = arith.constant 4608 : i32
      %mul3A_775 = arith.muli %rem3A_773, %mul3A_774 : i32
      %add3A_776 = arith.addi %add3A, %mul3A_775 : i32
      %multiple_of3A_777 = tpu.assume_multiple %add3A_776, 8 : i32
      %dma_start3A_778 = tpu.memref_slice %arg3[%multiple_of3A_777] : memref<7077888xi32, #tpu.memory_space<hbm>> -> memref<4608xi32, #tpu.memory_space<hbm>>
      %dma_start3A_779 = tpu.memref_slice %arg3[%multiple_of3A_777] : memref<7077888xi32, #tpu.memory_space<hbm>> -> memref<4608xi32, #tpu.memory_space<hbm>>
      tpu.enqueue_dma source(%dma_start3A_779 : memref<4608xi32, #tpu.memory_space<hbm>>) target(%arg6 : memref<4608xi32, #tpu.memory_space<vmem>>) target_semaphore(%arg10 : memref<!tpu.dma_semaphore, #tpu.memory_space<semaphore_mem>>)
      %mul3A_780 = arith.constant 4608 : i32
      %mul3A_781 = arith.muli %rem3A_773, %mul3A_780 : i32
      %add3A_782 = arith.addi %add3A, %mul3A_781 : i32
      %multiple_of3A_783 = tpu.assume_multiple %add3A_782, 8 : i32
      %dma_start3A_784 = tpu.memref_slice %arg2[%multiple_of3A_783] : memref<7077888xf32, #tpu.memory_space<hbm>> -> memref<4608xf32, #tpu.memory_space<hbm>>
      %dma_start3A_785 = tpu.memref_slice %arg2[%multiple_of3A_783] : memref<7077888xf32, #tpu.memory_space<hbm>> -> memref<4608xf32, #tpu.memory_space<hbm>>
      tpu.enqueue_dma source(%dma_start3A_785 : memref<4608xf32, #tpu.memory_space<hbm>>) target(%arg7 : memref<4608xf32, #tpu.memory_space<vmem>>) target_semaphore(%arg11 : memref<!tpu.dma_semaphore, #tpu.memory_space<semaphore_mem>>)
      %scan3A_786 = arith.constant 0 : i32
      scf.yield %scan3A_786 : i32
    }
    %scan3A_695 = arith.constant 23 : i32
    %dma_wait3A_696 = arith.constant 0 : i32
    %dma_wait3A_697 = tpu.memref_slice %arg16[%dma_wait3A_696] : memref<1785856xf32, #tpu.memory_space<vmem_shared>> -> memref<1785856xf32, #tpu.memory_space<vmem_shared>>
    tpu.wait_indirect_dma semaphore(%arg15 : memref<!tpu.dma_semaphore, #tpu.memory_space<semaphore_mem>>) src(%arg9 : memref<4608xf32, #tpu.memory_space<vmem>>) dst(%dma_wait3A_697 : memref<1785856xf32, #tpu.memory_space<vmem_shared>>)
    %barrier3A_698 = arith.constant 0 : index
    tpu.barrier barrier_id(%barrier3A_698)
    %mul3A_699 = arith.constant 110592 : i32
    %mul3A_700 = arith.muli %arg1, %mul3A_699 : i32
    %add3A_701 = arith.constant 12386304 : i32
    %add3A_702 = arith.addi %mul3A_2, %add3A_701 : i32
    %mul3A_703 = arith.constant 110592 : i32
    %mul3A_704 = arith.muli %arg1, %mul3A_703 : i32
    %add3A_705 = arith.addi %add3A_702, %mul3A_704 : i32
    "tpu.region"() ({
      %run_scoped3A = tpu.sem_alloc : memref<!tpu.dma_semaphore, #tpu.memory_space<semaphore_mem>>
      %dma_start3A_715 = tpu.memref_slice %arg5[%add3A_705] : memref<28311552xf32, #tpu.memory_space<hbm>> -> memref<110592xf32, #tpu.memory_space<hbm>>
      %dma_start3A_716 = tpu.memref_slice %arg16[%mul3A_700] : memref<1785856xf32, #tpu.memory_space<vmem_shared>> -> memref<110592xf32, #tpu.memory_space<vmem_shared>>
      tpu.enqueue_dma source(%dma_start3A_716 : memref<110592xf32, #tpu.memory_space<vmem_shared>>) target(%dma_start3A_715 : memref<110592xf32, #tpu.memory_space<hbm>>) target_semaphore(%run_scoped3A : memref<!tpu.dma_semaphore, #tpu.memory_space<semaphore_mem>>)
      %dma_wait3A_717 = tpu.memref_slice %arg5[%add3A_705] : memref<28311552xf32, #tpu.memory_space<hbm>> -> memref<110592xf32, #tpu.memory_space<hbm>>
      %dma_wait3A_718 = tpu.memref_slice %arg16[%mul3A_700] : memref<1785856xf32, #tpu.memory_space<vmem_shared>> -> memref<110592xf32, #tpu.memory_space<vmem_shared>>
      tpu.wait_dma2 semaphore(%run_scoped3A : memref<!tpu.dma_semaphore, #tpu.memory_space<semaphore_mem>>) src(%dma_wait3A_718 : memref<110592xf32, #tpu.memory_space<vmem_shared>>) dst(%dma_wait3A_717 : memref<110592xf32, #tpu.memory_space<hbm>>)
      tpu.yield
    }) : () -> ()
    %barrier3A_706 = arith.constant 0 : index
    tpu.barrier barrier_id(%barrier3A_706)
    %dma_wait3A_707 = arith.constant 0 : i32
    %dma_wait3A_708 = tpu.memref_slice %arg3[%dma_wait3A_707] : memref<7077888xi32, #tpu.memory_space<hbm>> -> memref<4608xi32, #tpu.memory_space<hbm>>
    %dma_wait3A_709 = arith.constant 0 : i32
    %dma_wait3A_710 = tpu.memref_slice %arg3[%dma_wait3A_709] : memref<7077888xi32, #tpu.memory_space<hbm>> -> memref<4608xi32, #tpu.memory_space<hbm>>
    tpu.wait_dma2 semaphore(%arg10 : memref<!tpu.dma_semaphore, #tpu.memory_space<semaphore_mem>>) src(%dma_wait3A_710 : memref<4608xi32, #tpu.memory_space<hbm>>) dst(%arg6 : memref<4608xi32, #tpu.memory_space<vmem>>)
    %dma_wait3A_711 = arith.constant 0 : i32
    %dma_wait3A_712 = tpu.memref_slice %arg2[%dma_wait3A_711] : memref<7077888xf32, #tpu.memory_space<hbm>> -> memref<4608xf32, #tpu.memory_space<hbm>>
    %dma_wait3A_713 = arith.constant 0 : i32
    %dma_wait3A_714 = tpu.memref_slice %arg2[%dma_wait3A_713] : memref<7077888xf32, #tpu.memory_space<hbm>> -> memref<4608xf32, #tpu.memory_space<hbm>>
    tpu.wait_dma2 semaphore(%arg11 : memref<!tpu.dma_semaphore, #tpu.memory_space<semaphore_mem>>) src(%dma_wait3A_714 : memref<4608xf32, #tpu.memory_space<hbm>>) dst(%arg7 : memref<4608xf32, #tpu.memory_space<vmem>>)
    return
  }
}

</mosaic_0001>

<sc_bundles>
// kernel: kernel.3.cloned.1.call-start
scs
__scs_entry_jumppad:
0x0: {  	(pc) =	sbr.rel $0x88, $3  }
0x1: {  	(tag) =	ssettag $0x0;
	lr =	simm.s32 $0x1  }
0x2: {  	[smem:$0x3F9F] =	sst lr;
	_ =	strace $0xD0000000  }
0x3: {  	_ = 	snop  }
0x4: {  	_ = 	snop  }
0x5: {  	_ = 	snop  }
0x6: {  	_ = 	snop  }
0x7: {  	_ = 	snop  }
__scs_overlays_trampoline_lowered:
0x8: {  	[smem:$0x3FAE] =	sst s0  }
0x9: {  	[smem:$0x3FAF] =	sst s1  }
0xa: {  	[smem:$0x3FB0] =	sst s2  }
0xb: {  	[smem:$0x3FB1] =	sst s3  }
0xc: {  	[smem:$0x3FB2] =	sst s4  }
0xd: {  	[smem:$0x3FB3] =	sst s5  }
0xe: {  	[smem:$0x3FB4] =	sst s6  }
0xf: {  	[smem:$0x3FB5] =	sst s7  }
0x10: {  	[smem:$0x3FB6] =	sst s8  }
0x11: {  	[smem:$0x3FB7] =	sst s9;
	s0 =	simm.s32 @!p0 $0x0  }
0x12: {  	s1 =	sld [smem:$0x3F9D];
	s0 =	simm.s32 @p0 $0x1  }
0x13: {  	[smem:$0x3FB8] =	sst s0;
	s0 =	simm.s32 @!p1 $0x0  }
0x14: {  	s2 =	sld [smem:$0x3F9C];
	s0 =	simm.s32 @p1 $0x1  }
0x15: {  	[smem:$0x3FB9] =	sst s0;
	s0 =	simm.s32 @!p2 $0x0  }
0x16: {  	s3 =	sld [smem:$0x3FDB];
	s0 =	simm.s32 @p2 $0x1  }
0x17: {  	s4 =	simm.s32 $0x1BF5;
	[smem:$0x3FBB] =	sst s0  }
0x18: {  	s0 =	sld [smem:$0x3F9E];
	_ =	swait.ge [sflag:s4], $0x0  }
0x19: {  	s7 =	sld [smem:$0x3F9F]  }
0x1a: {  	s8 =	sadd.s32 $0xFFFFE003, lr  }
0x1b: {  	s9 =	sadd.s32 $0xFFFFFEF7, lr;
	s5 =	simm.s32 $0xFFFFFFFF;
	p2 =	slt.u32 s8, $0xFFFFF086  }
0x1c: {  	p1 =	slt.u32 s9, $0xF7A;
	s5 =	simm.s32 @!p2 $0x0  }
0x1d: {  	s5 =	simm.s32 @p1 $0x1;
	p0 =	seq.s32 s7, s2  }
0x1e: {  	s7 =	smul.u32 @!p0 $0xF7A, s2;
	p2 =	seq.s32 @!p0 s5, $0x0  }
0x1f: {  	s9 =	smul.u32 $0xF7A, s1;
	s8 =	simm.s32 @!p0 $0x1BF5;
	p2 =	por !p2, p0  }
0x20: {  	[sflag:s8] =	ssyncset.s32 @!p0 $0xFFFFF086;
	s6 =	sadd.s32 @!p0 s3, s7;
	s7 =	simm.s32 @!p0 $0x108  }
0x21: {  	s3 =	sadd.s32 s3, s9;
	s6 =	sadd.s32 @!p0 $0x88, s6;
	s7 =	simm.s32 @p2 $0x1082  }
0x22: {  	[simem:s7], [sflag:s8] =	dma.local @!p0 [hbm:s6], $0xF7A  }
0x23: {  	s9 =	sor.u32 $0xD0000000, s2;
	s6 =	simm.s32 $0x108;
	_ =	swait.ge @!p0 [sflag:s8], $0x0  }
0x24: {  	s3 =	sadd.s32 $0x88, s3;
	s6 =	simm.s32 @!p1 $0x1082;
	[sflag:s4] =	ssyncset.s32 $0xFFFFF086  }
0x25: {  	[simem:s6], [sflag:s4] =	dma.local [hbm:s3], $0xF7A  }
0x26: {  	[smem:$0x3F9F] =	sst s1;
	(tag) =	ssettag s2;
	_ =	strace s9  }
0x27: {  	s1 =	sld [smem:$0x3FAF]  }
0x28: {  	s2 =	sld [smem:$0x3FB0]  }
0x29: {  	s4 =	sld [smem:$0x3FB2]  }
0x2a: {  	p0 =	seq.s32 s5, $0x0;
	s5 =	sld [smem:$0x3FB3]  }
0x2b: {  	s6 =	sld [smem:$0x3FB4]  }
0x2c: {  	s7 =	sld [smem:$0x3FB5]  }
0x2d: {  	s3 =	simm.s32 $0x108;
	s8 =	sld [smem:$0x3FB6]  }
0x2e: {  	s3 =	simm.s32 @!p0 $0x1082;
	s9 =	sld [smem:$0x3FB7]  }
0x2f: {  	lr =	sadd.s32 s0, s3;
	s0 =	sld [smem:$0x3FAE]  }
0x30: {  	s3 =	sld [smem:$0x3FB1]  }
0x31: {  	[smem:$0x3FBA] =	sst s10  }
0x32: {  	s10 =	sld [smem:$0x3FB8];
	_ =	sdelay $0x3  }
0x33: {  	p0 =	seq.s32 s10, $0x1;
	s10 =	sld [smem:$0x3FBA];
	_ =	sdelay $0x3  }
0x34: {  	[smem:$0x3FBA] =	sst s10  }
0x35: {  	s10 =	sld [smem:$0x3FB9];
	_ =	sdelay $0x3  }
0x36: {  	p1 =	seq.s32 s10, $0x1;
	s10 =	sld [smem:$0x3FBA];
	_ =	sdelay $0x3  }
0x37: {  	[smem:$0x3FBA] =	sst s10  }
0x38: {  	s10 =	sld [smem:$0x3FBB]  }
0x39: {  	_ = 	snop;
	(pc) =	sbr.ind lr, $3  }
0x3a: {  	_ = 	snop  }
0x3b: {  	_ = 	snop  }
0x3c: {  	p2 =	seq.s32 s10, $0x1;
	s10 =	sld [smem:$0x3FBA]  }
0x3d: {  	_ =	shalt  }
0x3e: {  	_ =	shalt  }
0x3f: {  	_ =	shalt  }
0x40: {  	_ =	shalt  }
0x41: {  	_ =	shalt  }
0x42: {  	_ =	shalt  }
0x43: {  	_ =	shalt  }
0x44: {  	_ =	shalt  }
0x45: {  	_ =	shalt  }
0x46: {  	_ =	shalt  }
0x47: {  	_ =	shalt  }
0x48: {  	_ =	shalt  }
0x49: {  	_ =	shalt  }
0x4a: {  	_ =	shalt  }
0x4b: {  	_ =	shalt  }
0x4c: {  	_ =	shalt  }
0x4d: {  	_ =	shalt  }
0x4e: {  	_ =	shalt  }
0x4f: {  	_ =	shalt  }
0x50: {  	_ =	shalt  }
0x51: {  	_ =	shalt  }
0x52: {  	_ =	shalt  }
0x53: {  	_ =	shalt  }
0x54: {  	_ =	shalt  }
0x55: {  	_ =	shalt  }
0x56: {  	_ =	shalt  }
0x57: {  	_ =	shalt  }
0x58: {  	_ =	shalt  }
0x59: {  	_ =	shalt  }
0x5a: {  	_ =	shalt  }
0x5b: {  	_ =	shalt  }
0x5c: {  	_ =	shalt  }
0x5d: {  	_ =	shalt  }
0x5e: {  	_ =	shalt  }
0x5f: {  	_ =	shalt  }
0x60: {  	_ =	shalt  }
0x61: {  	_ =	shalt  }
0x62: {  	_ =	shalt  }
0x63: {  	_ =	shalt  }
0x64: {  	_ =	shalt  }
0x65: {  	_ =	shalt  }
0x66: {  	_ =	shalt  }
0x67: {  	_ =	shalt  }
0x68: {  	_ =	shalt  }
0x69: {  	_ =	shalt  }
0x6a: {  	_ =	shalt  }
0x6b: {  	_ =	shalt  }
0x6c: {  	_ =	shalt  }
0x6d: {  	_ =	shalt  }
0x6e: {  	_ =	shalt  }
0x6f: {  	_ =	shalt  }
0x70: {  	_ =	shalt  }
0x71: {  	_ =	shalt  }
0x72: {  	_ =	shalt  }
0x73: {  	_ =	shalt  }
0x74: {  	_ =	shalt  }
0x75: {  	_ =	shalt  }
0x76: {  	_ =	shalt  }
0x77: {  	_ =	shalt  }
0x78: {  	_ =	shalt  }
0x79: {  	_ =	shalt  }
0x7a: {  	_ =	shalt  }
0x7b: {  	_ =	shalt  }
0x7c: {  	_ =	shalt  }
0x7d: {  	_ =	shalt  }
0x7e: {  	_ =	shalt  }
0x7f: {  	_ =	shalt  }
0x80: {  	_ =	shalt  }
0x81: {  	_ =	shalt  }
0x82: {  	_ =	shalt  }
0x83: {  	_ =	shalt  }
0x84: {  	_ =	shalt  }
0x85: {  	_ =	shalt  }
0x86: {  	_ =	shalt  }
0x87: {  	_ =	shalt  }
.Lfunc_end0:
.L_simem_size_0:
called_computation.1_lowered:
.L_overlay_start_0:
0x88: {  	s2 =	sld [smem:$0x3FD9]  }
0x89: {  	s3 =	sld [smem:$0x3FFE];
	_ =	sdelay $0x1  }
0x8a: {  	s1 =	srdreg.scid  }
0x8b: {  	s0 =	sand.u32 $0x1, s1  }
0x8c: {  	s17 =	sshll.u32 s0, $0xA;
	s2 =	sadd.s32 s3, s2  }
0x8d: {  	s2 =	sadd.s32 s2, s17  }
0x8e: {  	[smem:$0x3FC6] =	sst s2  }
0x8f: {  	_ = 	snop  }
0x90: {  	s2 =	sld [smem:$0x3FD0];
	(tm) =	ssettm $0x1  }
0x91: {  	s18 =	sld [smem:$0x3FFB];
	_ =	sdelay $0x3  }
0x92: {  	_ =	strace s18  }
0x93: {  	s3 =	sld [smem:$0x3FFC];
	_ =	sdelay $0x3  }
0x94: {  	_ =	strace s3  }
0x95: {  	s3 =	sld [smem:$0x3FFD];
	_ =	sdelay $0x3  }
0x96: {  	_ =	strace s3  }
0x97: {  	_ =	strace $0x8FFFFFFF  }
0x98: {  	s19 =	sld [smem:$0x3FDB];
	_ =	sdelay $0x1  }
0x99: {  	s4 =	simm.s32 $_scs_section_size  }
0x9a: {  	s5 =	simm.s32 $_size__tile_overlayer_lowered;
	s6 =	simm.s32 $_tile_overlayer_lowered  }
0x9b: {  	s22 =	simm.s32 $0x1BFF;
	s21 =	sshll.u32 s6, $0x1;
	s3 =	sadd.s32 s4, s19  }
0x9c: {  	s7 =	simm.s32 $0x0;
	s20 =	sshll.u32 s5, $0x1;
	s5 =	sadd.s32 s21, s3  }
0x9d: {  	[timem:s7], [sflag:s22] =	dma.local [hbm:s5], s20  }
0x9e: {  	_ =	swait.ge [sflag:s22], s20  }
0x9f: {  	s4 =	ssub.s32 $0x0, s20;
	[sflag:s22] =	ssyncset.done $0x0  }
0xa0: {  	[sflag:s22] =	ssyncadd.s32 s4;
	_ =	sdelay $0x1  }
0xa1: {  	s23 =	simm.s32 $0x1B8B  }
0xa2: {  	_ =	swait.ge [sflag:s23], $0x1  }
0xa3: {  	[sflag:s23] =	ssyncset.done $0x0  }
0xa4: {  	s25 =	simm.s32 $0x1B8E;
	s24 =	sld [smem:$0x3FFE];
	[sflag:s23] =	ssyncadd.s32 $0xFFFFFFFF  }
0xa5: {  	s26 =	simm.s32 $execute0_lowered;
	[smem:$0x3FD2] =	sst s25  }
0xa6: {  	s5 =	sshll.u32 s26, $0x1;
	_ =	strace $0x80000046;
	[dreg:$0x1] =	wrdreg $0xFFFFFFFF  }
0xa7: {  	s28 =	simm.s32 $_size_execute0_lowered;
	s3 =	sadd.s32 s3, s5;
	[dreg:$0x0] =	wrdreg $0x0  }
0xa8: {  	s5 =	sshll.u32 s28, $0x1;
	[dreg:$0x2] =	wrdreg s3  }
0xa9: {  	[dreg:$0x3] =	wrdreg s5  }
0xaa: {  	[dreg:$0x4] =	wrdreg $0xC0  }
0xab: {  	_ =	task [dreg:s7], $0x5FFFF  }
0xac: {  	[dreg:$0x1] =	wrdreg $0xFFFFFFFF  }
0xad: {  	[dreg:$0x0] =	wrdreg $0x60  }
0xae: {  	[dreg:$0x2] =	wrdreg s24  }
0xaf: {  	[dreg:$0x3] =	wrdreg s2  }
0xb0: {  	[dreg:$0x4] =	wrdreg $0x48000  }
0xb1: {  	[dreg:$0x5] =	wrdreg $0x9  }
0xb2: {  	_ =	task.clear_ibuf [dreg:s7], $0x6FFFF;
	_ =	strace $0x90000046  }
0xb3: {  	s29 =	simm.s32 $0x9;
	_ =	strace $0x80000048  }
0xb4: {  	_ =	swait.ge [sflag:s29], $0x1  }
0xb5: {  	[sflag:s29] =	ssyncadd.s32 $0xFFFFFFFF  }
0xb6: {  	_ =	strace $0x90000048  }
0xb7: {  	_ =	sfence  }
0xb8: {  	s30 =	sld [smem:$0x0];
	_ =	sdelay $0x2  }
0xb9: {  	s31 =	sshll.u32 s1, $0xD;
	s1 =	sshrl.u32 s1, $0x2  }
0xba: {  	s3 =	sand.u32 $0x4000, s31;
	s1 =	sadd.s32 s1, s30  }
0xbb: {  	s0 =	sor.u32 s3, s0;
	s1 =	sshll.u32 s1, $0x11  }
0xbc: {  	s0 =	sor.u32 s1, s0  }
0xbd: {  	s0 =	sadd.s32 $0x8F2B, s0  }
0xbe: {  	[sflag:s0] =	ssyncadd.remote.s32 $0x1  }
0xbf: {  	_ =	sfence.sel $0xFFFF  }
0xc0: {  	[dreg:$0x0] =	wrdreg $0xFFFFFFFF;
	(pc) =	sbr.abs _section_cstart, $3  }
0xc1: {  	[dreg:$0x1] =	wrdreg $0xFFFFFFFF  }
0xc2: {  	_ =	task.clear_ibuf [dreg:s7], $0x2FFFF;
	_ =	strace $0x9FFFFFFF  }
0xc3: {  	(tm) =	ssettm $0x7FFFFFFF  }
tec
execute0_lowered:
.L_overlay_start_1:
0x0: {  	(tag) =	ssettag $0x1  }
0x1: {  	s0 =	rddreg [dreg:$0x0]  }
0x2: {  	s3 =	rddreg [dreg:$0x1]  }
0x3: {  	s1 =	rddreg [dreg:$0x2];
	s2 =	simm.s32 $0x0;
	s4 =	srdreg.scid  }
0x4: {  	s11 =	stileid.u32;
	s28 =	simm.s32 $0x1200;
	s29 =	simm.s32 $0x1  }
0x5: {  	s30 =	simm.s32 $0x2;
	s31 =	simm.s32 $0x2400;
	[smem:$0x7FF] =	sst s2  }
0x6: {  	s8 =	sand.u32 $0x1, s4;
	s4 =	sadd.s32 $0x800, s0;
	s10 =	smul.u32 $0x36000, s11  }
0x7: {  	s5 =	sadd.s32 $0xD8800, s0;
	s6 =	sadd.s32 $0x1B0800, s0;
	s15 =	smul.u32 $0x1B000, s11  }
0x8: {  	s16 =	sshll.u32 s11, $0x6;
	s11 =	simm.s32 $0x6;
	s9 =	ssub.s32 $0x2, s8  }
0x9: {  	_ =	strace $0x80000047;
	s7 =	smul.u32 $0x360000, s8;
	s14 =	sshrl.u32 s9, $0x1  }
0xa: {  	s8 =	smul.u32 $0xD80000, s8;
	s12 =	sadd.s32 s15, s1;
	s0 =	ssub.s32 s9, s14  }
0xb: {  	s7 =	sadd.s32 s10, s7;
	[dreg:$0x4] =	wrdreg s12;
	s9 =	sor.u32 $0x1C07, s16  }
0xc: {  	s8 =	sadd.s32 s15, s8;
	s10 =	simm.s32 $0x5;
	s17 =	sshrl.u32 s7, $0x3  }
0xd: {  	s8 =	sshrl.u32 s8, $0x3;
	s18 =	sadd.s32 s5, s17;
	s19 =	sadd.s32 s4, s17  }
0xe: {  	s13 =	sor.u32 $0x240, s17;
	s15 =	sadd.s32 s3, s8;
	[dreg:$0x5] =	wrdreg s18  }
0xf: {  	s20 =	sadd.s32 $0x480, s17;
	[dreg:$0x6] =	wrdreg s19;
	s3 =	sadd.s32 $0x36000, s15  }
0x10: {  	s17 =	sor.u32 $0x1200, s7;
	s21 =	sadd.s32 $0x6C000, s15;
	[dreg:$0x7] =	wrdreg s3  }
0x11: {  	s8 =	simm.s32 $0x4;
	s22 =	sadd.s32 $0xA2000, s15;
	[dreg:$0x8] =	wrdreg s21  }
0x12: {  	s12 =	sadd.s32 s5, s13;
	s23 =	sadd.s32 $0xD8000, s15;
	[dreg:$0x9] =	wrdreg s22  }
0x13: {  	s13 =	sadd.s32 s4, s13;
	s24 =	sadd.s32 $0x10E000, s15;
	[dreg:$0xa] =	wrdreg s23  }
0x14: {  	s14 =	sadd.s32 s5, s20;
	s25 =	sadd.s32 $0x144000, s15;
	[dreg:$0xb] =	wrdreg s24  }
0x15: {  	s16 =	sadd.s32 s4, s20;
	s26 =	sadd.s32 $0x17A000, s15;
	[dreg:$0xc] =	wrdreg s25  }
0x16: {  	s18 =	simm.s32 $0x0;
	[dreg:$0xd] =	wrdreg s26;
	s25 =	smax.u32 s0, $0x1  }
0x17: {  	s26 =	simm.s32 $0x7;
	s0 =	simm.s32 $0x3600;
	s3 =	simm.s32 $0x3  }
.LBB2_1:
0x18: {  	s19 =	rddreg [dreg:$0x4]  }
0x19: {  	s19 =	sshrl.u32 s19, $0x3  }
0x1a: {  	[spmem:s19], [sflag:s9] =	dma.local [hbm:s6], $0x3600  }
0x1b: {  	_ =	swait.ge [sflag:s26], $0x3600  }
0x1c: {  	[sflag:s26] =	ssyncset.done $0x0  }
0x1d: {  	s20 =	rddreg [dreg:$0x5];
	[sflag:s26] =	ssyncadd.s32 $0xFFFFCA00  }
0x1e: {  	[tilespmem:s2], [sflag:$0x1] =	stream.linear.gather [hbm4b:s20+s2], $0x1200, $0x38;
	[tilespmem:$0x1FC00] =	vst v63  }
0x1f: {  	s24 =	rddreg [dreg:$0x6]  }
0x20: {  	[tilespmem:s28], [sflag:$0x2] =	stream.linear.gather [hbm4b:s24+s2], $0x1200, $0x38;
	[tilespmem:$0x1FC00] =	vst v63  }
0x21: {  	[bflag:$0x0] =	sbarrier.arrive $0xFFFF  }
0x22: {  	_ =	swait.ge [sflag:s29], $0x1200  }
0x23: {  	[sflag:s29] =	ssyncset.done $0x0  }
0x24: {  	[sflag:s29] =	ssyncadd.s32 $0xFFFFEE00  }
0x25: {  	_ =	swait.ge [sflag:s30], $0x1200  }
0x26: {  	[sflag:s30] =	ssyncset.done $0x0  }
0x27: {  	s20 =	simm.s32 $0x0;
	[sflag:s30] =	ssyncadd.s32 $0xFFFFEE00  }
0x28: {  	s21 =	simm.s32 $0x80;
	v0 =	vld [tilespmem:s20+$0x0]  }
.LBB2_2:
0x29: {  	p0 =	sne.s32 s21, $0x4780;
	v1 =	vld [tilespmem:s20+$0x10];
	_ =	sdelay $0x3  }
.Ltmp0:
0x2a: {  	v2 =	vand.u32 $0x3FFF, v0;
	(pc) =	sbr.rel @p0 .LBB2_2-.Ltmp0, $4  }
0x2b: {  	vm0 =	vlt.u32 v0, $0x1B0000;
	v2 =	vor.u32 $0x1B0000, v2;
	v3 =	vand.u32 $0x3FFF, v1  }
0x2c: {  	v0 =	vsel vm0, v0, v2;
	vm0 =	vlt.u32 v1, $0x1B0000;
	v2 =	vor.u32 $0x1B0000, v3  }
0x2d: {  	s22 =	sshra.s32 s21, $0x2;
	[tilespmem:s20+$0x0] =	vst v0;
	v1 =	vsel vm0, v1, v2  }
0x2e: {  	s21 =	sadd.s32 $0x80, s21;
	v0 =	vld [tilespmem:s22+$0x0];
	[tilespmem:s20+$0x10] =	vst v1;
	s20 =	smov.u32 s22  }
0x2f: {  	v1 =	vld [tilespmem:s20+$0x10];
	_ =	sdelay $0x3  }
0x30: {  	v2 =	vand.u32 $0x3FFF, v0  }
0x31: {  	vm0 =	vlt.u32 v0, $0x1B0000;
	v2 =	vor.u32 $0x1B0000, v2;
	v3 =	vand.u32 $0x3FFF, v1  }
0x32: {  	vm15 =	vlt.u32 v1, $0x1B0000;
	v0 =	vsel vm0, v0, v2;
	v2 =	vor.u32 $0x1B0000, v3  }
0x33: {  	[tilespmem:s20+$0x0] =	vst v0;
	v0 =	vsel vm15, v1, v2  }
0x34: {  	s24 =	simm.s32 $0x0;
	[tilespmem:s20+$0x10] =	vst v0  }
0x35: {  	[spmem:s1] =	stream.indirect.scatter.add.f32 [tilespmem:s28], [sflag:$0x5], $0x1, s24, s28, $0xb8;
	[tilespmem:$0x1FC00] =	vst v63  }
0x36: {  	_ = 	snop  }
0x37: {  	[tilespmem:s31], [sflag:$0x3] =	stream.linear.gather [hbm4b:s12+s24], $0x1200, $0x38;
	[tilespmem:$0x1FC00] =	vst v63  }
0x38: {  	_ = 	snop  }
0x39: {  	[tilespmem:s0], [sflag:$0x4] =	stream.linear.gather [hbm4b:s13+s24], $0x1200, $0x38;
	[tilespmem:$0x1FC00] =	vst v63  }
0x3a: {  	_ =	swait.ge [sflag:s3], $0x1200  }
0x3b: {  	[sflag:s3] =	ssyncset.done $0x0  }
0x3c: {  	[sflag:s3] =	ssyncadd.s32 $0xFFFFEE00  }
0x3d: {  	_ =	swait.ge [sflag:s8], $0x1200  }
0x3e: {  	[sflag:s8] =	ssyncset.done $0x0  }
0x3f: {  	s20 =	simm.s32 $0x0;
	[sflag:s8] =	ssyncadd.s32 $0xFFFFEE00  }
0x40: {  	s21 =	simm.s32 $0x80;
	v0 =	vld [tilespmem:s20+$0x2400]  }
.LBB2_4:
0x41: {  	p0 =	sne.s32 s21, $0x4780;
	v1 =	vld [tilespmem:s20+$0x2410];
	_ =	sdelay $0x3  }
.Ltmp1:
0x42: {  	v2 =	vand.u32 $0x3FFF, v0;
	(pc) =	sbr.rel @p0 .LBB2_4-.Ltmp1, $4  }
0x43: {  	vm0 =	vlt.u32 v0, $0x1B0000;
	v2 =	vor.u32 $0x1B0000, v2;
	v3 =	vand.u32 $0x3FFF, v1  }
0x44: {  	v0 =	vsel vm0, v0, v2;
	vm0 =	vlt.u32 v1, $0x1B0000;
	v2 =	vor.u32 $0x1B0000, v3  }
0x45: {  	s22 =	sshra.s32 s21, $0x2;
	[tilespmem:s20+$0x2400] =	vst v0;
	v1 =	vsel vm0, v1, v2  }
0x46: {  	s21 =	sadd.s32 $0x80, s21;
	v0 =	vld [tilespmem:s22+$0x2400];
	[tilespmem:s20+$0x2410] =	vst v1;
	s20 =	smov.u32 s22  }
0x47: {  	v1 =	vld [tilespmem:s20+$0x2410];
	_ =	sdelay $0x3  }
0x48: {  	v2 =	vand.u32 $0x3FFF, v0  }
0x49: {  	vm0 =	vlt.u32 v0, $0x1B0000;
	v2 =	vor.u32 $0x1B0000, v2;
	v3 =	vand.u32 $0x3FFF, v1  }
0x4a: {  	vm15 =	vlt.u32 v1, $0x1B0000;
	v0 =	vsel vm0, v0, v2;
	v62 =	vor.u32 $0x1B0000, v3  }
0x4b: {  	[tilespmem:s20+$0x2400] =	vst v0;
	v63 =	vsel vm15, v1, v62  }
0x4c: {  	[tilespmem:s20+$0x2410] =	vst v63  }
0x4d: {  	[spmem:s1] =	stream.indirect.scatter.add.f32 [tilespmem:s0], [sflag:$0x6], $0x1, s31, s28, $0xb8;
	[tilespmem:$0x1FC00] =	vst v63  }
0x4e: {  	_ =	swait.ge [sflag:s10], $0x1200  }
0x4f: {  	[sflag:s10] =	ssyncset.done $0x0  }
0x50: {  	[sflag:s10] =	ssyncadd.s32 $0xFFFFEE00  }
0x51: {  	[tilespmem:s2], [sflag:$0x1] =	stream.linear.gather [hbm4b:s14+s2], $0x1200, $0x38;
	[tilespmem:$0x1FC00] =	vst v63  }
0x52: {  	s20 =	simm.s32 $0x1  }
0x53: {  	[tilespmem:s28], [sflag:$0x2] =	stream.linear.gather [hbm4b:s16+s2], $0x1200, $0x38;
	[tilespmem:$0x1FC00] =	vst v63  }
.LBB2_6:
0x54: {  	_ =	swait.ge [sflag:s29], $0x1200  }
0x55: {  	[sflag:s29] =	ssyncset.done $0x0  }
0x56: {  	[sflag:s29] =	ssyncadd.s32 $0xFFFFEE00  }
0x57: {  	_ =	swait.ge [sflag:s30], $0x1200  }
0x58: {  	[sflag:s30] =	ssyncset.done $0x0  }
0x59: {  	s21 =	simm.s32 $0x0;
	[sflag:s30] =	ssyncadd.s32 $0xFFFFEE00  }
0x5a: {  	s22 =	simm.s32 $0x80;
	v0 =	vld [tilespmem:s21+$0x0]  }
.LBB2_7:
0x5b: {  	p0 =	sne.s32 s22, $0x4780;
	v1 =	vld [tilespmem:s21+$0x10];
	_ =	sdelay $0x3  }
.Ltmp2:
0x5c: {  	v2 =	vand.u32 $0x3FFF, v0;
	(pc) =	sbr.rel @p0 .LBB2_7-.Ltmp2, $4  }
0x5d: {  	vm0 =	vlt.u32 v0, $0x1B0000;
	v2 =	vor.u32 $0x1B0000, v2;
	v3 =	vand.u32 $0x3FFF, v1  }
0x5e: {  	v0 =	vsel vm0, v0, v2;
	vm0 =	vlt.u32 v1, $0x1B0000;
	v2 =	vor.u32 $0x1B0000, v3  }
0x5f: {  	s23 =	sshra.s32 s22, $0x2;
	[tilespmem:s21+$0x0] =	vst v0;
	v1 =	vsel vm0, v1, v2  }
0x60: {  	s22 =	sadd.s32 $0x80, s22;
	v0 =	vld [tilespmem:s23+$0x0];
	[tilespmem:s21+$0x10] =	vst v1;
	s21 =	smov.u32 s23  }
0x61: {  	v1 =	vld [tilespmem:s21+$0x10];
	_ =	sdelay $0x3  }
0x62: {  	v2 =	vand.u32 $0x3FFF, v0  }
0x63: {  	vm0 =	vlt.u32 v0, $0x1B0000;
	v2 =	vor.u32 $0x1B0000, v2;
	v3 =	vand.u32 $0x3FFF, v1  }
0x64: {  	vm15 =	vlt.u32 v1, $0x1B0000;
	v0 =	vsel vm0, v0, v2;
	v2 =	vor.u32 $0x1B0000, v3  }
0x65: {  	[tilespmem:s21+$0x0] =	vst v0;
	v0 =	vsel vm15, v1, v2  }
0x66: {  	s24 =	simm.s32 $0x0;
	s22 =	smul.u32 $0x2400, s20;
	[tilespmem:s21+$0x10] =	vst v0  }
0x67: {  	[spmem:s1] =	stream.indirect.scatter.add.f32 [tilespmem:s28], [sflag:$0x5], $0x1, s24, s28, $0xb8;
	[tilespmem:$0x1FC00] =	vst v63  }
0x68: {  	s22 =	sadd.s32 s22, s17;
	_ =	swait.ge [sflag:s11], $0x1200  }
0x69: {  	s22 =	sshrl.u32 s22, $0x3;
	[sflag:s11] =	ssyncset.done $0x0  }
0x6a: {  	s23 =	sadd.s32 s5, s22;
	[sflag:s11] =	ssyncadd.s32 $0xFFFFEE00  }
0x6b: {  	[tilespmem:s31], [sflag:$0x3] =	stream.linear.gather [hbm4b:s23+s24], $0x1200, $0x38;
	[tilespmem:$0x1FC00] =	vst v63  }
0x6c: {  	s22 =	sadd.s32 s4, s22  }
0x6d: {  	[tilespmem:s0], [sflag:$0x4] =	stream.linear.gather [hbm4b:s22+s24], $0x1200, $0x38;
	[tilespmem:$0x1FC00] =	vst v63  }
0x6e: {  	_ =	swait.ge [sflag:s3], $0x1200  }
0x6f: {  	[sflag:s3] =	ssyncset.done $0x0  }
0x70: {  	[sflag:s3] =	ssyncadd.s32 $0xFFFFEE00  }
0x71: {  	_ =	swait.ge [sflag:s8], $0x1200  }
0x72: {  	[sflag:s8] =	ssyncset.done $0x0  }
0x73: {  	s21 =	simm.s32 $0x0;
	[sflag:s8] =	ssyncadd.s32 $0xFFFFEE00  }
0x74: {  	s22 =	simm.s32 $0x80;
	v0 =	vld [tilespmem:s21+$0x2400]  }
.LBB2_9:
0x75: {  	p0 =	sne.s32 s22, $0x4780;
	v1 =	vld [tilespmem:s21+$0x2410];
	_ =	sdelay $0x3  }
.Ltmp3:
0x76: {  	v2 =	vand.u32 $0x3FFF, v0;
	(pc) =	sbr.rel @p0 .LBB2_9-.Ltmp3, $4  }
0x77: {  	vm0 =	vlt.u32 v0, $0x1B0000;
	v2 =	vor.u32 $0x1B0000, v2;
	v3 =	vand.u32 $0x3FFF, v1  }
0x78: {  	v0 =	vsel vm0, v0, v2;
	vm0 =	vlt.u32 v1, $0x1B0000;
	v2 =	vor.u32 $0x1B0000, v3  }
0x79: {  	s23 =	sshra.s32 s22, $0x2;
	[tilespmem:s21+$0x2400] =	vst v0;
	v1 =	vsel vm0, v1, v2  }
0x7a: {  	s22 =	sadd.s32 $0x80, s22;
	v0 =	vld [tilespmem:s23+$0x2400];
	[tilespmem:s21+$0x2410] =	vst v1;
	s21 =	smov.u32 s23  }
0x7b: {  	v1 =	vld [tilespmem:s21+$0x2410];
	_ =	sdelay $0x3  }
0x7c: {  	v2 =	vand.u32 $0x3FFF, v0  }
0x7d: {  	vm0 =	vlt.u32 v0, $0x1B0000;
	v2 =	vor.u32 $0x1B0000, v2;
	v3 =	vand.u32 $0x3FFF, v1  }
0x7e: {  	vm15 =	vlt.u32 v1, $0x1B0000;
	v0 =	vsel vm0, v0, v2;
	v62 =	vor.u32 $0x1B0000, v3  }
0x7f: {  	s22 =	sshll.u32 s20, $0x1;
	[tilespmem:s21+$0x2400] =	vst v0;
	v63 =	vsel vm15, v1, v62  }
0x80: {  	[tilespmem:s21+$0x2410] =	vst v63;
	s21 =	sadd.s32 $0x2, s22  }
0x81: {  	[spmem:s1] =	stream.indirect.scatter.add.f32 [tilespmem:s0], [sflag:$0x6], $0x1, s31, s28, $0xb8;
	[tilespmem:$0x1FC00] =	vst v63  }
0x82: {  	s22 =	smul.u32 $0x1200, s21  }
0x83: {  	p0 =	seq.s32 s21, $0x30  }
0x84: {  	s20 =	sadd.s32 $0x1, s20;
	s22 =	simm.s32 @p0 $0x0  }
0x85: {  	_ =	swait.ge [sflag:s10], $0x1200;
	p0 =	sne.s32 s20, $0x18;
	s23 =	sadd.s32 s7, s22  }
.Ltmp4:
0x86: {  	[sflag:s10] =	ssyncset.done $0x0;
	s21 =	sshrl.u32 s23, $0x3;
	(pc) =	sbr.rel @p0 .LBB2_6-.Ltmp4, $4  }
0x87: {  	[sflag:s10] =	ssyncadd.s32 $0xFFFFEE00;
	s24 =	sadd.s32 s5, s21  }
0x88: {  	[tilespmem:s2], [sflag:$0x1] =	stream.linear.gather [hbm4b:s24+s2], $0x1200, $0x38;
	[tilespmem:$0x1FC00] =	vst v63  }
0x89: {  	s21 =	sadd.s32 s4, s21  }
0x8a: {  	[tilespmem:s28], [sflag:$0x2] =	stream.linear.gather [hbm4b:s21+s2], $0x1200, $0x38;
	[tilespmem:$0x1FC00] =	vst v63  }
0x8b: {  	_ =	swait.ge [sflag:s11], $0x1200  }
0x8c: {  	[sflag:s11] =	ssyncset.done $0x0  }
0x8d: {  	[sflag:s11] =	ssyncadd.s32 $0xFFFFEE00  }
0x8e: {  	[bflag:$0x0] =	sbarrier.arrive $0xFFFF  }
0x8f: {  	[hbm:s15], [sflag:s9] =	dma.local [spmem:s19], $0x3600  }
0x90: {  	_ =	swait.ge [sflag:s26], $0x3600  }
0x91: {  	[sflag:s26] =	ssyncset.done $0x0  }
0x92: {  	[sflag:s26] =	ssyncadd.s32 $0xFFFFCA00  }
0x93: {  	[spmem:s19], [sflag:s9] =	dma.local [hbm:s6], $0x3600  }
0x94: {  	_ =	swait.ge [sflag:s26], $0x3600  }
0x95: {  	[sflag:s26] =	ssyncset.done $0x0  }
0x96: {  	[sflag:s26] =	ssyncadd.s32 $0xFFFFCA00  }
0x97: {  	[bflag:$0x0] =	sbarrier.arrive $0xFFFF  }
0x98: {  	_ =	swait.ge [sflag:s29], $0x1200  }
0x99: {  	[sflag:s29] =	ssyncset.done $0x0  }
0x9a: {  	[sflag:s29] =	ssyncadd.s32 $0xFFFFEE00  }
0x9b: {  	_ =	swait.ge [sflag:s30], $0x1200  }
0x9c: {  	[sflag:s30] =	ssyncset.done $0x0  }
0x9d: {  	s20 =	simm.s32 $0x0;
	[sflag:s30] =	ssyncadd.s32 $0xFFFFEE00  }
0x9e: {  	v0 =	vld [tilespmem:s20+$0x0];
	_ =	sdelay $0x1  }
0x9f: {  	v2 =	vld [tilespmem:s20+$0x10];
	_ =	sdelay $0x2  }
0xa0: {  	v1 =	vadd.s32 $0xFFE50000, v0;
	v0 =	vand.u32 $0x3FFF, v0  }
0xa1: {  	vm0 =	vlt.u32 v1, $0x1B0000;
	v0 =	vor.u32 $0x1B0000, v0  }
0xa2: {  	s22 =	simm.s32 $0x80;
	s21 =	simm.s32 $0x100;
	v1 =	vsel vm0, v1, v0;
	v0 =	vadd.s32 $0xFFE50000, v2;
	v2 =	vand.u32 $0x3FFF, v2  }
.LBB2_12:
0xa3: {  	p0 =	sne.s32 s21, $0x4780  }
0xa4: {  	s23 =	sshra.s32 s22, $0x2;
	[tilespmem:s20+$0x0] =	vst v1;
	vm0 =	vlt.u32 v0, $0x1B0000;
	v1 =	vor.u32 $0x1B0000, v2;
	s22 =	smov.u32 s21;
	s21 =	sadd.s32 $0x80, s21  }
0xa5: {  	v2 =	vld [tilespmem:s23+$0x0];
	v0 =	vsel vm0, v0, v1  }
0xa6: {  	[tilespmem:s20+$0x10] =	vst v0;
	s20 =	smov.u32 s23  }
0xa7: {  	v3 =	vld [tilespmem:s20+$0x10]  }
.Ltmp5:
0xa8: {  	(pc) =	sbr.rel @p0 .LBB2_12-.Ltmp5, $4  }
0xa9: {  	_ = 	snop  }
0xaa: {  	v0 =	vadd.s32 $0xFFE50000, v2;
	v1 =	vand.u32 $0x3FFF, v2  }
0xab: {  	vm0 =	vlt.u32 v0, $0x1B0000;
	v1 =	vor.u32 $0x1B0000, v1  }
0xac: {  	v1 =	vsel vm0, v0, v1;
	v0 =	vadd.s32 $0xFFE50000, v3;
	v2 =	vand.u32 $0x3FFF, v3  }
0xad: {  	s21 =	sshra.s32 s22, $0x2;
	[tilespmem:s20+$0x0] =	vst v1;
	vm0 =	vlt.u32 v0, $0x1B0000;
	v1 =	vor.u32 $0x1B0000, v2  }
0xae: {  	v2 =	vld [tilespmem:s21+$0x0];
	v0 =	vsel vm0, v0, v1  }
0xaf: {  	[tilespmem:s20+$0x10] =	vst v0  }
0xb0: {  	v0 =	vld [tilespmem:s21+$0x10];
	_ =	sdelay $0x2  }
0xb1: {  	v1 =	vadd.s32 $0xFFE50000, v2  }
0xb2: {  	v2 =	vand.u32 $0x3FFF, v2;
	vm13 =	vlt.u32 v1, $0x1B0000  }
0xb3: {  	v2 =	vor.u32 $0x1B0000, v2;
	v3 =	vadd.s32 $0xFFE50000, v0;
	v0 =	vand.u32 $0x3FFF, v0  }
0xb4: {  	v1 =	vsel vm13, v1, v2;
	vm14 =	vlt.u32 v3, $0x1B0000;
	v0 =	vor.u32 $0x1B0000, v0  }
0xb5: {  	[tilespmem:s21+$0x0] =	vst v1;
	v0 =	vsel vm14, v3, v0  }
0xb6: {  	s24 =	simm.s32 $0x0;
	[tilespmem:s21+$0x10] =	vst v0  }
0xb7: {  	[spmem:s1] =	stream.indirect.scatter.add.f32 [tilespmem:s28], [sflag:$0x5], $0x1, s24, s28, $0xb8;
	[tilespmem:$0x1FC00] =	vst v63  }
0xb8: {  	_ = 	snop  }
0xb9: {  	[tilespmem:s31], [sflag:$0x3] =	stream.linear.gather [hbm4b:s12+s24], $0x1200, $0x38;
	[tilespmem:$0x1FC00] =	vst v63  }
0xba: {  	_ = 	snop  }
0xbb: {  	[tilespmem:s0], [sflag:$0x4] =	stream.linear.gather [hbm4b:s13+s24], $0x1200, $0x38;
	[tilespmem:$0x1FC00] =	vst v63  }
0xbc: {  	_ =	swait.ge [sflag:s3], $0x1200  }
0xbd: {  	[sflag:s3] =	ssyncset.done $0x0  }
0xbe: {  	[sflag:s3] =	ssyncadd.s32 $0xFFFFEE00  }
0xbf: {  	_ =	swait.ge [sflag:s8], $0x1200  }
0xc0: {  	[sflag:s8] =	ssyncset.done $0x0  }
0xc1: {  	s20 =	simm.s32 $0x0;
	[sflag:s8] =	ssyncadd.s32 $0xFFFFEE00  }
0xc2: {  	v0 =	vld [tilespmem:s20+$0x2400];
	_ =	sdelay $0x1  }
0xc3: {  	v2 =	vld [tilespmem:s20+$0x2410];
	_ =	sdelay $0x2  }
0xc4: {  	v1 =	vadd.s32 $0xFFE50000, v0;
	v0 =	vand.u32 $0x3FFF, v0  }
0xc5: {  	vm15 =	vlt.u32 v1, $0x1B0000;
	v0 =	vor.u32 $0x1B0000, v0  }
0xc6: {  	s22 =	simm.s32 $0x80;
	s21 =	simm.s32 $0x100;
	v1 =	vsel vm15, v1, v0;
	v0 =	vadd.s32 $0xFFE50000, v2;
	v2 =	vand.u32 $0x3FFF, v2  }
.LBB2_14:
0xc7: {  	p0 =	sne.s32 s21, $0x4780  }
0xc8: {  	s23 =	sshra.s32 s22, $0x2;
	[tilespmem:s20+$0x2400] =	vst v1;
	vm0 =	vlt.u32 v0, $0x1B0000;
	v1 =	vor.u32 $0x1B0000, v2;
	s22 =	smov.u32 s21;
	s21 =	sadd.s32 $0x80, s21  }
0xc9: {  	v2 =	vld [tilespmem:s23+$0x2400];
	v0 =	vsel vm0, v0, v1  }
0xca: {  	[tilespmem:s20+$0x2410] =	vst v0;
	s20 =	smov.u32 s23  }
0xcb: {  	v3 =	vld [tilespmem:s20+$0x2410]  }
.Ltmp6:
0xcc: {  	(pc) =	sbr.rel @p0 .LBB2_14-.Ltmp6, $4  }
0xcd: {  	_ = 	snop  }
0xce: {  	v0 =	vadd.s32 $0xFFE50000, v2;
	v1 =	vand.u32 $0x3FFF, v2  }
0xcf: {  	vm0 =	vlt.u32 v0, $0x1B0000;
	v1 =	vor.u32 $0x1B0000, v1  }
0xd0: {  	v1 =	vsel vm0, v0, v1;
	v0 =	vadd.s32 $0xFFE50000, v3;
	v2 =	vand.u32 $0x3FFF, v3  }
0xd1: {  	s21 =	sshra.s32 s22, $0x2;
	[tilespmem:s20+$0x2400] =	vst v1;
	vm0 =	vlt.u32 v0, $0x1B0000;
	v61 =	vor.u32 $0x1B0000, v2  }
0xd2: {  	v62 =	vld [tilespmem:s21+$0x2400];
	v0 =	vsel vm0, v0, v61  }
0xd3: {  	[tilespmem:s20+$0x2410] =	vst v0  }
0xd4: {  	v0 =	vld [tilespmem:s21+$0x2410];
	_ =	sdelay $0x2  }
0xd5: {  	v63 =	vadd.s32 $0xFFE50000, v62  }
0xd6: {  	v2 =	vand.u32 $0x3FFF, v62;
	vm14 =	vlt.u32 v63, $0x1B0000  }
0xd7: {  	v2 =	vor.u32 $0x1B0000, v2;
	v3 =	vadd.s32 $0xFFE50000, v0;
	v0 =	vand.u32 $0x3FFF, v0  }
0xd8: {  	v1 =	vsel vm14, v63, v2;
	vm15 =	vlt.u32 v3, $0x1B0000;
	v0 =	vor.u32 $0x1B0000, v0  }
0xd9: {  	[tilespmem:s21+$0x2400] =	vst v1;
	v0 =	vsel vm15, v3, v0  }
0xda: {  	[tilespmem:s21+$0x2410] =	vst v0  }
0xdb: {  	[spmem:s1] =	stream.indirect.scatter.add.f32 [tilespmem:s0], [sflag:$0x6], $0x1, s31, s28, $0xb8;
	[tilespmem:$0x1FC00] =	vst v63  }
0xdc: {  	_ =	swait.ge [sflag:s10], $0x1200  }
0xdd: {  	[sflag:s10] =	ssyncset.done $0x0  }
0xde: {  	[sflag:s10] =	ssyncadd.s32 $0xFFFFEE00  }
0xdf: {  	[tilespmem:s2], [sflag:$0x1] =	stream.linear.gather [hbm4b:s14+s2], $0x1200, $0x38;
	[tilespmem:$0x1FC00] =	vst v63  }
0xe0: {  	s20 =	simm.s32 $0x1  }
0xe1: {  	[tilespmem:s28], [sflag:$0x2] =	stream.linear.gather [hbm4b:s16+s2], $0x1200, $0x38;
	[tilespmem:$0x1FC00] =	vst v63  }
.LBB2_16:
0xe2: {  	_ =	swait.ge [sflag:s29], $0x1200  }
0xe3: {  	[sflag:s29] =	ssyncset.done $0x0  }
0xe4: {  	[sflag:s29] =	ssyncadd.s32 $0xFFFFEE00  }
0xe5: {  	_ =	swait.ge [sflag:s30], $0x1200  }
0xe6: {  	[sflag:s30] =	ssyncset.done $0x0  }
0xe7: {  	s21 =	simm.s32 $0x0;
	[sflag:s30] =	ssyncadd.s32 $0xFFFFEE00  }
0xe8: {  	v0 =	vld [tilespmem:s21+$0x0];
	_ =	sdelay $0x1  }
0xe9: {  	v2 =	vld [tilespmem:s21+$0x10];
	_ =	sdelay $0x2  }
0xea: {  	v1 =	vadd.s32 $0xFFE50000, v0;
	v0 =	vand.u32 $0x3FFF, v0  }
0xeb: {  	vm0 =	vlt.u32 v1, $0x1B0000;
	v0 =	vor.u32 $0x1B0000, v0  }
0xec: {  	s23 =	simm.s32 $0x80;
	s22 =	simm.s32 $0x100;
	v1 =	vsel vm0, v1, v0;
	v0 =	vadd.s32 $0xFFE50000, v2;
	v2 =	vand.u32 $0x3FFF, v2  }
.LBB2_17:
0xed: {  	p0 =	sne.s32 s22, $0x4780  }
0xee: {  	s24 =	sshra.s32 s23, $0x2;
	[tilespmem:s21+$0x0] =	vst v1;
	vm0 =	vlt.u32 v0, $0x1B0000;
	v1 =	vor.u32 $0x1B0000, v2;
	s23 =	smov.u32 s22;
	s22 =	sadd.s32 $0x80, s22  }
0xef: {  	v2 =	vld [tilespmem:s24+$0x0];
	v0 =	vsel vm0, v0, v1  }
0xf0: {  	[tilespmem:s21+$0x10] =	vst v0;
	s21 =	smov.u32 s24  }
0xf1: {  	v3 =	vld [tilespmem:s21+$0x10]  }
.Ltmp7:
0xf2: {  	(pc) =	sbr.rel @p0 .LBB2_17-.Ltmp7, $4  }
0xf3: {  	_ = 	snop  }
0xf4: {  	v0 =	vadd.s32 $0xFFE50000, v2;
	v1 =	vand.u32 $0x3FFF, v2  }
0xf5: {  	vm0 =	vlt.u32 v0, $0x1B0000;
	v1 =	vor.u32 $0x1B0000, v1  }
0xf6: {  	v1 =	vsel vm0, v0, v1;
	v0 =	vadd.s32 $0xFFE50000, v3;
	v2 =	vand.u32 $0x3FFF, v3  }
0xf7: {  	s22 =	sshra.s32 s23, $0x2;
	[tilespmem:s21+$0x0] =	vst v1;
	vm0 =	vlt.u32 v0, $0x1B0000;
	v1 =	vor.u32 $0x1B0000, v2  }
0xf8: {  	v2 =	vld [tilespmem:s22+$0x0];
	v0 =	vsel vm0, v0, v1  }
0xf9: {  	[tilespmem:s21+$0x10] =	vst v0  }
0xfa: {  	v0 =	vld [tilespmem:s22+$0x10];
	_ =	sdelay $0x2  }
0xfb: {  	v1 =	vadd.s32 $0xFFE50000, v2  }
0xfc: {  	v2 =	vand.u32 $0x3FFF, v2;
	vm13 =	vlt.u32 v1, $0x1B0000  }
0xfd: {  	v2 =	vor.u32 $0x1B0000, v2;
	v3 =	vadd.s32 $0xFFE50000, v0;
	v0 =	vand.u32 $0x3FFF, v0  }
0xfe: {  	v1 =	vsel vm13, v1, v2;
	vm14 =	vlt.u32 v3, $0x1B0000;
	v0 =	vor.u32 $0x1B0000, v0  }
0xff: {  	[tilespmem:s22+$0x0] =	vst v1;
	v0 =	vsel vm14, v3, v0  }
0x100: {  	s23 =	smul.u32 $0x2400, s20;
	s21 =	simm.s32 $0x0;
	[tilespmem:s22+$0x10] =	vst v0  }
0x101: {  	[spmem:s1] =	stream.indirect.scatter.add.f32 [tilespmem:s28], [sflag:$0x5], $0x1, s21, s28, $0xb8;
	[tilespmem:$0x1FC00] =	vst v63  }
0x102: {  	s22 =	sadd.s32 s23, s17;
	_ =	swait.ge [sflag:s11], $0x1200  }
0x103: {  	s22 =	sshrl.u32 s22, $0x3;
	[sflag:s11] =	ssyncset.done $0x0  }
0x104: {  	s24 =	sadd.s32 s5, s22;
	[sflag:s11] =	ssyncadd.s32 $0xFFFFEE00  }
0x105: {  	[tilespmem:s31], [sflag:$0x3] =	stream.linear.gather [hbm4b:s24+s21], $0x1200, $0x38;
	[tilespmem:$0x1FC00] =	vst v63  }
0x106: {  	s22 =	sadd.s32 s4, s22  }
0x107: {  	[tilespmem:s0], [sflag:$0x4] =	stream.linear.gather [hbm4b:s22+s21], $0x1200, $0x38;
	[tilespmem:$0x1FC00] =	vst v63  }
0x108: {  	_ =	swait.ge [sflag:s3], $0x1200  }
0x109: {  	[sflag:s3] =	ssyncset.done $0x0  }
0x10a: {  	[sflag:s3] =	ssyncadd.s32 $0xFFFFEE00  }
0x10b: {  	_ =	swait.ge [sflag:s8], $0x1200  }
0x10c: {  	[sflag:s8] =	ssyncset.done $0x0  }
0x10d: {  	s21 =	simm.s32 $0x0;
	[sflag:s8] =	ssyncadd.s32 $0xFFFFEE00  }
0x10e: {  	v0 =	vld [tilespmem:s21+$0x2400];
	_ =	sdelay $0x1  }
0x10f: {  	v2 =	vld [tilespmem:s21+$0x2410];
	_ =	sdelay $0x2  }
0x110: {  	v1 =	vadd.s32 $0xFFE50000, v0;
	v0 =	vand.u32 $0x3FFF, v0  }
0x111: {  	vm15 =	vlt.u32 v1, $0x1B0000;
	v0 =	vor.u32 $0x1B0000, v0  }
0x112: {  	s23 =	simm.s32 $0x80;
	s22 =	simm.s32 $0x100;
	v1 =	vsel vm15, v1, v0;
	v0 =	vadd.s32 $0xFFE50000, v2;
	v2 =	vand.u32 $0x3FFF, v2  }
.LBB2_19:
0x113: {  	p0 =	sne.s32 s22, $0x4780  }
0x114: {  	s24 =	sshra.s32 s23, $0x2;
	[tilespmem:s21+$0x2400] =	vst v1;
	vm0 =	vlt.u32 v0, $0x1B0000;
	v1 =	vor.u32 $0x1B0000, v2;
	s23 =	smov.u32 s22;
	s22 =	sadd.s32 $0x80, s22  }
0x115: {  	v2 =	vld [tilespmem:s24+$0x2400];
	v0 =	vsel vm0, v0, v1  }
0x116: {  	[tilespmem:s21+$0x2410] =	vst v0;
	s21 =	smov.u32 s24  }
0x117: {  	v3 =	vld [tilespmem:s21+$0x2410]  }
.Ltmp8:
0x118: {  	(pc) =	sbr.rel @p0 .LBB2_19-.Ltmp8, $4  }
0x119: {  	_ = 	snop  }
0x11a: {  	v0 =	vadd.s32 $0xFFE50000, v2;
	v1 =	vand.u32 $0x3FFF, v2  }
0x11b: {  	vm0 =	vlt.u32 v0, $0x1B0000;
	v1 =	vor.u32 $0x1B0000, v1  }
0x11c: {  	v1 =	vsel vm0, v0, v1;
	v0 =	vadd.s32 $0xFFE50000, v3;
	v2 =	vand.u32 $0x3FFF, v3  }
0x11d: {  	s22 =	sshra.s32 s23, $0x2;
	[tilespmem:s21+$0x2400] =	vst v1;
	vm0 =	vlt.u32 v0, $0x1B0000;
	v61 =	vor.u32 $0x1B0000, v2  }
0x11e: {  	v62 =	vld [tilespmem:s22+$0x2400];
	v0 =	vsel vm0, v0, v61  }
0x11f: {  	[tilespmem:s21+$0x2410] =	vst v0  }
0x120: {  	v0 =	vld [tilespmem:s22+$0x2410];
	_ =	sdelay $0x2  }
0x121: {  	v63 =	vadd.s32 $0xFFE50000, v62  }
0x122: {  	v2 =	vand.u32 $0x3FFF, v62;
	vm14 =	vlt.u32 v63, $0x1B0000  }
0x123: {  	v2 =	vor.u32 $0x1B0000, v2;
	v3 =	vadd.s32 $0xFFE50000, v0;
	v0 =	vand.u32 $0x3FFF, v0  }
0x124: {  	v1 =	vsel vm14, v63, v2;
	vm15 =	vlt.u32 v3, $0x1B0000;
	v0 =	vor.u32 $0x1B0000, v0  }
0x125: {  	[tilespmem:s22+$0x2400] =	vst v1;
	v0 =	vsel vm15, v3, v0  }
0x126: {  	[tilespmem:s22+$0x2410] =	vst v0;
	s22 =	sshll.u32 s20, $0x1  }
0x127: {  	[spmem:s1] =	stream.indirect.scatter.add.f32 [tilespmem:s0], [sflag:$0x6], $0x1, s31, s28, $0xb8;
	[tilespmem:$0x1FC00] =	vst v63  }
0x128: {  	s21 =	sadd.s32 $0x2, s22  }
0x129: {  	s22 =	smul.u32 $0x1200, s21  }
0x12a: {  	p0 =	seq.s32 s21, $0x30  }
0x12b: {  	s20 =	sadd.s32 $0x1, s20;
	s22 =	simm.s32 @p0 $0x0  }
0x12c: {  	_ =	swait.ge [sflag:s10], $0x1200;
	p0 =	sne.s32 s20, $0x18;
	s23 =	sadd.s32 s7, s22  }
.Ltmp9:
0x12d: {  	[sflag:s10] =	ssyncset.done $0x0;
	s21 =	sshrl.u32 s23, $0x3;
	(pc) =	sbr.rel @p0 .LBB2_16-.Ltmp9, $4  }
0x12e: {  	[sflag:s10] =	ssyncadd.s32 $0xFFFFEE00;
	s24 =	sadd.s32 s5, s21  }
0x12f: {  	[tilespmem:s2], [sflag:$0x1] =	stream.linear.gather [hbm4b:s24+s2], $0x1200, $0x38;
	[tilespmem:$0x1FC00] =	vst v63  }
0x130: {  	s21 =	sadd.s32 s4, s21  }
0x131: {  	[tilespmem:s28], [sflag:$0x2] =	stream.linear.gather [hbm4b:s21+s2], $0x1200, $0x38;
	[tilespmem:$0x1FC00] =	vst v63  }
0x132: {  	_ =	swait.ge [sflag:s11], $0x1200  }
0x133: {  	[sflag:s11] =	ssyncset.done $0x0  }
0x134: {  	[sflag:s11] =	ssyncadd.s32 $0xFFFFEE00  }
0x135: {  	[bflag:$0x0] =	sbarrier.arrive $0xFFFF  }
0x136: {  	s20 =	rddreg [dreg:$0x7]  }
0x137: {  	[hbm:s20], [sflag:s9] =	dma.local [spmem:s19], $0x3600  }
0x138: {  	_ =	swait.ge [sflag:s26], $0x3600  }
0x139: {  	[sflag:s26] =	ssyncset.done $0x0  }
0x13a: {  	[sflag:s26] =	ssyncadd.s32 $0xFFFFCA00  }
0x13b: {  	[spmem:s19], [sflag:s9] =	dma.local [hbm:s6], $0x3600  }
0x13c: {  	_ =	swait.ge [sflag:s26], $0x3600  }
0x13d: {  	[sflag:s26] =	ssyncset.done $0x0  }
0x13e: {  	[sflag:s26] =	ssyncadd.s32 $0xFFFFCA00  }
0x13f: {  	[bflag:$0x0] =	sbarrier.arrive $0xFFFF  }
0x140: {  	_ =	swait.ge [sflag:s29], $0x1200  }
0x141: {  	[sflag:s29] =	ssyncset.done $0x0  }
0x142: {  	[sflag:s29] =	ssyncadd.s32 $0xFFFFEE00  }
0x143: {  	_ =	swait.ge [sflag:s30], $0x1200  }
0x144: {  	[sflag:s30] =	ssyncset.done $0x0  }
0x145: {  	s20 =	simm.s32 $0x0;
	[sflag:s30] =	ssyncadd.s32 $0xFFFFEE00  }
0x146: {  	v0 =	vld [tilespmem:s20+$0x0];
	_ =	sdelay $0x1  }
0x147: {  	v2 =	vld [tilespmem:s20+$0x10];
	_ =	sdelay $0x2  }
0x148: {  	v1 =	vadd.s32 $0xFFCA0000, v0;
	v0 =	vand.u32 $0x3FFF, v0  }
0x149: {  	vm0 =	vlt.u32 v1, $0x1B0000;
	v0 =	vor.u32 $0x1B0000, v0  }
0x14a: {  	s22 =	simm.s32 $0x80;
	s21 =	simm.s32 $0x100;
	v1 =	vsel vm0, v1, v0;
	v0 =	vadd.s32 $0xFFCA0000, v2;
	v2 =	vand.u32 $0x3FFF, v2  }
.LBB2_22:
0x14b: {  	p0 =	sne.s32 s21, $0x4780  }
0x14c: {  	s23 =	sshra.s32 s22, $0x2;
	[tilespmem:s20+$0x0] =	vst v1;
	vm0 =	vlt.u32 v0, $0x1B0000;
	v1 =	vor.u32 $0x1B0000, v2;
	s22 =	smov.u32 s21;
	s21 =	sadd.s32 $0x80, s21  }
0x14d: {  	v2 =	vld [tilespmem:s23+$0x0];
	v0 =	vsel vm0, v0, v1  }
0x14e: {  	[tilespmem:s20+$0x10] =	vst v0;
	s20 =	smov.u32 s23  }
0x14f: {  	v3 =	vld [tilespmem:s20+$0x10]  }
.Ltmp10:
0x150: {  	(pc) =	sbr.rel @p0 .LBB2_22-.Ltmp10, $4  }
0x151: {  	_ = 	snop  }
0x152: {  	v0 =	vadd.s32 $0xFFCA0000, v2;
	v1 =	vand.u32 $0x3FFF, v2  }
0x153: {  	vm0 =	vlt.u32 v0, $0x1B0000;
	v1 =	vor.u32 $0x1B0000, v1  }
0x154: {  	v1 =	vsel vm0, v0, v1;
	v0 =	vadd.s32 $0xFFCA0000, v3;
	v2 =	vand.u32 $0x3FFF, v3  }
0x155: {  	s21 =	sshra.s32 s22, $0x2;
	[tilespmem:s20+$0x0] =	vst v1;
	vm0 =	vlt.u32 v0, $0x1B0000;
	v1 =	vor.u32 $0x1B0000, v2  }
0x156: {  	v2 =	vld [tilespmem:s21+$0x0];
	v0 =	vsel vm0, v0, v1  }
0x157: {  	[tilespmem:s20+$0x10] =	vst v0  }
0x158: {  	v0 =	vld [tilespmem:s21+$0x10];
	_ =	sdelay $0x2  }
0x159: {  	v1 =	vadd.s32 $0xFFCA0000, v2  }
0x15a: {  	v2 =	vand.u32 $0x3FFF, v2;
	vm13 =	vlt.u32 v1, $0x1B0000  }
0x15b: {  	v2 =	vor.u32 $0x1B0000, v2;
	v3 =	vadd.s32 $0xFFCA0000, v0;
	v0 =	vand.u32 $0x3FFF, v0  }
0x15c: {  	v1 =	vsel vm13, v1, v2;
	vm14 =	vlt.u32 v3, $0x1B0000;
	v0 =	vor.u32 $0x1B0000, v0  }
0x15d: {  	[tilespmem:s21+$0x0] =	vst v1;
	v0 =	vsel vm14, v3, v0  }
0x15e: {  	s24 =	simm.s32 $0x0;
	[tilespmem:s21+$0x10] =	vst v0  }
0x15f: {  	[spmem:s1] =	stream.indirect.scatter.add.f32 [tilespmem:s28], [sflag:$0x5], $0x1, s24, s28, $0xb8;
	[tilespmem:$0x1FC00] =	vst v63  }
0x160: {  	_ = 	snop  }
0x161: {  	[tilespmem:s31], [sflag:$0x3] =	stream.linear.gather [hbm4b:s12+s24], $0x1200, $0x38;
	[tilespmem:$0x1FC00] =	vst v63  }
0x162: {  	_ = 	snop  }
0x163: {  	[tilespmem:s0], [sflag:$0x4] =	stream.linear.gather [hbm4b:s13+s24], $0x1200, $0x38;
	[tilespmem:$0x1FC00] =	vst v63  }
0x164: {  	_ =	swait.ge [sflag:s3], $0x1200  }
0x165: {  	[sflag:s3] =	ssyncset.done $0x0  }
0x166: {  	[sflag:s3] =	ssyncadd.s32 $0xFFFFEE00  }
0x167: {  	_ =	swait.ge [sflag:s8], $0x1200  }
0x168: {  	[sflag:s8] =	ssyncset.done $0x0  }
0x169: {  	s20 =	simm.s32 $0x0;
	[sflag:s8] =	ssyncadd.s32 $0xFFFFEE00  }
0x16a: {  	v0 =	vld [tilespmem:s20+$0x2400];
	_ =	sdelay $0x1  }
0x16b: {  	v2 =	vld [tilespmem:s20+$0x2410];
	_ =	sdelay $0x2  }
0x16c: {  	v1 =	vadd.s32 $0xFFCA0000, v0;
	v0 =	vand.u32 $0x3FFF, v0  }
0x16d: {  	vm15 =	vlt.u32 v1, $0x1B0000;
	v0 =	vor.u32 $0x1B0000, v0  }
0x16e: {  	s22 =	simm.s32 $0x80;
	s21 =	simm.s32 $0x100;
	v1 =	vsel vm15, v1, v0;
	v0 =	vadd.s32 $0xFFCA0000, v2;
	v2 =	vand.u32 $0x3FFF, v2  }
.LBB2_24:
0x16f: {  	p0 =	sne.s32 s21, $0x4780  }
0x170: {  	s23 =	sshra.s32 s22, $0x2;
	[tilespmem:s20+$0x2400] =	vst v1;
	vm0 =	vlt.u32 v0, $0x1B0000;
	v1 =	vor.u32 $0x1B0000, v2;
	s22 =	smov.u32 s21;
	s21 =	sadd.s32 $0x80, s21  }
0x171: {  	v2 =	vld [tilespmem:s23+$0x2400];
	v0 =	vsel vm0, v0, v1  }
0x172: {  	[tilespmem:s20+$0x2410] =	vst v0;
	s20 =	smov.u32 s23  }
0x173: {  	v3 =	vld [tilespmem:s20+$0x2410]  }
.Ltmp11:
0x174: {  	(pc) =	sbr.rel @p0 .LBB2_24-.Ltmp11, $4  }
0x175: {  	_ = 	snop  }
0x176: {  	v0 =	vadd.s32 $0xFFCA0000, v2;
	v1 =	vand.u32 $0x3FFF, v2  }
0x177: {  	vm0 =	vlt.u32 v0, $0x1B0000;
	v1 =	vor.u32 $0x1B0000, v1  }
0x178: {  	v1 =	vsel vm0, v0, v1;
	v0 =	vadd.s32 $0xFFCA0000, v3;
	v2 =	vand.u32 $0x3FFF, v3  }
0x179: {  	s21 =	sshra.s32 s22, $0x2;
	[tilespmem:s20+$0x2400] =	vst v1;
	vm0 =	vlt.u32 v0, $0x1B0000;
	v61 =	vor.u32 $0x1B0000, v2  }
0x17a: {  	v62 =	vld [tilespmem:s21+$0x2400];
	v0 =	vsel vm0, v0, v61  }
0x17b: {  	[tilespmem:s20+$0x2410] =	vst v0  }
0x17c: {  	v0 =	vld [tilespmem:s21+$0x2410];
	_ =	sdelay $0x2  }
0x17d: {  	v63 =	vadd.s32 $0xFFCA0000, v62  }
0x17e: {  	v2 =	vand.u32 $0x3FFF, v62;
	vm14 =	vlt.u32 v63, $0x1B0000  }
0x17f: {  	v2 =	vor.u32 $0x1B0000, v2;
	v3 =	vadd.s32 $0xFFCA0000, v0;
	v0 =	vand.u32 $0x3FFF, v0  }
0x180: {  	v1 =	vsel vm14, v63, v2;
	vm15 =	vlt.u32 v3, $0x1B0000;
	v0 =	vor.u32 $0x1B0000, v0  }
0x181: {  	[tilespmem:s21+$0x2400] =	vst v1;
	v0 =	vsel vm15, v3, v0  }
0x182: {  	[tilespmem:s21+$0x2410] =	vst v0  }
0x183: {  	[spmem:s1] =	stream.indirect.scatter.add.f32 [tilespmem:s0], [sflag:$0x6], $0x1, s31, s28, $0xb8;
	[tilespmem:$0x1FC00] =	vst v63  }
0x184: {  	_ =	swait.ge [sflag:s10], $0x1200  }
0x185: {  	[sflag:s10] =	ssyncset.done $0x0  }
0x186: {  	[sflag:s10] =	ssyncadd.s32 $0xFFFFEE00  }
0x187: {  	[tilespmem:s2], [sflag:$0x1] =	stream.linear.gather [hbm4b:s14+s2], $0x1200, $0x38;
	[tilespmem:$0x1FC00] =	vst v63  }
0x188: {  	s20 =	simm.s32 $0x1  }
0x189: {  	[tilespmem:s28], [sflag:$0x2] =	stream.linear.gather [hbm4b:s16+s2], $0x1200, $0x38;
	[tilespmem:$0x1FC00] =	vst v63  }
.LBB2_26:
0x18a: {  	_ =	swait.ge [sflag:s29], $0x1200  }
0x18b: {  	[sflag:s29] =	ssyncset.done $0x0  }
0x18c: {  	[sflag:s29] =	ssyncadd.s32 $0xFFFFEE00  }
0x18d: {  	_ =	swait.ge [sflag:s30], $0x1200  }
0x18e: {  	[sflag:s30] =	ssyncset.done $0x0  }
0x18f: {  	s21 =	simm.s32 $0x0;
	[sflag:s30] =	ssyncadd.s32 $0xFFFFEE00  }
0x190: {  	v0 =	vld [tilespmem:s21+$0x0];
	_ =	sdelay $0x1  }
0x191: {  	v2 =	vld [tilespmem:s21+$0x10];
	_ =	sdelay $0x2  }
0x192: {  	v1 =	vadd.s32 $0xFFCA0000, v0;
	v0 =	vand.u32 $0x3FFF, v0  }
0x193: {  	vm0 =	vlt.u32 v1, $0x1B0000;
	v0 =	vor.u32 $0x1B0000, v0  }
0x194: {  	s23 =	simm.s32 $0x80;
	s22 =	simm.s32 $0x100;
	v1 =	vsel vm0, v1, v0;
	v0 =	vadd.s32 $0xFFCA0000, v2;
	v2 =	vand.u32 $0x3FFF, v2  }
.LBB2_27:
0x195: {  	p0 =	sne.s32 s22, $0x4780  }
0x196: {  	s24 =	sshra.s32 s23, $0x2;
	[tilespmem:s21+$0x0] =	vst v1;
	vm0 =	vlt.u32 v0, $0x1B0000;
	v1 =	vor.u32 $0x1B0000, v2;
	s23 =	smov.u32 s22;
	s22 =	sadd.s32 $0x80, s22  }
0x197: {  	v2 =	vld [tilespmem:s24+$0x0];
	v0 =	vsel vm0, v0, v1  }
0x198: {  	[tilespmem:s21+$0x10] =	vst v0;
	s21 =	smov.u32 s24  }
0x199: {  	v3 =	vld [tilespmem:s21+$0x10]  }
.Ltmp12:
0x19a: {  	(pc) =	sbr.rel @p0 .LBB2_27-.Ltmp12, $4  }
0x19b: {  	_ = 	snop  }
0x19c: {  	v0 =	vadd.s32 $0xFFCA0000, v2;
	v1 =	vand.u32 $0x3FFF, v2  }
0x19d: {  	vm0 =	vlt.u32 v0, $0x1B0000;
	v1 =	vor.u32 $0x1B0000, v1  }
0x19e: {  	v1 =	vsel vm0, v0, v1;
	v0 =	vadd.s32 $0xFFCA0000, v3;
	v2 =	vand.u32 $0x3FFF, v3  }
0x19f: {  	s22 =	sshra.s32 s23, $0x2;
	[tilespmem:s21+$0x0] =	vst v1;
	vm0 =	vlt.u32 v0, $0x1B0000;
	v1 =	vor.u32 $0x1B0000, v2  }
0x1a0: {  	v2 =	vld [tilespmem:s22+$0x0];
	v0 =	vsel vm0, v0, v1  }
0x1a1: {  	[tilespmem:s21+$0x10] =	vst v0  }
0x1a2: {  	v0 =	vld [tilespmem:s22+$0x10];
	_ =	sdelay $0x2  }
0x1a3: {  	v1 =	vadd.s32 $0xFFCA0000, v2  }
0x1a4: {  	v2 =	vand.u32 $0x3FFF, v2;
	vm13 =	vlt.u32 v1, $0x1B0000  }
0x1a5: {  	v2 =	vor.u32 $0x1B0000, v2;
	v3 =	vadd.s32 $0xFFCA0000, v0;
	v0 =	vand.u32 $0x3FFF, v0  }
0x1a6: {  	v1 =	vsel vm13, v1, v2;
	vm14 =	vlt.u32 v3, $0x1B0000;
	v0 =	vor.u32 $0x1B0000, v0  }
0x1a7: {  	[tilespmem:s22+$0x0] =	vst v1;
	v0 =	vsel vm14, v3, v0  }
0x1a8: {  	s23 =	smul.u32 $0x2400, s20;
	s21 =	simm.s32 $0x0;
	[tilespmem:s22+$0x10] =	vst v0  }
0x1a9: {  	[spmem:s1] =	stream.indirect.scatter.add.f32 [tilespmem:s28], [sflag:$0x5], $0x1, s21, s28, $0xb8;
	[tilespmem:$0x1FC00] =	vst v63  }
0x1aa: {  	s22 =	sadd.s32 s23, s17;
	_ =	swait.ge [sflag:s11], $0x1200  }
0x1ab: {  	s22 =	sshrl.u32 s22, $0x3;
	[sflag:s11] =	ssyncset.done $0x0  }
0x1ac: {  	s24 =	sadd.s32 s5, s22;
	[sflag:s11] =	ssyncadd.s32 $0xFFFFEE00  }
0x1ad: {  	[tilespmem:s31], [sflag:$0x3] =	stream.linear.gather [hbm4b:s24+s21], $0x1200, $0x38;
	[tilespmem:$0x1FC00] =	vst v63  }
0x1ae: {  	s22 =	sadd.s32 s4, s22  }
0x1af: {  	[tilespmem:s0], [sflag:$0x4] =	stream.linear.gather [hbm4b:s22+s21], $0x1200, $0x38;
	[tilespmem:$0x1FC00] =	vst v63  }
0x1b0: {  	_ =	swait.ge [sflag:s3], $0x1200  }
0x1b1: {  	[sflag:s3] =	ssyncset.done $0x0  }
0x1b2: {  	[sflag:s3] =	ssyncadd.s32 $0xFFFFEE00  }
0x1b3: {  	_ =	swait.ge [sflag:s8], $0x1200  }
0x1b4: {  	[sflag:s8] =	ssyncset.done $0x0  }
0x1b5: {  	s21 =	simm.s32 $0x0;
	[sflag:s8] =	ssyncadd.s32 $0xFFFFEE00  }
0x1b6: {  	v0 =	vld [tilespmem:s21+$0x2400];
	_ =	sdelay $0x1  }
0x1b7: {  	v2 =	vld [tilespmem:s21+$0x2410];
	_ =	sdelay $0x2  }
0x1b8: {  	v1 =	vadd.s32 $0xFFCA0000, v0;
	v0 =	vand.u32 $0x3FFF, v0  }
0x1b9: {  	vm15 =	vlt.u32 v1, $0x1B0000;
	v0 =	vor.u32 $0x1B0000, v0  }
0x1ba: {  	s23 =	simm.s32 $0x80;
	s22 =	simm.s32 $0x100;
	v1 =	vsel vm15, v1, v0;
	v0 =	vadd.s32 $0xFFCA0000, v2;
	v2 =	vand.u32 $0x3FFF, v2  }
.LBB2_29:
0x1bb: {  	p0 =	sne.s32 s22, $0x4780  }
0x1bc: {  	s24 =	sshra.s32 s23, $0x2;
	[tilespmem:s21+$0x2400] =	vst v1;
	vm0 =	vlt.u32 v0, $0x1B0000;
	v1 =	vor.u32 $0x1B0000, v2;
	s23 =	smov.u32 s22;
	s22 =	sadd.s32 $0x80, s22  }
0x1bd: {  	v2 =	vld [tilespmem:s24+$0x2400];
	v0 =	vsel vm0, v0, v1  }
0x1be: {  	[tilespmem:s21+$0x2410] =	vst v0;
	s21 =	smov.u32 s24  }
0x1bf: {  	v3 =	vld [tilespmem:s21+$0x2410]  }
.Ltmp13:
0x1c0: {  	(pc) =	sbr.rel @p0 .LBB2_29-.Ltmp13, $4  }
0x1c1: {  	_ = 	snop  }
0x1c2: {  	v0 =	vadd.s32 $0xFFCA0000, v2;
	v1 =	vand.u32 $0x3FFF, v2  }
0x1c3: {  	vm0 =	vlt.u32 v0, $0x1B0000;
	v1 =	vor.u32 $0x1B0000, v1  }
0x1c4: {  	v1 =	vsel vm0, v0, v1;
	v0 =	vadd.s32 $0xFFCA0000, v3;
	v2 =	vand.u32 $0x3FFF, v3  }
0x1c5: {  	s22 =	sshra.s32 s23, $0x2;
	[tilespmem:s21+$0x2400] =	vst v1;
	vm0 =	vlt.u32 v0, $0x1B0000;
	v61 =	vor.u32 $0x1B0000, v2  }
0x1c6: {  	v62 =	vld [tilespmem:s22+$0x2400];
	v0 =	vsel vm0, v0, v61  }
0x1c7: {  	[tilespmem:s21+$0x2410] =	vst v0  }
0x1c8: {  	v0 =	vld [tilespmem:s22+$0x2410];
	_ =	sdelay $0x2  }
0x1c9: {  	v63 =	vadd.s32 $0xFFCA0000, v62  }
0x1ca: {  	v2 =	vand.u32 $0x3FFF, v62;
	vm14 =	vlt.u32 v63, $0x1B0000  }
0x1cb: {  	v2 =	vor.u32 $0x1B0000, v2;
	v3 =	vadd.s32 $0xFFCA0000, v0;
	v0 =	vand.u32 $0x3FFF, v0  }
0x1cc: {  	v1 =	vsel vm14, v63, v2;
	vm15 =	vlt.u32 v3, $0x1B0000;
	v0 =	vor.u32 $0x1B0000, v0  }
0x1cd: {  	[tilespmem:s22+$0x2400] =	vst v1;
	v0 =	vsel vm15, v3, v0  }
0x1ce: {  	[tilespmem:s22+$0x2410] =	vst v0;
	s22 =	sshll.u32 s20, $0x1  }
0x1cf: {  	[spmem:s1] =	stream.indirect.scatter.add.f32 [tilespmem:s0], [sflag:$0x6], $0x1, s31, s28, $0xb8;
	[tilespmem:$0x1FC00] =	vst v63  }
0x1d0: {  	s21 =	sadd.s32 $0x2, s22  }
0x1d1: {  	s22 =	smul.u32 $0x1200, s21  }
0x1d2: {  	p0 =	seq.s32 s21, $0x30  }
0x1d3: {  	s20 =	sadd.s32 $0x1, s20;
	s22 =	simm.s32 @p0 $0x0  }
0x1d4: {  	_ =	swait.ge [sflag:s10], $0x1200;
	p0 =	sne.s32 s20, $0x18;
	s23 =	sadd.s32 s7, s22  }
.Ltmp14:
0x1d5: {  	[sflag:s10] =	ssyncset.done $0x0;
	s21 =	sshrl.u32 s23, $0x3;
	(pc) =	sbr.rel @p0 .LBB2_26-.Ltmp14, $4  }
0x1d6: {  	[sflag:s10] =	ssyncadd.s32 $0xFFFFEE00;
	s24 =	sadd.s32 s5, s21  }
0x1d7: {  	[tilespmem:s2], [sflag:$0x1] =	stream.linear.gather [hbm4b:s24+s2], $0x1200, $0x38;
	[tilespmem:$0x1FC00] =	vst v63  }
0x1d8: {  	s21 =	sadd.s32 s4, s21  }
0x1d9: {  	[tilespmem:s28], [sflag:$0x2] =	stream.linear.gather [hbm4b:s21+s2], $0x1200, $0x38;
	[tilespmem:$0x1FC00] =	vst v63  }
0x1da: {  	_ =	swait.ge [sflag:s11], $0x1200  }
0x1db: {  	[sflag:s11] =	ssyncset.done $0x0  }
0x1dc: {  	[sflag:s11] =	ssyncadd.s32 $0xFFFFEE00  }
0x1dd: {  	[bflag:$0x0] =	sbarrier.arrive $0xFFFF  }
0x1de: {  	s20 =	rddreg [dreg:$0x8]  }
0x1df: {  	[hbm:s20], [sflag:s9] =	dma.local [spmem:s19], $0x3600  }
0x1e0: {  	_ =	swait.ge [sflag:s26], $0x3600  }
0x1e1: {  	[sflag:s26] =	ssyncset.done $0x0  }
0x1e2: {  	[sflag:s26] =	ssyncadd.s32 $0xFFFFCA00  }
0x1e3: {  	[spmem:s19], [sflag:s9] =	dma.local [hbm:s6], $0x3600  }
0x1e4: {  	_ =	swait.ge [sflag:s26], $0x3600  }
0x1e5: {  	[sflag:s26] =	ssyncset.done $0x0  }
0x1e6: {  	[sflag:s26] =	ssyncadd.s32 $0xFFFFCA00  }
0x1e7: {  	[bflag:$0x0] =	sbarrier.arrive $0xFFFF  }
0x1e8: {  	_ =	swait.ge [sflag:s29], $0x1200  }
0x1e9: {  	[sflag:s29] =	ssyncset.done $0x0  }
0x1ea: {  	[sflag:s29] =	ssyncadd.s32 $0xFFFFEE00  }
0x1eb: {  	_ =	swait.ge [sflag:s30], $0x1200  }
0x1ec: {  	[sflag:s30] =	ssyncset.done $0x0  }
0x1ed: {  	s20 =	simm.s32 $0x0;
	[sflag:s30] =	ssyncadd.s32 $0xFFFFEE00  }
0x1ee: {  	v0 =	vld [tilespmem:s20+$0x0];
	_ =	sdelay $0x1  }
0x1ef: {  	v2 =	vld [tilespmem:s20+$0x10];
	_ =	sdelay $0x2  }
0x1f0: {  	v1 =	vadd.s32 $0xFFAF0000, v0;
	v0 =	vand.u32 $0x3FFF, v0  }
0x1f1: {  	vm0 =	vlt.u32 v1, $0x1B0000;
	v0 =	vor.u32 $0x1B0000, v0  }
0x1f2: {  	s22 =	simm.s32 $0x80;
	s21 =	simm.s32 $0x100;
	v1 =	vsel vm0, v1, v0;
	v0 =	vadd.s32 $0xFFAF0000, v2;
	v2 =	vand.u32 $0x3FFF, v2  }
.LBB2_32:
0x1f3: {  	p0 =	sne.s32 s21, $0x4780  }
0x1f4: {  	s23 =	sshra.s32 s22, $0x2;
	[tilespmem:s20+$0x0] =	vst v1;
	vm0 =	vlt.u32 v0, $0x1B0000;
	v1 =	vor.u32 $0x1B0000, v2;
	s22 =	smov.u32 s21;
	s21 =	sadd.s32 $0x80, s21  }
0x1f5: {  	v2 =	vld [tilespmem:s23+$0x0];
	v0 =	vsel vm0, v0, v1  }
0x1f6: {  	[tilespmem:s20+$0x10] =	vst v0;
	s20 =	smov.u32 s23  }
0x1f7: {  	v3 =	vld [tilespmem:s20+$0x10]  }
.Ltmp15:
0x1f8: {  	(pc) =	sbr.rel @p0 .LBB2_32-.Ltmp15, $4  }
0x1f9: {  	_ = 	snop  }
0x1fa: {  	v0 =	vadd.s32 $0xFFAF0000, v2;
	v1 =	vand.u32 $0x3FFF, v2  }
0x1fb: {  	vm0 =	vlt.u32 v0, $0x1B0000;
	v1 =	vor.u32 $0x1B0000, v1  }
0x1fc: {  	v1 =	vsel vm0, v0, v1;
	v0 =	vadd.s32 $0xFFAF0000, v3;
	v2 =	vand.u32 $0x3FFF, v3  }
0x1fd: {  	s21 =	sshra.s32 s22, $0x2;
	[tilespmem:s20+$0x0] =	vst v1;
	vm0 =	vlt.u32 v0, $0x1B0000;
	v1 =	vor.u32 $0x1B0000, v2  }
0x1fe: {  	v2 =	vld [tilespmem:s21+$0x0];
	v0 =	vsel vm0, v0, v1  }
0x1ff: {  	[tilespmem:s20+$0x10] =	vst v0  }
0x200: {  	v0 =	vld [tilespmem:s21+$0x10];
	_ =	sdelay $0x2  }
0x201: {  	v1 =	vadd.s32 $0xFFAF0000, v2  }
0x202: {  	v2 =	vand.u32 $0x3FFF, v2;
	vm13 =	vlt.u32 v1, $0x1B0000  }
0x203: {  	v2 =	vor.u32 $0x1B0000, v2;
	v3 =	vadd.s32 $0xFFAF0000, v0;
	v0 =	vand.u32 $0x3FFF, v0  }
0x204: {  	v1 =	vsel vm13, v1, v2;
	vm14 =	vlt.u32 v3, $0x1B0000;
	v0 =	vor.u32 $0x1B0000, v0  }
0x205: {  	[tilespmem:s21+$0x0] =	vst v1;
	v0 =	vsel vm14, v3, v0  }
0x206: {  	s24 =	simm.s32 $0x0;
	[tilespmem:s21+$0x10] =	vst v0  }
0x207: {  	[spmem:s1] =	stream.indirect.scatter.add.f32 [tilespmem:s28], [sflag:$0x5], $0x1, s24, s28, $0xb8;
	[tilespmem:$0x1FC00] =	vst v63  }
0x208: {  	_ = 	snop  }
0x209: {  	[tilespmem:s31], [sflag:$0x3] =	stream.linear.gather [hbm4b:s12+s24], $0x1200, $0x38;
	[tilespmem:$0x1FC00] =	vst v63  }
0x20a: {  	_ = 	snop  }
0x20b: {  	[tilespmem:s0], [sflag:$0x4] =	stream.linear.gather [hbm4b:s13+s24], $0x1200, $0x38;
	[tilespmem:$0x1FC00] =	vst v63  }
0x20c: {  	_ =	swait.ge [sflag:s3], $0x1200  }
0x20d: {  	[sflag:s3] =	ssyncset.done $0x0  }
0x20e: {  	[sflag:s3] =	ssyncadd.s32 $0xFFFFEE00  }
0x20f: {  	_ =	swait.ge [sflag:s8], $0x1200  }
0x210: {  	[sflag:s8] =	ssyncset.done $0x0  }
0x211: {  	s20 =	simm.s32 $0x0;
	[sflag:s8] =	ssyncadd.s32 $0xFFFFEE00  }
0x212: {  	v0 =	vld [tilespmem:s20+$0x2400];
	_ =	sdelay $0x1  }
0x213: {  	v2 =	vld [tilespmem:s20+$0x2410];
	_ =	sdelay $0x2  }
0x214: {  	v1 =	vadd.s32 $0xFFAF0000, v0;
	v0 =	vand.u32 $0x3FFF, v0  }
0x215: {  	vm15 =	vlt.u32 v1, $0x1B0000;
	v0 =	vor.u32 $0x1B0000, v0  }
0x216: {  	s22 =	simm.s32 $0x80;
	s21 =	simm.s32 $0x100;
	v1 =	vsel vm15, v1, v0;
	v0 =	vadd.s32 $0xFFAF0000, v2;
	v2 =	vand.u32 $0x3FFF, v2  }
.LBB2_34:
0x217: {  	p0 =	sne.s32 s21, $0x4780  }
0x218: {  	s23 =	sshra.s32 s22, $0x2;
	[tilespmem:s20+$0x2400] =	vst v1;
	vm0 =	vlt.u32 v0, $0x1B0000;
	v1 =	vor.u32 $0x1B0000, v2;
	s22 =	smov.u32 s21;
	s21 =	sadd.s32 $0x80, s21  }
0x219: {  	v2 =	vld [tilespmem:s23+$0x2400];
	v0 =	vsel vm0, v0, v1  }
0x21a: {  	[tilespmem:s20+$0x2410] =	vst v0;
	s20 =	smov.u32 s23  }
0x21b: {  	v3 =	vld [tilespmem:s20+$0x2410]  }
.Ltmp16:
0x21c: {  	(pc) =	sbr.rel @p0 .LBB2_34-.Ltmp16, $4  }
0x21d: {  	_ = 	snop  }
0x21e: {  	v0 =	vadd.s32 $0xFFAF0000, v2;
	v1 =	vand.u32 $0x3FFF, v2  }
0x21f: {  	vm0 =	vlt.u32 v0, $0x1B0000;
	v1 =	vor.u32 $0x1B0000, v1  }
0x220: {  	v1 =	vsel vm0, v0, v1;
	v0 =	vadd.s32 $0xFFAF0000, v3;
	v2 =	vand.u32 $0x3FFF, v3  }
0x221: {  	s21 =	sshra.s32 s22, $0x2;
	[tilespmem:s20+$0x2400] =	vst v1;
	vm0 =	vlt.u32 v0, $0x1B0000;
	v61 =	vor.u32 $0x1B0000, v2  }
0x222: {  	v62 =	vld [tilespmem:s21+$0x2400];
	v0 =	vsel vm0, v0, v61  }
0x223: {  	[tilespmem:s20+$0x2410] =	vst v0  }
0x224: {  	v0 =	vld [tilespmem:s21+$0x2410];
	_ =	sdelay $0x2  }
0x225: {  	v63 =	vadd.s32 $0xFFAF0000, v62  }
0x226: {  	v2 =	vand.u32 $0x3FFF, v62;
	vm14 =	vlt.u32 v63, $0x1B0000  }
0x227: {  	v2 =	vor.u32 $0x1B0000, v2;
	v3 =	vadd.s32 $0xFFAF0000, v0;
	v0 =	vand.u32 $0x3FFF, v0  }
0x228: {  	v1 =	vsel vm14, v63, v2;
	vm15 =	vlt.u32 v3, $0x1B0000;
	v0 =	vor.u32 $0x1B0000, v0  }
0x229: {  	[tilespmem:s21+$0x2400] =	vst v1;
	v0 =	vsel vm15, v3, v0  }
0x22a: {  	[tilespmem:s21+$0x2410] =	vst v0  }
0x22b: {  	[spmem:s1] =	stream.indirect.scatter.add.f32 [tilespmem:s0], [sflag:$0x6], $0x1, s31, s28, $0xb8;
	[tilespmem:$0x1FC00] =	vst v63  }
0x22c: {  	_ =	swait.ge [sflag:s10], $0x1200  }
0x22d: {  	[sflag:s10] =	ssyncset.done $0x0  }
0x22e: {  	[sflag:s10] =	ssyncadd.s32 $0xFFFFEE00  }
0x22f: {  	[tilespmem:s2], [sflag:$0x1] =	stream.linear.gather [hbm4b:s14+s2], $0x1200, $0x38;
	[tilespmem:$0x1FC00] =	vst v63  }
0x230: {  	s20 =	simm.s32 $0x1  }
0x231: {  	[tilespmem:s28], [sflag:$0x2] =	stream.linear.gather [hbm4b:s16+s2], $0x1200, $0x38;
	[tilespmem:$0x1FC00] =	vst v63  }
.LBB2_36:
0x232: {  	_ =	swait.ge [sflag:s29], $0x1200  }
0x233: {  	[sflag:s29] =	ssyncset.done $0x0  }
0x234: {  	[sflag:s29] =	ssyncadd.s32 $0xFFFFEE00  }
0x235: {  	_ =	swait.ge [sflag:s30], $0x1200  }
0x236: {  	[sflag:s30] =	ssyncset.done $0x0  }
0x237: {  	s21 =	simm.s32 $0x0;
	[sflag:s30] =	ssyncadd.s32 $0xFFFFEE00  }
0x238: {  	v0 =	vld [tilespmem:s21+$0x0];
	_ =	sdelay $0x1  }
0x239: {  	v2 =	vld [tilespmem:s21+$0x10];
	_ =	sdelay $0x2  }
0x23a: {  	v1 =	vadd.s32 $0xFFAF0000, v0;
	v0 =	vand.u32 $0x3FFF, v0  }
0x23b: {  	vm0 =	vlt.u32 v1, $0x1B0000;
	v0 =	vor.u32 $0x1B0000, v0  }
0x23c: {  	s23 =	simm.s32 $0x80;
	s22 =	simm.s32 $0x100;
	v1 =	vsel vm0, v1, v0;
	v0 =	vadd.s32 $0xFFAF0000, v2;
	v2 =	vand.u32 $0x3FFF, v2  }
.LBB2_37:
0x23d: {  	p0 =	sne.s32 s22, $0x4780  }
0x23e: {  	s24 =	sshra.s32 s23, $0x2;
	[tilespmem:s21+$0x0] =	vst v1;
	vm0 =	vlt.u32 v0, $0x1B0000;
	v1 =	vor.u32 $0x1B0000, v2;
	s23 =	smov.u32 s22;
	s22 =	sadd.s32 $0x80, s22  }
0x23f: {  	v2 =	vld [tilespmem:s24+$0x0];
	v0 =	vsel vm0, v0, v1  }
0x240: {  	[tilespmem:s21+$0x10] =	vst v0;
	s21 =	smov.u32 s24  }
0x241: {  	v3 =	vld [tilespmem:s21+$0x10]  }
.Ltmp17:
0x242: {  	(pc) =	sbr.rel @p0 .LBB2_37-.Ltmp17, $4  }
0x243: {  	_ = 	snop  }
0x244: {  	v0 =	vadd.s32 $0xFFAF0000, v2;
	v1 =	vand.u32 $0x3FFF, v2  }
0x245: {  	vm0 =	vlt.u32 v0, $0x1B0000;
	v1 =	vor.u32 $0x1B0000, v1  }
0x246: {  	v1 =	vsel vm0, v0, v1;
	v0 =	vadd.s32 $0xFFAF0000, v3;
	v2 =	vand.u32 $0x3FFF, v3  }
0x247: {  	s22 =	sshra.s32 s23, $0x2;
	[tilespmem:s21+$0x0] =	vst v1;
	vm0 =	vlt.u32 v0, $0x1B0000;
	v1 =	vor.u32 $0x1B0000, v2  }
0x248: {  	v2 =	vld [tilespmem:s22+$0x0];
	v0 =	vsel vm0, v0, v1  }
0x249: {  	[tilespmem:s21+$0x10] =	vst v0  }
0x24a: {  	v0 =	vld [tilespmem:s22+$0x10];
	_ =	sdelay $0x2  }
0x24b: {  	v1 =	vadd.s32 $0xFFAF0000, v2  }
0x24c: {  	v2 =	vand.u32 $0x3FFF, v2;
	vm13 =	vlt.u32 v1, $0x1B0000  }
0x24d: {  	v2 =	vor.u32 $0x1B0000, v2;
	v3 =	vadd.s32 $0xFFAF0000, v0;
	v0 =	vand.u32 $0x3FFF, v0  }
0x24e: {  	v1 =	vsel vm13, v1, v2;
	vm14 =	vlt.u32 v3, $0x1B0000;
	v0 =	vor.u32 $0x1B0000, v0  }
0x24f: {  	[tilespmem:s22+$0x0] =	vst v1;
	v0 =	vsel vm14, v3, v0  }
0x250: {  	s23 =	smul.u32 $0x2400, s20;
	s21 =	simm.s32 $0x0;
	[tilespmem:s22+$0x10] =	vst v0  }
0x251: {  	[spmem:s1] =	stream.indirect.scatter.add.f32 [tilespmem:s28], [sflag:$0x5], $0x1, s21, s28, $0xb8;
	[tilespmem:$0x1FC00] =	vst v63  }
0x252: {  	s22 =	sadd.s32 s23, s17;
	_ =	swait.ge [sflag:s11], $0x1200  }
0x253: {  	s22 =	sshrl.u32 s22, $0x3;
	[sflag:s11] =	ssyncset.done $0x0  }
0x254: {  	s24 =	sadd.s32 s5, s22;
	[sflag:s11] =	ssyncadd.s32 $0xFFFFEE00  }
0x255: {  	[tilespmem:s31], [sflag:$0x3] =	stream.linear.gather [hbm4b:s24+s21], $0x1200, $0x38;
	[tilespmem:$0x1FC00] =	vst v63  }
0x256: {  	s22 =	sadd.s32 s4, s22  }
0x257: {  	[tilespmem:s0], [sflag:$0x4] =	stream.linear.gather [hbm4b:s22+s21], $0x1200, $0x38;
	[tilespmem:$0x1FC00] =	vst v63  }
0x258: {  	_ =	swait.ge [sflag:s3], $0x1200  }
0x259: {  	[sflag:s3] =	ssyncset.done $0x0  }
0x25a: {  	[sflag:s3] =	ssyncadd.s32 $0xFFFFEE00  }
0x25b: {  	_ =	swait.ge [sflag:s8], $0x1200  }
0x25c: {  	[sflag:s8] =	ssyncset.done $0x0  }
0x25d: {  	s21 =	simm.s32 $0x0;
	[sflag:s8] =	ssyncadd.s32 $0xFFFFEE00  }
0x25e: {  	v0 =	vld [tilespmem:s21+$0x2400];
	_ =	sdelay $0x1  }
0x25f: {  	v2 =	vld [tilespmem:s21+$0x2410];
	_ =	sdelay $0x2  }
0x260: {  	v1 =	vadd.s32 $0xFFAF0000, v0;
	v0 =	vand.u32 $0x3FFF, v0  }
0x261: {  	vm15 =	vlt.u32 v1, $0x1B0000;
	v0 =	vor.u32 $0x1B0000, v0  }
0x262: {  	s23 =	simm.s32 $0x80;
	s22 =	simm.s32 $0x100;
	v1 =	vsel vm15, v1, v0;
	v0 =	vadd.s32 $0xFFAF0000, v2;
	v2 =	vand.u32 $0x3FFF, v2  }
.LBB2_39:
0x263: {  	p0 =	sne.s32 s22, $0x4780  }
0x264: {  	s24 =	sshra.s32 s23, $0x2;
	[tilespmem:s21+$0x2400] =	vst v1;
	vm0 =	vlt.u32 v0, $0x1B0000;
	v1 =	vor.u32 $0x1B0000, v2;
	s23 =	smov.u32 s22;
	s22 =	sadd.s32 $0x80, s22  }
0x265: {  	v2 =	vld [tilespmem:s24+$0x2400];
	v0 =	vsel vm0, v0, v1  }
0x266: {  	[tilespmem:s21+$0x2410] =	vst v0;
	s21 =	smov.u32 s24  }
0x267: {  	v3 =	vld [tilespmem:s21+$0x2410]  }
.Ltmp18:
0x268: {  	(pc) =	sbr.rel @p0 .LBB2_39-.Ltmp18, $4  }
0x269: {  	_ = 	snop  }
0x26a: {  	v0 =	vadd.s32 $0xFFAF0000, v2;
	v1 =	vand.u32 $0x3FFF, v2  }
0x26b: {  	vm0 =	vlt.u32 v0, $0x1B0000;
	v1 =	vor.u32 $0x1B0000, v1  }
0x26c: {  	v1 =	vsel vm0, v0, v1;
	v0 =	vadd.s32 $0xFFAF0000, v3;
	v2 =	vand.u32 $0x3FFF, v3  }
0x26d: {  	s22 =	sshra.s32 s23, $0x2;
	[tilespmem:s21+$0x2400] =	vst v1;
	vm0 =	vlt.u32 v0, $0x1B0000;
	v61 =	vor.u32 $0x1B0000, v2  }
0x26e: {  	v62 =	vld [tilespmem:s22+$0x2400];
	v0 =	vsel vm0, v0, v61  }
0x26f: {  	[tilespmem:s21+$0x2410] =	vst v0  }
0x270: {  	v0 =	vld [tilespmem:s22+$0x2410];
	_ =	sdelay $0x2  }
0x271: {  	v63 =	vadd.s32 $0xFFAF0000, v62  }
0x272: {  	v2 =	vand.u32 $0x3FFF, v62;
	vm14 =	vlt.u32 v63, $0x1B0000  }
0x273: {  	v2 =	vor.u32 $0x1B0000, v2;
	v3 =	vadd.s32 $0xFFAF0000, v0;
	v0 =	vand.u32 $0x3FFF, v0  }
0x274: {  	v1 =	vsel vm14, v63, v2;
	vm15 =	vlt.u32 v3, $0x1B0000;
	v0 =	vor.u32 $0x1B0000, v0  }
0x275: {  	[tilespmem:s22+$0x2400] =	vst v1;
	v0 =	vsel vm15, v3, v0  }
0x276: {  	[tilespmem:s22+$0x2410] =	vst v0;
	s22 =	sshll.u32 s20, $0x1  }
0x277: {  	[spmem:s1] =	stream.indirect.scatter.add.f32 [tilespmem:s0], [sflag:$0x6], $0x1, s31, s28, $0xb8;
	[tilespmem:$0x1FC00] =	vst v63  }
0x278: {  	s21 =	sadd.s32 $0x2, s22  }
0x279: {  	s22 =	smul.u32 $0x1200, s21  }
0x27a: {  	p0 =	seq.s32 s21, $0x30  }
0x27b: {  	s20 =	sadd.s32 $0x1, s20;
	s22 =	simm.s32 @p0 $0x0  }
0x27c: {  	_ =	swait.ge [sflag:s10], $0x1200;
	p0 =	sne.s32 s20, $0x18;
	s23 =	sadd.s32 s7, s22  }
.Ltmp19:
0x27d: {  	[sflag:s10] =	ssyncset.done $0x0;
	s21 =	sshrl.u32 s23, $0x3;
	(pc) =	sbr.rel @p0 .LBB2_36-.Ltmp19, $4  }
0x27e: {  	[sflag:s10] =	ssyncadd.s32 $0xFFFFEE00;
	s24 =	sadd.s32 s5, s21  }
0x27f: {  	[tilespmem:s2], [sflag:$0x1] =	stream.linear.gather [hbm4b:s24+s2], $0x1200, $0x38;
	[tilespmem:$0x1FC00] =	vst v63  }
0x280: {  	s21 =	sadd.s32 s4, s21  }
0x281: {  	[tilespmem:s28], [sflag:$0x2] =	stream.linear.gather [hbm4b:s21+s2], $0x1200, $0x38;
	[tilespmem:$0x1FC00] =	vst v63  }
0x282: {  	_ =	swait.ge [sflag:s11], $0x1200  }
0x283: {  	[sflag:s11] =	ssyncset.done $0x0  }
0x284: {  	[sflag:s11] =	ssyncadd.s32 $0xFFFFEE00  }
0x285: {  	[bflag:$0x0] =	sbarrier.arrive $0xFFFF  }
0x286: {  	s20 =	rddreg [dreg:$0x9]  }
0x287: {  	[hbm:s20], [sflag:s9] =	dma.local [spmem:s19], $0x3600  }
0x288: {  	_ =	swait.ge [sflag:s26], $0x3600  }
0x289: {  	[sflag:s26] =	ssyncset.done $0x0  }
0x28a: {  	[sflag:s26] =	ssyncadd.s32 $0xFFFFCA00  }
0x28b: {  	[spmem:s19], [sflag:s9] =	dma.local [hbm:s6], $0x3600  }
0x28c: {  	_ =	swait.ge [sflag:s26], $0x3600  }
0x28d: {  	[sflag:s26] =	ssyncset.done $0x0  }
0x28e: {  	[sflag:s26] =	ssyncadd.s32 $0xFFFFCA00  }
0x28f: {  	[bflag:$0x0] =	sbarrier.arrive $0xFFFF  }
0x290: {  	_ =	swait.ge [sflag:s29], $0x1200  }
0x291: {  	[sflag:s29] =	ssyncset.done $0x0  }
0x292: {  	[sflag:s29] =	ssyncadd.s32 $0xFFFFEE00  }
0x293: {  	_ =	swait.ge [sflag:s30], $0x1200  }
0x294: {  	[sflag:s30] =	ssyncset.done $0x0  }
0x295: {  	s20 =	simm.s32 $0x0;
	[sflag:s30] =	ssyncadd.s32 $0xFFFFEE00  }
0x296: {  	v0 =	vld [tilespmem:s20+$0x0];
	_ =	sdelay $0x1  }
0x297: {  	v2 =	vld [tilespmem:s20+$0x10];
	_ =	sdelay $0x2  }
0x298: {  	v1 =	vadd.s32 $0xFF940000, v0;
	v0 =	vand.u32 $0x3FFF, v0  }
0x299: {  	vm0 =	vlt.u32 v1, $0x1B0000;
	v0 =	vor.u32 $0x1B0000, v0  }
0x29a: {  	s22 =	simm.s32 $0x80;
	s21 =	simm.s32 $0x100;
	v1 =	vsel vm0, v1, v0;
	v0 =	vadd.s32 $0xFF940000, v2;
	v2 =	vand.u32 $0x3FFF, v2  }
.LBB2_42:
0x29b: {  	p0 =	sne.s32 s21, $0x4780  }
0x29c: {  	s23 =	sshra.s32 s22, $0x2;
	[tilespmem:s20+$0x0] =	vst v1;
	vm0 =	vlt.u32 v0, $0x1B0000;
	v1 =	vor.u32 $0x1B0000, v2;
	s22 =	smov.u32 s21;
	s21 =	sadd.s32 $0x80, s21  }
0x29d: {  	v2 =	vld [tilespmem:s23+$0x0];
	v0 =	vsel vm0, v0, v1  }
0x29e: {  	[tilespmem:s20+$0x10] =	vst v0;
	s20 =	smov.u32 s23  }
0x29f: {  	v3 =	vld [tilespmem:s20+$0x10]  }
.Ltmp20:
0x2a0: {  	(pc) =	sbr.rel @p0 .LBB2_42-.Ltmp20, $4  }
0x2a1: {  	_ = 	snop  }
0x2a2: {  	v0 =	vadd.s32 $0xFF940000, v2;
	v1 =	vand.u32 $0x3FFF, v2  }
0x2a3: {  	vm0 =	vlt.u32 v0, $0x1B0000;
	v1 =	vor.u32 $0x1B0000, v1  }
0x2a4: {  	v1 =	vsel vm0, v0, v1;
	v0 =	vadd.s32 $0xFF940000, v3;
	v2 =	vand.u32 $0x3FFF, v3  }
0x2a5: {  	s21 =	sshra.s32 s22, $0x2;
	[tilespmem:s20+$0x0] =	vst v1;
	vm0 =	vlt.u32 v0, $0x1B0000;
	v1 =	vor.u32 $0x1B0000, v2  }
0x2a6: {  	v2 =	vld [tilespmem:s21+$0x0];
	v0 =	vsel vm0, v0, v1  }
0x2a7: {  	[tilespmem:s20+$0x10] =	vst v0  }
0x2a8: {  	v0 =	vld [tilespmem:s21+$0x10];
	_ =	sdelay $0x2  }
0x2a9: {  	v1 =	vadd.s32 $0xFF940000, v2  }
0x2aa: {  	v2 =	vand.u32 $0x3FFF, v2;
	vm13 =	vlt.u32 v1, $0x1B0000  }
0x2ab: {  	v2 =	vor.u32 $0x1B0000, v2;
	v3 =	vadd.s32 $0xFF940000, v0;
	v0 =	vand.u32 $0x3FFF, v0  }
0x2ac: {  	v1 =	vsel vm13, v1, v2;
	vm14 =	vlt.u32 v3, $0x1B0000;
	v0 =	vor.u32 $0x1B0000, v0  }
0x2ad: {  	[tilespmem:s21+$0x0] =	vst v1;
	v0 =	vsel vm14, v3, v0  }
0x2ae: {  	s24 =	simm.s32 $0x0;
	[tilespmem:s21+$0x10] =	vst v0  }
0x2af: {  	[spmem:s1] =	stream.indirect.scatter.add.f32 [tilespmem:s28], [sflag:$0x5], $0x1, s24, s28, $0xb8;
	[tilespmem:$0x1FC00] =	vst v63  }
0x2b0: {  	_ = 	snop  }
0x2b1: {  	[tilespmem:s31], [sflag:$0x3] =	stream.linear.gather [hbm4b:s12+s24], $0x1200, $0x38;
	[tilespmem:$0x1FC00] =	vst v63  }
0x2b2: {  	_ = 	snop  }
0x2b3: {  	[tilespmem:s0], [sflag:$0x4] =	stream.linear.gather [hbm4b:s13+s24], $0x1200, $0x38;
	[tilespmem:$0x1FC00] =	vst v63  }
0x2b4: {  	_ =	swait.ge [sflag:s3], $0x1200  }
0x2b5: {  	[sflag:s3] =	ssyncset.done $0x0  }
0x2b6: {  	[sflag:s3] =	ssyncadd.s32 $0xFFFFEE00  }
0x2b7: {  	_ =	swait.ge [sflag:s8], $0x1200  }
0x2b8: {  	[sflag:s8] =	ssyncset.done $0x0  }
0x2b9: {  	s20 =	simm.s32 $0x0;
	[sflag:s8] =	ssyncadd.s32 $0xFFFFEE00  }
0x2ba: {  	v0 =	vld [tilespmem:s20+$0x2400];
	_ =	sdelay $0x1  }
0x2bb: {  	v2 =	vld [tilespmem:s20+$0x2410];
	_ =	sdelay $0x2  }
0x2bc: {  	v1 =	vadd.s32 $0xFF940000, v0;
	v0 =	vand.u32 $0x3FFF, v0  }
0x2bd: {  	vm15 =	vlt.u32 v1, $0x1B0000;
	v0 =	vor.u32 $0x1B0000, v0  }
0x2be: {  	s22 =	simm.s32 $0x80;
	s21 =	simm.s32 $0x100;
	v1 =	vsel vm15, v1, v0;
	v0 =	vadd.s32 $0xFF940000, v2;
	v2 =	vand.u32 $0x3FFF, v2  }
.LBB2_44:
0x2bf: {  	p0 =	sne.s32 s21, $0x4780  }
0x2c0: {  	s23 =	sshra.s32 s22, $0x2;
	[tilespmem:s20+$0x2400] =	vst v1;
	vm0 =	vlt.u32 v0, $0x1B0000;
	v1 =	vor.u32 $0x1B0000, v2;
	s22 =	smov.u32 s21;
	s21 =	sadd.s32 $0x80, s21  }
0x2c1: {  	v2 =	vld [tilespmem:s23+$0x2400];
	v0 =	vsel vm0, v0, v1  }
0x2c2: {  	[tilespmem:s20+$0x2410] =	vst v0;
	s20 =	smov.u32 s23  }
0x2c3: {  	v3 =	vld [tilespmem:s20+$0x2410]  }
.Ltmp21:
0x2c4: {  	(pc) =	sbr.rel @p0 .LBB2_44-.Ltmp21, $4  }
0x2c5: {  	_ = 	snop  }
0x2c6: {  	v0 =	vadd.s32 $0xFF940000, v2;
	v1 =	vand.u32 $0x3FFF, v2  }
0x2c7: {  	vm0 =	vlt.u32 v0, $0x1B0000;
	v1 =	vor.u32 $0x1B0000, v1  }
0x2c8: {  	v1 =	vsel vm0, v0, v1;
	v0 =	vadd.s32 $0xFF940000, v3;
	v2 =	vand.u32 $0x3FFF, v3  }
0x2c9: {  	s21 =	sshra.s32 s22, $0x2;
	[tilespmem:s20+$0x2400] =	vst v1;
	vm0 =	vlt.u32 v0, $0x1B0000;
	v61 =	vor.u32 $0x1B0000, v2  }
0x2ca: {  	v62 =	vld [tilespmem:s21+$0x2400];
	v0 =	vsel vm0, v0, v61  }
0x2cb: {  	[tilespmem:s20+$0x2410] =	vst v0  }
0x2cc: {  	v0 =	vld [tilespmem:s21+$0x2410];
	_ =	sdelay $0x2  }
0x2cd: {  	v63 =	vadd.s32 $0xFF940000, v62  }
0x2ce: {  	v2 =	vand.u32 $0x3FFF, v62;
	vm14 =	vlt.u32 v63, $0x1B0000  }
0x2cf: {  	v2 =	vor.u32 $0x1B0000, v2;
	v3 =	vadd.s32 $0xFF940000, v0;
	v0 =	vand.u32 $0x3FFF, v0  }
0x2d0: {  	v1 =	vsel vm14, v63, v2;
	vm15 =	vlt.u32 v3, $0x1B0000;
	v0 =	vor.u32 $0x1B0000, v0  }
0x2d1: {  	[tilespmem:s21+$0x2400] =	vst v1;
	v0 =	vsel vm15, v3, v0  }
0x2d2: {  	[tilespmem:s21+$0x2410] =	vst v0  }
0x2d3: {  	[spmem:s1] =	stream.indirect.scatter.add.f32 [tilespmem:s0], [sflag:$0x6], $0x1, s31, s28, $0xb8;
	[tilespmem:$0x1FC00] =	vst v63  }
0x2d4: {  	_ =	swait.ge [sflag:s10], $0x1200  }
0x2d5: {  	[sflag:s10] =	ssyncset.done $0x0  }
0x2d6: {  	[sflag:s10] =	ssyncadd.s32 $0xFFFFEE00  }
0x2d7: {  	[tilespmem:s2], [sflag:$0x1] =	stream.linear.gather [hbm4b:s14+s2], $0x1200, $0x38;
	[tilespmem:$0x1FC00] =	vst v63  }
0x2d8: {  	s20 =	simm.s32 $0x1  }
0x2d9: {  	[tilespmem:s28], [sflag:$0x2] =	stream.linear.gather [hbm4b:s16+s2], $0x1200, $0x38;
	[tilespmem:$0x1FC00] =	vst v63  }
.LBB2_46:
0x2da: {  	_ =	swait.ge [sflag:s29], $0x1200  }
0x2db: {  	[sflag:s29] =	ssyncset.done $0x0  }
0x2dc: {  	[sflag:s29] =	ssyncadd.s32 $0xFFFFEE00  }
0x2dd: {  	_ =	swait.ge [sflag:s30], $0x1200  }
0x2de: {  	[sflag:s30] =	ssyncset.done $0x0  }
0x2df: {  	s21 =	simm.s32 $0x0;
	[sflag:s30] =	ssyncadd.s32 $0xFFFFEE00  }
0x2e0: {  	v0 =	vld [tilespmem:s21+$0x0];
	_ =	sdelay $0x1  }
0x2e1: {  	v2 =	vld [tilespmem:s21+$0x10];
	_ =	sdelay $0x2  }
0x2e2: {  	v1 =	vadd.s32 $0xFF940000, v0;
	v0 =	vand.u32 $0x3FFF, v0  }
0x2e3: {  	vm0 =	vlt.u32 v1, $0x1B0000;
	v0 =	vor.u32 $0x1B0000, v0  }
0x2e4: {  	s23 =	simm.s32 $0x80;
	s22 =	simm.s32 $0x100;
	v1 =	vsel vm0, v1, v0;
	v0 =	vadd.s32 $0xFF940000, v2;
	v2 =	vand.u32 $0x3FFF, v2  }
.LBB2_47:
0x2e5: {  	p0 =	sne.s32 s22, $0x4780  }
0x2e6: {  	s24 =	sshra.s32 s23, $0x2;
	[tilespmem:s21+$0x0] =	vst v1;
	vm0 =	vlt.u32 v0, $0x1B0000;
	v1 =	vor.u32 $0x1B0000, v2;
	s23 =	smov.u32 s22;
	s22 =	sadd.s32 $0x80, s22  }
0x2e7: {  	v2 =	vld [tilespmem:s24+$0x0];
	v0 =	vsel vm0, v0, v1  }
0x2e8: {  	[tilespmem:s21+$0x10] =	vst v0;
	s21 =	smov.u32 s24  }
0x2e9: {  	v3 =	vld [tilespmem:s21+$0x10]  }
.Ltmp22:
0x2ea: {  	(pc) =	sbr.rel @p0 .LBB2_47-.Ltmp22, $4  }
0x2eb: {  	_ = 	snop  }
0x2ec: {  	v0 =	vadd.s32 $0xFF940000, v2;
	v1 =	vand.u32 $0x3FFF, v2  }
0x2ed: {  	vm0 =	vlt.u32 v0, $0x1B0000;
	v1 =	vor.u32 $0x1B0000, v1  }
0x2ee: {  	v1 =	vsel vm0, v0, v1;
	v0 =	vadd.s32 $0xFF940000, v3;
	v2 =	vand.u32 $0x3FFF, v3  }
0x2ef: {  	s22 =	sshra.s32 s23, $0x2;
	[tilespmem:s21+$0x0] =	vst v1;
	vm0 =	vlt.u32 v0, $0x1B0000;
	v1 =	vor.u32 $0x1B0000, v2  }
0x2f0: {  	v2 =	vld [tilespmem:s22+$0x0];
	v0 =	vsel vm0, v0, v1  }
0x2f1: {  	[tilespmem:s21+$0x10] =	vst v0  }
0x2f2: {  	v0 =	vld [tilespmem:s22+$0x10];
	_ =	sdelay $0x2  }
0x2f3: {  	v1 =	vadd.s32 $0xFF940000, v2  }
0x2f4: {  	v2 =	vand.u32 $0x3FFF, v2;
	vm13 =	vlt.u32 v1, $0x1B0000  }
0x2f5: {  	v2 =	vor.u32 $0x1B0000, v2;
	v3 =	vadd.s32 $0xFF940000, v0;
	v0 =	vand.u32 $0x3FFF, v0  }
0x2f6: {  	v1 =	vsel vm13, v1, v2;
	vm14 =	vlt.u32 v3, $0x1B0000;
	v0 =	vor.u32 $0x1B0000, v0  }
0x2f7: {  	[tilespmem:s22+$0x0] =	vst v1;
	v0 =	vsel vm14, v3, v0  }
0x2f8: {  	s23 =	smul.u32 $0x2400, s20;
	s21 =	simm.s32 $0x0;
	[tilespmem:s22+$0x10] =	vst v0  }
0x2f9: {  	[spmem:s1] =	stream.indirect.scatter.add.f32 [tilespmem:s28], [sflag:$0x5], $0x1, s21, s28, $0xb8;
	[tilespmem:$0x1FC00] =	vst v63  }
0x2fa: {  	s22 =	sadd.s32 s23, s17;
	_ =	swait.ge [sflag:s11], $0x1200  }
0x2fb: {  	s22 =	sshrl.u32 s22, $0x3;
	[sflag:s11] =	ssyncset.done $0x0  }
0x2fc: {  	s24 =	sadd.s32 s5, s22;
	[sflag:s11] =	ssyncadd.s32 $0xFFFFEE00  }
0x2fd: {  	[tilespmem:s31], [sflag:$0x3] =	stream.linear.gather [hbm4b:s24+s21], $0x1200, $0x38;
	[tilespmem:$0x1FC00] =	vst v63  }
0x2fe: {  	s22 =	sadd.s32 s4, s22  }
0x2ff: {  	[tilespmem:s0], [sflag:$0x4] =	stream.linear.gather [hbm4b:s22+s21], $0x1200, $0x38;
	[tilespmem:$0x1FC00] =	vst v63  }
0x300: {  	_ =	swait.ge [sflag:s3], $0x1200  }
0x301: {  	[sflag:s3] =	ssyncset.done $0x0  }
0x302: {  	[sflag:s3] =	ssyncadd.s32 $0xFFFFEE00  }
0x303: {  	_ =	swait.ge [sflag:s8], $0x1200  }
0x304: {  	[sflag:s8] =	ssyncset.done $0x0  }
0x305: {  	s21 =	simm.s32 $0x0;
	[sflag:s8] =	ssyncadd.s32 $0xFFFFEE00  }
0x306: {  	v0 =	vld [tilespmem:s21+$0x2400];
	_ =	sdelay $0x1  }
0x307: {  	v2 =	vld [tilespmem:s21+$0x2410];
	_ =	sdelay $0x2  }
0x308: {  	v1 =	vadd.s32 $0xFF940000, v0;
	v0 =	vand.u32 $0x3FFF, v0  }
0x309: {  	vm15 =	vlt.u32 v1, $0x1B0000;
	v0 =	vor.u32 $0x1B0000, v0  }
0x30a: {  	s23 =	simm.s32 $0x80;
	s22 =	simm.s32 $0x100;
	v1 =	vsel vm15, v1, v0;
	v0 =	vadd.s32 $0xFF940000, v2;
	v2 =	vand.u32 $0x3FFF, v2  }
.LBB2_49:
0x30b: {  	p0 =	sne.s32 s22, $0x4780  }
0x30c: {  	s24 =	sshra.s32 s23, $0x2;
	[tilespmem:s21+$0x2400] =	vst v1;
	vm0 =	vlt.u32 v0, $0x1B0000;
	v1 =	vor.u32 $0x1B0000, v2;
	s23 =	smov.u32 s22;
	s22 =	sadd.s32 $0x80, s22  }
0x30d: {  	v2 =	vld [tilespmem:s24+$0x2400];
	v0 =	vsel vm0, v0, v1  }
0x30e: {  	[tilespmem:s21+$0x2410] =	vst v0;
	s21 =	smov.u32 s24  }
0x30f: {  	v3 =	vld [tilespmem:s21+$0x2410]  }
.Ltmp23:
0x310: {  	(pc) =	sbr.rel @p0 .LBB2_49-.Ltmp23, $4  }
0x311: {  	_ = 	snop  }
0x312: {  	v0 =	vadd.s32 $0xFF940000, v2;
	v1 =	vand.u32 $0x3FFF, v2  }
0x313: {  	vm0 =	vlt.u32 v0, $0x1B0000;
	v1 =	vor.u32 $0x1B0000, v1  }
0x314: {  	v1 =	vsel vm0, v0, v1;
	v0 =	vadd.s32 $0xFF940000, v3;
	v2 =	vand.u32 $0x3FFF, v3  }
0x315: {  	s22 =	sshra.s32 s23, $0x2;
	[tilespmem:s21+$0x2400] =	vst v1;
	vm0 =	vlt.u32 v0, $0x1B0000;
	v61 =	vor.u32 $0x1B0000, v2  }
0x316: {  	v62 =	vld [tilespmem:s22+$0x2400];
	v0 =	vsel vm0, v0, v61  }
0x317: {  	[tilespmem:s21+$0x2410] =	vst v0  }
0x318: {  	v0 =	vld [tilespmem:s22+$0x2410];
	_ =	sdelay $0x2  }
0x319: {  	v63 =	vadd.s32 $0xFF940000, v62  }
0x31a: {  	v2 =	vand.u32 $0x3FFF, v62;
	vm14 =	vlt.u32 v63, $0x1B0000  }
0x31b: {  	v2 =	vor.u32 $0x1B0000, v2;
	v3 =	vadd.s32 $0xFF940000, v0;
	v0 =	vand.u32 $0x3FFF, v0  }
0x31c: {  	v1 =	vsel vm14, v63, v2;
	vm15 =	vlt.u32 v3, $0x1B0000;
	v0 =	vor.u32 $0x1B0000, v0  }
0x31d: {  	[tilespmem:s22+$0x2400] =	vst v1;
	v0 =	vsel vm15, v3, v0  }
0x31e: {  	[tilespmem:s22+$0x2410] =	vst v0;
	s22 =	sshll.u32 s20, $0x1  }
0x31f: {  	[spmem:s1] =	stream.indirect.scatter.add.f32 [tilespmem:s0], [sflag:$0x6], $0x1, s31, s28, $0xb8;
	[tilespmem:$0x1FC00] =	vst v63  }
0x320: {  	s21 =	sadd.s32 $0x2, s22  }
0x321: {  	s22 =	smul.u32 $0x1200, s21  }
0x322: {  	p0 =	seq.s32 s21, $0x30  }
0x323: {  	s20 =	sadd.s32 $0x1, s20;
	s22 =	simm.s32 @p0 $0x0  }
0x324: {  	_ =	swait.ge [sflag:s10], $0x1200;
	p0 =	sne.s32 s20, $0x18;
	s23 =	sadd.s32 s7, s22  }
.Ltmp24:
0x325: {  	[sflag:s10] =	ssyncset.done $0x0;
	s21 =	sshrl.u32 s23, $0x3;
	(pc) =	sbr.rel @p0 .LBB2_46-.Ltmp24, $4  }
0x326: {  	[sflag:s10] =	ssyncadd.s32 $0xFFFFEE00;
	s24 =	sadd.s32 s5, s21  }
0x327: {  	[tilespmem:s2], [sflag:$0x1] =	stream.linear.gather [hbm4b:s24+s2], $0x1200, $0x38;
	[tilespmem:$0x1FC00] =	vst v63  }
0x328: {  	s21 =	sadd.s32 s4, s21  }
0x329: {  	[tilespmem:s28], [sflag:$0x2] =	stream.linear.gather [hbm4b:s21+s2], $0x1200, $0x38;
	[tilespmem:$0x1FC00] =	vst v63  }
0x32a: {  	_ =	swait.ge [sflag:s11], $0x1200  }
0x32b: {  	[sflag:s11] =	ssyncset.done $0x0  }
0x32c: {  	[sflag:s11] =	ssyncadd.s32 $0xFFFFEE00  }
0x32d: {  	[bflag:$0x0] =	sbarrier.arrive $0xFFFF  }
0x32e: {  	s20 =	rddreg [dreg:$0xa]  }
0x32f: {  	[hbm:s20], [sflag:s9] =	dma.local [spmem:s19], $0x3600  }
0x330: {  	_ =	swait.ge [sflag:s26], $0x3600  }
0x331: {  	[sflag:s26] =	ssyncset.done $0x0  }
0x332: {  	[sflag:s26] =	ssyncadd.s32 $0xFFFFCA00  }
0x333: {  	[spmem:s19], [sflag:s9] =	dma.local [hbm:s6], $0x3600  }
0x334: {  	_ =	swait.ge [sflag:s26], $0x3600  }
0x335: {  	[sflag:s26] =	ssyncset.done $0x0  }
0x336: {  	[sflag:s26] =	ssyncadd.s32 $0xFFFFCA00  }
0x337: {  	[bflag:$0x0] =	sbarrier.arrive $0xFFFF  }
0x338: {  	_ =	swait.ge [sflag:s29], $0x1200  }
0x339: {  	[sflag:s29] =	ssyncset.done $0x0  }
0x33a: {  	[sflag:s29] =	ssyncadd.s32 $0xFFFFEE00  }
0x33b: {  	_ =	swait.ge [sflag:s30], $0x1200  }
0x33c: {  	[sflag:s30] =	ssyncset.done $0x0  }
0x33d: {  	s20 =	simm.s32 $0x0;
	[sflag:s30] =	ssyncadd.s32 $0xFFFFEE00  }
0x33e: {  	v0 =	vld [tilespmem:s20+$0x0];
	_ =	sdelay $0x1  }
0x33f: {  	v2 =	vld [tilespmem:s20+$0x10];
	_ =	sdelay $0x2  }
0x340: {  	v1 =	vadd.s32 $0xFF790000, v0;
	v0 =	vand.u32 $0x3FFF, v0  }
0x341: {  	vm0 =	vlt.u32 v1, $0x1B0000;
	v0 =	vor.u32 $0x1B0000, v0  }
0x342: {  	s22 =	simm.s32 $0x80;
	s21 =	simm.s32 $0x100;
	v1 =	vsel vm0, v1, v0;
	v0 =	vadd.s32 $0xFF790000, v2;
	v2 =	vand.u32 $0x3FFF, v2  }
.LBB2_52:
0x343: {  	p0 =	sne.s32 s21, $0x4780  }
0x344: {  	s23 =	sshra.s32 s22, $0x2;
	[tilespmem:s20+$0x0] =	vst v1;
	vm0 =	vlt.u32 v0, $0x1B0000;
	v1 =	vor.u32 $0x1B0000, v2;
	s22 =	smov.u32 s21;
	s21 =	sadd.s32 $0x80, s21  }
0x345: {  	v2 =	vld [tilespmem:s23+$0x0];
	v0 =	vsel vm0, v0, v1  }
0x346: {  	[tilespmem:s20+$0x10] =	vst v0;
	s20 =	smov.u32 s23  }
0x347: {  	v3 =	vld [tilespmem:s20+$0x10]  }
.Ltmp25:
0x348: {  	(pc) =	sbr.rel @p0 .LBB2_52-.Ltmp25, $4  }
0x349: {  	_ = 	snop  }
0x34a: {  	v0 =	vadd.s32 $0xFF790000, v2;
	v1 =	vand.u32 $0x3FFF, v2  }
0x34b: {  	vm0 =	vlt.u32 v0, $0x1B0000;
	v1 =	vor.u32 $0x1B0000, v1  }
0x34c: {  	v1 =	vsel vm0, v0, v1;
	v0 =	vadd.s32 $0xFF790000, v3;
	v2 =	vand.u32 $0x3FFF, v3  }
0x34d: {  	s21 =	sshra.s32 s22, $0x2;
	[tilespmem:s20+$0x0] =	vst v1;
	vm0 =	vlt.u32 v0, $0x1B0000;
	v1 =	vor.u32 $0x1B0000, v2  }
0x34e: {  	v2 =	vld [tilespmem:s21+$0x0];
	v0 =	vsel vm0, v0, v1  }
0x34f: {  	[tilespmem:s20+$0x10] =	vst v0  }
0x350: {  	v0 =	vld [tilespmem:s21+$0x10];
	_ =	sdelay $0x2  }
0x351: {  	v1 =	vadd.s32 $0xFF790000, v2  }
0x352: {  	v2 =	vand.u32 $0x3FFF, v2;
	vm13 =	vlt.u32 v1, $0x1B0000  }
0x353: {  	v2 =	vor.u32 $0x1B0000, v2;
	v3 =	vadd.s32 $0xFF790000, v0;
	v0 =	vand.u32 $0x3FFF, v0  }
0x354: {  	v1 =	vsel vm13, v1, v2;
	vm14 =	vlt.u32 v3, $0x1B0000;
	v0 =	vor.u32 $0x1B0000, v0  }
0x355: {  	[tilespmem:s21+$0x0] =	vst v1;
	v0 =	vsel vm14, v3, v0  }
0x356: {  	s24 =	simm.s32 $0x0;
	[tilespmem:s21+$0x10] =	vst v0  }
0x357: {  	[spmem:s1] =	stream.indirect.scatter.add.f32 [tilespmem:s28], [sflag:$0x5], $0x1, s24, s28, $0xb8;
	[tilespmem:$0x1FC00] =	vst v63  }
0x358: {  	_ = 	snop  }
0x359: {  	[tilespmem:s31], [sflag:$0x3] =	stream.linear.gather [hbm4b:s12+s24], $0x1200, $0x38;
	[tilespmem:$0x1FC00] =	vst v63  }
0x35a: {  	_ = 	snop  }
0x35b: {  	[tilespmem:s0], [sflag:$0x4] =	stream.linear.gather [hbm4b:s13+s24], $0x1200, $0x38;
	[tilespmem:$0x1FC00] =	vst v63  }
0x35c: {  	_ =	swait.ge [sflag:s3], $0x1200  }
0x35d: {  	[sflag:s3] =	ssyncset.done $0x0  }
0x35e: {  	[sflag:s3] =	ssyncadd.s32 $0xFFFFEE00  }
0x35f: {  	_ =	swait.ge [sflag:s8], $0x1200  }
0x360: {  	[sflag:s8] =	ssyncset.done $0x0  }
0x361: {  	s20 =	simm.s32 $0x0;
	[sflag:s8] =	ssyncadd.s32 $0xFFFFEE00  }
0x362: {  	v0 =	vld [tilespmem:s20+$0x2400];
	_ =	sdelay $0x1  }
0x363: {  	v2 =	vld [tilespmem:s20+$0x2410];
	_ =	sdelay $0x2  }
0x364: {  	v1 =	vadd.s32 $0xFF790000, v0;
	v0 =	vand.u32 $0x3FFF, v0  }
0x365: {  	vm15 =	vlt.u32 v1, $0x1B0000;
	v0 =	vor.u32 $0x1B0000, v0  }
0x366: {  	s22 =	simm.s32 $0x80;
	s21 =	simm.s32 $0x100;
	v1 =	vsel vm15, v1, v0;
	v0 =	vadd.s32 $0xFF790000, v2;
	v2 =	vand.u32 $0x3FFF, v2  }
.LBB2_54:
0x367: {  	p0 =	sne.s32 s21, $0x4780  }
0x368: {  	s23 =	sshra.s32 s22, $0x2;
	[tilespmem:s20+$0x2400] =	vst v1;
	vm0 =	vlt.u32 v0, $0x1B0000;
	v1 =	vor.u32 $0x1B0000, v2;
	s22 =	smov.u32 s21;
	s21 =	sadd.s32 $0x80, s21  }
0x369: {  	v2 =	vld [tilespmem:s23+$0x2400];
	v0 =	vsel vm0, v0, v1  }
0x36a: {  	[tilespmem:s20+$0x2410] =	vst v0;
	s20 =	smov.u32 s23  }
0x36b: {  	v3 =	vld [tilespmem:s20+$0x2410]  }
.Ltmp26:
0x36c: {  	(pc) =	sbr.rel @p0 .LBB2_54-.Ltmp26, $4  }
0x36d: {  	_ = 	snop  }
0x36e: {  	v0 =	vadd.s32 $0xFF790000, v2;
	v1 =	vand.u32 $0x3FFF, v2  }
0x36f: {  	vm0 =	vlt.u32 v0, $0x1B0000;
	v1 =	vor.u32 $0x1B0000, v1  }
0x370: {  	v1 =	vsel vm0, v0, v1;
	v0 =	vadd.s32 $0xFF790000, v3;
	v2 =	vand.u32 $0x3FFF, v3  }
0x371: {  	s21 =	sshra.s32 s22, $0x2;
	[tilespmem:s20+$0x2400] =	vst v1;
	vm0 =	vlt.u32 v0, $0x1B0000;
	v61 =	vor.u32 $0x1B0000, v2  }
0x372: {  	v62 =	vld [tilespmem:s21+$0x2400];
	v0 =	vsel vm0, v0, v61  }
0x373: {  	[tilespmem:s20+$0x2410] =	vst v0  }
0x374: {  	v0 =	vld [tilespmem:s21+$0x2410];
	_ =	sdelay $0x2  }
0x375: {  	v63 =	vadd.s32 $0xFF790000, v62  }
0x376: {  	v2 =	vand.u32 $0x3FFF, v62;
	vm14 =	vlt.u32 v63, $0x1B0000  }
0x377: {  	v2 =	vor.u32 $0x1B0000, v2;
	v3 =	vadd.s32 $0xFF790000, v0;
	v0 =	vand.u32 $0x3FFF, v0  }
0x378: {  	v1 =	vsel vm14, v63, v2;
	vm15 =	vlt.u32 v3, $0x1B0000;
	v0 =	vor.u32 $0x1B0000, v0  }
0x379: {  	[tilespmem:s21+$0x2400] =	vst v1;
	v0 =	vsel vm15, v3, v0  }
0x37a: {  	[tilespmem:s21+$0x2410] =	vst v0  }
0x37b: {  	[spmem:s1] =	stream.indirect.scatter.add.f32 [tilespmem:s0], [sflag:$0x6], $0x1, s31, s28, $0xb8;
	[tilespmem:$0x1FC00] =	vst v63  }
0x37c: {  	_ =	swait.ge [sflag:s10], $0x1200  }
0x37d: {  	[sflag:s10] =	ssyncset.done $0x0  }
0x37e: {  	[sflag:s10] =	ssyncadd.s32 $0xFFFFEE00  }
0x37f: {  	[tilespmem:s2], [sflag:$0x1] =	stream.linear.gather [hbm4b:s14+s2], $0x1200, $0x38;
	[tilespmem:$0x1FC00] =	vst v63  }
0x380: {  	s20 =	simm.s32 $0x1  }
0x381: {  	[tilespmem:s28], [sflag:$0x2] =	stream.linear.gather [hbm4b:s16+s2], $0x1200, $0x38;
	[tilespmem:$0x1FC00] =	vst v63  }
.LBB2_56:
0x382: {  	_ =	swait.ge [sflag:s29], $0x1200  }
0x383: {  	[sflag:s29] =	ssyncset.done $0x0  }
0x384: {  	[sflag:s29] =	ssyncadd.s32 $0xFFFFEE00  }
0x385: {  	_ =	swait.ge [sflag:s30], $0x1200  }
0x386: {  	[sflag:s30] =	ssyncset.done $0x0  }
0x387: {  	s21 =	simm.s32 $0x0;
	[sflag:s30] =	ssyncadd.s32 $0xFFFFEE00  }
0x388: {  	v0 =	vld [tilespmem:s21+$0x0];
	_ =	sdelay $0x1  }
0x389: {  	v2 =	vld [tilespmem:s21+$0x10];
	_ =	sdelay $0x2  }
0x38a: {  	v1 =	vadd.s32 $0xFF790000, v0;
	v0 =	vand.u32 $0x3FFF, v0  }
0x38b: {  	vm0 =	vlt.u32 v1, $0x1B0000;
	v0 =	vor.u32 $0x1B0000, v0  }
0x38c: {  	s23 =	simm.s32 $0x80;
	s22 =	simm.s32 $0x100;
	v1 =	vsel vm0, v1, v0;
	v0 =	vadd.s32 $0xFF790000, v2;
	v2 =	vand.u32 $0x3FFF, v2  }
.LBB2_57:
0x38d: {  	p0 =	sne.s32 s22, $0x4780  }
0x38e: {  	s24 =	sshra.s32 s23, $0x2;
	[tilespmem:s21+$0x0] =	vst v1;
	vm0 =	vlt.u32 v0, $0x1B0000;
	v1 =	vor.u32 $0x1B0000, v2;
	s23 =	smov.u32 s22;
	s22 =	sadd.s32 $0x80, s22  }
0x38f: {  	v2 =	vld [tilespmem:s24+$0x0];
	v0 =	vsel vm0, v0, v1  }
0x390: {  	[tilespmem:s21+$0x10] =	vst v0;
	s21 =	smov.u32 s24  }
0x391: {  	v3 =	vld [tilespmem:s21+$0x10]  }
.Ltmp27:
0x392: {  	(pc) =	sbr.rel @p0 .LBB2_57-.Ltmp27, $4  }
0x393: {  	_ = 	snop  }
0x394: {  	v0 =	vadd.s32 $0xFF790000, v2;
	v1 =	vand.u32 $0x3FFF, v2  }
0x395: {  	vm0 =	vlt.u32 v0, $0x1B0000;
	v1 =	vor.u32 $0x1B0000, v1  }
0x396: {  	v1 =	vsel vm0, v0, v1;
	v0 =	vadd.s32 $0xFF790000, v3;
	v2 =	vand.u32 $0x3FFF, v3  }
0x397: {  	s22 =	sshra.s32 s23, $0x2;
	[tilespmem:s21+$0x0] =	vst v1;
	vm0 =	vlt.u32 v0, $0x1B0000;
	v1 =	vor.u32 $0x1B0000, v2  }
0x398: {  	v2 =	vld [tilespmem:s22+$0x0];
	v0 =	vsel vm0, v0, v1  }
0x399: {  	[tilespmem:s21+$0x10] =	vst v0  }
0x39a: {  	v0 =	vld [tilespmem:s22+$0x10];
	_ =	sdelay $0x2  }
0x39b: {  	v1 =	vadd.s32 $0xFF790000, v2  }
0x39c: {  	v2 =	vand.u32 $0x3FFF, v2;
	vm13 =	vlt.u32 v1, $0x1B0000  }
0x39d: {  	v2 =	vor.u32 $0x1B0000, v2;
	v3 =	vadd.s32 $0xFF790000, v0;
	v0 =	vand.u32 $0x3FFF, v0  }
0x39e: {  	v1 =	vsel vm13, v1, v2;
	vm14 =	vlt.u32 v3, $0x1B0000;
	v0 =	vor.u32 $0x1B0000, v0  }
0x39f: {  	[tilespmem:s22+$0x0] =	vst v1;
	v0 =	vsel vm14, v3, v0  }
0x3a0: {  	s23 =	smul.u32 $0x2400, s20;
	s21 =	simm.s32 $0x0;
	[tilespmem:s22+$0x10] =	vst v0  }
0x3a1: {  	[spmem:s1] =	stream.indirect.scatter.add.f32 [tilespmem:s28], [sflag:$0x5], $0x1, s21, s28, $0xb8;
	[tilespmem:$0x1FC00] =	vst v63  }
0x3a2: {  	s22 =	sadd.s32 s23, s17;
	_ =	swait.ge [sflag:s11], $0x1200  }
0x3a3: {  	s22 =	sshrl.u32 s22, $0x3;
	[sflag:s11] =	ssyncset.done $0x0  }
0x3a4: {  	s24 =	sadd.s32 s5, s22;
	[sflag:s11] =	ssyncadd.s32 $0xFFFFEE00  }
0x3a5: {  	[tilespmem:s31], [sflag:$0x3] =	stream.linear.gather [hbm4b:s24+s21], $0x1200, $0x38;
	[tilespmem:$0x1FC00] =	vst v63  }
0x3a6: {  	s22 =	sadd.s32 s4, s22  }
0x3a7: {  	[tilespmem:s0], [sflag:$0x4] =	stream.linear.gather [hbm4b:s22+s21], $0x1200, $0x38;
	[tilespmem:$0x1FC00] =	vst v63  }
0x3a8: {  	_ =	swait.ge [sflag:s3], $0x1200  }
0x3a9: {  	[sflag:s3] =	ssyncset.done $0x0  }
0x3aa: {  	[sflag:s3] =	ssyncadd.s32 $0xFFFFEE00  }
0x3ab: {  	_ =	swait.ge [sflag:s8], $0x1200  }
0x3ac: {  	[sflag:s8] =	ssyncset.done $0x0  }
0x3ad: {  	s21 =	simm.s32 $0x0;
	[sflag:s8] =	ssyncadd.s32 $0xFFFFEE00  }
0x3ae: {  	v0 =	vld [tilespmem:s21+$0x2400];
	_ =	sdelay $0x1  }
0x3af: {  	v2 =	vld [tilespmem:s21+$0x2410];
	_ =	sdelay $0x2  }
0x3b0: {  	v1 =	vadd.s32 $0xFF790000, v0;
	v0 =	vand.u32 $0x3FFF, v0  }
0x3b1: {  	vm15 =	vlt.u32 v1, $0x1B0000;
	v0 =	vor.u32 $0x1B0000, v0  }
0x3b2: {  	s23 =	simm.s32 $0x80;
	s22 =	simm.s32 $0x100;
	v1 =	vsel vm15, v1, v0;
	v0 =	vadd.s32 $0xFF790000, v2;
	v2 =	vand.u32 $0x3FFF, v2  }
.LBB2_59:
0x3b3: {  	p0 =	sne.s32 s22, $0x4780  }
0x3b4: {  	s24 =	sshra.s32 s23, $0x2;
	[tilespmem:s21+$0x2400] =	vst v1;
	vm0 =	vlt.u32 v0, $0x1B0000;
	v1 =	vor.u32 $0x1B0000, v2;
	s23 =	smov.u32 s22;
	s22 =	sadd.s32 $0x80, s22  }
0x3b5: {  	v2 =	vld [tilespmem:s24+$0x2400];
	v0 =	vsel vm0, v0, v1  }
0x3b6: {  	[tilespmem:s21+$0x2410] =	vst v0;
	s21 =	smov.u32 s24  }
0x3b7: {  	v3 =	vld [tilespmem:s21+$0x2410]  }
.Ltmp28:
0x3b8: {  	(pc) =	sbr.rel @p0 .LBB2_59-.Ltmp28, $4  }
0x3b9: {  	_ = 	snop  }
0x3ba: {  	v0 =	vadd.s32 $0xFF790000, v2;
	v1 =	vand.u32 $0x3FFF, v2  }
0x3bb: {  	vm0 =	vlt.u32 v0, $0x1B0000;
	v1 =	vor.u32 $0x1B0000, v1  }
0x3bc: {  	v1 =	vsel vm0, v0, v1;
	v0 =	vadd.s32 $0xFF790000, v3;
	v2 =	vand.u32 $0x3FFF, v3  }
0x3bd: {  	s22 =	sshra.s32 s23, $0x2;
	[tilespmem:s21+$0x2400] =	vst v1;
	vm0 =	vlt.u32 v0, $0x1B0000;
	v61 =	vor.u32 $0x1B0000, v2  }
0x3be: {  	v62 =	vld [tilespmem:s22+$0x2400];
	v0 =	vsel vm0, v0, v61  }
0x3bf: {  	[tilespmem:s21+$0x2410] =	vst v0  }
0x3c0: {  	v0 =	vld [tilespmem:s22+$0x2410];
	_ =	sdelay $0x2  }
0x3c1: {  	v63 =	vadd.s32 $0xFF790000, v62  }
0x3c2: {  	v2 =	vand.u32 $0x3FFF, v62;
	vm14 =	vlt.u32 v63, $0x1B0000  }
0x3c3: {  	v2 =	vor.u32 $0x1B0000, v2;
	v3 =	vadd.s32 $0xFF790000, v0;
	v0 =	vand.u32 $0x3FFF, v0  }
0x3c4: {  	v1 =	vsel vm14, v63, v2;
	vm15 =	vlt.u32 v3, $0x1B0000;
	v0 =	vor.u32 $0x1B0000, v0  }
0x3c5: {  	[tilespmem:s22+$0x2400] =	vst v1;
	v0 =	vsel vm15, v3, v0  }
0x3c6: {  	[tilespmem:s22+$0x2410] =	vst v0;
	s22 =	sshll.u32 s20, $0x1  }
0x3c7: {  	[spmem:s1] =	stream.indirect.scatter.add.f32 [tilespmem:s0], [sflag:$0x6], $0x1, s31, s28, $0xb8;
	[tilespmem:$0x1FC00] =	vst v63  }
0x3c8: {  	s21 =	sadd.s32 $0x2, s22  }
0x3c9: {  	s22 =	smul.u32 $0x1200, s21  }
0x3ca: {  	p0 =	seq.s32 s21, $0x30  }
0x3cb: {  	s20 =	sadd.s32 $0x1, s20;
	s22 =	simm.s32 @p0 $0x0  }
0x3cc: {  	_ =	swait.ge [sflag:s10], $0x1200;
	p0 =	sne.s32 s20, $0x18;
	s23 =	sadd.s32 s7, s22  }
.Ltmp29:
0x3cd: {  	[sflag:s10] =	ssyncset.done $0x0;
	s21 =	sshrl.u32 s23, $0x3;
	(pc) =	sbr.rel @p0 .LBB2_56-.Ltmp29, $4  }
0x3ce: {  	[sflag:s10] =	ssyncadd.s32 $0xFFFFEE00;
	s24 =	sadd.s32 s5, s21  }
0x3cf: {  	[tilespmem:s2], [sflag:$0x1] =	stream.linear.gather [hbm4b:s24+s2], $0x1200, $0x38;
	[tilespmem:$0x1FC00] =	vst v63  }
0x3d0: {  	s21 =	sadd.s32 s4, s21  }
0x3d1: {  	[tilespmem:s28], [sflag:$0x2] =	stream.linear.gather [hbm4b:s21+s2], $0x1200, $0x38;
	[tilespmem:$0x1FC00] =	vst v63  }
0x3d2: {  	_ =	swait.ge [sflag:s11], $0x1200  }
0x3d3: {  	[sflag:s11] =	ssyncset.done $0x0  }
0x3d4: {  	[sflag:s11] =	ssyncadd.s32 $0xFFFFEE00  }
0x3d5: {  	[bflag:$0x0] =	sbarrier.arrive $0xFFFF  }
0x3d6: {  	s20 =	rddreg [dreg:$0xb]  }
0x3d7: {  	[hbm:s20], [sflag:s9] =	dma.local [spmem:s19], $0x3600  }
0x3d8: {  	_ =	swait.ge [sflag:s26], $0x3600  }
0x3d9: {  	[sflag:s26] =	ssyncset.done $0x0  }
0x3da: {  	[sflag:s26] =	ssyncadd.s32 $0xFFFFCA00  }
0x3db: {  	[spmem:s19], [sflag:s9] =	dma.local [hbm:s6], $0x3600  }
0x3dc: {  	_ =	swait.ge [sflag:s26], $0x3600  }
0x3dd: {  	[sflag:s26] =	ssyncset.done $0x0  }
0x3de: {  	[sflag:s26] =	ssyncadd.s32 $0xFFFFCA00  }
0x3df: {  	[bflag:$0x0] =	sbarrier.arrive $0xFFFF  }
0x3e0: {  	_ =	swait.ge [sflag:s29], $0x1200  }
0x3e1: {  	[sflag:s29] =	ssyncset.done $0x0  }
0x3e2: {  	[sflag:s29] =	ssyncadd.s32 $0xFFFFEE00  }
0x3e3: {  	_ =	swait.ge [sflag:s30], $0x1200  }
0x3e4: {  	[sflag:s30] =	ssyncset.done $0x0  }
0x3e5: {  	s20 =	simm.s32 $0x0;
	[sflag:s30] =	ssyncadd.s32 $0xFFFFEE00  }
0x3e6: {  	v0 =	vld [tilespmem:s20+$0x0];
	_ =	sdelay $0x1  }
0x3e7: {  	v2 =	vld [tilespmem:s20+$0x10];
	_ =	sdelay $0x2  }
0x3e8: {  	v1 =	vadd.s32 $0xFF5E0000, v0;
	v0 =	vand.u32 $0x3FFF, v0  }
0x3e9: {  	vm0 =	vlt.u32 v1, $0x1B0000;
	v0 =	vor.u32 $0x1B0000, v0  }
0x3ea: {  	s22 =	simm.s32 $0x80;
	s21 =	simm.s32 $0x100;
	v1 =	vsel vm0, v1, v0;
	v0 =	vadd.s32 $0xFF5E0000, v2;
	v2 =	vand.u32 $0x3FFF, v2  }
.LBB2_62:
0x3eb: {  	p0 =	sne.s32 s21, $0x4780  }
0x3ec: {  	s23 =	sshra.s32 s22, $0x2;
	[tilespmem:s20+$0x0] =	vst v1;
	vm0 =	vlt.u32 v0, $0x1B0000;
	v1 =	vor.u32 $0x1B0000, v2;
	s22 =	smov.u32 s21;
	s21 =	sadd.s32 $0x80, s21  }
0x3ed: {  	v2 =	vld [tilespmem:s23+$0x0];
	v0 =	vsel vm0, v0, v1  }
0x3ee: {  	[tilespmem:s20+$0x10] =	vst v0;
	s20 =	smov.u32 s23  }
0x3ef: {  	v3 =	vld [tilespmem:s20+$0x10]  }
.Ltmp30:
0x3f0: {  	(pc) =	sbr.rel @p0 .LBB2_62-.Ltmp30, $4  }
0x3f1: {  	_ = 	snop  }
0x3f2: {  	v0 =	vadd.s32 $0xFF5E0000, v2;
	v1 =	vand.u32 $0x3FFF, v2  }
0x3f3: {  	vm0 =	vlt.u32 v0, $0x1B0000;
	v1 =	vor.u32 $0x1B0000, v1  }
0x3f4: {  	v1 =	vsel vm0, v0, v1;
	v0 =	vadd.s32 $0xFF5E0000, v3;
	v2 =	vand.u32 $0x3FFF, v3  }
0x3f5: {  	s21 =	sshra.s32 s22, $0x2;
	[tilespmem:s20+$0x0] =	vst v1;
	vm0 =	vlt.u32 v0, $0x1B0000;
	v1 =	vor.u32 $0x1B0000, v2  }
0x3f6: {  	v2 =	vld [tilespmem:s21+$0x0];
	v0 =	vsel vm0, v0, v1  }
0x3f7: {  	[tilespmem:s20+$0x10] =	vst v0  }
0x3f8: {  	v0 =	vld [tilespmem:s21+$0x10];
	_ =	sdelay $0x2  }
0x3f9: {  	v1 =	vadd.s32 $0xFF5E0000, v2  }
0x3fa: {  	v2 =	vand.u32 $0x3FFF, v2;
	vm13 =	vlt.u32 v1, $0x1B0000  }
0x3fb: {  	v2 =	vor.u32 $0x1B0000, v2;
	v3 =	vadd.s32 $0xFF5E0000, v0;
	v0 =	vand.u32 $0x3FFF, v0  }
0x3fc: {  	v1 =	vsel vm13, v1, v2;
	vm14 =	vlt.u32 v3, $0x1B0000;
	v0 =	vor.u32 $0x1B0000, v0  }
0x3fd: {  	[tilespmem:s21+$0x0] =	vst v1;
	v0 =	vsel vm14, v3, v0  }
0x3fe: {  	s24 =	simm.s32 $0x0;
	[tilespmem:s21+$0x10] =	vst v0  }
0x3ff: {  	[spmem:s1] =	stream.indirect.scatter.add.f32 [tilespmem:s28], [sflag:$0x5], $0x1, s24, s28, $0xb8;
	[tilespmem:$0x1FC00] =	vst v63  }
0x400: {  	_ = 	snop  }
0x401: {  	[tilespmem:s31], [sflag:$0x3] =	stream.linear.gather [hbm4b:s12+s24], $0x1200, $0x38;
	[tilespmem:$0x1FC00] =	vst v63  }
0x402: {  	_ = 	snop  }
0x403: {  	[tilespmem:s0], [sflag:$0x4] =	stream.linear.gather [hbm4b:s13+s24], $0x1200, $0x38;
	[tilespmem:$0x1FC00] =	vst v63  }
0x404: {  	_ =	swait.ge [sflag:s3], $0x1200  }
0x405: {  	[sflag:s3] =	ssyncset.done $0x0  }
0x406: {  	[sflag:s3] =	ssyncadd.s32 $0xFFFFEE00  }
0x407: {  	_ =	swait.ge [sflag:s8], $0x1200  }
0x408: {  	[sflag:s8] =	ssyncset.done $0x0  }
0x409: {  	s20 =	simm.s32 $0x0;
	[sflag:s8] =	ssyncadd.s32 $0xFFFFEE00  }
0x40a: {  	v0 =	vld [tilespmem:s20+$0x2400];
	_ =	sdelay $0x1  }
0x40b: {  	v2 =	vld [tilespmem:s20+$0x2410];
	_ =	sdelay $0x2  }
0x40c: {  	v1 =	vadd.s32 $0xFF5E0000, v0;
	v0 =	vand.u32 $0x3FFF, v0  }
0x40d: {  	vm15 =	vlt.u32 v1, $0x1B0000;
	v0 =	vor.u32 $0x1B0000, v0  }
0x40e: {  	s22 =	simm.s32 $0x80;
	s21 =	simm.s32 $0x100;
	v1 =	vsel vm15, v1, v0;
	v0 =	vadd.s32 $0xFF5E0000, v2;
	v2 =	vand.u32 $0x3FFF, v2  }
.LBB2_64:
0x40f: {  	p0 =	sne.s32 s21, $0x4780  }
0x410: {  	s23 =	sshra.s32 s22, $0x2;
	[tilespmem:s20+$0x2400] =	vst v1;
	vm0 =	vlt.u32 v0, $0x1B0000;
	v1 =	vor.u32 $0x1B0000, v2;
	s22 =	smov.u32 s21;
	s21 =	sadd.s32 $0x80, s21  }
0x411: {  	v2 =	vld [tilespmem:s23+$0x2400];
	v0 =	vsel vm0, v0, v1  }
0x412: {  	[tilespmem:s20+$0x2410] =	vst v0;
	s20 =	smov.u32 s23  }
0x413: {  	v3 =	vld [tilespmem:s20+$0x2410]  }
.Ltmp31:
0x414: {  	(pc) =	sbr.rel @p0 .LBB2_64-.Ltmp31, $4  }
0x415: {  	_ = 	snop  }
0x416: {  	v0 =	vadd.s32 $0xFF5E0000, v2;
	v1 =	vand.u32 $0x3FFF, v2  }
0x417: {  	vm0 =	vlt.u32 v0, $0x1B0000;
	v1 =	vor.u32 $0x1B0000, v1  }
0x418: {  	v1 =	vsel vm0, v0, v1;
	v0 =	vadd.s32 $0xFF5E0000, v3;
	v2 =	vand.u32 $0x3FFF, v3  }
0x419: {  	s21 =	sshra.s32 s22, $0x2;
	[tilespmem:s20+$0x2400] =	vst v1;
	vm0 =	vlt.u32 v0, $0x1B0000;
	v61 =	vor.u32 $0x1B0000, v2  }
0x41a: {  	v62 =	vld [tilespmem:s21+$0x2400];
	v0 =	vsel vm0, v0, v61  }
0x41b: {  	[tilespmem:s20+$0x2410] =	vst v0  }
0x41c: {  	v0 =	vld [tilespmem:s21+$0x2410];
	_ =	sdelay $0x2  }
0x41d: {  	v63 =	vadd.s32 $0xFF5E0000, v62  }
0x41e: {  	v2 =	vand.u32 $0x3FFF, v62;
	vm14 =	vlt.u32 v63, $0x1B0000  }
0x41f: {  	v2 =	vor.u32 $0x1B0000, v2;
	v3 =	vadd.s32 $0xFF5E0000, v0;
	v0 =	vand.u32 $0x3FFF, v0  }
0x420: {  	v1 =	vsel vm14, v63, v2;
	vm15 =	vlt.u32 v3, $0x1B0000;
	v0 =	vor.u32 $0x1B0000, v0  }
0x421: {  	[tilespmem:s21+$0x2400] =	vst v1;
	v0 =	vsel vm15, v3, v0  }
0x422: {  	[tilespmem:s21+$0x2410] =	vst v0  }
0x423: {  	[spmem:s1] =	stream.indirect.scatter.add.f32 [tilespmem:s0], [sflag:$0x6], $0x1, s31, s28, $0xb8;
	[tilespmem:$0x1FC00] =	vst v63  }
0x424: {  	_ =	swait.ge [sflag:s10], $0x1200  }
0x425: {  	[sflag:s10] =	ssyncset.done $0x0  }
0x426: {  	[sflag:s10] =	ssyncadd.s32 $0xFFFFEE00  }
0x427: {  	[tilespmem:s2], [sflag:$0x1] =	stream.linear.gather [hbm4b:s14+s2], $0x1200, $0x38;
	[tilespmem:$0x1FC00] =	vst v63  }
0x428: {  	s20 =	simm.s32 $0x1  }
0x429: {  	[tilespmem:s28], [sflag:$0x2] =	stream.linear.gather [hbm4b:s16+s2], $0x1200, $0x38;
	[tilespmem:$0x1FC00] =	vst v63  }
.LBB2_66:
0x42a: {  	_ =	swait.ge [sflag:s29], $0x1200  }
0x42b: {  	[sflag:s29] =	ssyncset.done $0x0  }
0x42c: {  	[sflag:s29] =	ssyncadd.s32 $0xFFFFEE00  }
0x42d: {  	_ =	swait.ge [sflag:s30], $0x1200  }
0x42e: {  	[sflag:s30] =	ssyncset.done $0x0  }
0x42f: {  	s21 =	simm.s32 $0x0;
	[sflag:s30] =	ssyncadd.s32 $0xFFFFEE00  }
0x430: {  	v0 =	vld [tilespmem:s21+$0x0];
	_ =	sdelay $0x1  }
0x431: {  	v2 =	vld [tilespmem:s21+$0x10];
	_ =	sdelay $0x2  }
0x432: {  	v1 =	vadd.s32 $0xFF5E0000, v0;
	v0 =	vand.u32 $0x3FFF, v0  }
0x433: {  	vm0 =	vlt.u32 v1, $0x1B0000;
	v0 =	vor.u32 $0x1B0000, v0  }
0x434: {  	s23 =	simm.s32 $0x80;
	s22 =	simm.s32 $0x100;
	v1 =	vsel vm0, v1, v0;
	v0 =	vadd.s32 $0xFF5E0000, v2;
	v2 =	vand.u32 $0x3FFF, v2  }
.LBB2_67:
0x435: {  	p0 =	sne.s32 s22, $0x4780  }
0x436: {  	s24 =	sshra.s32 s23, $0x2;
	[tilespmem:s21+$0x0] =	vst v1;
	vm0 =	vlt.u32 v0, $0x1B0000;
	v1 =	vor.u32 $0x1B0000, v2;
	s23 =	smov.u32 s22;
	s22 =	sadd.s32 $0x80, s22  }
0x437: {  	v2 =	vld [tilespmem:s24+$0x0];
	v0 =	vsel vm0, v0, v1  }
0x438: {  	[tilespmem:s21+$0x10] =	vst v0;
	s21 =	smov.u32 s24  }
0x439: {  	v3 =	vld [tilespmem:s21+$0x10]  }
.Ltmp32:
0x43a: {  	(pc) =	sbr.rel @p0 .LBB2_67-.Ltmp32, $4  }
0x43b: {  	_ = 	snop  }
0x43c: {  	v0 =	vadd.s32 $0xFF5E0000, v2;
	v1 =	vand.u32 $0x3FFF, v2  }
0x43d: {  	vm0 =	vlt.u32 v0, $0x1B0000;
	v1 =	vor.u32 $0x1B0000, v1  }
0x43e: {  	v1 =	vsel vm0, v0, v1;
	v0 =	vadd.s32 $0xFF5E0000, v3;
	v2 =	vand.u32 $0x3FFF, v3  }
0x43f: {  	s22 =	sshra.s32 s23, $0x2;
	[tilespmem:s21+$0x0] =	vst v1;
	vm0 =	vlt.u32 v0, $0x1B0000;
	v1 =	vor.u32 $0x1B0000, v2  }
0x440: {  	v2 =	vld [tilespmem:s22+$0x0];
	v0 =	vsel vm0, v0, v1  }
0x441: {  	[tilespmem:s21+$0x10] =	vst v0  }
0x442: {  	v0 =	vld [tilespmem:s22+$0x10];
	_ =	sdelay $0x2  }
0x443: {  	v1 =	vadd.s32 $0xFF5E0000, v2  }
0x444: {  	v2 =	vand.u32 $0x3FFF, v2;
	vm13 =	vlt.u32 v1, $0x1B0000  }
0x445: {  	v2 =	vor.u32 $0x1B0000, v2;
	v3 =	vadd.s32 $0xFF5E0000, v0;
	v0 =	vand.u32 $0x3FFF, v0  }
0x446: {  	v1 =	vsel vm13, v1, v2;
	vm14 =	vlt.u32 v3, $0x1B0000;
	v0 =	vor.u32 $0x1B0000, v0  }
0x447: {  	[tilespmem:s22+$0x0] =	vst v1;
	v0 =	vsel vm14, v3, v0  }
0x448: {  	s23 =	smul.u32 $0x2400, s20;
	s21 =	simm.s32 $0x0;
	[tilespmem:s22+$0x10] =	vst v0  }
0x449: {  	[spmem:s1] =	stream.indirect.scatter.add.f32 [tilespmem:s28], [sflag:$0x5], $0x1, s21, s28, $0xb8;
	[tilespmem:$0x1FC00] =	vst v63  }
0x44a: {  	s22 =	sadd.s32 s23, s17;
	_ =	swait.ge [sflag:s11], $0x1200  }
0x44b: {  	s22 =	sshrl.u32 s22, $0x3;
	[sflag:s11] =	ssyncset.done $0x0  }
0x44c: {  	s24 =	sadd.s32 s5, s22;
	[sflag:s11] =	ssyncadd.s32 $0xFFFFEE00  }
0x44d: {  	[tilespmem:s31], [sflag:$0x3] =	stream.linear.gather [hbm4b:s24+s21], $0x1200, $0x38;
	[tilespmem:$0x1FC00] =	vst v63  }
0x44e: {  	s22 =	sadd.s32 s4, s22  }
0x44f: {  	[tilespmem:s0], [sflag:$0x4] =	stream.linear.gather [hbm4b:s22+s21], $0x1200, $0x38;
	[tilespmem:$0x1FC00] =	vst v63  }
0x450: {  	_ =	swait.ge [sflag:s3], $0x1200  }
0x451: {  	[sflag:s3] =	ssyncset.done $0x0  }
0x452: {  	[sflag:s3] =	ssyncadd.s32 $0xFFFFEE00  }
0x453: {  	_ =	swait.ge [sflag:s8], $0x1200  }
0x454: {  	[sflag:s8] =	ssyncset.done $0x0  }
0x455: {  	s21 =	simm.s32 $0x0;
	[sflag:s8] =	ssyncadd.s32 $0xFFFFEE00  }
0x456: {  	v0 =	vld [tilespmem:s21+$0x2400];
	_ =	sdelay $0x1  }
0x457: {  	v2 =	vld [tilespmem:s21+$0x2410];
	_ =	sdelay $0x2  }
0x458: {  	v1 =	vadd.s32 $0xFF5E0000, v0;
	v0 =	vand.u32 $0x3FFF, v0  }
0x459: {  	vm15 =	vlt.u32 v1, $0x1B0000;
	v0 =	vor.u32 $0x1B0000, v0  }
0x45a: {  	s23 =	simm.s32 $0x80;
	s22 =	simm.s32 $0x100;
	v1 =	vsel vm15, v1, v0;
	v0 =	vadd.s32 $0xFF5E0000, v2;
	v2 =	vand.u32 $0x3FFF, v2  }
.LBB2_69:
0x45b: {  	p0 =	sne.s32 s22, $0x4780  }
0x45c: {  	s24 =	sshra.s32 s23, $0x2;
	[tilespmem:s21+$0x2400] =	vst v1;
	vm0 =	vlt.u32 v0, $0x1B0000;
	v1 =	vor.u32 $0x1B0000, v2;
	s23 =	smov.u32 s22;
	s22 =	sadd.s32 $0x80, s22  }
0x45d: {  	v2 =	vld [tilespmem:s24+$0x2400];
	v0 =	vsel vm0, v0, v1  }
0x45e: {  	[tilespmem:s21+$0x2410] =	vst v0;
	s21 =	smov.u32 s24  }
0x45f: {  	v3 =	vld [tilespmem:s21+$0x2410]  }
.Ltmp33:
0x460: {  	(pc) =	sbr.rel @p0 .LBB2_69-.Ltmp33, $4  }
0x461: {  	_ = 	snop  }
0x462: {  	v0 =	vadd.s32 $0xFF5E0000, v2;
	v1 =	vand.u32 $0x3FFF, v2  }
0x463: {  	vm0 =	vlt.u32 v0, $0x1B0000;
	v1 =	vor.u32 $0x1B0000, v1  }
0x464: {  	v1 =	vsel vm0, v0, v1;
	v0 =	vadd.s32 $0xFF5E0000, v3;
	v2 =	vand.u32 $0x3FFF, v3  }
0x465: {  	s22 =	sshra.s32 s23, $0x2;
	[tilespmem:s21+$0x2400] =	vst v1;
	vm0 =	vlt.u32 v0, $0x1B0000;
	v61 =	vor.u32 $0x1B0000, v2  }
0x466: {  	v62 =	vld [tilespmem:s22+$0x2400];
	v0 =	vsel vm0, v0, v61  }
0x467: {  	[tilespmem:s21+$0x2410] =	vst v0  }
0x468: {  	v0 =	vld [tilespmem:s22+$0x2410];
	_ =	sdelay $0x2  }
0x469: {  	v63 =	vadd.s32 $0xFF5E0000, v62  }
0x46a: {  	v2 =	vand.u32 $0x3FFF, v62;
	vm14 =	vlt.u32 v63, $0x1B0000  }
0x46b: {  	v2 =	vor.u32 $0x1B0000, v2;
	v3 =	vadd.s32 $0xFF5E0000, v0;
	v0 =	vand.u32 $0x3FFF, v0  }
0x46c: {  	v1 =	vsel vm14, v63, v2;
	vm15 =	vlt.u32 v3, $0x1B0000;
	v0 =	vor.u32 $0x1B0000, v0  }
0x46d: {  	[tilespmem:s22+$0x2400] =	vst v1;
	v0 =	vsel vm15, v3, v0  }
0x46e: {  	[tilespmem:s22+$0x2410] =	vst v0;
	s22 =	sshll.u32 s20, $0x1  }
0x46f: {  	[spmem:s1] =	stream.indirect.scatter.add.f32 [tilespmem:s0], [sflag:$0x6], $0x1, s31, s28, $0xb8;
	[tilespmem:$0x1FC00] =	vst v63  }
0x470: {  	s21 =	sadd.s32 $0x2, s22  }
0x471: {  	s22 =	smul.u32 $0x1200, s21  }
0x472: {  	p0 =	seq.s32 s21, $0x30  }
0x473: {  	s20 =	sadd.s32 $0x1, s20;
	s22 =	simm.s32 @p0 $0x0  }
0x474: {  	_ =	swait.ge [sflag:s10], $0x1200;
	p0 =	sne.s32 s20, $0x18;
	s23 =	sadd.s32 s7, s22  }
.Ltmp34:
0x475: {  	[sflag:s10] =	ssyncset.done $0x0;
	s21 =	sshrl.u32 s23, $0x3;
	(pc) =	sbr.rel @p0 .LBB2_66-.Ltmp34, $4  }
0x476: {  	[sflag:s10] =	ssyncadd.s32 $0xFFFFEE00;
	s24 =	sadd.s32 s5, s21  }
0x477: {  	[tilespmem:s2], [sflag:$0x1] =	stream.linear.gather [hbm4b:s24+s2], $0x1200, $0x38;
	[tilespmem:$0x1FC00] =	vst v63  }
0x478: {  	s21 =	sadd.s32 s4, s21  }
0x479: {  	[tilespmem:s28], [sflag:$0x2] =	stream.linear.gather [hbm4b:s21+s2], $0x1200, $0x38;
	[tilespmem:$0x1FC00] =	vst v63  }
0x47a: {  	_ =	swait.ge [sflag:s11], $0x1200  }
0x47b: {  	[sflag:s11] =	ssyncset.done $0x0  }
0x47c: {  	[sflag:s11] =	ssyncadd.s32 $0xFFFFEE00  }
0x47d: {  	[bflag:$0x0] =	sbarrier.arrive $0xFFFF  }
0x47e: {  	s20 =	rddreg [dreg:$0xc]  }
0x47f: {  	[hbm:s20], [sflag:s9] =	dma.local [spmem:s19], $0x3600  }
0x480: {  	_ =	swait.ge [sflag:s26], $0x3600  }
0x481: {  	[sflag:s26] =	ssyncset.done $0x0  }
0x482: {  	[sflag:s26] =	ssyncadd.s32 $0xFFFFCA00  }
0x483: {  	[spmem:s19], [sflag:s9] =	dma.local [hbm:s6], $0x3600  }
0x484: {  	_ =	swait.ge [sflag:s26], $0x3600  }
0x485: {  	[sflag:s26] =	ssyncset.done $0x0  }
0x486: {  	[sflag:s26] =	ssyncadd.s32 $0xFFFFCA00  }
0x487: {  	[bflag:$0x0] =	sbarrier.arrive $0xFFFF  }
0x488: {  	_ =	swait.ge [sflag:s29], $0x1200  }
0x489: {  	[sflag:s29] =	ssyncset.done $0x0  }
0x48a: {  	[sflag:s29] =	ssyncadd.s32 $0xFFFFEE00  }
0x48b: {  	_ =	swait.ge [sflag:s30], $0x1200  }
0x48c: {  	[sflag:s30] =	ssyncset.done $0x0  }
0x48d: {  	s20 =	simm.s32 $0x0;
	[sflag:s30] =	ssyncadd.s32 $0xFFFFEE00  }
0x48e: {  	v0 =	vld [tilespmem:s20+$0x0];
	_ =	sdelay $0x1  }
0x48f: {  	v2 =	vld [tilespmem:s20+$0x10];
	_ =	sdelay $0x2  }
0x490: {  	v1 =	vadd.s32 $0xFF430000, v0;
	v0 =	vand.u32 $0x3FFF, v0  }
0x491: {  	vm0 =	vlt.u32 v1, $0x1B0000;
	v0 =	vor.u32 $0x1B0000, v0  }
0x492: {  	s22 =	simm.s32 $0x80;
	s21 =	simm.s32 $0x100;
	v1 =	vsel vm0, v1, v0;
	v0 =	vadd.s32 $0xFF430000, v2;
	v2 =	vand.u32 $0x3FFF, v2  }
.LBB2_72:
0x493: {  	p0 =	sne.s32 s21, $0x4780  }
0x494: {  	s23 =	sshra.s32 s22, $0x2;
	[tilespmem:s20+$0x0] =	vst v1;
	vm0 =	vlt.u32 v0, $0x1B0000;
	v1 =	vor.u32 $0x1B0000, v2;
	s22 =	smov.u32 s21;
	s21 =	sadd.s32 $0x80, s21  }
0x495: {  	v2 =	vld [tilespmem:s23+$0x0];
	v0 =	vsel vm0, v0, v1  }
0x496: {  	[tilespmem:s20+$0x10] =	vst v0;
	s20 =	smov.u32 s23  }
0x497: {  	v3 =	vld [tilespmem:s20+$0x10]  }
.Ltmp35:
0x498: {  	(pc) =	sbr.rel @p0 .LBB2_72-.Ltmp35, $4  }
0x499: {  	_ = 	snop  }
0x49a: {  	v0 =	vadd.s32 $0xFF430000, v2;
	v1 =	vand.u32 $0x3FFF, v2  }
0x49b: {  	vm0 =	vlt.u32 v0, $0x1B0000;
	v1 =	vor.u32 $0x1B0000, v1  }
0x49c: {  	v1 =	vsel vm0, v0, v1;
	v0 =	vadd.s32 $0xFF430000, v3;
	v2 =	vand.u32 $0x3FFF, v3  }
0x49d: {  	s21 =	sshra.s32 s22, $0x2;
	[tilespmem:s20+$0x0] =	vst v1;
	vm0 =	vlt.u32 v0, $0x1B0000;
	v1 =	vor.u32 $0x1B0000, v2  }
0x49e: {  	v2 =	vld [tilespmem:s21+$0x0];
	v0 =	vsel vm0, v0, v1  }
0x49f: {  	[tilespmem:s20+$0x10] =	vst v0  }
0x4a0: {  	v0 =	vld [tilespmem:s21+$0x10];
	_ =	sdelay $0x2  }
0x4a1: {  	v1 =	vadd.s32 $0xFF430000, v2  }
0x4a2: {  	v2 =	vand.u32 $0x3FFF, v2;
	vm13 =	vlt.u32 v1, $0x1B0000  }
0x4a3: {  	v2 =	vor.u32 $0x1B0000, v2;
	v3 =	vadd.s32 $0xFF430000, v0;
	v0 =	vand.u32 $0x3FFF, v0  }
0x4a4: {  	v1 =	vsel vm13, v1, v2;
	vm14 =	vlt.u32 v3, $0x1B0000;
	v0 =	vor.u32 $0x1B0000, v0  }
0x4a5: {  	[tilespmem:s21+$0x0] =	vst v1;
	v0 =	vsel vm14, v3, v0  }
0x4a6: {  	s24 =	simm.s32 $0x0;
	[tilespmem:s21+$0x10] =	vst v0  }
0x4a7: {  	[spmem:s1] =	stream.indirect.scatter.add.f32 [tilespmem:s28], [sflag:$0x5], $0x1, s24, s28, $0xb8;
	[tilespmem:$0x1FC00] =	vst v63  }
0x4a8: {  	_ = 	snop  }
0x4a9: {  	[tilespmem:s31], [sflag:$0x3] =	stream.linear.gather [hbm4b:s12+s24], $0x1200, $0x38;
	[tilespmem:$0x1FC00] =	vst v63  }
0x4aa: {  	_ = 	snop  }
0x4ab: {  	[tilespmem:s0], [sflag:$0x4] =	stream.linear.gather [hbm4b:s13+s24], $0x1200, $0x38;
	[tilespmem:$0x1FC00] =	vst v63  }
0x4ac: {  	_ =	swait.ge [sflag:s3], $0x1200  }
0x4ad: {  	[sflag:s3] =	ssyncset.done $0x0  }
0x4ae: {  	[sflag:s3] =	ssyncadd.s32 $0xFFFFEE00  }
0x4af: {  	_ =	swait.ge [sflag:s8], $0x1200  }
0x4b0: {  	[sflag:s8] =	ssyncset.done $0x0  }
0x4b1: {  	s20 =	simm.s32 $0x0;
	[sflag:s8] =	ssyncadd.s32 $0xFFFFEE00  }
0x4b2: {  	v0 =	vld [tilespmem:s20+$0x2400];
	_ =	sdelay $0x1  }
0x4b3: {  	v2 =	vld [tilespmem:s20+$0x2410];
	_ =	sdelay $0x2  }
0x4b4: {  	v1 =	vadd.s32 $0xFF430000, v0;
	v0 =	vand.u32 $0x3FFF, v0  }
0x4b5: {  	vm15 =	vlt.u32 v1, $0x1B0000;
	v0 =	vor.u32 $0x1B0000, v0  }
0x4b6: {  	s22 =	simm.s32 $0x80;
	s21 =	simm.s32 $0x100;
	v1 =	vsel vm15, v1, v0;
	v0 =	vadd.s32 $0xFF430000, v2;
	v2 =	vand.u32 $0x3FFF, v2  }
.LBB2_74:
0x4b7: {  	p0 =	sne.s32 s21, $0x4780  }
0x4b8: {  	s23 =	sshra.s32 s22, $0x2;
	[tilespmem:s20+$0x2400] =	vst v1;
	vm0 =	vlt.u32 v0, $0x1B0000;
	v1 =	vor.u32 $0x1B0000, v2;
	s22 =	smov.u32 s21;
	s21 =	sadd.s32 $0x80, s21  }
0x4b9: {  	v2 =	vld [tilespmem:s23+$0x2400];
	v0 =	vsel vm0, v0, v1  }
0x4ba: {  	[tilespmem:s20+$0x2410] =	vst v0;
	s20 =	smov.u32 s23  }
0x4bb: {  	v3 =	vld [tilespmem:s20+$0x2410]  }
.Ltmp36:
0x4bc: {  	(pc) =	sbr.rel @p0 .LBB2_74-.Ltmp36, $4  }
0x4bd: {  	_ = 	snop  }
0x4be: {  	v0 =	vadd.s32 $0xFF430000, v2;
	v1 =	vand.u32 $0x3FFF, v2  }
0x4bf: {  	vm0 =	vlt.u32 v0, $0x1B0000;
	v1 =	vor.u32 $0x1B0000, v1  }
0x4c0: {  	v1 =	vsel vm0, v0, v1;
	v0 =	vadd.s32 $0xFF430000, v3;
	v2 =	vand.u32 $0x3FFF, v3  }
0x4c1: {  	s21 =	sshra.s32 s22, $0x2;
	[tilespmem:s20+$0x2400] =	vst v1;
	vm0 =	vlt.u32 v0, $0x1B0000;
	v61 =	vor.u32 $0x1B0000, v2  }
0x4c2: {  	v62 =	vld [tilespmem:s21+$0x2400];
	v0 =	vsel vm0, v0, v61  }
0x4c3: {  	[tilespmem:s20+$0x2410] =	vst v0  }
0x4c4: {  	v0 =	vld [tilespmem:s21+$0x2410];
	_ =	sdelay $0x2  }
0x4c5: {  	v63 =	vadd.s32 $0xFF430000, v62  }
0x4c6: {  	v2 =	vand.u32 $0x3FFF, v62;
	vm14 =	vlt.u32 v63, $0x1B0000  }
0x4c7: {  	v2 =	vor.u32 $0x1B0000, v2;
	v3 =	vadd.s32 $0xFF430000, v0;
	v0 =	vand.u32 $0x3FFF, v0  }
0x4c8: {  	v1 =	vsel vm14, v63, v2;
	vm15 =	vlt.u32 v3, $0x1B0000;
	v0 =	vor.u32 $0x1B0000, v0  }
0x4c9: {  	[tilespmem:s21+$0x2400] =	vst v1;
	v0 =	vsel vm15, v3, v0  }
0x4ca: {  	[tilespmem:s21+$0x2410] =	vst v0  }
0x4cb: {  	[spmem:s1] =	stream.indirect.scatter.add.f32 [tilespmem:s0], [sflag:$0x6], $0x1, s31, s28, $0xb8;
	[tilespmem:$0x1FC00] =	vst v63  }
0x4cc: {  	_ =	swait.ge [sflag:s10], $0x1200  }
0x4cd: {  	[sflag:s10] =	ssyncset.done $0x0  }
0x4ce: {  	[sflag:s10] =	ssyncadd.s32 $0xFFFFEE00  }
0x4cf: {  	[tilespmem:s2], [sflag:$0x1] =	stream.linear.gather [hbm4b:s14+s2], $0x1200, $0x38;
	[tilespmem:$0x1FC00] =	vst v63  }
0x4d0: {  	s20 =	simm.s32 $0x1  }
0x4d1: {  	[tilespmem:s28], [sflag:$0x2] =	stream.linear.gather [hbm4b:s16+s2], $0x1200, $0x38;
	[tilespmem:$0x1FC00] =	vst v63  }
.LBB2_76:
0x4d2: {  	_ =	swait.ge [sflag:s29], $0x1200  }
0x4d3: {  	[sflag:s29] =	ssyncset.done $0x0  }
0x4d4: {  	[sflag:s29] =	ssyncadd.s32 $0xFFFFEE00  }
0x4d5: {  	_ =	swait.ge [sflag:s30], $0x1200  }
0x4d6: {  	[sflag:s30] =	ssyncset.done $0x0  }
0x4d7: {  	s21 =	simm.s32 $0x0;
	[sflag:s30] =	ssyncadd.s32 $0xFFFFEE00  }
0x4d8: {  	v0 =	vld [tilespmem:s21+$0x0];
	_ =	sdelay $0x1  }
0x4d9: {  	v2 =	vld [tilespmem:s21+$0x10];
	_ =	sdelay $0x2  }
0x4da: {  	v1 =	vadd.s32 $0xFF430000, v0;
	v0 =	vand.u32 $0x3FFF, v0  }
0x4db: {  	vm0 =	vlt.u32 v1, $0x1B0000;
	v0 =	vor.u32 $0x1B0000, v0  }
0x4dc: {  	s23 =	simm.s32 $0x80;
	s22 =	simm.s32 $0x100;
	v1 =	vsel vm0, v1, v0;
	v0 =	vadd.s32 $0xFF430000, v2;
	v2 =	vand.u32 $0x3FFF, v2  }
.LBB2_77:
0x4dd: {  	p0 =	sne.s32 s22, $0x4780  }
0x4de: {  	s24 =	sshra.s32 s23, $0x2;
	[tilespmem:s21+$0x0] =	vst v1;
	vm0 =	vlt.u32 v0, $0x1B0000;
	v1 =	vor.u32 $0x1B0000, v2;
	s23 =	smov.u32 s22;
	s22 =	sadd.s32 $0x80, s22  }
0x4df: {  	v2 =	vld [tilespmem:s24+$0x0];
	v0 =	vsel vm0, v0, v1  }
0x4e0: {  	[tilespmem:s21+$0x10] =	vst v0;
	s21 =	smov.u32 s24  }
0x4e1: {  	v3 =	vld [tilespmem:s21+$0x10]  }
.Ltmp37:
0x4e2: {  	(pc) =	sbr.rel @p0 .LBB2_77-.Ltmp37, $4  }
0x4e3: {  	_ = 	snop  }
0x4e4: {  	v0 =	vadd.s32 $0xFF430000, v2;
	v1 =	vand.u32 $0x3FFF, v2  }
0x4e5: {  	vm0 =	vlt.u32 v0, $0x1B0000;
	v1 =	vor.u32 $0x1B0000, v1  }
0x4e6: {  	v1 =	vsel vm0, v0, v1;
	v0 =	vadd.s32 $0xFF430000, v3;
	v2 =	vand.u32 $0x3FFF, v3  }
0x4e7: {  	s22 =	sshra.s32 s23, $0x2;
	[tilespmem:s21+$0x0] =	vst v1;
	vm0 =	vlt.u32 v0, $0x1B0000;
	v1 =	vor.u32 $0x1B0000, v2  }
0x4e8: {  	v2 =	vld [tilespmem:s22+$0x0];
	v0 =	vsel vm0, v0, v1  }
0x4e9: {  	[tilespmem:s21+$0x10] =	vst v0  }
0x4ea: {  	v0 =	vld [tilespmem:s22+$0x10];
	_ =	sdelay $0x2  }
0x4eb: {  	v1 =	vadd.s32 $0xFF430000, v2  }
0x4ec: {  	v2 =	vand.u32 $0x3FFF, v2;
	vm13 =	vlt.u32 v1, $0x1B0000  }
0x4ed: {  	v2 =	vor.u32 $0x1B0000, v2;
	v3 =	vadd.s32 $0xFF430000, v0;
	v0 =	vand.u32 $0x3FFF, v0  }
0x4ee: {  	v1 =	vsel vm13, v1, v2;
	vm14 =	vlt.u32 v3, $0x1B0000;
	v0 =	vor.u32 $0x1B0000, v0  }
0x4ef: {  	[tilespmem:s22+$0x0] =	vst v1;
	v0 =	vsel vm14, v3, v0  }
0x4f0: {  	s23 =	smul.u32 $0x2400, s20;
	s21 =	simm.s32 $0x0;
	[tilespmem:s22+$0x10] =	vst v0  }
0x4f1: {  	[spmem:s1] =	stream.indirect.scatter.add.f32 [tilespmem:s28], [sflag:$0x5], $0x1, s21, s28, $0xb8;
	[tilespmem:$0x1FC00] =	vst v63  }
0x4f2: {  	s22 =	sadd.s32 s23, s17;
	_ =	swait.ge [sflag:s11], $0x1200  }
0x4f3: {  	s22 =	sshrl.u32 s22, $0x3;
	[sflag:s11] =	ssyncset.done $0x0  }
0x4f4: {  	s24 =	sadd.s32 s5, s22;
	[sflag:s11] =	ssyncadd.s32 $0xFFFFEE00  }
0x4f5: {  	[tilespmem:s31], [sflag:$0x3] =	stream.linear.gather [hbm4b:s24+s21], $0x1200, $0x38;
	[tilespmem:$0x1FC00] =	vst v63  }
0x4f6: {  	s22 =	sadd.s32 s4, s22  }
0x4f7: {  	[tilespmem:s0], [sflag:$0x4] =	stream.linear.gather [hbm4b:s22+s21], $0x1200, $0x38;
	[tilespmem:$0x1FC00] =	vst v63  }
0x4f8: {  	_ =	swait.ge [sflag:s3], $0x1200  }
0x4f9: {  	[sflag:s3] =	ssyncset.done $0x0  }
0x4fa: {  	[sflag:s3] =	ssyncadd.s32 $0xFFFFEE00  }
0x4fb: {  	_ =	swait.ge [sflag:s8], $0x1200  }
0x4fc: {  	[sflag:s8] =	ssyncset.done $0x0  }
0x4fd: {  	s21 =	simm.s32 $0x0;
	[sflag:s8] =	ssyncadd.s32 $0xFFFFEE00  }
0x4fe: {  	v0 =	vld [tilespmem:s21+$0x2400];
	_ =	sdelay $0x1  }
0x4ff: {  	v2 =	vld [tilespmem:s21+$0x2410];
	_ =	sdelay $0x2  }
0x500: {  	v1 =	vadd.s32 $0xFF430000, v0;
	v0 =	vand.u32 $0x3FFF, v0  }
0x501: {  	vm15 =	vlt.u32 v1, $0x1B0000;
	v0 =	vor.u32 $0x1B0000, v0  }
0x502: {  	s23 =	simm.s32 $0x80;
	s22 =	simm.s32 $0x100;
	v1 =	vsel vm15, v1, v0;
	v0 =	vadd.s32 $0xFF430000, v2;
	v2 =	vand.u32 $0x3FFF, v2  }
.LBB2_79:
0x503: {  	p0 =	sne.s32 s22, $0x4780  }
0x504: {  	s24 =	sshra.s32 s23, $0x2;
	[tilespmem:s21+$0x2400] =	vst v1;
	vm0 =	vlt.u32 v0, $0x1B0000;
	v1 =	vor.u32 $0x1B0000, v2;
	s23 =	smov.u32 s22;
	s22 =	sadd.s32 $0x80, s22  }
0x505: {  	v2 =	vld [tilespmem:s24+$0x2400];
	v0 =	vsel vm0, v0, v1  }
0x506: {  	[tilespmem:s21+$0x2410] =	vst v0;
	s21 =	smov.u32 s24  }
0x507: {  	v3 =	vld [tilespmem:s21+$0x2410]  }
.Ltmp38:
0x508: {  	(pc) =	sbr.rel @p0 .LBB2_79-.Ltmp38, $4  }
0x509: {  	_ = 	snop  }
0x50a: {  	v0 =	vadd.s32 $0xFF430000, v2;
	v1 =	vand.u32 $0x3FFF, v2  }
0x50b: {  	vm0 =	vlt.u32 v0, $0x1B0000;
	v1 =	vor.u32 $0x1B0000, v1  }
0x50c: {  	v1 =	vsel vm0, v0, v1;
	v0 =	vadd.s32 $0xFF430000, v3;
	v2 =	vand.u32 $0x3FFF, v3  }
0x50d: {  	s22 =	sshra.s32 s23, $0x2;
	[tilespmem:s21+$0x2400] =	vst v1;
	vm0 =	vlt.u32 v0, $0x1B0000;
	v61 =	vor.u32 $0x1B0000, v2  }
0x50e: {  	v62 =	vld [tilespmem:s22+$0x2400];
	v0 =	vsel vm0, v0, v61  }
0x50f: {  	[tilespmem:s21+$0x2410] =	vst v0  }
0x510: {  	v0 =	vld [tilespmem:s22+$0x2410];
	_ =	sdelay $0x2  }
0x511: {  	v63 =	vadd.s32 $0xFF430000, v62  }
0x512: {  	v2 =	vand.u32 $0x3FFF, v62;
	vm14 =	vlt.u32 v63, $0x1B0000  }
0x513: {  	v2 =	vor.u32 $0x1B0000, v2;
	v3 =	vadd.s32 $0xFF430000, v0;
	v0 =	vand.u32 $0x3FFF, v0  }
0x514: {  	v1 =	vsel vm14, v63, v2;
	vm15 =	vlt.u32 v3, $0x1B0000;
	v0 =	vor.u32 $0x1B0000, v0  }
0x515: {  	[tilespmem:s22+$0x2400] =	vst v1;
	v0 =	vsel vm15, v3, v0  }
0x516: {  	[tilespmem:s22+$0x2410] =	vst v0;
	s22 =	sshll.u32 s20, $0x1  }
0x517: {  	[spmem:s1] =	stream.indirect.scatter.add.f32 [tilespmem:s0], [sflag:$0x6], $0x1, s31, s28, $0xb8;
	[tilespmem:$0x1FC00] =	vst v63  }
0x518: {  	s21 =	sadd.s32 $0x2, s22  }
0x519: {  	s22 =	smul.u32 $0x1200, s21  }
0x51a: {  	p0 =	seq.s32 s21, $0x30  }
0x51b: {  	s20 =	sadd.s32 $0x1, s20;
	s22 =	simm.s32 @p0 $0x0  }
0x51c: {  	_ =	swait.ge [sflag:s10], $0x1200;
	p0 =	sne.s32 s20, $0x18;
	s23 =	sadd.s32 s7, s22  }
.Ltmp39:
0x51d: {  	[sflag:s10] =	ssyncset.done $0x0;
	s21 =	sshrl.u32 s23, $0x3;
	(pc) =	sbr.rel @p0 .LBB2_76-.Ltmp39, $4  }
0x51e: {  	[sflag:s10] =	ssyncadd.s32 $0xFFFFEE00;
	s24 =	sadd.s32 s5, s21  }
0x51f: {  	[tilespmem:s2], [sflag:$0x1] =	stream.linear.gather [hbm4b:s24+s2], $0x1200, $0x38;
	[tilespmem:$0x1FC00] =	vst v63  }
0x520: {  	s21 =	sadd.s32 s4, s21  }
0x521: {  	[tilespmem:s28], [sflag:$0x2] =	stream.linear.gather [hbm4b:s21+s2], $0x1200, $0x38;
	[tilespmem:$0x1FC00] =	vst v63  }
0x522: {  	_ =	swait.ge [sflag:s11], $0x1200  }
0x523: {  	[sflag:s11] =	ssyncset.done $0x0  }
0x524: {  	[sflag:s11] =	ssyncadd.s32 $0xFFFFEE00  }
0x525: {  	[bflag:$0x0] =	sbarrier.arrive $0xFFFF  }
0x526: {  	s20 =	rddreg [dreg:$0xd]  }
0x527: {  	[hbm:s20], [sflag:s9] =	dma.local [spmem:s19], $0x3600  }
0x528: {  	_ =	swait.ge [sflag:s26], $0x3600  }
0x529: {  	[sflag:s26] =	ssyncset.done $0x0  }
0x52a: {  	[sflag:s26] =	ssyncadd.s32 $0xFFFFCA00  }
0x52b: {  	s18 =	sadd.s32 $0x1, s18;
	[bflag:$0x0] =	sbarrier.arrive $0xFFFF  }
0x52c: {  	p0 =	sne.s32 s18, s25;
	_ =	swait.ge [sflag:s29], $0x1200  }
.Ltmp40:
0x52d: {  	[sflag:s29] =	ssyncset.done $0x0;
	(pc) =	sbr.rel @p0 .LBB2_1-.Ltmp40, $4  }
0x52e: {  	[sflag:s29] =	ssyncadd.s32 $0xFFFFEE00  }
0x52f: {  	_ =	swait.ge [sflag:s30], $0x1200  }
0x530: {  	[sflag:s30] =	ssyncset.done $0x0  }
0x531: {  	[sflag:s30] =	ssyncadd.s32 $0xFFFFEE00  }
0x532: {  	_ =	sfence.sel $0x180000  }
0x533: {  	[bflag:$0x0] =	sbarrier.arrive $0xFFFF  }
0x534: {  	_ =	strace $0x90000047  }
0x535: {  	s0 =	stileid.u32;
	[bflag:$0x2] =	sbarrier.arrive $0xFFFF  }
0x536: {  	p0 =	sne.s32 s0, $0x0;
	s0 =	rddreg [dreg:$0x3]  }
0x537: {  	s0 =	sadd.s32 @!p0 $0x100000, s0  }
0x538: {  	[sflag:s0] =	ssyncadd.tile.s32 @!p0 $0x1;
	_ =	shalt  }
.Lfunc_end2:
_tile_overlayer_lowered:
.L_overlay_start_2:
0x539: {  	(tag) =	ssettag $0x2  }
0x53a: {  	s0 =	rddreg [dreg:$0x0];
	s2 =	stileid.u32  }
0x53b: {  	s1 =	rddreg [dreg:$0x1];
	p0 =	sne.s32 s2, $0x0  }
0x53c: {  	s3 =	rddreg [dreg:$0x2];
	[bflag:$0x3] =	sbarrier.arrive $0xFFFF;
	s2 =	simm.s32 @!p0 $0x1C07  }
0x53d: {  	[timem:s3], [sflag:s2] =	dma.local @!p0 [hbm:s0], s1  }
0x53e: {  	s0 =	simm.s32 @!p0 $0x7  }
0x53f: {  	_ =	swait.ge @!p0 [sflag:s0], s1  }
0x540: {  	s1 =	ssub.s32 @!p0 $0x0, s1;
	[sflag:s0] =	ssyncset.done @!p0 $0x0  }
0x541: {  	[sflag:s0] =	ssyncadd.s32 @!p0 s1  }
0x542: {  	[bflag:$0x3] =	sbarrier.arrive $0xFFFF  }
0x543: {  	_ =	shalt  }

// kernel: sparse-core-data-format-call.cloned.1.call-start
scs
called_computation_lowered:
.L_overlay_start_0:
0x0: {  	s2 =	sld [smem:$0x3FD9]  }
0x1: {  	s3 =	sld [smem:$0x3FFE];
	_ =	sdelay $0x1  }
0x2: {  	s1 =	srdreg.scid  }
0x3: {  	s0 =	sand.u32 $0x1, s1  }
0x4: {  	s18 =	sshll.u32 s0, $0xA;
	s2 =	sadd.s32 s3, s2  }
0x5: {  	s2 =	sadd.s32 s2, s18  }
0x6: {  	[smem:$0x3FC6] =	sst s2  }
0x7: {  	_ = 	snop  }
0x8: {  	s2 =	sld [smem:$0x3FD0];
	(tm) =	ssettm $0x1  }
0x9: {  	s19 =	sld [smem:$0x3FFB];
	_ =	sdelay $0x3  }
0xa: {  	_ =	strace s19  }
0xb: {  	s3 =	sld [smem:$0x3FFC];
	_ =	sdelay $0x3  }
0xc: {  	_ =	strace s3  }
0xd: {  	s3 =	sld [smem:$0x3FFD];
	_ =	sdelay $0x3  }
0xe: {  	_ =	strace s3  }
0xf: {  	_ =	strace $0x8FFFFFFF  }
0x10: {  	s20 =	sld [smem:$0x3FDB];
	_ =	sdelay $0x1  }
0x11: {  	s4 =	simm.s32 $_scs_section_size  }
0x12: {  	s5 =	simm.s32 $_size__tile_overlayer_lowered;
	s6 =	simm.s32 $_tile_overlayer_lowered  }
0x13: {  	s23 =	simm.s32 $0x1BFF;
	s22 =	sshll.u32 s6, $0x1;
	s3 =	sadd.s32 s4, s20  }
0x14: {  	s7 =	simm.s32 $0x0;
	s21 =	sshll.u32 s5, $0x1;
	s5 =	sadd.s32 s22, s3  }
0x15: {  	[timem:s7], [sflag:s23] =	dma.local [hbm:s5], s21  }
0x16: {  	_ =	swait.ge [sflag:s23], s21  }
0x17: {  	s4 =	ssub.s32 $0x0, s21;
	[sflag:s23] =	ssyncset.done $0x0  }
0x18: {  	[sflag:s23] =	ssyncadd.s32 s4;
	_ =	sdelay $0x1  }
0x19: {  	s24 =	simm.s32 $0x1B8B  }
0x1a: {  	_ =	swait.ge [sflag:s24], $0x1  }
0x1b: {  	[sflag:s24] =	ssyncset.done $0x0  }
0x1c: {  	s26 =	simm.s32 $0x1B8E;
	s25 =	sld [smem:$0x3FFE];
	[sflag:s24] =	ssyncadd.s32 $0xFFFFFFFF  }
0x1d: {  	s27 =	simm.s32 $execute0_lowered;
	[smem:$0x3FD2] =	sst s26  }
0x1e: {  	s5 =	sshll.u32 s27, $0x1;
	_ =	strace $0x80000049;
	[dreg:$0x1] =	wrdreg $0xFFFFFFFF  }
0x1f: {  	s28 =	simm.s32 $_size_execute0_lowered;
	s3 =	sadd.s32 s3, s5;
	[dreg:$0x0] =	wrdreg $0x0  }
0x20: {  	s5 =	sshll.u32 s28, $0x1;
	[dreg:$0x2] =	wrdreg s3  }
0x21: {  	[dreg:$0x3] =	wrdreg s5  }
0x22: {  	[dreg:$0x4] =	wrdreg $0xC0  }
0x23: {  	_ =	task [dreg:s7], $0x5FFFF  }
0x24: {  	[dreg:$0x1] =	wrdreg $0xFFFFFFFF  }
0x25: {  	[dreg:$0x0] =	wrdreg $0x60  }
0x26: {  	[dreg:$0x2] =	wrdreg s25  }
0x27: {  	[dreg:$0x3] =	wrdreg s2  }
0x28: {  	[dreg:$0x4] =	wrdreg $0x9  }
0x29: {  	_ =	task.clear_ibuf [dreg:s7], $0x5FFFF;
	_ =	strace $0x90000049  }
0x2a: {  	s29 =	simm.s32 $0x9;
	_ =	strace $0x8000004B  }
0x2b: {  	_ =	swait.ge [sflag:s29], $0x1  }
0x2c: {  	[sflag:s29] =	ssyncadd.s32 $0xFFFFFFFF  }
0x2d: {  	_ =	strace $0x9000004B  }
0x2e: {  	_ =	sfence  }
0x2f: {  	s30 =	sld [smem:$0x0];
	_ =	sdelay $0x2  }
0x30: {  	s31 =	sshll.u32 s1, $0xD;
	s1 =	sshrl.u32 s1, $0x2  }
0x31: {  	s3 =	sand.u32 $0x4000, s31;
	s1 =	sadd.s32 s1, s30  }
0x32: {  	s0 =	sor.u32 s3, s0;
	s1 =	sshll.u32 s1, $0x11  }
0x33: {  	s0 =	sor.u32 s1, s0  }
0x34: {  	s0 =	sadd.s32 $0x8F2B, s0  }
0x35: {  	[sflag:s0] =	ssyncadd.remote.s32 $0x1  }
0x36: {  	_ =	sfence.sel $0xFFFF  }
0x37: {  	[dreg:$0x0] =	wrdreg $0xFFFFFFFF;
	(pc) =	sbr.abs _section_cstart, $3  }
0x38: {  	[dreg:$0x1] =	wrdreg $0xFFFFFFFF  }
0x39: {  	_ =	task.clear_ibuf [dreg:s7], $0x2FFFF;
	_ =	strace $0x9FFFFFFF  }
0x3a: {  	(tm) =	ssettm $0x7FFFFFFF  }
0x3b: {  	_ =	shalt  }
tec
execute0_lowered:
.L_overlay_start_1:
0x0: {  	(tag) =	ssettag $0x1  }
0x1: {  	s4 =	rddreg [dreg:$0x0]  }
0x2: {  	s2 =	rddreg [dreg:$0x1]  }
0x3: {  	s1 =	stileid.u32;
	s0 =	rddreg [dreg:$0x2];
	_ =	strace $0x8000004A  }
0x4: {  	s5 =	srdreg.scid;
	s8 =	simm.s32 $0x2;
	s17 =	simm.s32 $0x0  }
0x5: {  	p0 =	por $0x0, $0x0;
	s9 =	simm.s32 $0xC00;
	s18 =	simm.s32 $0x0  }
0x6: {  	s19 =	simm.s32 $0x0;
	s10 =	simm.s32 $0x0;
	s11 =	simm.s32 $0x0  }
0x7: {  	s12 =	simm.s32 $0x0;
	s13 =	simm.s32 $0x0;
	s3 =	sand.u32 $0x1, s1  }
0x8: {  	s16 =	simm.s32 $0x0;
	s5 =	sshll.u32 s5, $0x4;
	s6 =	ssub.s32 $0x2, s3  }
.Ltmp0:
0x9: {  	s7 =	sshrl.u32 s6, $0x1;
	s6 =	sand.u32 $0x1, s6;
	(pc) =	sbr.rel .LBB1_1-.Ltmp0, $4  }
0xa: {  	s4 =	sadd.s32 $0x800, s4;
	s5 =	sand.u32 $0x10, s5;
	s6 =	sadd.s32 s6, s7  }
0xb: {  	s31 =	sor.u32 s1, s5;
	s5 =	simm.s32 $0x1;
	s6 =	smul.u32 $0x48, s6  }
0xc: {  	s15 =	smov.u32 s3;
	s7 =	sshrl.u32 s31, $0x1;
	[sflag:s5] =	ssyncpa.u1 $0x0  }
0xd: {  	[sflag:s8] =	ssyncpa.u1 $0x0;
	s14 =	smov.u32 s7;
	s8 =	sor.u32 $0x1, s6  }
.LBB1_4:
0xe: {  	s25 =	sshll.u32 s10, $0x3  }
0xf: {  	s26 =	sand.u32 $0x7F, s10;
	[tilespmem:s22+$0x2040 ss:$0x81] =	vst.msk $0xffff, v4;
	s25 =	sand.u32 $0xFFFFFC00, s25  }
0x10: {  	s24 =	sshra.s32 s24, $0x2;
	[tilespmem:s22+$0x2850 ss:$0x81] =	vst.msk $0xffff, v3;
	s26 =	sor.u32 s26, s25;
	s25 =	smulhi.u32 $0xAAAAAAAB, s25  }
0x11: {  	p1 =	sgt.s32 s12, $0x1;
	s29 =	sshra.s32 s12, $0x1F;
	[tilespmem:s22+$0x3060 ss:$0x81] =	vst.msk $0xffff, v2;
	s27 =	smulhi.u32 $0xAAAAAAAB, s26  }
0x12: {  	s31 =	sshra.s32 s11, $0x1F;
	[tilespmem:s22+$0x0 ss:$0x81] =	vst.msk $0xffff, v1;
	s22 =	smov.u32 s10;
	s25 =	sshrl.u32 s25, $0x8  }
0x13: {  	s23 =	sadd.s32 s24, s23;
	s30 =	sshrl.u32 s27, $0x8;
	s28 =	smulhi.u32 $0x2AAAAAB, s25  }
0x14: {  	s29 =	sand.u32 s29, s12;
	s27 =	smov.u32 s12;
	s24 =	smul.u32 $0x180, s30  }
0x15: {  	s27 =	simm.s32 @!p1 $0x1;
	p1 =	sgt.s32 s11, $0x17F;
	s30 =	smov.u32 s11  }
0x16: {  	s31 =	sand.u32 s31, s11;
	s29 =	sxor.u32 $0xFFFFFFFF, s29;
	s30 =	simm.s32 @!p1 $0x17F  }
0x17: {  	v5 =	vld [tilespmem:s21+$0xFFFFFFD0];
	s27 =	sadd.s32 s29, s27;
	s28 =	smul.u32 $0x60, s28;
	s31 =	ssub.s32 s30, s31  }
0x18: {  	v58 =	vld [tilespmem:s21+$0xFFFFFFE0];
	p1 =	sgt.s32 s27, $0x0;
	s27 =	ssub.s32 $0x1, s27;
	s30 =	sadd.s32 $0xFFFFFE81, s31  }
0x19: {  	v59 =	vld [tilespmem:s21+$0xFFFFFFF0];
	s29 =	ssub.s32 $0x180, s31;
	s27 =	smul.u32 $0x60, s27;
	p2 =	sgt.s32 s30, $0x0  }
0x1a: {  	v60 =	vld [tilespmem:s21+$0x0];
	s31 =	sshra.s32 s10, $0x1F;
	s29 =	simm.s32 @p2 $0x0;
	p2 =	sgt.s32 s10, $0x100  }
0x1b: {  	v61 =	vld [tilespmem:s21+$0x10];
	[tilespmem:s23+$0x3870 ss:$0x81] =	vst.msk $0xffff, v0;
	s24 =	ssub.s32 s26, s24;
	s30 =	sand.u32 s31, s10;
	s22 =	simm.s32 @!p2 $0x100  }
0x1c: {  	v62 =	vld [tilespmem:s21+$0x20];
	[tilespmem:s23+$0x810 ss:$0x81] =	vst.msk $0xffff, v5;
	s31 =	smul.u32 $0x1B0000, s12;
	s27 =	simm.s32 @p1 $0x0;
	s22 =	ssub.s32 s22, s30  }
0x1d: {  	v63 =	vld [tilespmem:s21+$0xFFFFFFC0];
	[tilespmem:s23+$0x1020 ss:$0x81] =	vst.msk $0xffff, v58;
	s26 =	smul.u32 s29, s27;
	s29 =	ssub.s32 s25, s28;
	s30 =	sadd.s32 $0xFFFFFF00, s22  }
0x1e: {  	[tilespmem:s23+$0x1830 ss:$0x81] =	vst.msk $0xffff, v59;
	s28 =	smul.u32 $0x1200, s11;
	s22 =	ssub.s32 $0x180, s22;
	p1 =	sgt.s32 s30, $0x7F  }
0x1f: {  	[tilespmem:s23+$0x2040 ss:$0x81] =	vst.msk $0xffff, v60;
	s27 =	sadd.s32 s2, s31;
	s21 =	smul.u32 $0x30, s29;
	s22 =	simm.s32 @p1 $0x0  }
0x20: {  	[tilespmem:s23+$0x2850 ss:$0x81] =	vst.msk $0xffff, v61;
	s29 =	sand.u32 $0x7, s24;
	s25 =	sadd.s32 s28, s27;
	s22 =	smul.u32 s22, s26  }
0x21: {  	[tilespmem:s23+$0x3060 ss:$0x81] =	vst.msk $0xffff, v62;
	s24 =	sshrl.u32 s24, $0x3;
	s21 =	sadd.s32 s21, s25;
	s30 =	sshll.u32 s29, $0x12  }
0x22: {  	[tilespmem:s23+$0x0 ss:$0x81] =	vst.msk $0xffff, v63;
	s21 =	sadd.s32 s24, s21;
	s31 =	sor.u32 $0x400, s30;
	s22 =	sand.u32 $0x3FFFFFE0, s22  }
0x23: {  	[hbm4b:s21+s31] =	stream.strided.scatter [tilespmem:s20], [sflag:$0x2], s22, s9, s31, $0x20;
	[tilespmem:$0x10100] =	vst v63  }
.LBB1_5:
0x24: {  	p1 =	slt.u32 s16, $0x2;
	s21 =	smov.u32 s19  }
0x25: {  	p2 =	sgt.s32 @!p1 s19, $0x1;
	s20 =	sshra.s32 @!p1 s19, $0x1F;
	s22 =	sshra.s32 @!p1 s17, $0x1F  }
0x26: {  	p2 =	por !p2, p1;
	s19 =	sand.u32 @!p1 s20, s19;
	s20 =	smov.u32 s18  }
0x27: {  	s21 =	simm.s32 @p2 $0x1;
	s19 =	sxor.u32 @!p1 $0xFFFFFFFF, s19;
	p2 =	sgt.s32 @!p1 s18, $0x17F  }
0x28: {  	s19 =	sadd.s32 @!p1 s19, s21;
	p3 =	por !p2, p1;
	s21 =	sshra.s32 @!p1 s18, $0x1F  }
0x29: {  	p2 =	sgt.s32 @!p1 s19, $0x0;
	s20 =	simm.s32 @p3 $0x17F;
	s18 =	sand.u32 @!p1 s21, s18  }
0x2a: {  	s19 =	ssub.s32 @!p1 $0x1, s19;
	p3 =	sgt.s32 @!p1 s17, $0x100;
	s21 =	smov.u32 s17  }
0x2b: {  	s17 =	sand.u32 @!p1 s22, s17;
	s18 =	ssub.s32 @!p1 s20, s18;
	p3 =	por !p3, p1  }
0x2c: {  	s19 =	smul.u32 @!p1 $0x60, s19;
	s20 =	sadd.s32 @!p1 $0xFFFFFE81, s18;
	s21 =	simm.s32 @p3 $0x100  }
0x2d: {  	p2 =	por !p2, p1;
	p3 =	sgt.s32 @!p1 s20, $0x0;
	s17 =	ssub.s32 @!p1 s21, s17  }
0x2e: {  	s18 =	ssub.s32 @!p1 $0x180, s18;
	p3 =	por !p3, p1;
	s20 =	sadd.s32 @!p1 $0xFFFFFF00, s17  }
0x2f: {  	s19 =	simm.s32 @!p2 $0x0;
	s18 =	simm.s32 @!p3 $0x0;
	p3 =	sgt.s32 @!p1 s20, $0x7F  }
0x30: {  	s17 =	ssub.s32 @!p1 $0x180, s17;
	p2 =	por !p3, p1;
	s18 =	smul.u32 @!p1 s18, s19  }
0x31: {  	s21 =	smov.u32 s14;
	s20 =	sadd.s32 $0x80, s13;
	s17 =	simm.s32 @!p2 $0x0  }
0x32: {  	p2 =	sgt.s32 s20, $0x17F;
	s17 =	smul.u32 @!p1 s17, s18;
	s18 =	sadd.s32 $0x10, s14  }
0x33: {  	s21 =	smov.u32 @p2 s18  }
0x34: {  	s23 =	smov.u32 s15;
	s18 =	sadd.s32 $0x2, s15;
	p3 =	sgt.s32 s21, $0x17F  }
0x35: {  	p0 =	por !p0, !p0;
	s22 =	simm.s32 @!p1 $0x2;
	s23 =	smov.u32 @p3 s18  }
0x36: {  	s19 =	smov.u32 s12;
	s20 =	simm.s32 @p2 $0x0;
	p2 =	sgt.s32 s23, $0x1  }
0x37: {  	s17 =	sand.u32 @!p1 $0x3FFFFFE0, s17;
	s23 =	smov.u32 @p2 s3;
	p2 =	sne.s32 s16, s8  }
.Ltmp1:
0x38: {  	s12 =	smov.u32 s15;
	_ =	swait.ge @!p1 [sflag:s22], s17;
	(pc) =	sbr.rel @!p2 .LBB1_6-.Ltmp1, $4  }
0x39: {  	s24 =	ssub.s32 @!p1 $0x0, s17;
	s21 =	smov.u32 @p3 s7;
	s17 =	smov.u32 s10  }
0x3a: {  	s18 =	smov.u32 s11;
	s10 =	smov.u32 s13;
	s11 =	smov.u32 s14  }
0x3b: {  	s13 =	smov.u32 s20;
	[sflag:s22] =	ssyncset.done @!p1 $0x0;
	s14 =	smov.u32 s21  }
0x3c: {  	s16 =	sadd.s32 $0x1, s16;
	[sflag:s22] =	ssyncadd.s32 @!p1 s24;
	s15 =	smov.u32 s23  }
.LBB1_1:
0x3d: {  	p1 =	sge.u32 s16, s6  }
0x3e: {  	s20 =	sand.u32 @!p1 $0x1FFFFFF, s13  }
0x3f: {  	s21 =	smulhi.u32 @!p1 $0xAAAAAB, s20  }
0x40: {  	s22 =	smul.u32 @!p1 $0x240000, s15  }
0x41: {  	s21 =	smul.u32 @!p1 $0x180, s21  }
0x42: {  	s31 =	sadd.s32 $0xFFFFFFFF, s16;
	s23 =	smul.u32 @!p1 $0x1800, s14  }
0x43: {  	s22 =	sadd.s32 @!p1 s4, s22;
	s20 =	ssub.s32 @!p1 s20, s21;
	s21 =	sxor.u32 @!p1 $0xFFFFFFFF, s16  }
0x44: {  	s22 =	sadd.s32 @!p1 s23, s22;
	s21 =	sshll.u32 @!p1 s21, $0xE;
	s20 =	sshll.u32 @!p1 s20, $0x4  }
0x45: {  	s21 =	sand.u32 @!p1 $0x4000, s21;
	s20 =	sadd.s32 @!p1 s20, s22;
	s22 =	simm.s32 @!p1 $0x0  }
0x46: {  	[tilespmem:s21], [sflag:$0x1] =	stream.linear.gather @!p1 [hbm4b:s20+s22], $0x4000, $0x38;
	[tilespmem:$0x10100] =	vst v63  }
0x47: {  	p1 =	sge.u32 s31, s6  }
.Ltmp2:
0x48: {  	_ = 	snop;
	(pc) =	sbr.rel @p1 .LBB1_5-.Ltmp2, $1  }
0x49: {  	_ =	sdelay $0x3  }
0x4a: {  	s20 =	simm.s32 $0x1  }
0x4b: {  	_ =	swait.ge [sflag:s5], $0x4000;
	s20 =	simm.s32 @!p0 $0x0  }
0x4c: {  	[sflag:s5] =	ssyncset.done $0x0;
	s21 =	sshll.u32 s20, $0xE  }
0x4d: {  	[sflag:s5] =	ssyncadd.s32 $0xFFFFC000;
	s21 =	sor.u32 $0x40, s21  }
0x4e: {  	s20 =	smul.u32 $0x10200, s20;
	v0 =	vld [tilespmem:s21+$0x30]  }
0x4f: {  	v1 =	vld [tilespmem:s21+$0xFFFFFFD0]  }
0x50: {  	s20 =	sshrl.u32 s20, $0x2;
	v5 =	vld [tilespmem:s21+$0xFFFFFFE0]  }
0x51: {  	v6 =	vld [tilespmem:s21+$0xFFFFFFF0];
	s23 =	sor.u32 $0x8000, s20  }
0x52: {  	s31 =	sand.u32 $0x1, s16;
	v4 =	vld [tilespmem:s21+$0x0];
	s22 =	sadd.s32 $0x0, s23  }
0x53: {  	v3 =	vld [tilespmem:s21+$0x10];
	s20 =	smul.u32 $0x10200, s31;
	[tilespmem:s22+$0x3870 ss:$0x81] =	vst.msk $0xffff, v0  }
0x54: {  	v2 =	vld [tilespmem:s21+$0x20];
	[tilespmem:s22+$0x810 ss:$0x81] =	vst.msk $0xffff, v1  }
0x55: {  	s20 =	sshrl.u32 s20, $0x2;
	v1 =	vld [tilespmem:s21+$0xFFFFFFC0];
	[tilespmem:s22+$0x1020 ss:$0x81] =	vst.msk $0xffff, v5;
	s21 =	sadd.s32 $0x80, s21  }
0x56: {  	s24 =	simm.s32 $0x4;
	s25 =	simm.s32 $0x8;
	s20 =	sor.u32 $0x8000, s20;
	[tilespmem:s22+$0x1830 ss:$0x81] =	vst.msk $0xffff, v6;
	v0 =	vld [tilespmem:s21+$0x30]  }
.LBB1_3:
0x57: {  	p1 =	sne.s32 s25, $0x1FC;
	v5 =	vld [tilespmem:s21+$0xFFFFFFD0];
	[tilespmem:s22+$0x2040 ss:$0x81] =	vst.msk $0xffff, v4  }
0x58: {  	v6 =	vld [tilespmem:s21+$0xFFFFFFE0];
	[tilespmem:s22+$0x2850 ss:$0x81] =	vst.msk $0xffff, v3  }
0x59: {  	s26 =	sshra.s32 s24, $0x2;
	s24 =	smov.u32 s25;
	v7 =	vld [tilespmem:s21+$0xFFFFFFF0];
	[tilespmem:s22+$0x3060 ss:$0x81] =	vst.msk $0xffff, v2  }
.Ltmp3:
0x5a: {  	v4 =	vld [tilespmem:s21+$0x0];
	[tilespmem:s22+$0x0 ss:$0x81] =	vst.msk $0xffff, v1;
	s22 =	sadd.s32 s26, s23;
	(pc) =	sbr.rel @p1 .LBB1_3-.Ltmp3, $4  }
0x5b: {  	v3 =	vld [tilespmem:s21+$0x10];
	[tilespmem:s22+$0x3870 ss:$0x81] =	vst.msk $0xffff, v0  }
0x5c: {  	[tilespmem:s22+$0x810 ss:$0x81] =	vst.msk $0xffff, v5;
	v2 =	vld [tilespmem:s21+$0x20]  }
0x5d: {  	v1 =	vld [tilespmem:s21+$0xFFFFFFC0];
	[tilespmem:s22+$0x1020 ss:$0x81] =	vst.msk $0xffff, v6;
	s21 =	sadd.s32 $0x80, s21  }
0x5e: {  	s25 =	sadd.s32 $0x4, s25;
	v0 =	vld [tilespmem:s21+$0x30];
	[tilespmem:s22+$0x1830 ss:$0x81] =	vst.msk $0xffff, v7  }
.Ltmp4:
0x5f: {  	_ = 	snop;
	(pc) =	sbr.rel .LBB1_4-.Ltmp4, $1  }
0x60: {  	_ =	sdelay $0x3  }
.LBB1_6:
0x61: {  	_ =	sfence.sel $0x180000  }
0x62: {  	s2 =	simm.s32 $0x1;
	[bflag:$0x0] =	sbarrier.arrive $0xFFFF  }
0x63: {  	s31 =	simm.s32 $0x2;
	[sflag:s2] =	ssyncpa.u1 $0x1  }
0x64: {  	[sflag:s31] =	ssyncpa.u1 $0x1  }
0x65: {  	p0 =	sne.s32 s1, $0x0;
	_ =	strace $0x9000004A  }
0x66: {  	s0 =	sadd.s32 @!p0 $0x100000, s0;
	[bflag:$0x2] =	sbarrier.arrive $0xFFFF  }
0x67: {  	[sflag:s0] =	ssyncadd.tile.s32 @!p0 $0x1;
	_ =	shalt  }
.Lfunc_end1:
_tile_overlayer_lowered:
.L_overlay_start_2:
0x68: {  	(tag) =	ssettag $0x2  }
0x69: {  	s0 =	rddreg [dreg:$0x0];
	s2 =	stileid.u32  }
0x6a: {  	s1 =	rddreg [dreg:$0x1];
	p0 =	sne.s32 s2, $0x0  }
0x6b: {  	s3 =	rddreg [dreg:$0x2];
	[bflag:$0x3] =	sbarrier.arrive $0xFFFF;
	s2 =	simm.s32 @!p0 $0x1C01  }
0x6c: {  	[timem:s3], [sflag:s2] =	dma.local @!p0 [hbm:s0], s1  }
0x6d: {  	s0 =	simm.s32 @!p0 $0x1  }
0x6e: {  	_ =	swait.ge @!p0 [sflag:s0], s1  }
0x6f: {  	s1 =	ssub.s32 @!p0 $0x0, s1;
	[sflag:s0] =	ssyncset.done @!p0 $0x0  }
0x70: {  	[sflag:s0] =	ssyncadd.s32 @!p0 s1  }
0x71: {  	[bflag:$0x3] =	sbarrier.arrive $0xFFFF  }
0x72: {  	_ =	shalt  }

</sc_bundles>
